<compile_context>
chip_gen: v7x
topology: tpu7x:2x2x1
jax: 0.10.2.dev20260603
libtpu: 0.0.44.dev20260713+nightly
codegen_flags: <defaults>
</compile_context>

<pallas_src>
import functools

import jax
import jax.numpy as jnp
from jax import lax
from jax.experimental import pallas as pl
from jax.experimental.pallas import tpu as pltpu
from jax.experimental.pallas import tpu_sc as plsc

_B = 4096
_D = 64
_C = 5024
_V = 1000000

_BN = 512
_NB = _B // _BN
_CW = 4

_BATCH = 8


@functools.lru_cache(maxsize=1)
def _make_sc_gather():
    info = plsc.get_sparse_core_info()
    nc, ns = info.num_cores, info.num_subcores
    nw = nc * ns
    bpw = _B // nw
    nk = bpw // 16
    mesh = plsc.VectorSubcoreMesh(core_axis_name="c", subcore_axis_name="s")

    @functools.partial(
        pl.kernel,
        mesh=mesh,
        compiler_params=pltpu.CompilerParams(needs_layout_passes=False),
        out_type=[
            jax.ShapeDtypeStruct((nw, _D, bpw), jnp.float32),
            jax.ShapeDtypeStruct((nw, _D, bpw), jnp.float32),
        ],
        scratch_types=[
            pltpu.VMEM((bpw,), jnp.int32),
            pltpu.VMEM((bpw,), jnp.int32),
            pltpu.VMEM((_BATCH, _D, 128), jnp.float32),
            pltpu.VMEM((_D, bpw), jnp.float32),
            pltpu.VMEM((_D, bpw), jnp.float32),
            pltpu.VMEM((_D, bpw), jnp.float32),
            pltpu.SemaphoreType.DMA,
        ],
    )
    def sc_gather(uid_hbm, iid_hbm, ut_hbm, itc_hbm, itn_hbm,
                  ui_out, nt_out,
                  uidv, iidv, slab, ubuf, ibuf, nbuf, sem):
        wid = lax.axis_index("s") * nc + lax.axis_index("c")
        pltpu.sync_copy(uid_hbm.at[wid], uidv)
        pltpu.sync_copy(iid_hbm.at[wid], iidv)
        rows = [lax.iota(jnp.int32, 16) + 16 * k for k in range(4)]

        def gather_table(tbl_hbm, idv, outbuf):
            def batch_body(bi, _):
                chunk = idv[pl.ds(bi * 16, 16)]
                for half in range(16 // _BATCH):
                    waves = []
                    for jj in range(_BATCH):
                        v = chunk[half * _BATCH + jj]
                        base = pl.multiple_of((v >> 7) * 128, 128)
                        c = pltpu.make_async_copy(
                            tbl_hbm.at[:, pl.ds(base, 128)], slab.at[jj], sem)
                        c.start()
                        waves.append(c)
                    for c in waves:
                        c.wait()
                    for jj in range(_BATCH):
                        j = bi * 16 + half * _BATCH + jj
                        v = chunk[half * _BATCH + jj]
                        col = jnp.full((16,), 1, jnp.int32) * (v & 127)
                        jcol = jnp.full((16,), 1, jnp.int32) * j
                        for k in range(4):
                            vals = plsc.load_gather(slab.at[jj],
                                                    [rows[k], col])
                            plsc.store_scatter(outbuf, [rows[k], jcol], vals)
                return 0

            lax.fori_loop(0, bpw // 16, batch_body, 0)

        gather_table(itn_hbm, iidv, nbuf)
        pltpu.sync_copy(nbuf, nt_out.at[wid])
        gather_table(ut_hbm, uidv, ubuf)
        gather_table(itc_hbm, iidv, ibuf)

        def prod(d, _):
            for k in range(nk):
                s = pl.ds(k * 16, 16)
                ubuf[d, s] = ubuf[d, s] * ibuf[d, s]
            return 0

        lax.fori_loop(0, _D, prod, 0)
        pltpu.sync_copy(ubuf, ui_out.at[wid])

    return sc_gather


def _matmul_body(wc_ref, cft_ref, out_ref):
    out_ref[...] = lax.dot_general(
        wc_ref[...], cft_ref[...],
        (((1,), (0,)), ((), ())),
        preferred_element_type=jnp.float32)


def _matmul(content_fc_w, cft):
    return pl.pallas_call(
        _matmul_body,
        grid=(_NB,),
        in_specs=[
            pl.BlockSpec((_D, _C), lambda j: (0, 0)),
            pl.BlockSpec((_C, _BN), lambda j: (0, j)),
        ],
        out_specs=pl.BlockSpec((_D, _BN), lambda j: (0, j)),
        out_shape=jax.ShapeDtypeStruct((_D, _B), jnp.float32),
        compiler_params=pltpu.CompilerParams(
            dimension_semantics=("arbitrary",)),
    )(content_fc_w, cft)


def _combine_body(matt_ref, nt_ref, ui_ref, cb_ref, cw_ref, hybw_ref,
                  cbias_ref, hbias_ref, out_ref):
    hw0 = hybw_ref[0, 0]
    hw1 = hybw_ref[0, 1]
    for t in range(_CW):
        bpw = nt_ref.shape[2]
        matt = matt_ref[:, pl.ds(t * bpw, bpw)]
        content_pred = jnp.sum(nt_ref[t] * (matt + cb_ref[...]),
                               axis=0, keepdims=True)
        collab_pred = jnp.sum(ui_ref[t] * cw_ref[...], axis=0,
                              keepdims=True) + cbias_ref[0, 0]
        out_ref[t] = hw0 * collab_pred + hw1 * content_pred + hbias_ref[0, 0]


def _combine(matt, nt3, ui3, content_fc_b, collab_fc_w, hybrid_fc_w,
             collab_fc_b, hybrid_fc_b, nw, bpw):
    full = lambda shape: pl.BlockSpec(shape, lambda w: tuple(0 for _ in shape))
    return pl.pallas_call(
        _combine_body,
        grid=(nw // _CW,),
        in_specs=[
            pl.BlockSpec((_D, _CW * bpw), lambda w: (0, w)),
            pl.BlockSpec((_CW, _D, bpw), lambda w: (w, 0, 0)),
            pl.BlockSpec((_CW, _D, bpw), lambda w: (w, 0, 0)),
            full((_D, 1)),
            full((_D, 1)),
            full((1, 2)),
            full((1, 1)),
            full((1, 1)),
        ],
        out_specs=pl.BlockSpec((_CW, 1, bpw), lambda w: (w, 0, 0)),
        out_shape=jax.ShapeDtypeStruct((nw, 1, bpw), jnp.float32),
        compiler_params=pltpu.CompilerParams(
            dimension_semantics=("arbitrary",)),
    )(matt, nt3, ui3, content_fc_b.reshape(_D, 1), collab_fc_w.reshape(_D, 1),
      hybrid_fc_w, collab_fc_b.reshape(1, 1), hybrid_fc_b.reshape(1, 1))


def kernel(user_id, item_id, content_features, user_table, item_table_collab,
           collab_fc_w, collab_fc_b, item_table_content, content_fc_w,
           content_fc_b, hybrid_fc_w, hybrid_fc_b):
    info = plsc.get_sparse_core_info()
    nw = info.num_cores * info.num_subcores
    bpw = _B // nw
    uid = user_id.astype(jnp.int32)
    iid = item_id.astype(jnp.int32)
    utt = user_table.T
    itct = item_table_collab.T
    itnt = item_table_content.T
    cft = content_features.T

    matt = _matmul(content_fc_w, cft)
    ui3, nt3 = _make_sc_gather()(
        uid.reshape(nw, bpw), iid.reshape(nw, bpw), utt, itct, itnt)
    out = _combine(matt, nt3, ui3, content_fc_b, collab_fc_w, hybrid_fc_w,
                   collab_fc_b, hybrid_fc_b, nw, bpw)
    return out.reshape(_B)

# --- scband reference (transcript-rebuilt; emitter-appended) ---
"""Pipeline reference for scband-hybrid-model-12816182411814 (READ-ONLY COPY).

The authoritative reference and input builder live on the scoring server;
editing this copy changes nothing except your own understanding.
"""

import jax, jax.numpy as jnp
import numpy as np

B = 4096
NUM_USERS = 1000000
NUM_ITEMS = 1000000
D = 64
C = 5024


def setup_inputs(seed: int = 0) -> dict:
    key = jax.random.key(seed)
    ks = jax.random.split(key, 12)
    user_id = jax.random.randint(ks[0], (B,), 0, NUM_USERS, dtype=jnp.int64 if jax.config.jax_enable_x64 else jnp.int32)
    item_id = jax.random.randint(ks[1], (B,), 0, NUM_ITEMS, dtype=jnp.int64 if jax.config.jax_enable_x64 else jnp.int32)
    content_features = jax.random.normal(ks[2], (B, C), dtype=jnp.float32)
    user_table = jax.random.normal(ks[3], (NUM_USERS, D), dtype=jnp.float32) * 0.01
    item_table_collab = jax.random.normal(ks[4], (NUM_ITEMS, D), dtype=jnp.float32) * 0.01
    collab_fc_w = jax.random.normal(ks[5], (1, D), dtype=jnp.float32) * 0.1
    collab_fc_b = jnp.zeros((1,), dtype=jnp.float32)
    item_table_content = jax.random.normal(ks[6], (NUM_ITEMS, D), dtype=jnp.float32) * 0.01
    content_fc_w = jax.random.normal(ks[7], (D, C), dtype=jnp.float32) * 0.01
    content_fc_b = jnp.zeros((D,), dtype=jnp.float32)
    hybrid_fc_w = jax.random.normal(ks[8], (1, 2), dtype=jnp.float32) * 0.5
    hybrid_fc_b = jnp.zeros((1,), dtype=jnp.float32)
    return {
        "user_id": user_id,
        "item_id": item_id,
        "content_features": content_features,
        "user_table": user_table,
        "item_table_collab": item_table_collab,
        "collab_fc_w": collab_fc_w,
        "collab_fc_b": collab_fc_b,
        "item_table_content": item_table_content,
        "content_fc_w": content_fc_w,
        "content_fc_b": content_fc_b,
        "hybrid_fc_w": hybrid_fc_w,
        "hybrid_fc_b": hybrid_fc_b,
    }


def reference(user_id, item_id, content_features, user_table, item_table_collab,
              collab_fc_w, collab_fc_b, item_table_content, content_fc_w,
              content_fc_b, hybrid_fc_w, hybrid_fc_b):
    # CollaborativeFilteringModel.forward
    user_emb = jnp.take(user_table, user_id, axis=0)          # [B, D] gather
    item_emb = jnp.take(item_table_collab, item_id, axis=0)   # [B, D] gather
    dot_product = user_emb * item_emb                          # [B, D]
    collab_pred = jnp.squeeze(dot_product @ collab_fc_w.T + collab_fc_b, -1)  # [B]
    # ContentBasedFilteringModel.forward
    item_emb2 = jnp.take(item_table_content, item_id, axis=0)  # [B, D] gather
    content_emb = content_features @ content_fc_w.T + content_fc_b  # [B, D]
    content_pred = jnp.sum(item_emb2 * content_emb, axis=1)    # [B]
    # HybridModel.forward
    combined = jnp.concatenate([collab_pred[:, None], content_pred[:, None]], axis=1)  # [B, 2]
    final_pred = combined @ hybrid_fc_w.T + hybrid_fc_b        # [B, 1]
    return jnp.squeeze(final_pred, -1)                          # [B]

if __name__ == "__main__":
    import jax
    _d = setup_inputs()
    print(jax.jit(kernel)(*tuple(_d.values())))

</pallas_src>

<mosaic_0001>
#map = affine_map<(d0, d1) -> (0, 0)>
#map1 = affine_map<(d0, d1) -> (0, 0, 0)>
module attributes {stable_mosaic.version = 14 : i64} {
  func.func @sc_gather(%arg0: i32, %arg1: i32, %arg2: memref<32x128xi32, #tpu.memory_space<hbm>>, %arg3: memref<32x128xi32, #tpu.memory_space<hbm>>, %arg4: memref<64x1000000xf32, #tpu.memory_space<hbm>>, %arg5: memref<64x1000000xf32, #tpu.memory_space<hbm>>, %arg6: memref<64x1000000xf32, #tpu.memory_space<hbm>>, %arg7: memref<32x64x128xf32, #tpu.memory_space<hbm>>, %arg8: memref<32x64x128xf32, #tpu.memory_space<hbm>>, %arg9: memref<128xi32, #tpu.memory_space<vmem>>, %arg10: memref<128xi32, #tpu.memory_space<vmem>>, %arg11: memref<8x64x128xf32, #tpu.memory_space<vmem>>, %arg12: memref<64x128xf32, #tpu.memory_space<vmem>>, %arg13: memref<64x128xf32, #tpu.memory_space<vmem>>, %arg14: memref<64x128xf32, #tpu.memory_space<vmem>>, %arg15: memref<!tpu.dma_semaphore, #tpu.memory_space<semaphore_mem>>) attributes {dimension_semantics = [#tpu.dimension_semantics<core_parallel>, #tpu.dimension_semantics<subcore_parallel>], iteration_bounds = array<i64: 2, 16>, scalar_prefetch = 0 : i64, scratch_operands = 7 : i64, tpu.core_type = #tpu.core_type<sc_vector_subcore>, window_params = [{transform_indices = #map}, {transform_indices = #map}, {transform_indices = #map}, {transform_indices = #map}, {transform_indices = #map}, {transform_indices = #map1}, {transform_indices = #map1}]} {
    %mul3A = arith.constant 2 : i32
    %mul3A_0 = arith.muli %arg1, %mul3A : i32
    %add3A = arith.addi %mul3A_0, %arg0 : i32
    "tpu.region"() ({
      %run_scoped3A = tpu.sem_alloc : memref<!tpu.dma_semaphore, #tpu.memory_space<semaphore_mem>>
      %dma_start3A = arith.constant 0 : i32
      %dma_start3A_43 = tpu.memref_slice %arg2[%add3A, %dma_start3A] : memref<32x128xi32, #tpu.memory_space<hbm>> -> memref<1x128xi32, #tpu.memory_space<hbm>>
      %dma_start3A_44 = tpu.memref_squeeze %dma_start3A_43 : memref<1x128xi32, #tpu.memory_space<hbm>> -> memref<128xi32, #tpu.memory_space<hbm>>
      %dma_start3A_45 = arith.constant 0 : i32
      %dma_start3A_46 = tpu.memref_slice %arg2[%add3A, %dma_start3A_45] : memref<32x128xi32, #tpu.memory_space<hbm>> -> memref<1x128xi32, #tpu.memory_space<hbm>>
      %dma_start3A_47 = tpu.memref_squeeze %dma_start3A_46 : memref<1x128xi32, #tpu.memory_space<hbm>> -> memref<128xi32, #tpu.memory_space<hbm>>
      tpu.enqueue_dma source(%dma_start3A_47 : memref<128xi32, #tpu.memory_space<hbm>>) target(%arg9 : memref<128xi32, #tpu.memory_space<vmem>>) target_semaphore(%run_scoped3A : memref<!tpu.dma_semaphore, #tpu.memory_space<semaphore_mem>>)
      %dma_wait3A = arith.constant 0 : i32
      %dma_wait3A_48 = tpu.memref_slice %arg2[%add3A, %dma_wait3A] : memref<32x128xi32, #tpu.memory_space<hbm>> -> memref<1x128xi32, #tpu.memory_space<hbm>>
      %dma_wait3A_49 = tpu.memref_squeeze %dma_wait3A_48 : memref<1x128xi32, #tpu.memory_space<hbm>> -> memref<128xi32, #tpu.memory_space<hbm>>
      %dma_wait3A_50 = arith.constant 0 : i32
      %dma_wait3A_51 = tpu.memref_slice %arg2[%add3A, %dma_wait3A_50] : memref<32x128xi32, #tpu.memory_space<hbm>> -> memref<1x128xi32, #tpu.memory_space<hbm>>
      %dma_wait3A_52 = tpu.memref_squeeze %dma_wait3A_51 : memref<1x128xi32, #tpu.memory_space<hbm>> -> memref<128xi32, #tpu.memory_space<hbm>>
      tpu.wait_dma2 semaphore(%run_scoped3A : memref<!tpu.dma_semaphore, #tpu.memory_space<semaphore_mem>>) src(%dma_wait3A_52 : memref<128xi32, #tpu.memory_space<hbm>>) dst(%arg9 : memref<128xi32, #tpu.memory_space<vmem>>)
      tpu.yield
    }) : () -> ()
    "tpu.region"() ({
      %run_scoped3A = tpu.sem_alloc : memref<!tpu.dma_semaphore, #tpu.memory_space<semaphore_mem>>
      %dma_start3A = arith.constant 0 : i32
      %dma_start3A_43 = tpu.memref_slice %arg3[%add3A, %dma_start3A] : memref<32x128xi32, #tpu.memory_space<hbm>> -> memref<1x128xi32, #tpu.memory_space<hbm>>
      %dma_start3A_44 = tpu.memref_squeeze %dma_start3A_43 : memref<1x128xi32, #tpu.memory_space<hbm>> -> memref<128xi32, #tpu.memory_space<hbm>>
      %dma_start3A_45 = arith.constant 0 : i32
      %dma_start3A_46 = tpu.memref_slice %arg3[%add3A, %dma_start3A_45] : memref<32x128xi32, #tpu.memory_space<hbm>> -> memref<1x128xi32, #tpu.memory_space<hbm>>
      %dma_start3A_47 = tpu.memref_squeeze %dma_start3A_46 : memref<1x128xi32, #tpu.memory_space<hbm>> -> memref<128xi32, #tpu.memory_space<hbm>>
      tpu.enqueue_dma source(%dma_start3A_47 : memref<128xi32, #tpu.memory_space<hbm>>) target(%arg10 : memref<128xi32, #tpu.memory_space<vmem>>) target_semaphore(%run_scoped3A : memref<!tpu.dma_semaphore, #tpu.memory_space<semaphore_mem>>)
      %dma_wait3A = arith.constant 0 : i32
      %dma_wait3A_48 = tpu.memref_slice %arg3[%add3A, %dma_wait3A] : memref<32x128xi32, #tpu.memory_space<hbm>> -> memref<1x128xi32, #tpu.memory_space<hbm>>
      %dma_wait3A_49 = tpu.memref_squeeze %dma_wait3A_48 : memref<1x128xi32, #tpu.memory_space<hbm>> -> memref<128xi32, #tpu.memory_space<hbm>>
      %dma_wait3A_50 = arith.constant 0 : i32
      %dma_wait3A_51 = tpu.memref_slice %arg3[%add3A, %dma_wait3A_50] : memref<32x128xi32, #tpu.memory_space<hbm>> -> memref<1x128xi32, #tpu.memory_space<hbm>>
      %dma_wait3A_52 = tpu.memref_squeeze %dma_wait3A_51 : memref<1x128xi32, #tpu.memory_space<hbm>> -> memref<128xi32, #tpu.memory_space<hbm>>
      tpu.wait_dma2 semaphore(%run_scoped3A : memref<!tpu.dma_semaphore, #tpu.memory_space<semaphore_mem>>) src(%dma_wait3A_52 : memref<128xi32, #tpu.memory_space<hbm>>) dst(%arg10 : memref<128xi32, #tpu.memory_space<vmem>>)
      tpu.yield
    }) : () -> ()
    %iota3A = tpu.iota {dimensions = array<i32: 0>} : vector<16xi32>
    %add3A_1 = arith.constant 0 : i32
    %add3A_2 = vector.broadcast %add3A_1 : i32 to vector<16xi32>
    %add3A_3 = arith.addi %iota3A, %add3A_2 : vector<16xi32>
    %iota3A_4 = tpu.iota {dimensions = array<i32: 0>} : vector<16xi32>
    %add3A_5 = arith.constant 16 : i32
    %add3A_6 = vector.broadcast %add3A_5 : i32 to vector<16xi32>
    %add3A_7 = arith.addi %iota3A_4, %add3A_6 : vector<16xi32>
    %iota3A_8 = tpu.iota {dimensions = array<i32: 0>} : vector<16xi32>
    %add3A_9 = arith.constant 32 : i32
    %add3A_10 = vector.broadcast %add3A_9 : i32 to vector<16xi32>
    %add3A_11 = arith.addi %iota3A_8, %add3A_10 : vector<16xi32>
    %iota3A_12 = tpu.iota {dimensions = array<i32: 0>} : vector<16xi32>
    %add3A_13 = arith.constant 48 : i32
    %add3A_14 = vector.broadcast %add3A_13 : i32 to vector<16xi32>
    %add3A_15 = arith.addi %iota3A_12, %add3A_14 : vector<16xi32>
    %scan3A = arith.constant 0 : i32
    %scan3A_16 = arith.constant 0 : i32
    %scan3A_17 = arith.constant 8 : i32
    %scan3A_18 = arith.addi %scan3A_16, %scan3A_17 : i32
    %scan3A_19 = arith.constant 1 : i32
    %scan3A_20 = scf.for %scan3A_43 = %scan3A_16 to %scan3A_18 step %scan3A_19 iter_args(%scan3A_44 = %scan3A) -> (i32)  : i32 {
      %mul3A_45 = arith.constant 16 : i32
      %mul3A_46 = arith.muli %scan3A_43, %mul3A_45 : i32
      %get3A = arith.index_cast %mul3A_46 : i32 to index
      %get3A_47 = tpu.vector_load %arg10[%get3A] {strides = array<i32>} : memref<128xi32, #tpu.memory_space<vmem>>, vector<16xi32>,
      %slice3A = vector.extract_strided_slice %get3A_47 {offsets = [0], sizes = [1], strides = [1]} : vector<16xi32> to vector<1xi32>
      %squeeze3A = vector.extract %slice3A[0] : i32 from vector<1xi32>
      %shift_right_arithmetic3A = arith.constant 7 : i32
      %shift_right_arithmetic3A_48 = arith.shrsi %squeeze3A, %shift_right_arithmetic3A : i32
      %mul3A_49 = arith.constant 128 : i32
      %mul3A_50 = arith.muli %shift_right_arithmetic3A_48, %mul3A_49 : i32
      %multiple_of3A = tpu.assume_multiple %mul3A_50, 128 : i32
      %dma_start3A = arith.constant 0 : i32
      %dma_start3A_51 = arith.constant 0 : i32
      %dma_start3A_52 = arith.constant 0 : i32
      %dma_start3A_53 = tpu.memref_slice %arg11[%dma_start3A, %dma_start3A_51, %dma_start3A_52] : memref<8x64x128xf32, #tpu.memory_space<vmem>> -> memref<1x64x128xf32, #tpu.memory_space<vmem>>
      %dma_start3A_54 = tpu.memref_squeeze %dma_start3A_53 : memref<1x64x128xf32, #tpu.memory_space<vmem>> -> memref<64x128xf32, #tpu.memory_space<vmem>>
      %dma_start3A_55 = arith.constant 0 : i32
      %dma_start3A_56 = tpu.memref_slice %arg6[%dma_start3A_55, %multiple_of3A] : memref<64x1000000xf32, #tpu.memory_space<hbm>> -> memref<64x128xf32, #tpu.memory_space<hbm>>
      %dma_start3A_57 = arith.constant 0 : i32
      %dma_start3A_58 = arith.constant 0 : i32
      %dma_start3A_59 = tpu.memref_slice %arg11[%dma_start3A, %dma_start3A_57, %dma_start3A_58] : memref<8x64x128xf32, #tpu.memory_space<vmem>> -> memref<1x64x128xf32, #tpu.memory_space<vmem>>
      %dma_start3A_60 = tpu.memref_squeeze %dma_start3A_59 : memref<1x64x128xf32, #tpu.memory_space<vmem>> -> memref<64x128xf32, #tpu.memory_space<vmem>>
      %dma_start3A_61 = arith.constant 0 : i32
      %dma_start3A_62 = tpu.memref_slice %arg6[%dma_start3A_61, %multiple_of3A] : memref<64x1000000xf32, #tpu.memory_space<hbm>> -> memref<64x128xf32, #tpu.memory_space<hbm>>
      tpu.enqueue_dma source(%dma_start3A_62 : memref<64x128xf32, #tpu.memory_space<hbm>>) target(%dma_start3A_60 : memref<64x128xf32, #tpu.memory_space<vmem>>) target_semaphore(%arg15 : memref<!tpu.dma_semaphore, #tpu.memory_space<semaphore_mem>>)
      %slice3A_63 = vector.extract_strided_slice %get3A_47 {offsets = [1], sizes = [1], strides = [1]} : vector<16xi32> to vector<1xi32>
      %squeeze3A_64 = vector.extract %slice3A_63[0] : i32 from vector<1xi32>
      %shift_right_arithmetic3A_65 = arith.constant 7 : i32
      %shift_right_arithmetic3A_66 = arith.shrsi %squeeze3A_64, %shift_right_arithmetic3A_65 : i32
      %mul3A_67 = arith.constant 128 : i32
      %mul3A_68 = arith.muli %shift_right_arithmetic3A_66, %mul3A_67 : i32
      %multiple_of3A_69 = tpu.assume_multiple %mul3A_68, 128 : i32
      %dma_start3A_70 = arith.constant 1 : i32
      %dma_start3A_71 = arith.constant 0 : i32
      %dma_start3A_72 = arith.constant 0 : i32
      %dma_start3A_73 = tpu.memref_slice %arg11[%dma_start3A_70, %dma_start3A_71, %dma_start3A_72] : memref<8x64x128xf32, #tpu.memory_space<vmem>> -> memref<1x64x128xf32, #tpu.memory_space<vmem>>
      %dma_start3A_74 = tpu.memref_squeeze %dma_start3A_73 : memref<1x64x128xf32, #tpu.memory_space<vmem>> -> memref<64x128xf32, #tpu.memory_space<vmem>>
      %dma_start3A_75 = arith.constant 0 : i32
      %dma_start3A_76 = tpu.memref_slice %arg6[%dma_start3A_75, %multiple_of3A_69] : memref<64x1000000xf32, #tpu.memory_space<hbm>> -> memref<64x128xf32, #tpu.memory_space<hbm>>
      %dma_start3A_77 = arith.constant 0 : i32
      %dma_start3A_78 = arith.constant 0 : i32
      %dma_start3A_79 = tpu.memref_slice %arg11[%dma_start3A_70, %dma_start3A_77, %dma_start3A_78] : memref<8x64x128xf32, #tpu.memory_space<vmem>> -> memref<1x64x128xf32, #tpu.memory_space<vmem>>
      %dma_start3A_80 = tpu.memref_squeeze %dma_start3A_79 : memref<1x64x128xf32, #tpu.memory_space<vmem>> -> memref<64x128xf32, #tpu.memory_space<vmem>>
      %dma_start3A_81 = arith.constant 0 : i32
      %dma_start3A_82 = tpu.memref_slice %arg6[%dma_start3A_81, %multiple_of3A_69] : memref<64x1000000xf32, #tpu.memory_space<hbm>> -> memref<64x128xf32, #tpu.memory_space<hbm>>
      tpu.enqueue_dma source(%dma_start3A_82 : memref<64x128xf32, #tpu.memory_space<hbm>>) target(%dma_start3A_80 : memref<64x128xf32, #tpu.memory_space<vmem>>) target_semaphore(%arg15 : memref<!tpu.dma_semaphore, #tpu.memory_space<semaphore_mem>>)
      %slice3A_83 = vector.extract_strided_slice %get3A_47 {offsets = [2], sizes = [1], strides = [1]} : vector<16xi32> to vector<1xi32>
      %squeeze3A_84 = vector.extract %slice3A_83[0] : i32 from vector<1xi32>
      %shift_right_arithmetic3A_85 = arith.constant 7 : i32
      %shift_right_arithmetic3A_86 = arith.shrsi %squeeze3A_84, %shift_right_arithmetic3A_85 : i32
      %mul3A_87 = arith.constant 128 : i32
      %mul3A_88 = arith.muli %shift_right_arithmetic3A_86, %mul3A_87 : i32
      %multiple_of3A_89 = tpu.assume_multiple %mul3A_88, 128 : i32
      %dma_start3A_90 = arith.constant 2 : i32
      %dma_start3A_91 = arith.constant 0 : i32
      %dma_start3A_92 = arith.constant 0 : i32
      %dma_start3A_93 = tpu.memref_slice %arg11[%dma_start3A_90, %dma_start3A_91, %dma_start3A_92] : memref<8x64x128xf32, #tpu.memory_space<vmem>> -> memref<1x64x128xf32, #tpu.memory_space<vmem>>
      %dma_start3A_94 = tpu.memref_squeeze %dma_start3A_93 : memref<1x64x128xf32, #tpu.memory_space<vmem>> -> memref<64x128xf32, #tpu.memory_space<vmem>>
      %dma_start3A_95 = arith.constant 0 : i32
      %dma_start3A_96 = tpu.memref_slice %arg6[%dma_start3A_95, %multiple_of3A_89] : memref<64x1000000xf32, #tpu.memory_space<hbm>> -> memref<64x128xf32, #tpu.memory_space<hbm>>
      %dma_start3A_97 = arith.constant 0 : i32
      %dma_start3A_98 = arith.constant 0 : i32
      %dma_start3A_99 = tpu.memref_slice %arg11[%dma_start3A_90, %dma_start3A_97, %dma_start3A_98] : memref<8x64x128xf32, #tpu.memory_space<vmem>> -> memref<1x64x128xf32, #tpu.memory_space<vmem>>
      %dma_start3A_100 = tpu.memref_squeeze %dma_start3A_99 : memref<1x64x128xf32, #tpu.memory_space<vmem>> -> memref<64x128xf32, #tpu.memory_space<vmem>>
      %dma_start3A_101 = arith.constant 0 : i32
      %dma_start3A_102 = tpu.memref_slice %arg6[%dma_start3A_101, %multiple_of3A_89] : memref<64x1000000xf32, #tpu.memory_space<hbm>> -> memref<64x128xf32, #tpu.memory_space<hbm>>
      tpu.enqueue_dma source(%dma_start3A_102 : memref<64x128xf32, #tpu.memory_space<hbm>>) target(%dma_start3A_100 : memref<64x128xf32, #tpu.memory_space<vmem>>) target_semaphore(%arg15 : memref<!tpu.dma_semaphore, #tpu.memory_space<semaphore_mem>>)
      %slice3A_103 = vector.extract_strided_slice %get3A_47 {offsets = [3], sizes = [1], strides = [1]} : vector<16xi32> to vector<1xi32>
      %squeeze3A_104 = vector.extract %slice3A_103[0] : i32 from vector<1xi32>
      %shift_right_arithmetic3A_105 = arith.constant 7 : i32
      %shift_right_arithmetic3A_106 = arith.shrsi %squeeze3A_104, %shift_right_arithmetic3A_105 : i32
      %mul3A_107 = arith.constant 128 : i32
      %mul3A_108 = arith.muli %shift_right_arithmetic3A_106, %mul3A_107 : i32
      %multiple_of3A_109 = tpu.assume_multiple %mul3A_108, 128 : i32
      %dma_start3A_110 = arith.constant 3 : i32
      %dma_start3A_111 = arith.constant 0 : i32
      %dma_start3A_112 = arith.constant 0 : i32
      %dma_start3A_113 = tpu.memref_slice %arg11[%dma_start3A_110, %dma_start3A_111, %dma_start3A_112] : memref<8x64x128xf32, #tpu.memory_space<vmem>> -> memref<1x64x128xf32, #tpu.memory_space<vmem>>
      %dma_start3A_114 = tpu.memref_squeeze %dma_start3A_113 : memref<1x64x128xf32, #tpu.memory_space<vmem>> -> memref<64x128xf32, #tpu.memory_space<vmem>>
      %dma_start3A_115 = arith.constant 0 : i32
      %dma_start3A_116 = tpu.memref_slice %arg6[%dma_start3A_115, %multiple_of3A_109] : memref<64x1000000xf32, #tpu.memory_space<hbm>> -> memref<64x128xf32, #tpu.memory_space<hbm>>
      %dma_start3A_117 = arith.constant 0 : i32
      %dma_start3A_118 = arith.constant 0 : i32
      %dma_start3A_119 = tpu.memref_slice %arg11[%dma_start3A_110, %dma_start3A_117, %dma_start3A_118] : memref<8x64x128xf32, #tpu.memory_space<vmem>> -> memref<1x64x128xf32, #tpu.memory_space<vmem>>
      %dma_start3A_120 = tpu.memref_squeeze %dma_start3A_119 : memref<1x64x128xf32, #tpu.memory_space<vmem>> -> memref<64x128xf32, #tpu.memory_space<vmem>>
      %dma_start3A_121 = arith.constant 0 : i32
      %dma_start3A_122 = tpu.memref_slice %arg6[%dma_start3A_121, %multiple_of3A_109] : memref<64x1000000xf32, #tpu.memory_space<hbm>> -> memref<64x128xf32, #tpu.memory_space<hbm>>
      tpu.enqueue_dma source(%dma_start3A_122 : memref<64x128xf32, #tpu.memory_space<hbm>>) target(%dma_start3A_120 : memref<64x128xf32, #tpu.memory_space<vmem>>) target_semaphore(%arg15 : memref<!tpu.dma_semaphore, #tpu.memory_space<semaphore_mem>>)
      %slice3A_123 = vector.extract_strided_slice %get3A_47 {offsets = [4], sizes = [1], strides = [1]} : vector<16xi32> to vector<1xi32>
      %squeeze3A_124 = vector.extract %slice3A_123[0] : i32 from vector<1xi32>
      %shift_right_arithmetic3A_125 = arith.constant 7 : i32
      %shift_right_arithmetic3A_126 = arith.shrsi %squeeze3A_124, %shift_right_arithmetic3A_125 : i32
      %mul3A_127 = arith.constant 128 : i32
      %mul3A_128 = arith.muli %shift_right_arithmetic3A_126, %mul3A_127 : i32
      %multiple_of3A_129 = tpu.assume_multiple %mul3A_128, 128 : i32
      %dma_start3A_130 = arith.constant 4 : i32
      %dma_start3A_131 = arith.constant 0 : i32
      %dma_start3A_132 = arith.constant 0 : i32
      %dma_start3A_133 = tpu.memref_slice %arg11[%dma_start3A_130, %dma_start3A_131, %dma_start3A_132] : memref<8x64x128xf32, #tpu.memory_space<vmem>> -> memref<1x64x128xf32, #tpu.memory_space<vmem>>
      %dma_start3A_134 = tpu.memref_squeeze %dma_start3A_133 : memref<1x64x128xf32, #tpu.memory_space<vmem>> -> memref<64x128xf32, #tpu.memory_space<vmem>>
      %dma_start3A_135 = arith.constant 0 : i32
      %dma_start3A_136 = tpu.memref_slice %arg6[%dma_start3A_135, %multiple_of3A_129] : memref<64x1000000xf32, #tpu.memory_space<hbm>> -> memref<64x128xf32, #tpu.memory_space<hbm>>
      %dma_start3A_137 = arith.constant 0 : i32
      %dma_start3A_138 = arith.constant 0 : i32
      %dma_start3A_139 = tpu.memref_slice %arg11[%dma_start3A_130, %dma_start3A_137, %dma_start3A_138] : memref<8x64x128xf32, #tpu.memory_space<vmem>> -> memref<1x64x128xf32, #tpu.memory_space<vmem>>
      %dma_start3A_140 = tpu.memref_squeeze %dma_start3A_139 : memref<1x64x128xf32, #tpu.memory_space<vmem>> -> memref<64x128xf32, #tpu.memory_space<vmem>>
      %dma_start3A_141 = arith.constant 0 : i32
      %dma_start3A_142 = tpu.memref_slice %arg6[%dma_start3A_141, %multiple_of3A_129] : memref<64x1000000xf32, #tpu.memory_space<hbm>> -> memref<64x128xf32, #tpu.memory_space<hbm>>
      tpu.enqueue_dma source(%dma_start3A_142 : memref<64x128xf32, #tpu.memory_space<hbm>>) target(%dma_start3A_140 : memref<64x128xf32, #tpu.memory_space<vmem>>) target_semaphore(%arg15 : memref<!tpu.dma_semaphore, #tpu.memory_space<semaphore_mem>>)
      %slice3A_143 = vector.extract_strided_slice %get3A_47 {offsets = [5], sizes = [1], strides = [1]} : vector<16xi32> to vector<1xi32>
      %squeeze3A_144 = vector.extract %slice3A_143[0] : i32 from vector<1xi32>
      %shift_right_arithmetic3A_145 = arith.constant 7 : i32
      %shift_right_arithmetic3A_146 = arith.shrsi %squeeze3A_144, %shift_right_arithmetic3A_145 : i32
      %mul3A_147 = arith.constant 128 : i32
      %mul3A_148 = arith.muli %shift_right_arithmetic3A_146, %mul3A_147 : i32
      %multiple_of3A_149 = tpu.assume_multiple %mul3A_148, 128 : i32
      %dma_start3A_150 = arith.constant 5 : i32
      %dma_start3A_151 = arith.constant 0 : i32
      %dma_start3A_152 = arith.constant 0 : i32
      %dma_start3A_153 = tpu.memref_slice %arg11[%dma_start3A_150, %dma_start3A_151, %dma_start3A_152] : memref<8x64x128xf32, #tpu.memory_space<vmem>> -> memref<1x64x128xf32, #tpu.memory_space<vmem>>
      %dma_start3A_154 = tpu.memref_squeeze %dma_start3A_153 : memref<1x64x128xf32, #tpu.memory_space<vmem>> -> memref<64x128xf32, #tpu.memory_space<vmem>>
      %dma_start3A_155 = arith.constant 0 : i32
      %dma_start3A_156 = tpu.memref_slice %arg6[%dma_start3A_155, %multiple_of3A_149] : memref<64x1000000xf32, #tpu.memory_space<hbm>> -> memref<64x128xf32, #tpu.memory_space<hbm>>
      %dma_start3A_157 = arith.constant 0 : i32
      %dma_start3A_158 = arith.constant 0 : i32
      %dma_start3A_159 = tpu.memref_slice %arg11[%dma_start3A_150, %dma_start3A_157, %dma_start3A_158] : memref<8x64x128xf32, #tpu.memory_space<vmem>> -> memref<1x64x128xf32, #tpu.memory_space<vmem>>
      %dma_start3A_160 = tpu.memref_squeeze %dma_start3A_159 : memref<1x64x128xf32, #tpu.memory_space<vmem>> -> memref<64x128xf32, #tpu.memory_space<vmem>>
      %dma_start3A_161 = arith.constant 0 : i32
      %dma_start3A_162 = tpu.memref_slice %arg6[%dma_start3A_161, %multiple_of3A_149] : memref<64x1000000xf32, #tpu.memory_space<hbm>> -> memref<64x128xf32, #tpu.memory_space<hbm>>
      tpu.enqueue_dma source(%dma_start3A_162 : memref<64x128xf32, #tpu.memory_space<hbm>>) target(%dma_start3A_160 : memref<64x128xf32, #tpu.memory_space<vmem>>) target_semaphore(%arg15 : memref<!tpu.dma_semaphore, #tpu.memory_space<semaphore_mem>>)
      %slice3A_163 = vector.extract_strided_slice %get3A_47 {offsets = [6], sizes = [1], strides = [1]} : vector<16xi32> to vector<1xi32>
      %squeeze3A_164 = vector.extract %slice3A_163[0] : i32 from vector<1xi32>
      %shift_right_arithmetic3A_165 = arith.constant 7 : i32
      %shift_right_arithmetic3A_166 = arith.shrsi %squeeze3A_164, %shift_right_arithmetic3A_165 : i32
      %mul3A_167 = arith.constant 128 : i32
      %mul3A_168 = arith.muli %shift_right_arithmetic3A_166, %mul3A_167 : i32
      %multiple_of3A_169 = tpu.assume_multiple %mul3A_168, 128 : i32
      %dma_start3A_170 = arith.constant 6 : i32
      %dma_start3A_171 = arith.constant 0 : i32
      %dma_start3A_172 = arith.constant 0 : i32
      %dma_start3A_173 = tpu.memref_slice %arg11[%dma_start3A_170, %dma_start3A_171, %dma_start3A_172] : memref<8x64x128xf32, #tpu.memory_space<vmem>> -> memref<1x64x128xf32, #tpu.memory_space<vmem>>
      %dma_start3A_174 = tpu.memref_squeeze %dma_start3A_173 : memref<1x64x128xf32, #tpu.memory_space<vmem>> -> memref<64x128xf32, #tpu.memory_space<vmem>>
      %dma_start3A_175 = arith.constant 0 : i32
      %dma_start3A_176 = tpu.memref_slice %arg6[%dma_start3A_175, %multiple_of3A_169] : memref<64x1000000xf32, #tpu.memory_space<hbm>> -> memref<64x128xf32, #tpu.memory_space<hbm>>
      %dma_start3A_177 = arith.constant 0 : i32
      %dma_start3A_178 = arith.constant 0 : i32
      %dma_start3A_179 = tpu.memref_slice %arg11[%dma_start3A_170, %dma_start3A_177, %dma_start3A_178] : memref<8x64x128xf32, #tpu.memory_space<vmem>> -> memref<1x64x128xf32, #tpu.memory_space<vmem>>
      %dma_start3A_180 = tpu.memref_squeeze %dma_start3A_179 : memref<1x64x128xf32, #tpu.memory_space<vmem>> -> memref<64x128xf32, #tpu.memory_space<vmem>>
      %dma_start3A_181 = arith.constant 0 : i32
      %dma_start3A_182 = tpu.memref_slice %arg6[%dma_start3A_181, %multiple_of3A_169] : memref<64x1000000xf32, #tpu.memory_space<hbm>> -> memref<64x128xf32, #tpu.memory_space<hbm>>
      tpu.enqueue_dma source(%dma_start3A_182 : memref<64x128xf32, #tpu.memory_space<hbm>>) target(%dma_start3A_180 : memref<64x128xf32, #tpu.memory_space<vmem>>) target_semaphore(%arg15 : memref<!tpu.dma_semaphore, #tpu.memory_space<semaphore_mem>>)
      %slice3A_183 = vector.extract_strided_slice %get3A_47 {offsets = [7], sizes = [1], strides = [1]} : vector<16xi32> to vector<1xi32>
      %squeeze3A_184 = vector.extract %slice3A_183[0] : i32 from vector<1xi32>
      %shift_right_arithmetic3A_185 = arith.constant 7 : i32
      %shift_right_arithmetic3A_186 = arith.shrsi %squeeze3A_184, %shift_right_arithmetic3A_185 : i32
      %mul3A_187 = arith.constant 128 : i32
      %mul3A_188 = arith.muli %shift_right_arithmetic3A_186, %mul3A_187 : i32
      %multiple_of3A_189 = tpu.assume_multiple %mul3A_188, 128 : i32
      %dma_start3A_190 = arith.constant 7 : i32
      %dma_start3A_191 = arith.constant 0 : i32
      %dma_start3A_192 = arith.constant 0 : i32
      %dma_start3A_193 = tpu.memref_slice %arg11[%dma_start3A_190, %dma_start3A_191, %dma_start3A_192] : memref<8x64x128xf32, #tpu.memory_space<vmem>> -> memref<1x64x128xf32, #tpu.memory_space<vmem>>
      %dma_start3A_194 = tpu.memref_squeeze %dma_start3A_193 : memref<1x64x128xf32, #tpu.memory_space<vmem>> -> memref<64x128xf32, #tpu.memory_space<vmem>>
      %dma_start3A_195 = arith.constant 0 : i32
      %dma_start3A_196 = tpu.memref_slice %arg6[%dma_start3A_195, %multiple_of3A_189] : memref<64x1000000xf32, #tpu.memory_space<hbm>> -> memref<64x128xf32, #tpu.memory_space<hbm>>
      %dma_start3A_197 = arith.constant 0 : i32
      %dma_start3A_198 = arith.constant 0 : i32
      %dma_start3A_199 = tpu.memref_slice %arg11[%dma_start3A_190, %dma_start3A_197, %dma_start3A_198] : memref<8x64x128xf32, #tpu.memory_space<vmem>> -> memref<1x64x128xf32, #tpu.memory_space<vmem>>
      %dma_start3A_200 = tpu.memref_squeeze %dma_start3A_199 : memref<1x64x128xf32, #tpu.memory_space<vmem>> -> memref<64x128xf32, #tpu.memory_space<vmem>>
      %dma_start3A_201 = arith.constant 0 : i32
      %dma_start3A_202 = tpu.memref_slice %arg6[%dma_start3A_201, %multiple_of3A_189] : memref<64x1000000xf32, #tpu.memory_space<hbm>> -> memref<64x128xf32, #tpu.memory_space<hbm>>
      tpu.enqueue_dma source(%dma_start3A_202 : memref<64x128xf32, #tpu.memory_space<hbm>>) target(%dma_start3A_200 : memref<64x128xf32, #tpu.memory_space<vmem>>) target_semaphore(%arg15 : memref<!tpu.dma_semaphore, #tpu.memory_space<semaphore_mem>>)
      %dma_wait3A = arith.constant 0 : i32
      %dma_wait3A_203 = arith.constant 0 : i32
      %dma_wait3A_204 = arith.constant 0 : i32
      %dma_wait3A_205 = tpu.memref_slice %arg11[%dma_wait3A, %dma_wait3A_203, %dma_wait3A_204] : memref<8x64x128xf32, #tpu.memory_space<vmem>> -> memref<1x64x128xf32, #tpu.memory_space<vmem>>
      %dma_wait3A_206 = tpu.memref_squeeze %dma_wait3A_205 : memref<1x64x128xf32, #tpu.memory_space<vmem>> -> memref<64x128xf32, #tpu.memory_space<vmem>>
      %dma_wait3A_207 = arith.constant 0 : i32
      %dma_wait3A_208 = tpu.memref_slice %arg6[%dma_wait3A_207, %multiple_of3A] : memref<64x1000000xf32, #tpu.memory_space<hbm>> -> memref<64x128xf32, #tpu.memory_space<hbm>>
      %dma_wait3A_209 = arith.constant 0 : i32
      %dma_wait3A_210 = arith.constant 0 : i32
      %dma_wait3A_211 = tpu.memref_slice %arg11[%dma_wait3A, %dma_wait3A_209, %dma_wait3A_210] : memref<8x64x128xf32, #tpu.memory_space<vmem>> -> memref<1x64x128xf32, #tpu.memory_space<vmem>>
      %dma_wait3A_212 = tpu.memref_squeeze %dma_wait3A_211 : memref<1x64x128xf32, #tpu.memory_space<vmem>> -> memref<64x128xf32, #tpu.memory_space<vmem>>
      %dma_wait3A_213 = arith.constant 0 : i32
      %dma_wait3A_214 = tpu.memref_slice %arg6[%dma_wait3A_213, %multiple_of3A] : memref<64x1000000xf32, #tpu.memory_space<hbm>> -> memref<64x128xf32, #tpu.memory_space<hbm>>
      tpu.wait_dma2 semaphore(%arg15 : memref<!tpu.dma_semaphore, #tpu.memory_space<semaphore_mem>>) src(%dma_wait3A_214 : memref<64x128xf32, #tpu.memory_space<hbm>>) dst(%dma_wait3A_212 : memref<64x128xf32, #tpu.memory_space<vmem>>)
      %dma_wait3A_215 = arith.constant 1 : i32
      %dma_wait3A_216 = arith.constant 0 : i32
      %dma_wait3A_217 = arith.constant 0 : i32
      %dma_wait3A_218 = tpu.memref_slice %arg11[%dma_wait3A_215, %dma_wait3A_216, %dma_wait3A_217] : memref<8x64x128xf32, #tpu.memory_space<vmem>> -> memref<1x64x128xf32, #tpu.memory_space<vmem>>
      %dma_wait3A_219 = tpu.memref_squeeze %dma_wait3A_218 : memref<1x64x128xf32, #tpu.memory_space<vmem>> -> memref<64x128xf32, #tpu.memory_space<vmem>>
      %dma_wait3A_220 = arith.constant 0 : i32
      %dma_wait3A_221 = tpu.memref_slice %arg6[%dma_wait3A_220, %multiple_of3A_69] : memref<64x1000000xf32, #tpu.memory_space<hbm>> -> memref<64x128xf32, #tpu.memory_space<hbm>>
      %dma_wait3A_222 = arith.constant 0 : i32
      %dma_wait3A_223 = arith.constant 0 : i32
      %dma_wait3A_224 = tpu.memref_slice %arg11[%dma_wait3A_215, %dma_wait3A_222, %dma_wait3A_223] : memref<8x64x128xf32, #tpu.memory_space<vmem>> -> memref<1x64x128xf32, #tpu.memory_space<vmem>>
      %dma_wait3A_225 = tpu.memref_squeeze %dma_wait3A_224 : memref<1x64x128xf32, #tpu.memory_space<vmem>> -> memref<64x128xf32, #tpu.memory_space<vmem>>
      %dma_wait3A_226 = arith.constant 0 : i32
      %dma_wait3A_227 = tpu.memref_slice %arg6[%dma_wait3A_226, %multiple_of3A_69] : memref<64x1000000xf32, #tpu.memory_space<hbm>> -> memref<64x128xf32, #tpu.memory_space<hbm>>
      tpu.wait_dma2 semaphore(%arg15 : memref<!tpu.dma_semaphore, #tpu.memory_space<semaphore_mem>>) src(%dma_wait3A_227 : memref<64x128xf32, #tpu.memory_space<hbm>>) dst(%dma_wait3A_225 : memref<64x128xf32, #tpu.memory_space<vmem>>)
      %dma_wait3A_228 = arith.constant 2 : i32
      %dma_wait3A_229 = arith.constant 0 : i32
      %dma_wait3A_230 = arith.constant 0 : i32
      %dma_wait3A_231 = tpu.memref_slice %arg11[%dma_wait3A_228, %dma_wait3A_229, %dma_wait3A_230] : memref<8x64x128xf32, #tpu.memory_space<vmem>> -> memref<1x64x128xf32, #tpu.memory_space<vmem>>
      %dma_wait3A_232 = tpu.memref_squeeze %dma_wait3A_231 : memref<1x64x128xf32, #tpu.memory_space<vmem>> -> memref<64x128xf32, #tpu.memory_space<vmem>>
      %dma_wait3A_233 = arith.constant 0 : i32
      %dma_wait3A_234 = tpu.memref_slice %arg6[%dma_wait3A_233, %multiple_of3A_89] : memref<64x1000000xf32, #tpu.memory_space<hbm>> -> memref<64x128xf32, #tpu.memory_space<hbm>>
      %dma_wait3A_235 = arith.constant 0 : i32
      %dma_wait3A_236 = arith.constant 0 : i32
      %dma_wait3A_237 = tpu.memref_slice %arg11[%dma_wait3A_228, %dma_wait3A_235, %dma_wait3A_236] : memref<8x64x128xf32, #tpu.memory_space<vmem>> -> memref<1x64x128xf32, #tpu.memory_space<vmem>>
      %dma_wait3A_238 = tpu.memref_squeeze %dma_wait3A_237 : memref<1x64x128xf32, #tpu.memory_space<vmem>> -> memref<64x128xf32, #tpu.memory_space<vmem>>
      %dma_wait3A_239 = arith.constant 0 : i32
      %dma_wait3A_240 = tpu.memref_slice %arg6[%dma_wait3A_239, %multiple_of3A_89] : memref<64x1000000xf32, #tpu.memory_space<hbm>> -> memref<64x128xf32, #tpu.memory_space<hbm>>
      tpu.wait_dma2 semaphore(%arg15 : memref<!tpu.dma_semaphore, #tpu.memory_space<semaphore_mem>>) src(%dma_wait3A_240 : memref<64x128xf32, #tpu.memory_space<hbm>>) dst(%dma_wait3A_238 : memref<64x128xf32, #tpu.memory_space<vmem>>)
      %dma_wait3A_241 = arith.constant 3 : i32
      %dma_wait3A_242 = arith.constant 0 : i32
      %dma_wait3A_243 = arith.constant 0 : i32
      %dma_wait3A_244 = tpu.memref_slice %arg11[%dma_wait3A_241, %dma_wait3A_242, %dma_wait3A_243] : memref<8x64x128xf32, #tpu.memory_space<vmem>> -> memref<1x64x128xf32, #tpu.memory_space<vmem>>
      %dma_wait3A_245 = tpu.memref_squeeze %dma_wait3A_244 : memref<1x64x128xf32, #tpu.memory_space<vmem>> -> memref<64x128xf32, #tpu.memory_space<vmem>>
      %dma_wait3A_246 = arith.constant 0 : i32
      %dma_wait3A_247 = tpu.memref_slice %arg6[%dma_wait3A_246, %multiple_of3A_109] : memref<64x1000000xf32, #tpu.memory_space<hbm>> -> memref<64x128xf32, #tpu.memory_space<hbm>>
      %dma_wait3A_248 = arith.constant 0 : i32
      %dma_wait3A_249 = arith.constant 0 : i32
      %dma_wait3A_250 = tpu.memref_slice %arg11[%dma_wait3A_241, %dma_wait3A_248, %dma_wait3A_249] : memref<8x64x128xf32, #tpu.memory_space<vmem>> -> memref<1x64x128xf32, #tpu.memory_space<vmem>>
      %dma_wait3A_251 = tpu.memref_squeeze %dma_wait3A_250 : memref<1x64x128xf32, #tpu.memory_space<vmem>> -> memref<64x128xf32, #tpu.memory_space<vmem>>
      %dma_wait3A_252 = arith.constant 0 : i32
      %dma_wait3A_253 = tpu.memref_slice %arg6[%dma_wait3A_252, %multiple_of3A_109] : memref<64x1000000xf32, #tpu.memory_space<hbm>> -> memref<64x128xf32, #tpu.memory_space<hbm>>
      tpu.wait_dma2 semaphore(%arg15 : memref<!tpu.dma_semaphore, #tpu.memory_space<semaphore_mem>>) src(%dma_wait3A_253 : memref<64x128xf32, #tpu.memory_space<hbm>>) dst(%dma_wait3A_251 : memref<64x128xf32, #tpu.memory_space<vmem>>)
      %dma_wait3A_254 = arith.constant 4 : i32
      %dma_wait3A_255 = arith.constant 0 : i32
      %dma_wait3A_256 = arith.constant 0 : i32
      %dma_wait3A_257 = tpu.memref_slice %arg11[%dma_wait3A_254, %dma_wait3A_255, %dma_wait3A_256] : memref<8x64x128xf32, #tpu.memory_space<vmem>> -> memref<1x64x128xf32, #tpu.memory_space<vmem>>
      %dma_wait3A_258 = tpu.memref_squeeze %dma_wait3A_257 : memref<1x64x128xf32, #tpu.memory_space<vmem>> -> memref<64x128xf32, #tpu.memory_space<vmem>>
      %dma_wait3A_259 = arith.constant 0 : i32
      %dma_wait3A_260 = tpu.memref_slice %arg6[%dma_wait3A_259, %multiple_of3A_129] : memref<64x1000000xf32, #tpu.memory_space<hbm>> -> memref<64x128xf32, #tpu.memory_space<hbm>>
      %dma_wait3A_261 = arith.constant 0 : i32
      %dma_wait3A_262 = arith.constant 0 : i32
      %dma_wait3A_263 = tpu.memref_slice %arg11[%dma_wait3A_254, %dma_wait3A_261, %dma_wait3A_262] : memref<8x64x128xf32, #tpu.memory_space<vmem>> -> memref<1x64x128xf32, #tpu.memory_space<vmem>>
      %dma_wait3A_264 = tpu.memref_squeeze %dma_wait3A_263 : memref<1x64x128xf32, #tpu.memory_space<vmem>> -> memref<64x128xf32, #tpu.memory_space<vmem>>
      %dma_wait3A_265 = arith.constant 0 : i32
      %dma_wait3A_266 = tpu.memref_slice %arg6[%dma_wait3A_265, %multiple_of3A_129] : memref<64x1000000xf32, #tpu.memory_space<hbm>> -> memref<64x128xf32, #tpu.memory_space<hbm>>
      tpu.wait_dma2 semaphore(%arg15 : memref<!tpu.dma_semaphore, #tpu.memory_space<semaphore_mem>>) src(%dma_wait3A_266 : memref<64x128xf32, #tpu.memory_space<hbm>>) dst(%dma_wait3A_264 : memref<64x128xf32, #tpu.memory_space<vmem>>)
      %dma_wait3A_267 = arith.constant 5 : i32
      %dma_wait3A_268 = arith.constant 0 : i32
      %dma_wait3A_269 = arith.constant 0 : i32
      %dma_wait3A_270 = tpu.memref_slice %arg11[%dma_wait3A_267, %dma_wait3A_268, %dma_wait3A_269] : memref<8x64x128xf32, #tpu.memory_space<vmem>> -> memref<1x64x128xf32, #tpu.memory_space<vmem>>
      %dma_wait3A_271 = tpu.memref_squeeze %dma_wait3A_270 : memref<1x64x128xf32, #tpu.memory_space<vmem>> -> memref<64x128xf32, #tpu.memory_space<vmem>>
      %dma_wait3A_272 = arith.constant 0 : i32
      %dma_wait3A_273 = tpu.memref_slice %arg6[%dma_wait3A_272, %multiple_of3A_149] : memref<64x1000000xf32, #tpu.memory_space<hbm>> -> memref<64x128xf32, #tpu.memory_space<hbm>>
      %dma_wait3A_274 = arith.constant 0 : i32
      %dma_wait3A_275 = arith.constant 0 : i32
      %dma_wait3A_276 = tpu.memref_slice %arg11[%dma_wait3A_267, %dma_wait3A_274, %dma_wait3A_275] : memref<8x64x128xf32, #tpu.memory_space<vmem>> -> memref<1x64x128xf32, #tpu.memory_space<vmem>>
      %dma_wait3A_277 = tpu.memref_squeeze %dma_wait3A_276 : memref<1x64x128xf32, #tpu.memory_space<vmem>> -> memref<64x128xf32, #tpu.memory_space<vmem>>
      %dma_wait3A_278 = arith.constant 0 : i32
      %dma_wait3A_279 = tpu.memref_slice %arg6[%dma_wait3A_278, %multiple_of3A_149] : memref<64x1000000xf32, #tpu.memory_space<hbm>> -> memref<64x128xf32, #tpu.memory_space<hbm>>
      tpu.wait_dma2 semaphore(%arg15 : memref<!tpu.dma_semaphore, #tpu.memory_space<semaphore_mem>>) src(%dma_wait3A_279 : memref<64x128xf32, #tpu.memory_space<hbm>>) dst(%dma_wait3A_277 : memref<64x128xf32, #tpu.memory_space<vmem>>)
      %dma_wait3A_280 = arith.constant 6 : i32
      %dma_wait3A_281 = arith.constant 0 : i32
      %dma_wait3A_282 = arith.constant 0 : i32
      %dma_wait3A_283 = tpu.memref_slice %arg11[%dma_wait3A_280, %dma_wait3A_281, %dma_wait3A_282] : memref<8x64x128xf32, #tpu.memory_space<vmem>> -> memref<1x64x128xf32, #tpu.memory_space<vmem>>
      %dma_wait3A_284 = tpu.memref_squeeze %dma_wait3A_283 : memref<1x64x128xf32, #tpu.memory_space<vmem>> -> memref<64x128xf32, #tpu.memory_space<vmem>>
      %dma_wait3A_285 = arith.constant 0 : i32
      %dma_wait3A_286 = tpu.memref_slice %arg6[%dma_wait3A_285, %multiple_of3A_169] : memref<64x1000000xf32, #tpu.memory_space<hbm>> -> memref<64x128xf32, #tpu.memory_space<hbm>>
      %dma_wait3A_287 = arith.constant 0 : i32
      %dma_wait3A_288 = arith.constant 0 : i32
      %dma_wait3A_289 = tpu.memref_slice %arg11[%dma_wait3A_280, %dma_wait3A_287, %dma_wait3A_288] : memref<8x64x128xf32, #tpu.memory_space<vmem>> -> memref<1x64x128xf32, #tpu.memory_space<vmem>>
      %dma_wait3A_290 = tpu.memref_squeeze %dma_wait3A_289 : memref<1x64x128xf32, #tpu.memory_space<vmem>> -> memref<64x128xf32, #tpu.memory_space<vmem>>
      %dma_wait3A_291 = arith.constant 0 : i32
      %dma_wait3A_292 = tpu.memref_slice %arg6[%dma_wait3A_291, %multiple_of3A_169] : memref<64x1000000xf32, #tpu.memory_space<hbm>> -> memref<64x128xf32, #tpu.memory_space<hbm>>
      tpu.wait_dma2 semaphore(%arg15 : memref<!tpu.dma_semaphore, #tpu.memory_space<semaphore_mem>>) src(%dma_wait3A_292 : memref<64x128xf32, #tpu.memory_space<hbm>>) dst(%dma_wait3A_290 : memref<64x128xf32, #tpu.memory_space<vmem>>)
      %dma_wait3A_293 = arith.constant 7 : i32
      %dma_wait3A_294 = arith.constant 0 : i32
      %dma_wait3A_295 = arith.constant 0 : i32
      %dma_wait3A_296 = tpu.memref_slice %arg11[%dma_wait3A_293, %dma_wait3A_294, %dma_wait3A_295] : memref<8x64x128xf32, #tpu.memory_space<vmem>> -> memref<1x64x128xf32, #tpu.memory_space<vmem>>
      %dma_wait3A_297 = tpu.memref_squeeze %dma_wait3A_296 : memref<1x64x128xf32, #tpu.memory_space<vmem>> -> memref<64x128xf32, #tpu.memory_space<vmem>>
      %dma_wait3A_298 = arith.constant 0 : i32
      %dma_wait3A_299 = tpu.memref_slice %arg6[%dma_wait3A_298, %multiple_of3A_189] : memref<64x1000000xf32, #tpu.memory_space<hbm>> -> memref<64x128xf32, #tpu.memory_space<hbm>>
      %dma_wait3A_300 = arith.constant 0 : i32
      %dma_wait3A_301 = arith.constant 0 : i32
      %dma_wait3A_302 = tpu.memref_slice %arg11[%dma_wait3A_293, %dma_wait3A_300, %dma_wait3A_301] : memref<8x64x128xf32, #tpu.memory_space<vmem>> -> memref<1x64x128xf32, #tpu.memory_space<vmem>>
      %dma_wait3A_303 = tpu.memref_squeeze %dma_wait3A_302 : memref<1x64x128xf32, #tpu.memory_space<vmem>> -> memref<64x128xf32, #tpu.memory_space<vmem>>
      %dma_wait3A_304 = arith.constant 0 : i32
      %dma_wait3A_305 = tpu.memref_slice %arg6[%dma_wait3A_304, %multiple_of3A_189] : memref<64x1000000xf32, #tpu.memory_space<hbm>> -> memref<64x128xf32, #tpu.memory_space<hbm>>
      tpu.wait_dma2 semaphore(%arg15 : memref<!tpu.dma_semaphore, #tpu.memory_space<semaphore_mem>>) src(%dma_wait3A_305 : memref<64x128xf32, #tpu.memory_space<hbm>>) dst(%dma_wait3A_303 : memref<64x128xf32, #tpu.memory_space<vmem>>)
      %mul3A_306 = arith.constant 16 : i32
      %mul3A_307 = arith.muli %scan3A_43, %mul3A_306 : i32
      %add3A_308 = arith.constant 0 : i32
      %add3A_309 = arith.addi %mul3A_307, %add3A_308 : i32
      %add3A_310 = arith.constant 0 : i32
      %add3A_311 = arith.addi %add3A_309, %add3A_310 : i32
      %slice3A_312 = vector.extract_strided_slice %get3A_47 {offsets = [0], sizes = [1], strides = [1]} : vector<16xi32> to vector<1xi32>
      %squeeze3A_313 = vector.extract %slice3A_312[0] : i32 from vector<1xi32>
      %broadcast_in_dim3A = arith.constant 1 : i32
      %broadcast_in_dim3A_314 = vector.broadcast %broadcast_in_dim3A : i32 to vector<16xi32>
      %and3A = arith.constant 127 : i32
      %and3A_315 = arith.andi %squeeze3A_313, %and3A : i32
      %mul3A_316 = vector.broadcast %and3A_315 : i32 to vector<16xi32>
      %mul3A_317 = arith.muli %broadcast_in_dim3A_314, %mul3A_316 : vector<16xi32>
      %broadcast_in_dim3A_318 = arith.constant 1 : i32
      %broadcast_in_dim3A_319 = vector.broadcast %broadcast_in_dim3A_318 : i32 to vector<16xi32>
      %mul3A_320 = vector.broadcast %add3A_311 : i32 to vector<16xi32>
      %mul3A_321 = arith.muli %broadcast_in_dim3A_319, %mul3A_320 : vector<16xi32>
      %gather3A = arith.constant 0 : i32
      %gather3A_322 = arith.constant 0 : i32
      %gather3A_323 = arith.constant 0 : i32
      %gather3A_324 = tpu.memref_slice %arg11[%gather3A, %gather3A_322, %gather3A_323] : memref<8x64x128xf32, #tpu.memory_space<vmem>> -> memref<1x64x128xf32, #tpu.memory_space<vmem>>
      %gather3A_325 = tpu.memref_squeeze %gather3A_324 : memref<1x64x128xf32, #tpu.memory_space<vmem>> -> memref<64x128xf32, #tpu.memory_space<vmem>>
      %gather3A_326 = tpu.vector_load_idx %gather3A_325[%add3A_3, %mul3A_317] : memref<64x128xf32, #tpu.memory_space<vmem>>[vector<16xi32>, vector<16xi32>], vector<16xf32>,
      tpu.vector_store_idx %arg14[%add3A_3, %mul3A_321], %gather3A_326 : memref<64x128xf32, #tpu.memory_space<vmem>>[vector<16xi32>, vector<16xi32>], vector<16xf32>,
      %gather3A_327 = arith.constant 0 : i32
      %gather3A_328 = arith.constant 0 : i32
      %gather3A_329 = arith.constant 0 : i32
      %gather3A_330 = tpu.memref_slice %arg11[%gather3A_327, %gather3A_328, %gather3A_329] : memref<8x64x128xf32, #tpu.memory_space<vmem>> -> memref<1x64x128xf32, #tpu.memory_space<vmem>>
      %gather3A_331 = tpu.memref_squeeze %gather3A_330 : memref<1x64x128xf32, #tpu.memory_space<vmem>> -> memref<64x128xf32, #tpu.memory_space<vmem>>
      %gather3A_332 = tpu.vector_load_idx %gather3A_331[%add3A_7, %mul3A_317] : memref<64x128xf32, #tpu.memory_space<vmem>>[vector<16xi32>, vector<16xi32>], vector<16xf32>,
      tpu.vector_store_idx %arg14[%add3A_7, %mul3A_321], %gather3A_332 : memref<64x128xf32, #tpu.memory_space<vmem>>[vector<16xi32>, vector<16xi32>], vector<16xf32>,
      %gather3A_333 = arith.constant 0 : i32
      %gather3A_334 = arith.constant 0 : i32
      %gather3A_335 = arith.constant 0 : i32
      %gather3A_336 = tpu.memref_slice %arg11[%gather3A_333, %gather3A_334, %gather3A_335] : memref<8x64x128xf32, #tpu.memory_space<vmem>> -> memref<1x64x128xf32, #tpu.memory_space<vmem>>
      %gather3A_337 = tpu.memref_squeeze %gather3A_336 : memref<1x64x128xf32, #tpu.memory_space<vmem>> -> memref<64x128xf32, #tpu.memory_space<vmem>>
      %gather3A_338 = tpu.vector_load_idx %gather3A_337[%add3A_11, %mul3A_317] : memref<64x128xf32, #tpu.memory_space<vmem>>[vector<16xi32>, vector<16xi32>], vector<16xf32>,
      tpu.vector_store_idx %arg14[%add3A_11, %mul3A_321], %gather3A_338 : memref<64x128xf32, #tpu.memory_space<vmem>>[vector<16xi32>, vector<16xi32>], vector<16xf32>,
      %gather3A_339 = arith.constant 0 : i32
      %gather3A_340 = arith.constant 0 : i32
      %gather3A_341 = arith.constant 0 : i32
      %gather3A_342 = tpu.memref_slice %arg11[%gather3A_339, %gather3A_340, %gather3A_341] : memref<8x64x128xf32, #tpu.memory_space<vmem>> -> memref<1x64x128xf32, #tpu.memory_space<vmem>>
      %gather3A_343 = tpu.memref_squeeze %gather3A_342 : memref<1x64x128xf32, #tpu.memory_space<vmem>> -> memref<64x128xf32, #tpu.memory_space<vmem>>
      %gather3A_344 = tpu.vector_load_idx %gather3A_343[%add3A_15, %mul3A_317] : memref<64x128xf32, #tpu.memory_space<vmem>>[vector<16xi32>, vector<16xi32>], vector<16xf32>,
      tpu.vector_store_idx %arg14[%add3A_15, %mul3A_321], %gather3A_344 : memref<64x128xf32, #tpu.memory_space<vmem>>[vector<16xi32>, vector<16xi32>], vector<16xf32>,
      %mul3A_345 = arith.constant 16 : i32
      %mul3A_346 = arith.muli %scan3A_43, %mul3A_345 : i32
      %add3A_347 = arith.constant 0 : i32
      %add3A_348 = arith.addi %mul3A_346, %add3A_347 : i32
      %add3A_349 = arith.constant 1 : i32
      %add3A_350 = arith.addi %add3A_348, %add3A_349 : i32
      %slice3A_351 = vector.extract_strided_slice %get3A_47 {offsets = [1], sizes = [1], strides = [1]} : vector<16xi32> to vector<1xi32>
      %squeeze3A_352 = vector.extract %slice3A_351[0] : i32 from vector<1xi32>
      %broadcast_in_dim3A_353 = arith.constant 1 : i32
      %broadcast_in_dim3A_354 = vector.broadcast %broadcast_in_dim3A_353 : i32 to vector<16xi32>
      %and3A_355 = arith.constant 127 : i32
      %and3A_356 = arith.andi %squeeze3A_352, %and3A_355 : i32
      %mul3A_357 = vector.broadcast %and3A_356 : i32 to vector<16xi32>
      %mul3A_358 = arith.muli %broadcast_in_dim3A_354, %mul3A_357 : vector<16xi32>
      %broadcast_in_dim3A_359 = arith.constant 1 : i32
      %broadcast_in_dim3A_360 = vector.broadcast %broadcast_in_dim3A_359 : i32 to vector<16xi32>
      %mul3A_361 = vector.broadcast %add3A_350 : i32 to vector<16xi32>
      %mul3A_362 = arith.muli %broadcast_in_dim3A_360, %mul3A_361 : vector<16xi32>
      %gather3A_363 = arith.constant 1 : i32
      %gather3A_364 = arith.constant 0 : i32
      %gather3A_365 = arith.constant 0 : i32
      %gather3A_366 = tpu.memref_slice %arg11[%gather3A_363, %gather3A_364, %gather3A_365] : memref<8x64x128xf32, #tpu.memory_space<vmem>> -> memref<1x64x128xf32, #tpu.memory_space<vmem>>
      %gather3A_367 = tpu.memref_squeeze %gather3A_366 : memref<1x64x128xf32, #tpu.memory_space<vmem>> -> memref<64x128xf32, #tpu.memory_space<vmem>>
      %gather3A_368 = tpu.vector_load_idx %gather3A_367[%add3A_3, %mul3A_358] : memref<64x128xf32, #tpu.memory_space<vmem>>[vector<16xi32>, vector<16xi32>], vector<16xf32>,
      tpu.vector_store_idx %arg14[%add3A_3, %mul3A_362], %gather3A_368 : memref<64x128xf32, #tpu.memory_space<vmem>>[vector<16xi32>, vector<16xi32>], vector<16xf32>,
      %gather3A_369 = arith.constant 1 : i32
      %gather3A_370 = arith.constant 0 : i32
      %gather3A_371 = arith.constant 0 : i32
      %gather3A_372 = tpu.memref_slice %arg11[%gather3A_369, %gather3A_370, %gather3A_371] : memref<8x64x128xf32, #tpu.memory_space<vmem>> -> memref<1x64x128xf32, #tpu.memory_space<vmem>>
      %gather3A_373 = tpu.memref_squeeze %gather3A_372 : memref<1x64x128xf32, #tpu.memory_space<vmem>> -> memref<64x128xf32, #tpu.memory_space<vmem>>
      %gather3A_374 = tpu.vector_load_idx %gather3A_373[%add3A_7, %mul3A_358] : memref<64x128xf32, #tpu.memory_space<vmem>>[vector<16xi32>, vector<16xi32>], vector<16xf32>,
      tpu.vector_store_idx %arg14[%add3A_7, %mul3A_362], %gather3A_374 : memref<64x128xf32, #tpu.memory_space<vmem>>[vector<16xi32>, vector<16xi32>], vector<16xf32>,
      %gather3A_375 = arith.constant 1 : i32
      %gather3A_376 = arith.constant 0 : i32
      %gather3A_377 = arith.constant 0 : i32
      %gather3A_378 = tpu.memref_slice %arg11[%gather3A_375, %gather3A_376, %gather3A_377] : memref<8x64x128xf32, #tpu.memory_space<vmem>> -> memref<1x64x128xf32, #tpu.memory_space<vmem>>
      %gather3A_379 = tpu.memref_squeeze %gather3A_378 : memref<1x64x128xf32, #tpu.memory_space<vmem>> -> memref<64x128xf32, #tpu.memory_space<vmem>>
      %gather3A_380 = tpu.vector_load_idx %gather3A_379[%add3A_11, %mul3A_358] : memref<64x128xf32, #tpu.memory_space<vmem>>[vector<16xi32>, vector<16xi32>], vector<16xf32>,
      tpu.vector_store_idx %arg14[%add3A_11, %mul3A_362], %gather3A_380 : memref<64x128xf32, #tpu.memory_space<vmem>>[vector<16xi32>, vector<16xi32>], vector<16xf32>,
      %gather3A_381 = arith.constant 1 : i32
      %gather3A_382 = arith.constant 0 : i32
      %gather3A_383 = arith.constant 0 : i32
      %gather3A_384 = tpu.memref_slice %arg11[%gather3A_381, %gather3A_382, %gather3A_383] : memref<8x64x128xf32, #tpu.memory_space<vmem>> -> memref<1x64x128xf32, #tpu.memory_space<vmem>>
      %gather3A_385 = tpu.memref_squeeze %gather3A_384 : memref<1x64x128xf32, #tpu.memory_space<vmem>> -> memref<64x128xf32, #tpu.memory_space<vmem>>
      %gather3A_386 = tpu.vector_load_idx %gather3A_385[%add3A_15, %mul3A_358] : memref<64x128xf32, #tpu.memory_space<vmem>>[vector<16xi32>, vector<16xi32>], vector<16xf32>,
      tpu.vector_store_idx %arg14[%add3A_15, %mul3A_362], %gather3A_386 : memref<64x128xf32, #tpu.memory_space<vmem>>[vector<16xi32>, vector<16xi32>], vector<16xf32>,
      %mul3A_387 = arith.constant 16 : i32
      %mul3A_388 = arith.muli %scan3A_43, %mul3A_387 : i32
      %add3A_389 = arith.constant 0 : i32
      %add3A_390 = arith.addi %mul3A_388, %add3A_389 : i32
      %add3A_391 = arith.constant 2 : i32
      %add3A_392 = arith.addi %add3A_390, %add3A_391 : i32
      %slice3A_393 = vector.extract_strided_slice %get3A_47 {offsets = [2], sizes = [1], strides = [1]} : vector<16xi32> to vector<1xi32>
      %squeeze3A_394 = vector.extract %slice3A_393[0] : i32 from vector<1xi32>
      %broadcast_in_dim3A_395 = arith.constant 1 : i32
      %broadcast_in_dim3A_396 = vector.broadcast %broadcast_in_dim3A_395 : i32 to vector<16xi32>
      %and3A_397 = arith.constant 127 : i32
      %and3A_398 = arith.andi %squeeze3A_394, %and3A_397 : i32
      %mul3A_399 = vector.broadcast %and3A_398 : i32 to vector<16xi32>
      %mul3A_400 = arith.muli %broadcast_in_dim3A_396, %mul3A_399 : vector<16xi32>
      %broadcast_in_dim3A_401 = arith.constant 1 : i32
      %broadcast_in_dim3A_402 = vector.broadcast %broadcast_in_dim3A_401 : i32 to vector<16xi32>
      %mul3A_403 = vector.broadcast %add3A_392 : i32 to vector<16xi32>
      %mul3A_404 = arith.muli %broadcast_in_dim3A_402, %mul3A_403 : vector<16xi32>
      %gather3A_405 = arith.constant 2 : i32
      %gather3A_406 = arith.constant 0 : i32
      %gather3A_407 = arith.constant 0 : i32
      %gather3A_408 = tpu.memref_slice %arg11[%gather3A_405, %gather3A_406, %gather3A_407] : memref<8x64x128xf32, #tpu.memory_space<vmem>> -> memref<1x64x128xf32, #tpu.memory_space<vmem>>
      %gather3A_409 = tpu.memref_squeeze %gather3A_408 : memref<1x64x128xf32, #tpu.memory_space<vmem>> -> memref<64x128xf32, #tpu.memory_space<vmem>>
      %gather3A_410 = tpu.vector_load_idx %gather3A_409[%add3A_3, %mul3A_400] : memref<64x128xf32, #tpu.memory_space<vmem>>[vector<16xi32>, vector<16xi32>], vector<16xf32>,
      tpu.vector_store_idx %arg14[%add3A_3, %mul3A_404], %gather3A_410 : memref<64x128xf32, #tpu.memory_space<vmem>>[vector<16xi32>, vector<16xi32>], vector<16xf32>,
      %gather3A_411 = arith.constant 2 : i32
      %gather3A_412 = arith.constant 0 : i32
      %gather3A_413 = arith.constant 0 : i32
      %gather3A_414 = tpu.memref_slice %arg11[%gather3A_411, %gather3A_412, %gather3A_413] : memref<8x64x128xf32, #tpu.memory_space<vmem>> -> memref<1x64x128xf32, #tpu.memory_space<vmem>>
      %gather3A_415 = tpu.memref_squeeze %gather3A_414 : memref<1x64x128xf32, #tpu.memory_space<vmem>> -> memref<64x128xf32, #tpu.memory_space<vmem>>
      %gather3A_416 = tpu.vector_load_idx %gather3A_415[%add3A_7, %mul3A_400] : memref<64x128xf32, #tpu.memory_space<vmem>>[vector<16xi32>, vector<16xi32>], vector<16xf32>,
      tpu.vector_store_idx %arg14[%add3A_7, %mul3A_404], %gather3A_416 : memref<64x128xf32, #tpu.memory_space<vmem>>[vector<16xi32>, vector<16xi32>], vector<16xf32>,
      %gather3A_417 = arith.constant 2 : i32
      %gather3A_418 = arith.constant 0 : i32
      %gather3A_419 = arith.constant 0 : i32
      %gather3A_420 = tpu.memref_slice %arg11[%gather3A_417, %gather3A_418, %gather3A_419] : memref<8x64x128xf32, #tpu.memory_space<vmem>> -> memref<1x64x128xf32, #tpu.memory_space<vmem>>
      %gather3A_421 = tpu.memref_squeeze %gather3A_420 : memref<1x64x128xf32, #tpu.memory_space<vmem>> -> memref<64x128xf32, #tpu.memory_space<vmem>>
      %gather3A_422 = tpu.vector_load_idx %gather3A_421[%add3A_11, %mul3A_400] : memref<64x128xf32, #tpu.memory_space<vmem>>[vector<16xi32>, vector<16xi32>], vector<16xf32>,
      tpu.vector_store_idx %arg14[%add3A_11, %mul3A_404], %gather3A_422 : memref<64x128xf32, #tpu.memory_space<vmem>>[vector<16xi32>, vector<16xi32>], vector<16xf32>,
      %gather3A_423 = arith.constant 2 : i32
      %gather3A_424 = arith.constant 0 : i32
      %gather3A_425 = arith.constant 0 : i32
      %gather3A_426 = tpu.memref_slice %arg11[%gather3A_423, %gather3A_424, %gather3A_425] : memref<8x64x128xf32, #tpu.memory_space<vmem>> -> memref<1x64x128xf32, #tpu.memory_space<vmem>>
      %gather3A_427 = tpu.memref_squeeze %gather3A_426 : memref<1x64x128xf32, #tpu.memory_space<vmem>> -> memref<64x128xf32, #tpu.memory_space<vmem>>
      %gather3A_428 = tpu.vector_load_idx %gather3A_427[%add3A_15, %mul3A_400] : memref<64x128xf32, #tpu.memory_space<vmem>>[vector<16xi32>, vector<16xi32>], vector<16xf32>,
      tpu.vector_store_idx %arg14[%add3A_15, %mul3A_404], %gather3A_428 : memref<64x128xf32, #tpu.memory_space<vmem>>[vector<16xi32>, vector<16xi32>], vector<16xf32>,
      %mul3A_429 = arith.constant 16 : i32
      %mul3A_430 = arith.muli %scan3A_43, %mul3A_429 : i32
      %add3A_431 = arith.constant 0 : i32
      %add3A_432 = arith.addi %mul3A_430, %add3A_431 : i32
      %add3A_433 = arith.constant 3 : i32
      %add3A_434 = arith.addi %add3A_432, %add3A_433 : i32
      %slice3A_435 = vector.extract_strided_slice %get3A_47 {offsets = [3], sizes = [1], strides = [1]} : vector<16xi32> to vector<1xi32>
      %squeeze3A_436 = vector.extract %slice3A_435[0] : i32 from vector<1xi32>
      %broadcast_in_dim3A_437 = arith.constant 1 : i32
      %broadcast_in_dim3A_438 = vector.broadcast %broadcast_in_dim3A_437 : i32 to vector<16xi32>
      %and3A_439 = arith.constant 127 : i32
      %and3A_440 = arith.andi %squeeze3A_436, %and3A_439 : i32
      %mul3A_441 = vector.broadcast %and3A_440 : i32 to vector<16xi32>
      %mul3A_442 = arith.muli %broadcast_in_dim3A_438, %mul3A_441 : vector<16xi32>
      %broadcast_in_dim3A_443 = arith.constant 1 : i32
      %broadcast_in_dim3A_444 = vector.broadcast %broadcast_in_dim3A_443 : i32 to vector<16xi32>
      %mul3A_445 = vector.broadcast %add3A_434 : i32 to vector<16xi32>
      %mul3A_446 = arith.muli %broadcast_in_dim3A_444, %mul3A_445 : vector<16xi32>
      %gather3A_447 = arith.constant 3 : i32
      %gather3A_448 = arith.constant 0 : i32
      %gather3A_449 = arith.constant 0 : i32
      %gather3A_450 = tpu.memref_slice %arg11[%gather3A_447, %gather3A_448, %gather3A_449] : memref<8x64x128xf32, #tpu.memory_space<vmem>> -> memref<1x64x128xf32, #tpu.memory_space<vmem>>
      %gather3A_451 = tpu.memref_squeeze %gather3A_450 : memref<1x64x128xf32, #tpu.memory_space<vmem>> -> memref<64x128xf32, #tpu.memory_space<vmem>>
      %gather3A_452 = tpu.vector_load_idx %gather3A_451[%add3A_3, %mul3A_442] : memref<64x128xf32, #tpu.memory_space<vmem>>[vector<16xi32>, vector<16xi32>], vector<16xf32>,
      tpu.vector_store_idx %arg14[%add3A_3, %mul3A_446], %gather3A_452 : memref<64x128xf32, #tpu.memory_space<vmem>>[vector<16xi32>, vector<16xi32>], vector<16xf32>,
      %gather3A_453 = arith.constant 3 : i32
      %gather3A_454 = arith.constant 0 : i32
      %gather3A_455 = arith.constant 0 : i32
      %gather3A_456 = tpu.memref_slice %arg11[%gather3A_453, %gather3A_454, %gather3A_455] : memref<8x64x128xf32, #tpu.memory_space<vmem>> -> memref<1x64x128xf32, #tpu.memory_space<vmem>>
      %gather3A_457 = tpu.memref_squeeze %gather3A_456 : memref<1x64x128xf32, #tpu.memory_space<vmem>> -> memref<64x128xf32, #tpu.memory_space<vmem>>
      %gather3A_458 = tpu.vector_load_idx %gather3A_457[%add3A_7, %mul3A_442] : memref<64x128xf32, #tpu.memory_space<vmem>>[vector<16xi32>, vector<16xi32>], vector<16xf32>,
      tpu.vector_store_idx %arg14[%add3A_7, %mul3A_446], %gather3A_458 : memref<64x128xf32, #tpu.memory_space<vmem>>[vector<16xi32>, vector<16xi32>], vector<16xf32>,
      %gather3A_459 = arith.constant 3 : i32
      %gather3A_460 = arith.constant 0 : i32
      %gather3A_461 = arith.constant 0 : i32
      %gather3A_462 = tpu.memref_slice %arg11[%gather3A_459, %gather3A_460, %gather3A_461] : memref<8x64x128xf32, #tpu.memory_space<vmem>> -> memref<1x64x128xf32, #tpu.memory_space<vmem>>
      %gather3A_463 = tpu.memref_squeeze %gather3A_462 : memref<1x64x128xf32, #tpu.memory_space<vmem>> -> memref<64x128xf32, #tpu.memory_space<vmem>>
      %gather3A_464 = tpu.vector_load_idx %gather3A_463[%add3A_11, %mul3A_442] : memref<64x128xf32, #tpu.memory_space<vmem>>[vector<16xi32>, vector<16xi32>], vector<16xf32>,
      tpu.vector_store_idx %arg14[%add3A_11, %mul3A_446], %gather3A_464 : memref<64x128xf32, #tpu.memory_space<vmem>>[vector<16xi32>, vector<16xi32>], vector<16xf32>,
      %gather3A_465 = arith.constant 3 : i32
      %gather3A_466 = arith.constant 0 : i32
      %gather3A_467 = arith.constant 0 : i32
      %gather3A_468 = tpu.memref_slice %arg11[%gather3A_465, %gather3A_466, %gather3A_467] : memref<8x64x128xf32, #tpu.memory_space<vmem>> -> memref<1x64x128xf32, #tpu.memory_space<vmem>>
      %gather3A_469 = tpu.memref_squeeze %gather3A_468 : memref<1x64x128xf32, #tpu.memory_space<vmem>> -> memref<64x128xf32, #tpu.memory_space<vmem>>
      %gather3A_470 = tpu.vector_load_idx %gather3A_469[%add3A_15, %mul3A_442] : memref<64x128xf32, #tpu.memory_space<vmem>>[vector<16xi32>, vector<16xi32>], vector<16xf32>,
      tpu.vector_store_idx %arg14[%add3A_15, %mul3A_446], %gather3A_470 : memref<64x128xf32, #tpu.memory_space<vmem>>[vector<16xi32>, vector<16xi32>], vector<16xf32>,
      %mul3A_471 = arith.constant 16 : i32
      %mul3A_472 = arith.muli %scan3A_43, %mul3A_471 : i32
      %add3A_473 = arith.constant 0 : i32
      %add3A_474 = arith.addi %mul3A_472, %add3A_473 : i32
      %add3A_475 = arith.constant 4 : i32
      %add3A_476 = arith.addi %add3A_474, %add3A_475 : i32
      %slice3A_477 = vector.extract_strided_slice %get3A_47 {offsets = [4], sizes = [1], strides = [1]} : vector<16xi32> to vector<1xi32>
      %squeeze3A_478 = vector.extract %slice3A_477[0] : i32 from vector<1xi32>
      %broadcast_in_dim3A_479 = arith.constant 1 : i32
      %broadcast_in_dim3A_480 = vector.broadcast %broadcast_in_dim3A_479 : i32 to vector<16xi32>
      %and3A_481 = arith.constant 127 : i32
      %and3A_482 = arith.andi %squeeze3A_478, %and3A_481 : i32
      %mul3A_483 = vector.broadcast %and3A_482 : i32 to vector<16xi32>
      %mul3A_484 = arith.muli %broadcast_in_dim3A_480, %mul3A_483 : vector<16xi32>
      %broadcast_in_dim3A_485 = arith.constant 1 : i32
      %broadcast_in_dim3A_486 = vector.broadcast %broadcast_in_dim3A_485 : i32 to vector<16xi32>
      %mul3A_487 = vector.broadcast %add3A_476 : i32 to vector<16xi32>
      %mul3A_488 = arith.muli %broadcast_in_dim3A_486, %mul3A_487 : vector<16xi32>
      %gather3A_489 = arith.constant 4 : i32
      %gather3A_490 = arith.constant 0 : i32
      %gather3A_491 = arith.constant 0 : i32
      %gather3A_492 = tpu.memref_slice %arg11[%gather3A_489, %gather3A_490, %gather3A_491] : memref<8x64x128xf32, #tpu.memory_space<vmem>> -> memref<1x64x128xf32, #tpu.memory_space<vmem>>
      %gather3A_493 = tpu.memref_squeeze %gather3A_492 : memref<1x64x128xf32, #tpu.memory_space<vmem>> -> memref<64x128xf32, #tpu.memory_space<vmem>>
      %gather3A_494 = tpu.vector_load_idx %gather3A_493[%add3A_3, %mul3A_484] : memref<64x128xf32, #tpu.memory_space<vmem>>[vector<16xi32>, vector<16xi32>], vector<16xf32>,
      tpu.vector_store_idx %arg14[%add3A_3, %mul3A_488], %gather3A_494 : memref<64x128xf32, #tpu.memory_space<vmem>>[vector<16xi32>, vector<16xi32>], vector<16xf32>,
      %gather3A_495 = arith.constant 4 : i32
      %gather3A_496 = arith.constant 0 : i32
      %gather3A_497 = arith.constant 0 : i32
      %gather3A_498 = tpu.memref_slice %arg11[%gather3A_495, %gather3A_496, %gather3A_497] : memref<8x64x128xf32, #tpu.memory_space<vmem>> -> memref<1x64x128xf32, #tpu.memory_space<vmem>>
      %gather3A_499 = tpu.memref_squeeze %gather3A_498 : memref<1x64x128xf32, #tpu.memory_space<vmem>> -> memref<64x128xf32, #tpu.memory_space<vmem>>
      %gather3A_500 = tpu.vector_load_idx %gather3A_499[%add3A_7, %mul3A_484] : memref<64x128xf32, #tpu.memory_space<vmem>>[vector<16xi32>, vector<16xi32>], vector<16xf32>,
      tpu.vector_store_idx %arg14[%add3A_7, %mul3A_488], %gather3A_500 : memref<64x128xf32, #tpu.memory_space<vmem>>[vector<16xi32>, vector<16xi32>], vector<16xf32>,
      %gather3A_501 = arith.constant 4 : i32
      %gather3A_502 = arith.constant 0 : i32
      %gather3A_503 = arith.constant 0 : i32
      %gather3A_504 = tpu.memref_slice %arg11[%gather3A_501, %gather3A_502, %gather3A_503] : memref<8x64x128xf32, #tpu.memory_space<vmem>> -> memref<1x64x128xf32, #tpu.memory_space<vmem>>
      %gather3A_505 = tpu.memref_squeeze %gather3A_504 : memref<1x64x128xf32, #tpu.memory_space<vmem>> -> memref<64x128xf32, #tpu.memory_space<vmem>>
      %gather3A_506 = tpu.vector_load_idx %gather3A_505[%add3A_11, %mul3A_484] : memref<64x128xf32, #tpu.memory_space<vmem>>[vector<16xi32>, vector<16xi32>], vector<16xf32>,
      tpu.vector_store_idx %arg14[%add3A_11, %mul3A_488], %gather3A_506 : memref<64x128xf32, #tpu.memory_space<vmem>>[vector<16xi32>, vector<16xi32>], vector<16xf32>,
      %gather3A_507 = arith.constant 4 : i32
      %gather3A_508 = arith.constant 0 : i32
      %gather3A_509 = arith.constant 0 : i32
      %gather3A_510 = tpu.memref_slice %arg11[%gather3A_507, %gather3A_508, %gather3A_509] : memref<8x64x128xf32, #tpu.memory_space<vmem>> -> memref<1x64x128xf32, #tpu.memory_space<vmem>>
      %gather3A_511 = tpu.memref_squeeze %gather3A_510 : memref<1x64x128xf32, #tpu.memory_space<vmem>> -> memref<64x128xf32, #tpu.memory_space<vmem>>
      %gather3A_512 = tpu.vector_load_idx %gather3A_511[%add3A_15, %mul3A_484] : memref<64x128xf32, #tpu.memory_space<vmem>>[vector<16xi32>, vector<16xi32>], vector<16xf32>,
      tpu.vector_store_idx %arg14[%add3A_15, %mul3A_488], %gather3A_512 : memref<64x128xf32, #tpu.memory_space<vmem>>[vector<16xi32>, vector<16xi32>], vector<16xf32>,
      %mul3A_513 = arith.constant 16 : i32
      %mul3A_514 = arith.muli %scan3A_43, %mul3A_513 : i32
      %add3A_515 = arith.constant 0 : i32
      %add3A_516 = arith.addi %mul3A_514, %add3A_515 : i32
      %add3A_517 = arith.constant 5 : i32
      %add3A_518 = arith.addi %add3A_516, %add3A_517 : i32
      %slice3A_519 = vector.extract_strided_slice %get3A_47 {offsets = [5], sizes = [1], strides = [1]} : vector<16xi32> to vector<1xi32>
      %squeeze3A_520 = vector.extract %slice3A_519[0] : i32 from vector<1xi32>
      %broadcast_in_dim3A_521 = arith.constant 1 : i32
      %broadcast_in_dim3A_522 = vector.broadcast %broadcast_in_dim3A_521 : i32 to vector<16xi32>
      %and3A_523 = arith.constant 127 : i32
      %and3A_524 = arith.andi %squeeze3A_520, %and3A_523 : i32
      %mul3A_525 = vector.broadcast %and3A_524 : i32 to vector<16xi32>
      %mul3A_526 = arith.muli %broadcast_in_dim3A_522, %mul3A_525 : vector<16xi32>
      %broadcast_in_dim3A_527 = arith.constant 1 : i32
      %broadcast_in_dim3A_528 = vector.broadcast %broadcast_in_dim3A_527 : i32 to vector<16xi32>
      %mul3A_529 = vector.broadcast %add3A_518 : i32 to vector<16xi32>
      %mul3A_530 = arith.muli %broadcast_in_dim3A_528, %mul3A_529 : vector<16xi32>
      %gather3A_531 = arith.constant 5 : i32
      %gather3A_532 = arith.constant 0 : i32
      %gather3A_533 = arith.constant 0 : i32
      %gather3A_534 = tpu.memref_slice %arg11[%gather3A_531, %gather3A_532, %gather3A_533] : memref<8x64x128xf32, #tpu.memory_space<vmem>> -> memref<1x64x128xf32, #tpu.memory_space<vmem>>
      %gather3A_535 = tpu.memref_squeeze %gather3A_534 : memref<1x64x128xf32, #tpu.memory_space<vmem>> -> memref<64x128xf32, #tpu.memory_space<vmem>>
      %gather3A_536 = tpu.vector_load_idx %gather3A_535[%add3A_3, %mul3A_526] : memref<64x128xf32, #tpu.memory_space<vmem>>[vector<16xi32>, vector<16xi32>], vector<16xf32>,
      tpu.vector_store_idx %arg14[%add3A_3, %mul3A_530], %gather3A_536 : memref<64x128xf32, #tpu.memory_space<vmem>>[vector<16xi32>, vector<16xi32>], vector<16xf32>,
      %gather3A_537 = arith.constant 5 : i32
      %gather3A_538 = arith.constant 0 : i32
      %gather3A_539 = arith.constant 0 : i32
      %gather3A_540 = tpu.memref_slice %arg11[%gather3A_537, %gather3A_538, %gather3A_539] : memref<8x64x128xf32, #tpu.memory_space<vmem>> -> memref<1x64x128xf32, #tpu.memory_space<vmem>>
      %gather3A_541 = tpu.memref_squeeze %gather3A_540 : memref<1x64x128xf32, #tpu.memory_space<vmem>> -> memref<64x128xf32, #tpu.memory_space<vmem>>
      %gather3A_542 = tpu.vector_load_idx %gather3A_541[%add3A_7, %mul3A_526] : memref<64x128xf32, #tpu.memory_space<vmem>>[vector<16xi32>, vector<16xi32>], vector<16xf32>,
      tpu.vector_store_idx %arg14[%add3A_7, %mul3A_530], %gather3A_542 : memref<64x128xf32, #tpu.memory_space<vmem>>[vector<16xi32>, vector<16xi32>], vector<16xf32>,
      %gather3A_543 = arith.constant 5 : i32
      %gather3A_544 = arith.constant 0 : i32
      %gather3A_545 = arith.constant 0 : i32
      %gather3A_546 = tpu.memref_slice %arg11[%gather3A_543, %gather3A_544, %gather3A_545] : memref<8x64x128xf32, #tpu.memory_space<vmem>> -> memref<1x64x128xf32, #tpu.memory_space<vmem>>
      %gather3A_547 = tpu.memref_squeeze %gather3A_546 : memref<1x64x128xf32, #tpu.memory_space<vmem>> -> memref<64x128xf32, #tpu.memory_space<vmem>>
      %gather3A_548 = tpu.vector_load_idx %gather3A_547[%add3A_11, %mul3A_526] : memref<64x128xf32, #tpu.memory_space<vmem>>[vector<16xi32>, vector<16xi32>], vector<16xf32>,
      tpu.vector_store_idx %arg14[%add3A_11, %mul3A_530], %gather3A_548 : memref<64x128xf32, #tpu.memory_space<vmem>>[vector<16xi32>, vector<16xi32>], vector<16xf32>,
      %gather3A_549 = arith.constant 5 : i32
      %gather3A_550 = arith.constant 0 : i32
      %gather3A_551 = arith.constant 0 : i32
      %gather3A_552 = tpu.memref_slice %arg11[%gather3A_549, %gather3A_550, %gather3A_551] : memref<8x64x128xf32, #tpu.memory_space<vmem>> -> memref<1x64x128xf32, #tpu.memory_space<vmem>>
      %gather3A_553 = tpu.memref_squeeze %gather3A_552 : memref<1x64x128xf32, #tpu.memory_space<vmem>> -> memref<64x128xf32, #tpu.memory_space<vmem>>
      %gather3A_554 = tpu.vector_load_idx %gather3A_553[%add3A_15, %mul3A_526] : memref<64x128xf32, #tpu.memory_space<vmem>>[vector<16xi32>, vector<16xi32>], vector<16xf32>,
      tpu.vector_store_idx %arg14[%add3A_15, %mul3A_530], %gather3A_554 : memref<64x128xf32, #tpu.memory_space<vmem>>[vector<16xi32>, vector<16xi32>], vector<16xf32>,
      %mul3A_555 = arith.constant 16 : i32
      %mul3A_556 = arith.muli %scan3A_43, %mul3A_555 : i32
      %add3A_557 = arith.constant 0 : i32
      %add3A_558 = arith.addi %mul3A_556, %add3A_557 : i32
      %add3A_559 = arith.constant 6 : i32
      %add3A_560 = arith.addi %add3A_558, %add3A_559 : i32
      %slice3A_561 = vector.extract_strided_slice %get3A_47 {offsets = [6], sizes = [1], strides = [1]} : vector<16xi32> to vector<1xi32>
      %squeeze3A_562 = vector.extract %slice3A_561[0] : i32 from vector<1xi32>
      %broadcast_in_dim3A_563 = arith.constant 1 : i32
      %broadcast_in_dim3A_564 = vector.broadcast %broadcast_in_dim3A_563 : i32 to vector<16xi32>
      %and3A_565 = arith.constant 127 : i32
      %and3A_566 = arith.andi %squeeze3A_562, %and3A_565 : i32
      %mul3A_567 = vector.broadcast %and3A_566 : i32 to vector<16xi32>
      %mul3A_568 = arith.muli %broadcast_in_dim3A_564, %mul3A_567 : vector<16xi32>
      %broadcast_in_dim3A_569 = arith.constant 1 : i32
      %broadcast_in_dim3A_570 = vector.broadcast %broadcast_in_dim3A_569 : i32 to vector<16xi32>
      %mul3A_571 = vector.broadcast %add3A_560 : i32 to vector<16xi32>
      %mul3A_572 = arith.muli %broadcast_in_dim3A_570, %mul3A_571 : vector<16xi32>
      %gather3A_573 = arith.constant 6 : i32
      %gather3A_574 = arith.constant 0 : i32
      %gather3A_575 = arith.constant 0 : i32
      %gather3A_576 = tpu.memref_slice %arg11[%gather3A_573, %gather3A_574, %gather3A_575] : memref<8x64x128xf32, #tpu.memory_space<vmem>> -> memref<1x64x128xf32, #tpu.memory_space<vmem>>
      %gather3A_577 = tpu.memref_squeeze %gather3A_576 : memref<1x64x128xf32, #tpu.memory_space<vmem>> -> memref<64x128xf32, #tpu.memory_space<vmem>>
      %gather3A_578 = tpu.vector_load_idx %gather3A_577[%add3A_3, %mul3A_568] : memref<64x128xf32, #tpu.memory_space<vmem>>[vector<16xi32>, vector<16xi32>], vector<16xf32>,
      tpu.vector_store_idx %arg14[%add3A_3, %mul3A_572], %gather3A_578 : memref<64x128xf32, #tpu.memory_space<vmem>>[vector<16xi32>, vector<16xi32>], vector<16xf32>,
      %gather3A_579 = arith.constant 6 : i32
      %gather3A_580 = arith.constant 0 : i32
      %gather3A_581 = arith.constant 0 : i32
      %gather3A_582 = tpu.memref_slice %arg11[%gather3A_579, %gather3A_580, %gather3A_581] : memref<8x64x128xf32, #tpu.memory_space<vmem>> -> memref<1x64x128xf32, #tpu.memory_space<vmem>>
      %gather3A_583 = tpu.memref_squeeze %gather3A_582 : memref<1x64x128xf32, #tpu.memory_space<vmem>> -> memref<64x128xf32, #tpu.memory_space<vmem>>
      %gather3A_584 = tpu.vector_load_idx %gather3A_583[%add3A_7, %mul3A_568] : memref<64x128xf32, #tpu.memory_space<vmem>>[vector<16xi32>, vector<16xi32>], vector<16xf32>,
      tpu.vector_store_idx %arg14[%add3A_7, %mul3A_572], %gather3A_584 : memref<64x128xf32, #tpu.memory_space<vmem>>[vector<16xi32>, vector<16xi32>], vector<16xf32>,
      %gather3A_585 = arith.constant 6 : i32
      %gather3A_586 = arith.constant 0 : i32
      %gather3A_587 = arith.constant 0 : i32
      %gather3A_588 = tpu.memref_slice %arg11[%gather3A_585, %gather3A_586, %gather3A_587] : memref<8x64x128xf32, #tpu.memory_space<vmem>> -> memref<1x64x128xf32, #tpu.memory_space<vmem>>
      %gather3A_589 = tpu.memref_squeeze %gather3A_588 : memref<1x64x128xf32, #tpu.memory_space<vmem>> -> memref<64x128xf32, #tpu.memory_space<vmem>>
      %gather3A_590 = tpu.vector_load_idx %gather3A_589[%add3A_11, %mul3A_568] : memref<64x128xf32, #tpu.memory_space<vmem>>[vector<16xi32>, vector<16xi32>], vector<16xf32>,
      tpu.vector_store_idx %arg14[%add3A_11, %mul3A_572], %gather3A_590 : memref<64x128xf32, #tpu.memory_space<vmem>>[vector<16xi32>, vector<16xi32>], vector<16xf32>,
      %gather3A_591 = arith.constant 6 : i32
      %gather3A_592 = arith.constant 0 : i32
      %gather3A_593 = arith.constant 0 : i32
      %gather3A_594 = tpu.memref_slice %arg11[%gather3A_591, %gather3A_592, %gather3A_593] : memref<8x64x128xf32, #tpu.memory_space<vmem>> -> memref<1x64x128xf32, #tpu.memory_space<vmem>>
      %gather3A_595 = tpu.memref_squeeze %gather3A_594 : memref<1x64x128xf32, #tpu.memory_space<vmem>> -> memref<64x128xf32, #tpu.memory_space<vmem>>
      %gather3A_596 = tpu.vector_load_idx %gather3A_595[%add3A_15, %mul3A_568] : memref<64x128xf32, #tpu.memory_space<vmem>>[vector<16xi32>, vector<16xi32>], vector<16xf32>,
      tpu.vector_store_idx %arg14[%add3A_15, %mul3A_572], %gather3A_596 : memref<64x128xf32, #tpu.memory_space<vmem>>[vector<16xi32>, vector<16xi32>], vector<16xf32>,
      %mul3A_597 = arith.constant 16 : i32
      %mul3A_598 = arith.muli %scan3A_43, %mul3A_597 : i32
      %add3A_599 = arith.constant 0 : i32
      %add3A_600 = arith.addi %mul3A_598, %add3A_599 : i32
      %add3A_601 = arith.constant 7 : i32
      %add3A_602 = arith.addi %add3A_600, %add3A_601 : i32
      %slice3A_603 = vector.extract_strided_slice %get3A_47 {offsets = [7], sizes = [1], strides = [1]} : vector<16xi32> to vector<1xi32>
      %squeeze3A_604 = vector.extract %slice3A_603[0] : i32 from vector<1xi32>
      %broadcast_in_dim3A_605 = arith.constant 1 : i32
      %broadcast_in_dim3A_606 = vector.broadcast %broadcast_in_dim3A_605 : i32 to vector<16xi32>
      %and3A_607 = arith.constant 127 : i32
      %and3A_608 = arith.andi %squeeze3A_604, %and3A_607 : i32
      %mul3A_609 = vector.broadcast %and3A_608 : i32 to vector<16xi32>
      %mul3A_610 = arith.muli %broadcast_in_dim3A_606, %mul3A_609 : vector<16xi32>
      %broadcast_in_dim3A_611 = arith.constant 1 : i32
      %broadcast_in_dim3A_612 = vector.broadcast %broadcast_in_dim3A_611 : i32 to vector<16xi32>
      %mul3A_613 = vector.broadcast %add3A_602 : i32 to vector<16xi32>
      %mul3A_614 = arith.muli %broadcast_in_dim3A_612, %mul3A_613 : vector<16xi32>
      %gather3A_615 = arith.constant 7 : i32
      %gather3A_616 = arith.constant 0 : i32
      %gather3A_617 = arith.constant 0 : i32
      %gather3A_618 = tpu.memref_slice %arg11[%gather3A_615, %gather3A_616, %gather3A_617] : memref<8x64x128xf32, #tpu.memory_space<vmem>> -> memref<1x64x128xf32, #tpu.memory_space<vmem>>
      %gather3A_619 = tpu.memref_squeeze %gather3A_618 : memref<1x64x128xf32, #tpu.memory_space<vmem>> -> memref<64x128xf32, #tpu.memory_space<vmem>>
      %gather3A_620 = tpu.vector_load_idx %gather3A_619[%add3A_3, %mul3A_610] : memref<64x128xf32, #tpu.memory_space<vmem>>[vector<16xi32>, vector<16xi32>], vector<16xf32>,
      tpu.vector_store_idx %arg14[%add3A_3, %mul3A_614], %gather3A_620 : memref<64x128xf32, #tpu.memory_space<vmem>>[vector<16xi32>, vector<16xi32>], vector<16xf32>,
      %gather3A_621 = arith.constant 7 : i32
      %gather3A_622 = arith.constant 0 : i32
      %gather3A_623 = arith.constant 0 : i32
      %gather3A_624 = tpu.memref_slice %arg11[%gather3A_621, %gather3A_622, %gather3A_623] : memref<8x64x128xf32, #tpu.memory_space<vmem>> -> memref<1x64x128xf32, #tpu.memory_space<vmem>>
      %gather3A_625 = tpu.memref_squeeze %gather3A_624 : memref<1x64x128xf32, #tpu.memory_space<vmem>> -> memref<64x128xf32, #tpu.memory_space<vmem>>
      %gather3A_626 = tpu.vector_load_idx %gather3A_625[%add3A_7, %mul3A_610] : memref<64x128xf32, #tpu.memory_space<vmem>>[vector<16xi32>, vector<16xi32>], vector<16xf32>,
      tpu.vector_store_idx %arg14[%add3A_7, %mul3A_614], %gather3A_626 : memref<64x128xf32, #tpu.memory_space<vmem>>[vector<16xi32>, vector<16xi32>], vector<16xf32>,
      %gather3A_627 = arith.constant 7 : i32
      %gather3A_628 = arith.constant 0 : i32
      %gather3A_629 = arith.constant 0 : i32
      %gather3A_630 = tpu.memref_slice %arg11[%gather3A_627, %gather3A_628, %gather3A_629] : memref<8x64x128xf32, #tpu.memory_space<vmem>> -> memref<1x64x128xf32, #tpu.memory_space<vmem>>
      %gather3A_631 = tpu.memref_squeeze %gather3A_630 : memref<1x64x128xf32, #tpu.memory_space<vmem>> -> memref<64x128xf32, #tpu.memory_space<vmem>>
      %gather3A_632 = tpu.vector_load_idx %gather3A_631[%add3A_11, %mul3A_610] : memref<64x128xf32, #tpu.memory_space<vmem>>[vector<16xi32>, vector<16xi32>], vector<16xf32>,
      tpu.vector_store_idx %arg14[%add3A_11, %mul3A_614], %gather3A_632 : memref<64x128xf32, #tpu.memory_space<vmem>>[vector<16xi32>, vector<16xi32>], vector<16xf32>,
      %gather3A_633 = arith.constant 7 : i32
      %gather3A_634 = arith.constant 0 : i32
      %gather3A_635 = arith.constant 0 : i32
      %gather3A_636 = tpu.memref_slice %arg11[%gather3A_633, %gather3A_634, %gather3A_635] : memref<8x64x128xf32, #tpu.memory_space<vmem>> -> memref<1x64x128xf32, #tpu.memory_space<vmem>>
      %gather3A_637 = tpu.memref_squeeze %gather3A_636 : memref<1x64x128xf32, #tpu.memory_space<vmem>> -> memref<64x128xf32, #tpu.memory_space<vmem>>
      %gather3A_638 = tpu.vector_load_idx %gather3A_637[%add3A_15, %mul3A_610] : memref<64x128xf32, #tpu.memory_space<vmem>>[vector<16xi32>, vector<16xi32>], vector<16xf32>,
      tpu.vector_store_idx %arg14[%add3A_15, %mul3A_614], %gather3A_638 : memref<64x128xf32, #tpu.memory_space<vmem>>[vector<16xi32>, vector<16xi32>], vector<16xf32>,
      %slice3A_639 = vector.extract_strided_slice %get3A_47 {offsets = [8], sizes = [1], strides = [1]} : vector<16xi32> to vector<1xi32>
      %squeeze3A_640 = vector.extract %slice3A_639[0] : i32 from vector<1xi32>
      %shift_right_arithmetic3A_641 = arith.constant 7 : i32
      %shift_right_arithmetic3A_642 = arith.shrsi %squeeze3A_640, %shift_right_arithmetic3A_641 : i32
      %mul3A_643 = arith.constant 128 : i32
      %mul3A_644 = arith.muli %shift_right_arithmetic3A_642, %mul3A_643 : i32
      %multiple_of3A_645 = tpu.assume_multiple %mul3A_644, 128 : i32
      %dma_start3A_646 = arith.constant 0 : i32
      %dma_start3A_647 = arith.constant 0 : i32
      %dma_start3A_648 = arith.constant 0 : i32
      %dma_start3A_649 = tpu.memref_slice %arg11[%dma_start3A_646, %dma_start3A_647, %dma_start3A_648] : memref<8x64x128xf32, #tpu.memory_space<vmem>> -> memref<1x64x128xf32, #tpu.memory_space<vmem>>
      %dma_start3A_650 = tpu.memref_squeeze %dma_start3A_649 : memref<1x64x128xf32, #tpu.memory_space<vmem>> -> memref<64x128xf32, #tpu.memory_space<vmem>>
      %dma_start3A_651 = arith.constant 0 : i32
      %dma_start3A_652 = tpu.memref_slice %arg6[%dma_start3A_651, %multiple_of3A_645] : memref<64x1000000xf32, #tpu.memory_space<hbm>> -> memref<64x128xf32, #tpu.memory_space<hbm>>
      %dma_start3A_653 = arith.constant 0 : i32
      %dma_start3A_654 = arith.constant 0 : i32
      %dma_start3A_655 = tpu.memref_slice %arg11[%dma_start3A_646, %dma_start3A_653, %dma_start3A_654] : memref<8x64x128xf32, #tpu.memory_space<vmem>> -> memref<1x64x128xf32, #tpu.memory_space<vmem>>
      %dma_start3A_656 = tpu.memref_squeeze %dma_start3A_655 : memref<1x64x128xf32, #tpu.memory_space<vmem>> -> memref<64x128xf32, #tpu.memory_space<vmem>>
      %dma_start3A_657 = arith.constant 0 : i32
      %dma_start3A_658 = tpu.memref_slice %arg6[%dma_start3A_657, %multiple_of3A_645] : memref<64x1000000xf32, #tpu.memory_space<hbm>> -> memref<64x128xf32, #tpu.memory_space<hbm>>
      tpu.enqueue_dma source(%dma_start3A_658 : memref<64x128xf32, #tpu.memory_space<hbm>>) target(%dma_start3A_656 : memref<64x128xf32, #tpu.memory_space<vmem>>) target_semaphore(%arg15 : memref<!tpu.dma_semaphore, #tpu.memory_space<semaphore_mem>>)
      %slice3A_659 = vector.extract_strided_slice %get3A_47 {offsets = [9], sizes = [1], strides = [1]} : vector<16xi32> to vector<1xi32>
      %squeeze3A_660 = vector.extract %slice3A_659[0] : i32 from vector<1xi32>
      %shift_right_arithmetic3A_661 = arith.constant 7 : i32
      %shift_right_arithmetic3A_662 = arith.shrsi %squeeze3A_660, %shift_right_arithmetic3A_661 : i32
      %mul3A_663 = arith.constant 128 : i32
      %mul3A_664 = arith.muli %shift_right_arithmetic3A_662, %mul3A_663 : i32
      %multiple_of3A_665 = tpu.assume_multiple %mul3A_664, 128 : i32
      %dma_start3A_666 = arith.constant 1 : i32
      %dma_start3A_667 = arith.constant 0 : i32
      %dma_start3A_668 = arith.constant 0 : i32
      %dma_start3A_669 = tpu.memref_slice %arg11[%dma_start3A_666, %dma_start3A_667, %dma_start3A_668] : memref<8x64x128xf32, #tpu.memory_space<vmem>> -> memref<1x64x128xf32, #tpu.memory_space<vmem>>
      %dma_start3A_670 = tpu.memref_squeeze %dma_start3A_669 : memref<1x64x128xf32, #tpu.memory_space<vmem>> -> memref<64x128xf32, #tpu.memory_space<vmem>>
      %dma_start3A_671 = arith.constant 0 : i32
      %dma_start3A_672 = tpu.memref_slice %arg6[%dma_start3A_671, %multiple_of3A_665] : memref<64x1000000xf32, #tpu.memory_space<hbm>> -> memref<64x128xf32, #tpu.memory_space<hbm>>
      %dma_start3A_673 = arith.constant 0 : i32
      %dma_start3A_674 = arith.constant 0 : i32
      %dma_start3A_675 = tpu.memref_slice %arg11[%dma_start3A_666, %dma_start3A_673, %dma_start3A_674] : memref<8x64x128xf32, #tpu.memory_space<vmem>> -> memref<1x64x128xf32, #tpu.memory_space<vmem>>
      %dma_start3A_676 = tpu.memref_squeeze %dma_start3A_675 : memref<1x64x128xf32, #tpu.memory_space<vmem>> -> memref<64x128xf32, #tpu.memory_space<vmem>>
      %dma_start3A_677 = arith.constant 0 : i32
      %dma_start3A_678 = tpu.memref_slice %arg6[%dma_start3A_677, %multiple_of3A_665] : memref<64x1000000xf32, #tpu.memory_space<hbm>> -> memref<64x128xf32, #tpu.memory_space<hbm>>
      tpu.enqueue_dma source(%dma_start3A_678 : memref<64x128xf32, #tpu.memory_space<hbm>>) target(%dma_start3A_676 : memref<64x128xf32, #tpu.memory_space<vmem>>) target_semaphore(%arg15 : memref<!tpu.dma_semaphore, #tpu.memory_space<semaphore_mem>>)
      %slice3A_679 = vector.extract_strided_slice %get3A_47 {offsets = [10], sizes = [1], strides = [1]} : vector<16xi32> to vector<1xi32>
      %squeeze3A_680 = vector.extract %slice3A_679[0] : i32 from vector<1xi32>
      %shift_right_arithmetic3A_681 = arith.constant 7 : i32
      %shift_right_arithmetic3A_682 = arith.shrsi %squeeze3A_680, %shift_right_arithmetic3A_681 : i32
      %mul3A_683 = arith.constant 128 : i32
      %mul3A_684 = arith.muli %shift_right_arithmetic3A_682, %mul3A_683 : i32
      %multiple_of3A_685 = tpu.assume_multiple %mul3A_684, 128 : i32
      %dma_start3A_686 = arith.constant 2 : i32
      %dma_start3A_687 = arith.constant 0 : i32
      %dma_start3A_688 = arith.constant 0 : i32
      %dma_start3A_689 = tpu.memref_slice %arg11[%dma_start3A_686, %dma_start3A_687, %dma_start3A_688] : memref<8x64x128xf32, #tpu.memory_space<vmem>> -> memref<1x64x128xf32, #tpu.memory_space<vmem>>
      %dma_start3A_690 = tpu.memref_squeeze %dma_start3A_689 : memref<1x64x128xf32, #tpu.memory_space<vmem>> -> memref<64x128xf32, #tpu.memory_space<vmem>>
      %dma_start3A_691 = arith.constant 0 : i32
      %dma_start3A_692 = tpu.memref_slice %arg6[%dma_start3A_691, %multiple_of3A_685] : memref<64x1000000xf32, #tpu.memory_space<hbm>> -> memref<64x128xf32, #tpu.memory_space<hbm>>
      %dma_start3A_693 = arith.constant 0 : i32
      %dma_start3A_694 = arith.constant 0 : i32
      %dma_start3A_695 = tpu.memref_slice %arg11[%dma_start3A_686, %dma_start3A_693, %dma_start3A_694] : memref<8x64x128xf32, #tpu.memory_space<vmem>> -> memref<1x64x128xf32, #tpu.memory_space<vmem>>
      %dma_start3A_696 = tpu.memref_squeeze %dma_start3A_695 : memref<1x64x128xf32, #tpu.memory_space<vmem>> -> memref<64x128xf32, #tpu.memory_space<vmem>>
      %dma_start3A_697 = arith.constant 0 : i32
      %dma_start3A_698 = tpu.memref_slice %arg6[%dma_start3A_697, %multiple_of3A_685] : memref<64x1000000xf32, #tpu.memory_space<hbm>> -> memref<64x128xf32, #tpu.memory_space<hbm>>
      tpu.enqueue_dma source(%dma_start3A_698 : memref<64x128xf32, #tpu.memory_space<hbm>>) target(%dma_start3A_696 : memref<64x128xf32, #tpu.memory_space<vmem>>) target_semaphore(%arg15 : memref<!tpu.dma_semaphore, #tpu.memory_space<semaphore_mem>>)
      %slice3A_699 = vector.extract_strided_slice %get3A_47 {offsets = [11], sizes = [1], strides = [1]} : vector<16xi32> to vector<1xi32>
      %squeeze3A_700 = vector.extract %slice3A_699[0] : i32 from vector<1xi32>
      %shift_right_arithmetic3A_701 = arith.constant 7 : i32
      %shift_right_arithmetic3A_702 = arith.shrsi %squeeze3A_700, %shift_right_arithmetic3A_701 : i32
      %mul3A_703 = arith.constant 128 : i32
      %mul3A_704 = arith.muli %shift_right_arithmetic3A_702, %mul3A_703 : i32
      %multiple_of3A_705 = tpu.assume_multiple %mul3A_704, 128 : i32
      %dma_start3A_706 = arith.constant 3 : i32
      %dma_start3A_707 = arith.constant 0 : i32
      %dma_start3A_708 = arith.constant 0 : i32
      %dma_start3A_709 = tpu.memref_slice %arg11[%dma_start3A_706, %dma_start3A_707, %dma_start3A_708] : memref<8x64x128xf32, #tpu.memory_space<vmem>> -> memref<1x64x128xf32, #tpu.memory_space<vmem>>
      %dma_start3A_710 = tpu.memref_squeeze %dma_start3A_709 : memref<1x64x128xf32, #tpu.memory_space<vmem>> -> memref<64x128xf32, #tpu.memory_space<vmem>>
      %dma_start3A_711 = arith.constant 0 : i32
      %dma_start3A_712 = tpu.memref_slice %arg6[%dma_start3A_711, %multiple_of3A_705] : memref<64x1000000xf32, #tpu.memory_space<hbm>> -> memref<64x128xf32, #tpu.memory_space<hbm>>
      %dma_start3A_713 = arith.constant 0 : i32
      %dma_start3A_714 = arith.constant 0 : i32
      %dma_start3A_715 = tpu.memref_slice %arg11[%dma_start3A_706, %dma_start3A_713, %dma_start3A_714] : memref<8x64x128xf32, #tpu.memory_space<vmem>> -> memref<1x64x128xf32, #tpu.memory_space<vmem>>
      %dma_start3A_716 = tpu.memref_squeeze %dma_start3A_715 : memref<1x64x128xf32, #tpu.memory_space<vmem>> -> memref<64x128xf32, #tpu.memory_space<vmem>>
      %dma_start3A_717 = arith.constant 0 : i32
      %dma_start3A_718 = tpu.memref_slice %arg6[%dma_start3A_717, %multiple_of3A_705] : memref<64x1000000xf32, #tpu.memory_space<hbm>> -> memref<64x128xf32, #tpu.memory_space<hbm>>
      tpu.enqueue_dma source(%dma_start3A_718 : memref<64x128xf32, #tpu.memory_space<hbm>>) target(%dma_start3A_716 : memref<64x128xf32, #tpu.memory_space<vmem>>) target_semaphore(%arg15 : memref<!tpu.dma_semaphore, #tpu.memory_space<semaphore_mem>>)
      %slice3A_719 = vector.extract_strided_slice %get3A_47 {offsets = [12], sizes = [1], strides = [1]} : vector<16xi32> to vector<1xi32>
      %squeeze3A_720 = vector.extract %slice3A_719[0] : i32 from vector<1xi32>
      %shift_right_arithmetic3A_721 = arith.constant 7 : i32
      %shift_right_arithmetic3A_722 = arith.shrsi %squeeze3A_720, %shift_right_arithmetic3A_721 : i32
      %mul3A_723 = arith.constant 128 : i32
      %mul3A_724 = arith.muli %shift_right_arithmetic3A_722, %mul3A_723 : i32
      %multiple_of3A_725 = tpu.assume_multiple %mul3A_724, 128 : i32
      %dma_start3A_726 = arith.constant 4 : i32
      %dma_start3A_727 = arith.constant 0 : i32
      %dma_start3A_728 = arith.constant 0 : i32
      %dma_start3A_729 = tpu.memref_slice %arg11[%dma_start3A_726, %dma_start3A_727, %dma_start3A_728] : memref<8x64x128xf32, #tpu.memory_space<vmem>> -> memref<1x64x128xf32, #tpu.memory_space<vmem>>
      %dma_start3A_730 = tpu.memref_squeeze %dma_start3A_729 : memref<1x64x128xf32, #tpu.memory_space<vmem>> -> memref<64x128xf32, #tpu.memory_space<vmem>>
      %dma_start3A_731 = arith.constant 0 : i32
      %dma_start3A_732 = tpu.memref_slice %arg6[%dma_start3A_731, %multiple_of3A_725] : memref<64x1000000xf32, #tpu.memory_space<hbm>> -> memref<64x128xf32, #tpu.memory_space<hbm>>
      %dma_start3A_733 = arith.constant 0 : i32
      %dma_start3A_734 = arith.constant 0 : i32
      %dma_start3A_735 = tpu.memref_slice %arg11[%dma_start3A_726, %dma_start3A_733, %dma_start3A_734] : memref<8x64x128xf32, #tpu.memory_space<vmem>> -> memref<1x64x128xf32, #tpu.memory_space<vmem>>
      %dma_start3A_736 = tpu.memref_squeeze %dma_start3A_735 : memref<1x64x128xf32, #tpu.memory_space<vmem>> -> memref<64x128xf32, #tpu.memory_space<vmem>>
      %dma_start3A_737 = arith.constant 0 : i32
      %dma_start3A_738 = tpu.memref_slice %arg6[%dma_start3A_737, %multiple_of3A_725] : memref<64x1000000xf32, #tpu.memory_space<hbm>> -> memref<64x128xf32, #tpu.memory_space<hbm>>
      tpu.enqueue_dma source(%dma_start3A_738 : memref<64x128xf32, #tpu.memory_space<hbm>>) target(%dma_start3A_736 : memref<64x128xf32, #tpu.memory_space<vmem>>) target_semaphore(%arg15 : memref<!tpu.dma_semaphore, #tpu.memory_space<semaphore_mem>>)
      %slice3A_739 = vector.extract_strided_slice %get3A_47 {offsets = [13], sizes = [1], strides = [1]} : vector<16xi32> to vector<1xi32>
      %squeeze3A_740 = vector.extract %slice3A_739[0] : i32 from vector<1xi32>
      %shift_right_arithmetic3A_741 = arith.constant 7 : i32
      %shift_right_arithmetic3A_742 = arith.shrsi %squeeze3A_740, %shift_right_arithmetic3A_741 : i32
      %mul3A_743 = arith.constant 128 : i32
      %mul3A_744 = arith.muli %shift_right_arithmetic3A_742, %mul3A_743 : i32
      %multiple_of3A_745 = tpu.assume_multiple %mul3A_744, 128 : i32
      %dma_start3A_746 = arith.constant 5 : i32
      %dma_start3A_747 = arith.constant 0 : i32
      %dma_start3A_748 = arith.constant 0 : i32
      %dma_start3A_749 = tpu.memref_slice %arg11[%dma_start3A_746, %dma_start3A_747, %dma_start3A_748] : memref<8x64x128xf32, #tpu.memory_space<vmem>> -> memref<1x64x128xf32, #tpu.memory_space<vmem>>
      %dma_start3A_750 = tpu.memref_squeeze %dma_start3A_749 : memref<1x64x128xf32, #tpu.memory_space<vmem>> -> memref<64x128xf32, #tpu.memory_space<vmem>>
      %dma_start3A_751 = arith.constant 0 : i32
      %dma_start3A_752 = tpu.memref_slice %arg6[%dma_start3A_751, %multiple_of3A_745] : memref<64x1000000xf32, #tpu.memory_space<hbm>> -> memref<64x128xf32, #tpu.memory_space<hbm>>
      %dma_start3A_753 = arith.constant 0 : i32
      %dma_start3A_754 = arith.constant 0 : i32
      %dma_start3A_755 = tpu.memref_slice %arg11[%dma_start3A_746, %dma_start3A_753, %dma_start3A_754] : memref<8x64x128xf32, #tpu.memory_space<vmem>> -> memref<1x64x128xf32, #tpu.memory_space<vmem>>
      %dma_start3A_756 = tpu.memref_squeeze %dma_start3A_755 : memref<1x64x128xf32, #tpu.memory_space<vmem>> -> memref<64x128xf32, #tpu.memory_space<vmem>>
      %dma_start3A_757 = arith.constant 0 : i32
      %dma_start3A_758 = tpu.memref_slice %arg6[%dma_start3A_757, %multiple_of3A_745] : memref<64x1000000xf32, #tpu.memory_space<hbm>> -> memref<64x128xf32, #tpu.memory_space<hbm>>
      tpu.enqueue_dma source(%dma_start3A_758 : memref<64x128xf32, #tpu.memory_space<hbm>>) target(%dma_start3A_756 : memref<64x128xf32, #tpu.memory_space<vmem>>) target_semaphore(%arg15 : memref<!tpu.dma_semaphore, #tpu.memory_space<semaphore_mem>>)
      %slice3A_759 = vector.extract_strided_slice %get3A_47 {offsets = [14], sizes = [1], strides = [1]} : vector<16xi32> to vector<1xi32>
      %squeeze3A_760 = vector.extract %slice3A_759[0] : i32 from vector<1xi32>
      %shift_right_arithmetic3A_761 = arith.constant 7 : i32
      %shift_right_arithmetic3A_762 = arith.shrsi %squeeze3A_760, %shift_right_arithmetic3A_761 : i32
      %mul3A_763 = arith.constant 128 : i32
      %mul3A_764 = arith.muli %shift_right_arithmetic3A_762, %mul3A_763 : i32
      %multiple_of3A_765 = tpu.assume_multiple %mul3A_764, 128 : i32
      %dma_start3A_766 = arith.constant 6 : i32
      %dma_start3A_767 = arith.constant 0 : i32
      %dma_start3A_768 = arith.constant 0 : i32
      %dma_start3A_769 = tpu.memref_slice %arg11[%dma_start3A_766, %dma_start3A_767, %dma_start3A_768] : memref<8x64x128xf32, #tpu.memory_space<vmem>> -> memref<1x64x128xf32, #tpu.memory_space<vmem>>
      %dma_start3A_770 = tpu.memref_squeeze %dma_start3A_769 : memref<1x64x128xf32, #tpu.memory_space<vmem>> -> memref<64x128xf32, #tpu.memory_space<vmem>>
      %dma_start3A_771 = arith.constant 0 : i32
      %dma_start3A_772 = tpu.memref_slice %arg6[%dma_start3A_771, %multiple_of3A_765] : memref<64x1000000xf32, #tpu.memory_space<hbm>> -> memref<64x128xf32, #tpu.memory_space<hbm>>
      %dma_start3A_773 = arith.constant 0 : i32
      %dma_start3A_774 = arith.constant 0 : i32
      %dma_start3A_775 = tpu.memref_slice %arg11[%dma_start3A_766, %dma_start3A_773, %dma_start3A_774] : memref<8x64x128xf32, #tpu.memory_space<vmem>> -> memref<1x64x128xf32, #tpu.memory_space<vmem>>
      %dma_start3A_776 = tpu.memref_squeeze %dma_start3A_775 : memref<1x64x128xf32, #tpu.memory_space<vmem>> -> memref<64x128xf32, #tpu.memory_space<vmem>>
      %dma_start3A_777 = arith.constant 0 : i32
      %dma_start3A_778 = tpu.memref_slice %arg6[%dma_start3A_777, %multiple_of3A_765] : memref<64x1000000xf32, #tpu.memory_space<hbm>> -> memref<64x128xf32, #tpu.memory_space<hbm>>
      tpu.enqueue_dma source(%dma_start3A_778 : memref<64x128xf32, #tpu.memory_space<hbm>>) target(%dma_start3A_776 : memref<64x128xf32, #tpu.memory_space<vmem>>) target_semaphore(%arg15 : memref<!tpu.dma_semaphore, #tpu.memory_space<semaphore_mem>>)
      %slice3A_779 = vector.extract_strided_slice %get3A_47 {offsets = [15], sizes = [1], strides = [1]} : vector<16xi32> to vector<1xi32>
      %squeeze3A_780 = vector.extract %slice3A_779[0] : i32 from vector<1xi32>
      %shift_right_arithmetic3A_781 = arith.constant 7 : i32
      %shift_right_arithmetic3A_782 = arith.shrsi %squeeze3A_780, %shift_right_arithmetic3A_781 : i32
      %mul3A_783 = arith.constant 128 : i32
      %mul3A_784 = arith.muli %shift_right_arithmetic3A_782, %mul3A_783 : i32
      %multiple_of3A_785 = tpu.assume_multiple %mul3A_784, 128 : i32
      %dma_start3A_786 = arith.constant 7 : i32
      %dma_start3A_787 = arith.constant 0 : i32
      %dma_start3A_788 = arith.constant 0 : i32
      %dma_start3A_789 = tpu.memref_slice %arg11[%dma_start3A_786, %dma_start3A_787, %dma_start3A_788] : memref<8x64x128xf32, #tpu.memory_space<vmem>> -> memref<1x64x128xf32, #tpu.memory_space<vmem>>
      %dma_start3A_790 = tpu.memref_squeeze %dma_start3A_789 : memref<1x64x128xf32, #tpu.memory_space<vmem>> -> memref<64x128xf32, #tpu.memory_space<vmem>>
      %dma_start3A_791 = arith.constant 0 : i32
      %dma_start3A_792 = tpu.memref_slice %arg6[%dma_start3A_791, %multiple_of3A_785] : memref<64x1000000xf32, #tpu.memory_space<hbm>> -> memref<64x128xf32, #tpu.memory_space<hbm>>
      %dma_start3A_793 = arith.constant 0 : i32
      %dma_start3A_794 = arith.constant 0 : i32
      %dma_start3A_795 = tpu.memref_slice %arg11[%dma_start3A_786, %dma_start3A_793, %dma_start3A_794] : memref<8x64x128xf32, #tpu.memory_space<vmem>> -> memref<1x64x128xf32, #tpu.memory_space<vmem>>
      %dma_start3A_796 = tpu.memref_squeeze %dma_start3A_795 : memref<1x64x128xf32, #tpu.memory_space<vmem>> -> memref<64x128xf32, #tpu.memory_space<vmem>>
      %dma_start3A_797 = arith.constant 0 : i32
      %dma_start3A_798 = tpu.memref_slice %arg6[%dma_start3A_797, %multiple_of3A_785] : memref<64x1000000xf32, #tpu.memory_space<hbm>> -> memref<64x128xf32, #tpu.memory_space<hbm>>
      tpu.enqueue_dma source(%dma_start3A_798 : memref<64x128xf32, #tpu.memory_space<hbm>>) target(%dma_start3A_796 : memref<64x128xf32, #tpu.memory_space<vmem>>) target_semaphore(%arg15 : memref<!tpu.dma_semaphore, #tpu.memory_space<semaphore_mem>>)
      %dma_wait3A_799 = arith.constant 0 : i32
      %dma_wait3A_800 = arith.constant 0 : i32
      %dma_wait3A_801 = arith.constant 0 : i32
      %dma_wait3A_802 = tpu.memref_slice %arg11[%dma_wait3A_799, %dma_wait3A_800, %dma_wait3A_801] : memref<8x64x128xf32, #tpu.memory_space<vmem>> -> memref<1x64x128xf32, #tpu.memory_space<vmem>>
      %dma_wait3A_803 = tpu.memref_squeeze %dma_wait3A_802 : memref<1x64x128xf32, #tpu.memory_space<vmem>> -> memref<64x128xf32, #tpu.memory_space<vmem>>
      %dma_wait3A_804 = arith.constant 0 : i32
      %dma_wait3A_805 = tpu.memref_slice %arg6[%dma_wait3A_804, %multiple_of3A_645] : memref<64x1000000xf32, #tpu.memory_space<hbm>> -> memref<64x128xf32, #tpu.memory_space<hbm>>
      %dma_wait3A_806 = arith.constant 0 : i32
      %dma_wait3A_807 = arith.constant 0 : i32
      %dma_wait3A_808 = tpu.memref_slice %arg11[%dma_wait3A_799, %dma_wait3A_806, %dma_wait3A_807] : memref<8x64x128xf32, #tpu.memory_space<vmem>> -> memref<1x64x128xf32, #tpu.memory_space<vmem>>
      %dma_wait3A_809 = tpu.memref_squeeze %dma_wait3A_808 : memref<1x64x128xf32, #tpu.memory_space<vmem>> -> memref<64x128xf32, #tpu.memory_space<vmem>>
      %dma_wait3A_810 = arith.constant 0 : i32
      %dma_wait3A_811 = tpu.memref_slice %arg6[%dma_wait3A_810, %multiple_of3A_645] : memref<64x1000000xf32, #tpu.memory_space<hbm>> -> memref<64x128xf32, #tpu.memory_space<hbm>>
      tpu.wait_dma2 semaphore(%arg15 : memref<!tpu.dma_semaphore, #tpu.memory_space<semaphore_mem>>) src(%dma_wait3A_811 : memref<64x128xf32, #tpu.memory_space<hbm>>) dst(%dma_wait3A_809 : memref<64x128xf32, #tpu.memory_space<vmem>>)
      %dma_wait3A_812 = arith.constant 1 : i32
      %dma_wait3A_813 = arith.constant 0 : i32
      %dma_wait3A_814 = arith.constant 0 : i32
      %dma_wait3A_815 = tpu.memref_slice %arg11[%dma_wait3A_812, %dma_wait3A_813, %dma_wait3A_814] : memref<8x64x128xf32, #tpu.memory_space<vmem>> -> memref<1x64x128xf32, #tpu.memory_space<vmem>>
      %dma_wait3A_816 = tpu.memref_squeeze %dma_wait3A_815 : memref<1x64x128xf32, #tpu.memory_space<vmem>> -> memref<64x128xf32, #tpu.memory_space<vmem>>
      %dma_wait3A_817 = arith.constant 0 : i32
      %dma_wait3A_818 = tpu.memref_slice %arg6[%dma_wait3A_817, %multiple_of3A_665] : memref<64x1000000xf32, #tpu.memory_space<hbm>> -> memref<64x128xf32, #tpu.memory_space<hbm>>
      %dma_wait3A_819 = arith.constant 0 : i32
      %dma_wait3A_820 = arith.constant 0 : i32
      %dma_wait3A_821 = tpu.memref_slice %arg11[%dma_wait3A_812, %dma_wait3A_819, %dma_wait3A_820] : memref<8x64x128xf32, #tpu.memory_space<vmem>> -> memref<1x64x128xf32, #tpu.memory_space<vmem>>
      %dma_wait3A_822 = tpu.memref_squeeze %dma_wait3A_821 : memref<1x64x128xf32, #tpu.memory_space<vmem>> -> memref<64x128xf32, #tpu.memory_space<vmem>>
      %dma_wait3A_823 = arith.constant 0 : i32
      %dma_wait3A_824 = tpu.memref_slice %arg6[%dma_wait3A_823, %multiple_of3A_665] : memref<64x1000000xf32, #tpu.memory_space<hbm>> -> memref<64x128xf32, #tpu.memory_space<hbm>>
      tpu.wait_dma2 semaphore(%arg15 : memref<!tpu.dma_semaphore, #tpu.memory_space<semaphore_mem>>) src(%dma_wait3A_824 : memref<64x128xf32, #tpu.memory_space<hbm>>) dst(%dma_wait3A_822 : memref<64x128xf32, #tpu.memory_space<vmem>>)
      %dma_wait3A_825 = arith.constant 2 : i32
      %dma_wait3A_826 = arith.constant 0 : i32
      %dma_wait3A_827 = arith.constant 0 : i32
      %dma_wait3A_828 = tpu.memref_slice %arg11[%dma_wait3A_825, %dma_wait3A_826, %dma_wait3A_827] : memref<8x64x128xf32, #tpu.memory_space<vmem>> -> memref<1x64x128xf32, #tpu.memory_space<vmem>>
      %dma_wait3A_829 = tpu.memref_squeeze %dma_wait3A_828 : memref<1x64x128xf32, #tpu.memory_space<vmem>> -> memref<64x128xf32, #tpu.memory_space<vmem>>
      %dma_wait3A_830 = arith.constant 0 : i32
      %dma_wait3A_831 = tpu.memref_slice %arg6[%dma_wait3A_830, %multiple_of3A_685] : memref<64x1000000xf32, #tpu.memory_space<hbm>> -> memref<64x128xf32, #tpu.memory_space<hbm>>
      %dma_wait3A_832 = arith.constant 0 : i32
      %dma_wait3A_833 = arith.constant 0 : i32
      %dma_wait3A_834 = tpu.memref_slice %arg11[%dma_wait3A_825, %dma_wait3A_832, %dma_wait3A_833] : memref<8x64x128xf32, #tpu.memory_space<vmem>> -> memref<1x64x128xf32, #tpu.memory_space<vmem>>
      %dma_wait3A_835 = tpu.memref_squeeze %dma_wait3A_834 : memref<1x64x128xf32, #tpu.memory_space<vmem>> -> memref<64x128xf32, #tpu.memory_space<vmem>>
      %dma_wait3A_836 = arith.constant 0 : i32
      %dma_wait3A_837 = tpu.memref_slice %arg6[%dma_wait3A_836, %multiple_of3A_685] : memref<64x1000000xf32, #tpu.memory_space<hbm>> -> memref<64x128xf32, #tpu.memory_space<hbm>>
      tpu.wait_dma2 semaphore(%arg15 : memref<!tpu.dma_semaphore, #tpu.memory_space<semaphore_mem>>) src(%dma_wait3A_837 : memref<64x128xf32, #tpu.memory_space<hbm>>) dst(%dma_wait3A_835 : memref<64x128xf32, #tpu.memory_space<vmem>>)
      %dma_wait3A_838 = arith.constant 3 : i32
      %dma_wait3A_839 = arith.constant 0 : i32
      %dma_wait3A_840 = arith.constant 0 : i32
      %dma_wait3A_841 = tpu.memref_slice %arg11[%dma_wait3A_838, %dma_wait3A_839, %dma_wait3A_840] : memref<8x64x128xf32, #tpu.memory_space<vmem>> -> memref<1x64x128xf32, #tpu.memory_space<vmem>>
      %dma_wait3A_842 = tpu.memref_squeeze %dma_wait3A_841 : memref<1x64x128xf32, #tpu.memory_space<vmem>> -> memref<64x128xf32, #tpu.memory_space<vmem>>
      %dma_wait3A_843 = arith.constant 0 : i32
      %dma_wait3A_844 = tpu.memref_slice %arg6[%dma_wait3A_843, %multiple_of3A_705] : memref<64x1000000xf32, #tpu.memory_space<hbm>> -> memref<64x128xf32, #tpu.memory_space<hbm>>
      %dma_wait3A_845 = arith.constant 0 : i32
      %dma_wait3A_846 = arith.constant 0 : i32
      %dma_wait3A_847 = tpu.memref_slice %arg11[%dma_wait3A_838, %dma_wait3A_845, %dma_wait3A_846] : memref<8x64x128xf32, #tpu.memory_space<vmem>> -> memref<1x64x128xf32, #tpu.memory_space<vmem>>
      %dma_wait3A_848 = tpu.memref_squeeze %dma_wait3A_847 : memref<1x64x128xf32, #tpu.memory_space<vmem>> -> memref<64x128xf32, #tpu.memory_space<vmem>>
      %dma_wait3A_849 = arith.constant 0 : i32
      %dma_wait3A_850 = tpu.memref_slice %arg6[%dma_wait3A_849, %multiple_of3A_705] : memref<64x1000000xf32, #tpu.memory_space<hbm>> -> memref<64x128xf32, #tpu.memory_space<hbm>>
      tpu.wait_dma2 semaphore(%arg15 : memref<!tpu.dma_semaphore, #tpu.memory_space<semaphore_mem>>) src(%dma_wait3A_850 : memref<64x128xf32, #tpu.memory_space<hbm>>) dst(%dma_wait3A_848 : memref<64x128xf32, #tpu.memory_space<vmem>>)
      %dma_wait3A_851 = arith.constant 4 : i32
      %dma_wait3A_852 = arith.constant 0 : i32
      %dma_wait3A_853 = arith.constant 0 : i32
      %dma_wait3A_854 = tpu.memref_slice %arg11[%dma_wait3A_851, %dma_wait3A_852, %dma_wait3A_853] : memref<8x64x128xf32, #tpu.memory_space<vmem>> -> memref<1x64x128xf32, #tpu.memory_space<vmem>>
      %dma_wait3A_855 = tpu.memref_squeeze %dma_wait3A_854 : memref<1x64x128xf32, #tpu.memory_space<vmem>> -> memref<64x128xf32, #tpu.memory_space<vmem>>
      %dma_wait3A_856 = arith.constant 0 : i32
      %dma_wait3A_857 = tpu.memref_slice %arg6[%dma_wait3A_856, %multiple_of3A_725] : memref<64x1000000xf32, #tpu.memory_space<hbm>> -> memref<64x128xf32, #tpu.memory_space<hbm>>
      %dma_wait3A_858 = arith.constant 0 : i32
      %dma_wait3A_859 = arith.constant 0 : i32
      %dma_wait3A_860 = tpu.memref_slice %arg11[%dma_wait3A_851, %dma_wait3A_858, %dma_wait3A_859] : memref<8x64x128xf32, #tpu.memory_space<vmem>> -> memref<1x64x128xf32, #tpu.memory_space<vmem>>
      %dma_wait3A_861 = tpu.memref_squeeze %dma_wait3A_860 : memref<1x64x128xf32, #tpu.memory_space<vmem>> -> memref<64x128xf32, #tpu.memory_space<vmem>>
      %dma_wait3A_862 = arith.constant 0 : i32
      %dma_wait3A_863 = tpu.memref_slice %arg6[%dma_wait3A_862, %multiple_of3A_725] : memref<64x1000000xf32, #tpu.memory_space<hbm>> -> memref<64x128xf32, #tpu.memory_space<hbm>>
      tpu.wait_dma2 semaphore(%arg15 : memref<!tpu.dma_semaphore, #tpu.memory_space<semaphore_mem>>) src(%dma_wait3A_863 : memref<64x128xf32, #tpu.memory_space<hbm>>) dst(%dma_wait3A_861 : memref<64x128xf32, #tpu.memory_space<vmem>>)
      %dma_wait3A_864 = arith.constant 5 : i32
      %dma_wait3A_865 = arith.constant 0 : i32
      %dma_wait3A_866 = arith.constant 0 : i32
      %dma_wait3A_867 = tpu.memref_slice %arg11[%dma_wait3A_864, %dma_wait3A_865, %dma_wait3A_866] : memref<8x64x128xf32, #tpu.memory_space<vmem>> -> memref<1x64x128xf32, #tpu.memory_space<vmem>>
      %dma_wait3A_868 = tpu.memref_squeeze %dma_wait3A_867 : memref<1x64x128xf32, #tpu.memory_space<vmem>> -> memref<64x128xf32, #tpu.memory_space<vmem>>
      %dma_wait3A_869 = arith.constant 0 : i32
      %dma_wait3A_870 = tpu.memref_slice %arg6[%dma_wait3A_869, %multiple_of3A_745] : memref<64x1000000xf32, #tpu.memory_space<hbm>> -> memref<64x128xf32, #tpu.memory_space<hbm>>
      %dma_wait3A_871 = arith.constant 0 : i32
      %dma_wait3A_872 = arith.constant 0 : i32
      %dma_wait3A_873 = tpu.memref_slice %arg11[%dma_wait3A_864, %dma_wait3A_871, %dma_wait3A_872] : memref<8x64x128xf32, #tpu.memory_space<vmem>> -> memref<1x64x128xf32, #tpu.memory_space<vmem>>
      %dma_wait3A_874 = tpu.memref_squeeze %dma_wait3A_873 : memref<1x64x128xf32, #tpu.memory_space<vmem>> -> memref<64x128xf32, #tpu.memory_space<vmem>>
      %dma_wait3A_875 = arith.constant 0 : i32
      %dma_wait3A_876 = tpu.memref_slice %arg6[%dma_wait3A_875, %multiple_of3A_745] : memref<64x1000000xf32, #tpu.memory_space<hbm>> -> memref<64x128xf32, #tpu.memory_space<hbm>>
      tpu.wait_dma2 semaphore(%arg15 : memref<!tpu.dma_semaphore, #tpu.memory_space<semaphore_mem>>) src(%dma_wait3A_876 : memref<64x128xf32, #tpu.memory_space<hbm>>) dst(%dma_wait3A_874 : memref<64x128xf32, #tpu.memory_space<vmem>>)
      %dma_wait3A_877 = arith.constant 6 : i32
      %dma_wait3A_878 = arith.constant 0 : i32
      %dma_wait3A_879 = arith.constant 0 : i32
      %dma_wait3A_880 = tpu.memref_slice %arg11[%dma_wait3A_877, %dma_wait3A_878, %dma_wait3A_879] : memref<8x64x128xf32, #tpu.memory_space<vmem>> -> memref<1x64x128xf32, #tpu.memory_space<vmem>>
      %dma_wait3A_881 = tpu.memref_squeeze %dma_wait3A_880 : memref<1x64x128xf32, #tpu.memory_space<vmem>> -> memref<64x128xf32, #tpu.memory_space<vmem>>
      %dma_wait3A_882 = arith.constant 0 : i32
      %dma_wait3A_883 = tpu.memref_slice %arg6[%dma_wait3A_882, %multiple_of3A_765] : memref<64x1000000xf32, #tpu.memory_space<hbm>> -> memref<64x128xf32, #tpu.memory_space<hbm>>
      %dma_wait3A_884 = arith.constant 0 : i32
      %dma_wait3A_885 = arith.constant 0 : i32
      %dma_wait3A_886 = tpu.memref_slice %arg11[%dma_wait3A_877, %dma_wait3A_884, %dma_wait3A_885] : memref<8x64x128xf32, #tpu.memory_space<vmem>> -> memref<1x64x128xf32, #tpu.memory_space<vmem>>
      %dma_wait3A_887 = tpu.memref_squeeze %dma_wait3A_886 : memref<1x64x128xf32, #tpu.memory_space<vmem>> -> memref<64x128xf32, #tpu.memory_space<vmem>>
      %dma_wait3A_888 = arith.constant 0 : i32
      %dma_wait3A_889 = tpu.memref_slice %arg6[%dma_wait3A_888, %multiple_of3A_765] : memref<64x1000000xf32, #tpu.memory_space<hbm>> -> memref<64x128xf32, #tpu.memory_space<hbm>>
      tpu.wait_dma2 semaphore(%arg15 : memref<!tpu.dma_semaphore, #tpu.memory_space<semaphore_mem>>) src(%dma_wait3A_889 : memref<64x128xf32, #tpu.memory_space<hbm>>) dst(%dma_wait3A_887 : memref<64x128xf32, #tpu.memory_space<vmem>>)
      %dma_wait3A_890 = arith.constant 7 : i32
      %dma_wait3A_891 = arith.constant 0 : i32
      %dma_wait3A_892 = arith.constant 0 : i32
      %dma_wait3A_893 = tpu.memref_slice %arg11[%dma_wait3A_890, %dma_wait3A_891, %dma_wait3A_892] : memref<8x64x128xf32, #tpu.memory_space<vmem>> -> memref<1x64x128xf32, #tpu.memory_space<vmem>>
      %dma_wait3A_894 = tpu.memref_squeeze %dma_wait3A_893 : memref<1x64x128xf32, #tpu.memory_space<vmem>> -> memref<64x128xf32, #tpu.memory_space<vmem>>
      %dma_wait3A_895 = arith.constant 0 : i32
      %dma_wait3A_896 = tpu.memref_slice %arg6[%dma_wait3A_895, %multiple_of3A_785] : memref<64x1000000xf32, #tpu.memory_space<hbm>> -> memref<64x128xf32, #tpu.memory_space<hbm>>
      %dma_wait3A_897 = arith.constant 0 : i32
      %dma_wait3A_898 = arith.constant 0 : i32
      %dma_wait3A_899 = tpu.memref_slice %arg11[%dma_wait3A_890, %dma_wait3A_897, %dma_wait3A_898] : memref<8x64x128xf32, #tpu.memory_space<vmem>> -> memref<1x64x128xf32, #tpu.memory_space<vmem>>
      %dma_wait3A_900 = tpu.memref_squeeze %dma_wait3A_899 : memref<1x64x128xf32, #tpu.memory_space<vmem>> -> memref<64x128xf32, #tpu.memory_space<vmem>>
      %dma_wait3A_901 = arith.constant 0 : i32
      %dma_wait3A_902 = tpu.memref_slice %arg6[%dma_wait3A_901, %multiple_of3A_785] : memref<64x1000000xf32, #tpu.memory_space<hbm>> -> memref<64x128xf32, #tpu.memory_space<hbm>>
      tpu.wait_dma2 semaphore(%arg15 : memref<!tpu.dma_semaphore, #tpu.memory_space<semaphore_mem>>) src(%dma_wait3A_902 : memref<64x128xf32, #tpu.memory_space<hbm>>) dst(%dma_wait3A_900 : memref<64x128xf32, #tpu.memory_space<vmem>>)
      %mul3A_903 = arith.constant 16 : i32
      %mul3A_904 = arith.muli %scan3A_43, %mul3A_903 : i32
      %add3A_905 = arith.constant 8 : i32
      %add3A_906 = arith.addi %mul3A_904, %add3A_905 : i32
      %add3A_907 = arith.constant 0 : i32
      %add3A_908 = arith.addi %add3A_906, %add3A_907 : i32
      %slice3A_909 = vector.extract_strided_slice %get3A_47 {offsets = [8], sizes = [1], strides = [1]} : vector<16xi32> to vector<1xi32>
      %squeeze3A_910 = vector.extract %slice3A_909[0] : i32 from vector<1xi32>
      %broadcast_in_dim3A_911 = arith.constant 1 : i32
      %broadcast_in_dim3A_912 = vector.broadcast %broadcast_in_dim3A_911 : i32 to vector<16xi32>
      %and3A_913 = arith.constant 127 : i32
      %and3A_914 = arith.andi %squeeze3A_910, %and3A_913 : i32
      %mul3A_915 = vector.broadcast %and3A_914 : i32 to vector<16xi32>
      %mul3A_916 = arith.muli %broadcast_in_dim3A_912, %mul3A_915 : vector<16xi32>
      %broadcast_in_dim3A_917 = arith.constant 1 : i32
      %broadcast_in_dim3A_918 = vector.broadcast %broadcast_in_dim3A_917 : i32 to vector<16xi32>
      %mul3A_919 = vector.broadcast %add3A_908 : i32 to vector<16xi32>
      %mul3A_920 = arith.muli %broadcast_in_dim3A_918, %mul3A_919 : vector<16xi32>
      %gather3A_921 = arith.constant 0 : i32
      %gather3A_922 = arith.constant 0 : i32
      %gather3A_923 = arith.constant 0 : i32
      %gather3A_924 = tpu.memref_slice %arg11[%gather3A_921, %gather3A_922, %gather3A_923] : memref<8x64x128xf32, #tpu.memory_space<vmem>> -> memref<1x64x128xf32, #tpu.memory_space<vmem>>
      %gather3A_925 = tpu.memref_squeeze %gather3A_924 : memref<1x64x128xf32, #tpu.memory_space<vmem>> -> memref<64x128xf32, #tpu.memory_space<vmem>>
      %gather3A_926 = tpu.vector_load_idx %gather3A_925[%add3A_3, %mul3A_916] : memref<64x128xf32, #tpu.memory_space<vmem>>[vector<16xi32>, vector<16xi32>], vector<16xf32>,
      tpu.vector_store_idx %arg14[%add3A_3, %mul3A_920], %gather3A_926 : memref<64x128xf32, #tpu.memory_space<vmem>>[vector<16xi32>, vector<16xi32>], vector<16xf32>,
      %gather3A_927 = arith.constant 0 : i32
      %gather3A_928 = arith.constant 0 : i32
      %gather3A_929 = arith.constant 0 : i32
      %gather3A_930 = tpu.memref_slice %arg11[%gather3A_927, %gather3A_928, %gather3A_929] : memref<8x64x128xf32, #tpu.memory_space<vmem>> -> memref<1x64x128xf32, #tpu.memory_space<vmem>>
      %gather3A_931 = tpu.memref_squeeze %gather3A_930 : memref<1x64x128xf32, #tpu.memory_space<vmem>> -> memref<64x128xf32, #tpu.memory_space<vmem>>
      %gather3A_932 = tpu.vector_load_idx %gather3A_931[%add3A_7, %mul3A_916] : memref<64x128xf32, #tpu.memory_space<vmem>>[vector<16xi32>, vector<16xi32>], vector<16xf32>,
      tpu.vector_store_idx %arg14[%add3A_7, %mul3A_920], %gather3A_932 : memref<64x128xf32, #tpu.memory_space<vmem>>[vector<16xi32>, vector<16xi32>], vector<16xf32>,
      %gather3A_933 = arith.constant 0 : i32
      %gather3A_934 = arith.constant 0 : i32
      %gather3A_935 = arith.constant 0 : i32
      %gather3A_936 = tpu.memref_slice %arg11[%gather3A_933, %gather3A_934, %gather3A_935] : memref<8x64x128xf32, #tpu.memory_space<vmem>> -> memref<1x64x128xf32, #tpu.memory_space<vmem>>
      %gather3A_937 = tpu.memref_squeeze %gather3A_936 : memref<1x64x128xf32, #tpu.memory_space<vmem>> -> memref<64x128xf32, #tpu.memory_space<vmem>>
      %gather3A_938 = tpu.vector_load_idx %gather3A_937[%add3A_11, %mul3A_916] : memref<64x128xf32, #tpu.memory_space<vmem>>[vector<16xi32>, vector<16xi32>], vector<16xf32>,
      tpu.vector_store_idx %arg14[%add3A_11, %mul3A_920], %gather3A_938 : memref<64x128xf32, #tpu.memory_space<vmem>>[vector<16xi32>, vector<16xi32>], vector<16xf32>,
      %gather3A_939 = arith.constant 0 : i32
      %gather3A_940 = arith.constant 0 : i32
      %gather3A_941 = arith.constant 0 : i32
      %gather3A_942 = tpu.memref_slice %arg11[%gather3A_939, %gather3A_940, %gather3A_941] : memref<8x64x128xf32, #tpu.memory_space<vmem>> -> memref<1x64x128xf32, #tpu.memory_space<vmem>>
      %gather3A_943 = tpu.memref_squeeze %gather3A_942 : memref<1x64x128xf32, #tpu.memory_space<vmem>> -> memref<64x128xf32, #tpu.memory_space<vmem>>
      %gather3A_944 = tpu.vector_load_idx %gather3A_943[%add3A_15, %mul3A_916] : memref<64x128xf32, #tpu.memory_space<vmem>>[vector<16xi32>, vector<16xi32>], vector<16xf32>,
      tpu.vector_store_idx %arg14[%add3A_15, %mul3A_920], %gather3A_944 : memref<64x128xf32, #tpu.memory_space<vmem>>[vector<16xi32>, vector<16xi32>], vector<16xf32>,
      %mul3A_945 = arith.constant 16 : i32
      %mul3A_946 = arith.muli %scan3A_43, %mul3A_945 : i32
      %add3A_947 = arith.constant 8 : i32
      %add3A_948 = arith.addi %mul3A_946, %add3A_947 : i32
      %add3A_949 = arith.constant 1 : i32
      %add3A_950 = arith.addi %add3A_948, %add3A_949 : i32
      %slice3A_951 = vector.extract_strided_slice %get3A_47 {offsets = [9], sizes = [1], strides = [1]} : vector<16xi32> to vector<1xi32>
      %squeeze3A_952 = vector.extract %slice3A_951[0] : i32 from vector<1xi32>
      %broadcast_in_dim3A_953 = arith.constant 1 : i32
      %broadcast_in_dim3A_954 = vector.broadcast %broadcast_in_dim3A_953 : i32 to vector<16xi32>
      %and3A_955 = arith.constant 127 : i32
      %and3A_956 = arith.andi %squeeze3A_952, %and3A_955 : i32
      %mul3A_957 = vector.broadcast %and3A_956 : i32 to vector<16xi32>
      %mul3A_958 = arith.muli %broadcast_in_dim3A_954, %mul3A_957 : vector<16xi32>
      %broadcast_in_dim3A_959 = arith.constant 1 : i32
      %broadcast_in_dim3A_960 = vector.broadcast %broadcast_in_dim3A_959 : i32 to vector<16xi32>
      %mul3A_961 = vector.broadcast %add3A_950 : i32 to vector<16xi32>
      %mul3A_962 = arith.muli %broadcast_in_dim3A_960, %mul3A_961 : vector<16xi32>
      %gather3A_963 = arith.constant 1 : i32
      %gather3A_964 = arith.constant 0 : i32
      %gather3A_965 = arith.constant 0 : i32
      %gather3A_966 = tpu.memref_slice %arg11[%gather3A_963, %gather3A_964, %gather3A_965] : memref<8x64x128xf32, #tpu.memory_space<vmem>> -> memref<1x64x128xf32, #tpu.memory_space<vmem>>
      %gather3A_967 = tpu.memref_squeeze %gather3A_966 : memref<1x64x128xf32, #tpu.memory_space<vmem>> -> memref<64x128xf32, #tpu.memory_space<vmem>>
      %gather3A_968 = tpu.vector_load_idx %gather3A_967[%add3A_3, %mul3A_958] : memref<64x128xf32, #tpu.memory_space<vmem>>[vector<16xi32>, vector<16xi32>], vector<16xf32>,
      tpu.vector_store_idx %arg14[%add3A_3, %mul3A_962], %gather3A_968 : memref<64x128xf32, #tpu.memory_space<vmem>>[vector<16xi32>, vector<16xi32>], vector<16xf32>,
      %gather3A_969 = arith.constant 1 : i32
      %gather3A_970 = arith.constant 0 : i32
      %gather3A_971 = arith.constant 0 : i32
      %gather3A_972 = tpu.memref_slice %arg11[%gather3A_969, %gather3A_970, %gather3A_971] : memref<8x64x128xf32, #tpu.memory_space<vmem>> -> memref<1x64x128xf32, #tpu.memory_space<vmem>>
      %gather3A_973 = tpu.memref_squeeze %gather3A_972 : memref<1x64x128xf32, #tpu.memory_space<vmem>> -> memref<64x128xf32, #tpu.memory_space<vmem>>
      %gather3A_974 = tpu.vector_load_idx %gather3A_973[%add3A_7, %mul3A_958] : memref<64x128xf32, #tpu.memory_space<vmem>>[vector<16xi32>, vector<16xi32>], vector<16xf32>,
      tpu.vector_store_idx %arg14[%add3A_7, %mul3A_962], %gather3A_974 : memref<64x128xf32, #tpu.memory_space<vmem>>[vector<16xi32>, vector<16xi32>], vector<16xf32>,
      %gather3A_975 = arith.constant 1 : i32
      %gather3A_976 = arith.constant 0 : i32
      %gather3A_977 = arith.constant 0 : i32
      %gather3A_978 = tpu.memref_slice %arg11[%gather3A_975, %gather3A_976, %gather3A_977] : memref<8x64x128xf32, #tpu.memory_space<vmem>> -> memref<1x64x128xf32, #tpu.memory_space<vmem>>
      %gather3A_979 = tpu.memref_squeeze %gather3A_978 : memref<1x64x128xf32, #tpu.memory_space<vmem>> -> memref<64x128xf32, #tpu.memory_space<vmem>>
      %gather3A_980 = tpu.vector_load_idx %gather3A_979[%add3A_11, %mul3A_958] : memref<64x128xf32, #tpu.memory_space<vmem>>[vector<16xi32>, vector<16xi32>], vector<16xf32>,
      tpu.vector_store_idx %arg14[%add3A_11, %mul3A_962], %gather3A_980 : memref<64x128xf32, #tpu.memory_space<vmem>>[vector<16xi32>, vector<16xi32>], vector<16xf32>,
      %gather3A_981 = arith.constant 1 : i32
      %gather3A_982 = arith.constant 0 : i32
      %gather3A_983 = arith.constant 0 : i32
      %gather3A_984 = tpu.memref_slice %arg11[%gather3A_981, %gather3A_982, %gather3A_983] : memref<8x64x128xf32, #tpu.memory_space<vmem>> -> memref<1x64x128xf32, #tpu.memory_space<vmem>>
      %gather3A_985 = tpu.memref_squeeze %gather3A_984 : memref<1x64x128xf32, #tpu.memory_space<vmem>> -> memref<64x128xf32, #tpu.memory_space<vmem>>
      %gather3A_986 = tpu.vector_load_idx %gather3A_985[%add3A_15, %mul3A_958] : memref<64x128xf32, #tpu.memory_space<vmem>>[vector<16xi32>, vector<16xi32>], vector<16xf32>,
      tpu.vector_store_idx %arg14[%add3A_15, %mul3A_962], %gather3A_986 : memref<64x128xf32, #tpu.memory_space<vmem>>[vector<16xi32>, vector<16xi32>], vector<16xf32>,
      %mul3A_987 = arith.constant 16 : i32
      %mul3A_988 = arith.muli %scan3A_43, %mul3A_987 : i32
      %add3A_989 = arith.constant 8 : i32
      %add3A_990 = arith.addi %mul3A_988, %add3A_989 : i32
      %add3A_991 = arith.constant 2 : i32
      %add3A_992 = arith.addi %add3A_990, %add3A_991 : i32
      %slice3A_993 = vector.extract_strided_slice %get3A_47 {offsets = [10], sizes = [1], strides = [1]} : vector<16xi32> to vector<1xi32>
      %squeeze3A_994 = vector.extract %slice3A_993[0] : i32 from vector<1xi32>
      %broadcast_in_dim3A_995 = arith.constant 1 : i32
      %broadcast_in_dim3A_996 = vector.broadcast %broadcast_in_dim3A_995 : i32 to vector<16xi32>
      %and3A_997 = arith.constant 127 : i32
      %and3A_998 = arith.andi %squeeze3A_994, %and3A_997 : i32
      %mul3A_999 = vector.broadcast %and3A_998 : i32 to vector<16xi32>
      %mul3A_1000 = arith.muli %broadcast_in_dim3A_996, %mul3A_999 : vector<16xi32>
      %broadcast_in_dim3A_1001 = arith.constant 1 : i32
      %broadcast_in_dim3A_1002 = vector.broadcast %broadcast_in_dim3A_1001 : i32 to vector<16xi32>
      %mul3A_1003 = vector.broadcast %add3A_992 : i32 to vector<16xi32>
      %mul3A_1004 = arith.muli %broadcast_in_dim3A_1002, %mul3A_1003 : vector<16xi32>
      %gather3A_1005 = arith.constant 2 : i32
      %gather3A_1006 = arith.constant 0 : i32
      %gather3A_1007 = arith.constant 0 : i32
      %gather3A_1008 = tpu.memref_slice %arg11[%gather3A_1005, %gather3A_1006, %gather3A_1007] : memref<8x64x128xf32, #tpu.memory_space<vmem>> -> memref<1x64x128xf32, #tpu.memory_space<vmem>>
      %gather3A_1009 = tpu.memref_squeeze %gather3A_1008 : memref<1x64x128xf32, #tpu.memory_space<vmem>> -> memref<64x128xf32, #tpu.memory_space<vmem>>
      %gather3A_1010 = tpu.vector_load_idx %gather3A_1009[%add3A_3, %mul3A_1000] : memref<64x128xf32, #tpu.memory_space<vmem>>[vector<16xi32>, vector<16xi32>], vector<16xf32>,
      tpu.vector_store_idx %arg14[%add3A_3, %mul3A_1004], %gather3A_1010 : memref<64x128xf32, #tpu.memory_space<vmem>>[vector<16xi32>, vector<16xi32>], vector<16xf32>,
      %gather3A_1011 = arith.constant 2 : i32
      %gather3A_1012 = arith.constant 0 : i32
      %gather3A_1013 = arith.constant 0 : i32
      %gather3A_1014 = tpu.memref_slice %arg11[%gather3A_1011, %gather3A_1012, %gather3A_1013] : memref<8x64x128xf32, #tpu.memory_space<vmem>> -> memref<1x64x128xf32, #tpu.memory_space<vmem>>
      %gather3A_1015 = tpu.memref_squeeze %gather3A_1014 : memref<1x64x128xf32, #tpu.memory_space<vmem>> -> memref<64x128xf32, #tpu.memory_space<vmem>>
      %gather3A_1016 = tpu.vector_load_idx %gather3A_1015[%add3A_7, %mul3A_1000] : memref<64x128xf32, #tpu.memory_space<vmem>>[vector<16xi32>, vector<16xi32>], vector<16xf32>,
      tpu.vector_store_idx %arg14[%add3A_7, %mul3A_1004], %gather3A_1016 : memref<64x128xf32, #tpu.memory_space<vmem>>[vector<16xi32>, vector<16xi32>], vector<16xf32>,
      %gather3A_1017 = arith.constant 2 : i32
      %gather3A_1018 = arith.constant 0 : i32
      %gather3A_1019 = arith.constant 0 : i32
      %gather3A_1020 = tpu.memref_slice %arg11[%gather3A_1017, %gather3A_1018, %gather3A_1019] : memref<8x64x128xf32, #tpu.memory_space<vmem>> -> memref<1x64x128xf32, #tpu.memory_space<vmem>>
      %gather3A_1021 = tpu.memref_squeeze %gather3A_1020 : memref<1x64x128xf32, #tpu.memory_space<vmem>> -> memref<64x128xf32, #tpu.memory_space<vmem>>
      %gather3A_1022 = tpu.vector_load_idx %gather3A_1021[%add3A_11, %mul3A_1000] : memref<64x128xf32, #tpu.memory_space<vmem>>[vector<16xi32>, vector<16xi32>], vector<16xf32>,
      tpu.vector_store_idx %arg14[%add3A_11, %mul3A_1004], %gather3A_1022 : memref<64x128xf32, #tpu.memory_space<vmem>>[vector<16xi32>, vector<16xi32>], vector<16xf32>,
      %gather3A_1023 = arith.constant 2 : i32
      %gather3A_1024 = arith.constant 0 : i32
      %gather3A_1025 = arith.constant 0 : i32
      %gather3A_1026 = tpu.memref_slice %arg11[%gather3A_1023, %gather3A_1024, %gather3A_1025] : memref<8x64x128xf32, #tpu.memory_space<vmem>> -> memref<1x64x128xf32, #tpu.memory_space<vmem>>
      %gather3A_1027 = tpu.memref_squeeze %gather3A_1026 : memref<1x64x128xf32, #tpu.memory_space<vmem>> -> memref<64x128xf32, #tpu.memory_space<vmem>>
      %gather3A_1028 = tpu.vector_load_idx %gather3A_1027[%add3A_15, %mul3A_1000] : memref<64x128xf32, #tpu.memory_space<vmem>>[vector<16xi32>, vector<16xi32>], vector<16xf32>,
      tpu.vector_store_idx %arg14[%add3A_15, %mul3A_1004], %gather3A_1028 : memref<64x128xf32, #tpu.memory_space<vmem>>[vector<16xi32>, vector<16xi32>], vector<16xf32>,
      %mul3A_1029 = arith.constant 16 : i32
      %mul3A_1030 = arith.muli %scan3A_43, %mul3A_1029 : i32
      %add3A_1031 = arith.constant 8 : i32
      %add3A_1032 = arith.addi %mul3A_1030, %add3A_1031 : i32
      %add3A_1033 = arith.constant 3 : i32
      %add3A_1034 = arith.addi %add3A_1032, %add3A_1033 : i32
      %slice3A_1035 = vector.extract_strided_slice %get3A_47 {offsets = [11], sizes = [1], strides = [1]} : vector<16xi32> to vector<1xi32>
      %squeeze3A_1036 = vector.extract %slice3A_1035[0] : i32 from vector<1xi32>
      %broadcast_in_dim3A_1037 = arith.constant 1 : i32
      %broadcast_in_dim3A_1038 = vector.broadcast %broadcast_in_dim3A_1037 : i32 to vector<16xi32>
      %and3A_1039 = arith.constant 127 : i32
      %and3A_1040 = arith.andi %squeeze3A_1036, %and3A_1039 : i32
      %mul3A_1041 = vector.broadcast %and3A_1040 : i32 to vector<16xi32>
      %mul3A_1042 = arith.muli %broadcast_in_dim3A_1038, %mul3A_1041 : vector<16xi32>
      %broadcast_in_dim3A_1043 = arith.constant 1 : i32
      %broadcast_in_dim3A_1044 = vector.broadcast %broadcast_in_dim3A_1043 : i32 to vector<16xi32>
      %mul3A_1045 = vector.broadcast %add3A_1034 : i32 to vector<16xi32>
      %mul3A_1046 = arith.muli %broadcast_in_dim3A_1044, %mul3A_1045 : vector<16xi32>
      %gather3A_1047 = arith.constant 3 : i32
      %gather3A_1048 = arith.constant 0 : i32
      %gather3A_1049 = arith.constant 0 : i32
      %gather3A_1050 = tpu.memref_slice %arg11[%gather3A_1047, %gather3A_1048, %gather3A_1049] : memref<8x64x128xf32, #tpu.memory_space<vmem>> -> memref<1x64x128xf32, #tpu.memory_space<vmem>>
      %gather3A_1051 = tpu.memref_squeeze %gather3A_1050 : memref<1x64x128xf32, #tpu.memory_space<vmem>> -> memref<64x128xf32, #tpu.memory_space<vmem>>
      %gather3A_1052 = tpu.vector_load_idx %gather3A_1051[%add3A_3, %mul3A_1042] : memref<64x128xf32, #tpu.memory_space<vmem>>[vector<16xi32>, vector<16xi32>], vector<16xf32>,
      tpu.vector_store_idx %arg14[%add3A_3, %mul3A_1046], %gather3A_1052 : memref<64x128xf32, #tpu.memory_space<vmem>>[vector<16xi32>, vector<16xi32>], vector<16xf32>,
      %gather3A_1053 = arith.constant 3 : i32
      %gather3A_1054 = arith.constant 0 : i32
      %gather3A_1055 = arith.constant 0 : i32
      %gather3A_1056 = tpu.memref_slice %arg11[%gather3A_1053, %gather3A_1054, %gather3A_1055] : memref<8x64x128xf32, #tpu.memory_space<vmem>> -> memref<1x64x128xf32, #tpu.memory_space<vmem>>
      %gather3A_1057 = tpu.memref_squeeze %gather3A_1056 : memref<1x64x128xf32, #tpu.memory_space<vmem>> -> memref<64x128xf32, #tpu.memory_space<vmem>>
      %gather3A_1058 = tpu.vector_load_idx %gather3A_1057[%add3A_7, %mul3A_1042] : memref<64x128xf32, #tpu.memory_space<vmem>>[vector<16xi32>, vector<16xi32>], vector<16xf32>,
      tpu.vector_store_idx %arg14[%add3A_7, %mul3A_1046], %gather3A_1058 : memref<64x128xf32, #tpu.memory_space<vmem>>[vector<16xi32>, vector<16xi32>], vector<16xf32>,
      %gather3A_1059 = arith.constant 3 : i32
      %gather3A_1060 = arith.constant 0 : i32
      %gather3A_1061 = arith.constant 0 : i32
      %gather3A_1062 = tpu.memref_slice %arg11[%gather3A_1059, %gather3A_1060, %gather3A_1061] : memref<8x64x128xf32, #tpu.memory_space<vmem>> -> memref<1x64x128xf32, #tpu.memory_space<vmem>>
      %gather3A_1063 = tpu.memref_squeeze %gather3A_1062 : memref<1x64x128xf32, #tpu.memory_space<vmem>> -> memref<64x128xf32, #tpu.memory_space<vmem>>
      %gather3A_1064 = tpu.vector_load_idx %gather3A_1063[%add3A_11, %mul3A_1042] : memref<64x128xf32, #tpu.memory_space<vmem>>[vector<16xi32>, vector<16xi32>], vector<16xf32>,
      tpu.vector_store_idx %arg14[%add3A_11, %mul3A_1046], %gather3A_1064 : memref<64x128xf32, #tpu.memory_space<vmem>>[vector<16xi32>, vector<16xi32>], vector<16xf32>,
      %gather3A_1065 = arith.constant 3 : i32
      %gather3A_1066 = arith.constant 0 : i32
      %gather3A_1067 = arith.constant 0 : i32
      %gather3A_1068 = tpu.memref_slice %arg11[%gather3A_1065, %gather3A_1066, %gather3A_1067] : memref<8x64x128xf32, #tpu.memory_space<vmem>> -> memref<1x64x128xf32, #tpu.memory_space<vmem>>
      %gather3A_1069 = tpu.memref_squeeze %gather3A_1068 : memref<1x64x128xf32, #tpu.memory_space<vmem>> -> memref<64x128xf32, #tpu.memory_space<vmem>>
      %gather3A_1070 = tpu.vector_load_idx %gather3A_1069[%add3A_15, %mul3A_1042] : memref<64x128xf32, #tpu.memory_space<vmem>>[vector<16xi32>, vector<16xi32>], vector<16xf32>,
      tpu.vector_store_idx %arg14[%add3A_15, %mul3A_1046], %gather3A_1070 : memref<64x128xf32, #tpu.memory_space<vmem>>[vector<16xi32>, vector<16xi32>], vector<16xf32>,
      %mul3A_1071 = arith.constant 16 : i32
      %mul3A_1072 = arith.muli %scan3A_43, %mul3A_1071 : i32
      %add3A_1073 = arith.constant 8 : i32
      %add3A_1074 = arith.addi %mul3A_1072, %add3A_1073 : i32
      %add3A_1075 = arith.constant 4 : i32
      %add3A_1076 = arith.addi %add3A_1074, %add3A_1075 : i32
      %slice3A_1077 = vector.extract_strided_slice %get3A_47 {offsets = [12], sizes = [1], strides = [1]} : vector<16xi32> to vector<1xi32>
      %squeeze3A_1078 = vector.extract %slice3A_1077[0] : i32 from vector<1xi32>
      %broadcast_in_dim3A_1079 = arith.constant 1 : i32
      %broadcast_in_dim3A_1080 = vector.broadcast %broadcast_in_dim3A_1079 : i32 to vector<16xi32>
      %and3A_1081 = arith.constant 127 : i32
      %and3A_1082 = arith.andi %squeeze3A_1078, %and3A_1081 : i32
      %mul3A_1083 = vector.broadcast %and3A_1082 : i32 to vector<16xi32>
      %mul3A_1084 = arith.muli %broadcast_in_dim3A_1080, %mul3A_1083 : vector<16xi32>
      %broadcast_in_dim3A_1085 = arith.constant 1 : i32
      %broadcast_in_dim3A_1086 = vector.broadcast %broadcast_in_dim3A_1085 : i32 to vector<16xi32>
      %mul3A_1087 = vector.broadcast %add3A_1076 : i32 to vector<16xi32>
      %mul3A_1088 = arith.muli %broadcast_in_dim3A_1086, %mul3A_1087 : vector<16xi32>
      %gather3A_1089 = arith.constant 4 : i32
      %gather3A_1090 = arith.constant 0 : i32
      %gather3A_1091 = arith.constant 0 : i32
      %gather3A_1092 = tpu.memref_slice %arg11[%gather3A_1089, %gather3A_1090, %gather3A_1091] : memref<8x64x128xf32, #tpu.memory_space<vmem>> -> memref<1x64x128xf32, #tpu.memory_space<vmem>>
      %gather3A_1093 = tpu.memref_squeeze %gather3A_1092 : memref<1x64x128xf32, #tpu.memory_space<vmem>> -> memref<64x128xf32, #tpu.memory_space<vmem>>
      %gather3A_1094 = tpu.vector_load_idx %gather3A_1093[%add3A_3, %mul3A_1084] : memref<64x128xf32, #tpu.memory_space<vmem>>[vector<16xi32>, vector<16xi32>], vector<16xf32>,
      tpu.vector_store_idx %arg14[%add3A_3, %mul3A_1088], %gather3A_1094 : memref<64x128xf32, #tpu.memory_space<vmem>>[vector<16xi32>, vector<16xi32>], vector<16xf32>,
      %gather3A_1095 = arith.constant 4 : i32
      %gather3A_1096 = arith.constant 0 : i32
      %gather3A_1097 = arith.constant 0 : i32
      %gather3A_1098 = tpu.memref_slice %arg11[%gather3A_1095, %gather3A_1096, %gather3A_1097] : memref<8x64x128xf32, #tpu.memory_space<vmem>> -> memref<1x64x128xf32, #tpu.memory_space<vmem>>
      %gather3A_1099 = tpu.memref_squeeze %gather3A_1098 : memref<1x64x128xf32, #tpu.memory_space<vmem>> -> memref<64x128xf32, #tpu.memory_space<vmem>>
      %gather3A_1100 = tpu.vector_load_idx %gather3A_1099[%add3A_7, %mul3A_1084] : memref<64x128xf32, #tpu.memory_space<vmem>>[vector<16xi32>, vector<16xi32>], vector<16xf32>,
      tpu.vector_store_idx %arg14[%add3A_7, %mul3A_1088], %gather3A_1100 : memref<64x128xf32, #tpu.memory_space<vmem>>[vector<16xi32>, vector<16xi32>], vector<16xf32>,
      %gather3A_1101 = arith.constant 4 : i32
      %gather3A_1102 = arith.constant 0 : i32
      %gather3A_1103 = arith.constant 0 : i32
      %gather3A_1104 = tpu.memref_slice %arg11[%gather3A_1101, %gather3A_1102, %gather3A_1103] : memref<8x64x128xf32, #tpu.memory_space<vmem>> -> memref<1x64x128xf32, #tpu.memory_space<vmem>>
      %gather3A_1105 = tpu.memref_squeeze %gather3A_1104 : memref<1x64x128xf32, #tpu.memory_space<vmem>> -> memref<64x128xf32, #tpu.memory_space<vmem>>
      %gather3A_1106 = tpu.vector_load_idx %gather3A_1105[%add3A_11, %mul3A_1084] : memref<64x128xf32, #tpu.memory_space<vmem>>[vector<16xi32>, vector<16xi32>], vector<16xf32>,
      tpu.vector_store_idx %arg14[%add3A_11, %mul3A_1088], %gather3A_1106 : memref<64x128xf32, #tpu.memory_space<vmem>>[vector<16xi32>, vector<16xi32>], vector<16xf32>,
      %gather3A_1107 = arith.constant 4 : i32
      %gather3A_1108 = arith.constant 0 : i32
      %gather3A_1109 = arith.constant 0 : i32
      %gather3A_1110 = tpu.memref_slice %arg11[%gather3A_1107, %gather3A_1108, %gather3A_1109] : memref<8x64x128xf32, #tpu.memory_space<vmem>> -> memref<1x64x128xf32, #tpu.memory_space<vmem>>
      %gather3A_1111 = tpu.memref_squeeze %gather3A_1110 : memref<1x64x128xf32, #tpu.memory_space<vmem>> -> memref<64x128xf32, #tpu.memory_space<vmem>>
      %gather3A_1112 = tpu.vector_load_idx %gather3A_1111[%add3A_15, %mul3A_1084] : memref<64x128xf32, #tpu.memory_space<vmem>>[vector<16xi32>, vector<16xi32>], vector<16xf32>,
      tpu.vector_store_idx %arg14[%add3A_15, %mul3A_1088], %gather3A_1112 : memref<64x128xf32, #tpu.memory_space<vmem>>[vector<16xi32>, vector<16xi32>], vector<16xf32>,
      %mul3A_1113 = arith.constant 16 : i32
      %mul3A_1114 = arith.muli %scan3A_43, %mul3A_1113 : i32
      %add3A_1115 = arith.constant 8 : i32
      %add3A_1116 = arith.addi %mul3A_1114, %add3A_1115 : i32
      %add3A_1117 = arith.constant 5 : i32
      %add3A_1118 = arith.addi %add3A_1116, %add3A_1117 : i32
      %slice3A_1119 = vector.extract_strided_slice %get3A_47 {offsets = [13], sizes = [1], strides = [1]} : vector<16xi32> to vector<1xi32>
      %squeeze3A_1120 = vector.extract %slice3A_1119[0] : i32 from vector<1xi32>
      %broadcast_in_dim3A_1121 = arith.constant 1 : i32
      %broadcast_in_dim3A_1122 = vector.broadcast %broadcast_in_dim3A_1121 : i32 to vector<16xi32>
      %and3A_1123 = arith.constant 127 : i32
      %and3A_1124 = arith.andi %squeeze3A_1120, %and3A_1123 : i32
      %mul3A_1125 = vector.broadcast %and3A_1124 : i32 to vector<16xi32>
      %mul3A_1126 = arith.muli %broadcast_in_dim3A_1122, %mul3A_1125 : vector<16xi32>
      %broadcast_in_dim3A_1127 = arith.constant 1 : i32
      %broadcast_in_dim3A_1128 = vector.broadcast %broadcast_in_dim3A_1127 : i32 to vector<16xi32>
      %mul3A_1129 = vector.broadcast %add3A_1118 : i32 to vector<16xi32>
      %mul3A_1130 = arith.muli %broadcast_in_dim3A_1128, %mul3A_1129 : vector<16xi32>
      %gather3A_1131 = arith.constant 5 : i32
      %gather3A_1132 = arith.constant 0 : i32
      %gather3A_1133 = arith.constant 0 : i32
      %gather3A_1134 = tpu.memref_slice %arg11[%gather3A_1131, %gather3A_1132, %gather3A_1133] : memref<8x64x128xf32, #tpu.memory_space<vmem>> -> memref<1x64x128xf32, #tpu.memory_space<vmem>>
      %gather3A_1135 = tpu.memref_squeeze %gather3A_1134 : memref<1x64x128xf32, #tpu.memory_space<vmem>> -> memref<64x128xf32, #tpu.memory_space<vmem>>
      %gather3A_1136 = tpu.vector_load_idx %gather3A_1135[%add3A_3, %mul3A_1126] : memref<64x128xf32, #tpu.memory_space<vmem>>[vector<16xi32>, vector<16xi32>], vector<16xf32>,
      tpu.vector_store_idx %arg14[%add3A_3, %mul3A_1130], %gather3A_1136 : memref<64x128xf32, #tpu.memory_space<vmem>>[vector<16xi32>, vector<16xi32>], vector<16xf32>,
      %gather3A_1137 = arith.constant 5 : i32
      %gather3A_1138 = arith.constant 0 : i32
      %gather3A_1139 = arith.constant 0 : i32
      %gather3A_1140 = tpu.memref_slice %arg11[%gather3A_1137, %gather3A_1138, %gather3A_1139] : memref<8x64x128xf32, #tpu.memory_space<vmem>> -> memref<1x64x128xf32, #tpu.memory_space<vmem>>
      %gather3A_1141 = tpu.memref_squeeze %gather3A_1140 : memref<1x64x128xf32, #tpu.memory_space<vmem>> -> memref<64x128xf32, #tpu.memory_space<vmem>>
      %gather3A_1142 = tpu.vector_load_idx %gather3A_1141[%add3A_7, %mul3A_1126] : memref<64x128xf32, #tpu.memory_space<vmem>>[vector<16xi32>, vector<16xi32>], vector<16xf32>,
      tpu.vector_store_idx %arg14[%add3A_7, %mul3A_1130], %gather3A_1142 : memref<64x128xf32, #tpu.memory_space<vmem>>[vector<16xi32>, vector<16xi32>], vector<16xf32>,
      %gather3A_1143 = arith.constant 5 : i32
      %gather3A_1144 = arith.constant 0 : i32
      %gather3A_1145 = arith.constant 0 : i32
      %gather3A_1146 = tpu.memref_slice %arg11[%gather3A_1143, %gather3A_1144, %gather3A_1145] : memref<8x64x128xf32, #tpu.memory_space<vmem>> -> memref<1x64x128xf32, #tpu.memory_space<vmem>>
      %gather3A_1147 = tpu.memref_squeeze %gather3A_1146 : memref<1x64x128xf32, #tpu.memory_space<vmem>> -> memref<64x128xf32, #tpu.memory_space<vmem>>
      %gather3A_1148 = tpu.vector_load_idx %gather3A_1147[%add3A_11, %mul3A_1126] : memref<64x128xf32, #tpu.memory_space<vmem>>[vector<16xi32>, vector<16xi32>], vector<16xf32>,
      tpu.vector_store_idx %arg14[%add3A_11, %mul3A_1130], %gather3A_1148 : memref<64x128xf32, #tpu.memory_space<vmem>>[vector<16xi32>, vector<16xi32>], vector<16xf32>,
      %gather3A_1149 = arith.constant 5 : i32
      %gather3A_1150 = arith.constant 0 : i32
      %gather3A_1151 = arith.constant 0 : i32
      %gather3A_1152 = tpu.memref_slice %arg11[%gather3A_1149, %gather3A_1150, %gather3A_1151] : memref<8x64x128xf32, #tpu.memory_space<vmem>> -> memref<1x64x128xf32, #tpu.memory_space<vmem>>
      %gather3A_1153 = tpu.memref_squeeze %gather3A_1152 : memref<1x64x128xf32, #tpu.memory_space<vmem>> -> memref<64x128xf32, #tpu.memory_space<vmem>>
      %gather3A_1154 = tpu.vector_load_idx %gather3A_1153[%add3A_15, %mul3A_1126] : memref<64x128xf32, #tpu.memory_space<vmem>>[vector<16xi32>, vector<16xi32>], vector<16xf32>,
      tpu.vector_store_idx %arg14[%add3A_15, %mul3A_1130], %gather3A_1154 : memref<64x128xf32, #tpu.memory_space<vmem>>[vector<16xi32>, vector<16xi32>], vector<16xf32>,
      %mul3A_1155 = arith.constant 16 : i32
      %mul3A_1156 = arith.muli %scan3A_43, %mul3A_1155 : i32
      %add3A_1157 = arith.constant 8 : i32
      %add3A_1158 = arith.addi %mul3A_1156, %add3A_1157 : i32
      %add3A_1159 = arith.constant 6 : i32
      %add3A_1160 = arith.addi %add3A_1158, %add3A_1159 : i32
      %slice3A_1161 = vector.extract_strided_slice %get3A_47 {offsets = [14], sizes = [1], strides = [1]} : vector<16xi32> to vector<1xi32>
      %squeeze3A_1162 = vector.extract %slice3A_1161[0] : i32 from vector<1xi32>
      %broadcast_in_dim3A_1163 = arith.constant 1 : i32
      %broadcast_in_dim3A_1164 = vector.broadcast %broadcast_in_dim3A_1163 : i32 to vector<16xi32>
      %and3A_1165 = arith.constant 127 : i32
      %and3A_1166 = arith.andi %squeeze3A_1162, %and3A_1165 : i32
      %mul3A_1167 = vector.broadcast %and3A_1166 : i32 to vector<16xi32>
      %mul3A_1168 = arith.muli %broadcast_in_dim3A_1164, %mul3A_1167 : vector<16xi32>
      %broadcast_in_dim3A_1169 = arith.constant 1 : i32
      %broadcast_in_dim3A_1170 = vector.broadcast %broadcast_in_dim3A_1169 : i32 to vector<16xi32>
      %mul3A_1171 = vector.broadcast %add3A_1160 : i32 to vector<16xi32>
      %mul3A_1172 = arith.muli %broadcast_in_dim3A_1170, %mul3A_1171 : vector<16xi32>
      %gather3A_1173 = arith.constant 6 : i32
      %gather3A_1174 = arith.constant 0 : i32
      %gather3A_1175 = arith.constant 0 : i32
      %gather3A_1176 = tpu.memref_slice %arg11[%gather3A_1173, %gather3A_1174, %gather3A_1175] : memref<8x64x128xf32, #tpu.memory_space<vmem>> -> memref<1x64x128xf32, #tpu.memory_space<vmem>>
      %gather3A_1177 = tpu.memref_squeeze %gather3A_1176 : memref<1x64x128xf32, #tpu.memory_space<vmem>> -> memref<64x128xf32, #tpu.memory_space<vmem>>
      %gather3A_1178 = tpu.vector_load_idx %gather3A_1177[%add3A_3, %mul3A_1168] : memref<64x128xf32, #tpu.memory_space<vmem>>[vector<16xi32>, vector<16xi32>], vector<16xf32>,
      tpu.vector_store_idx %arg14[%add3A_3, %mul3A_1172], %gather3A_1178 : memref<64x128xf32, #tpu.memory_space<vmem>>[vector<16xi32>, vector<16xi32>], vector<16xf32>,
      %gather3A_1179 = arith.constant 6 : i32
      %gather3A_1180 = arith.constant 0 : i32
      %gather3A_1181 = arith.constant 0 : i32
      %gather3A_1182 = tpu.memref_slice %arg11[%gather3A_1179, %gather3A_1180, %gather3A_1181] : memref<8x64x128xf32, #tpu.memory_space<vmem>> -> memref<1x64x128xf32, #tpu.memory_space<vmem>>
      %gather3A_1183 = tpu.memref_squeeze %gather3A_1182 : memref<1x64x128xf32, #tpu.memory_space<vmem>> -> memref<64x128xf32, #tpu.memory_space<vmem>>
      %gather3A_1184 = tpu.vector_load_idx %gather3A_1183[%add3A_7, %mul3A_1168] : memref<64x128xf32, #tpu.memory_space<vmem>>[vector<16xi32>, vector<16xi32>], vector<16xf32>,
      tpu.vector_store_idx %arg14[%add3A_7, %mul3A_1172], %gather3A_1184 : memref<64x128xf32, #tpu.memory_space<vmem>>[vector<16xi32>, vector<16xi32>], vector<16xf32>,
      %gather3A_1185 = arith.constant 6 : i32
      %gather3A_1186 = arith.constant 0 : i32
      %gather3A_1187 = arith.constant 0 : i32
      %gather3A_1188 = tpu.memref_slice %arg11[%gather3A_1185, %gather3A_1186, %gather3A_1187] : memref<8x64x128xf32, #tpu.memory_space<vmem>> -> memref<1x64x128xf32, #tpu.memory_space<vmem>>
      %gather3A_1189 = tpu.memref_squeeze %gather3A_1188 : memref<1x64x128xf32, #tpu.memory_space<vmem>> -> memref<64x128xf32, #tpu.memory_space<vmem>>
      %gather3A_1190 = tpu.vector_load_idx %gather3A_1189[%add3A_11, %mul3A_1168] : memref<64x128xf32, #tpu.memory_space<vmem>>[vector<16xi32>, vector<16xi32>], vector<16xf32>,
      tpu.vector_store_idx %arg14[%add3A_11, %mul3A_1172], %gather3A_1190 : memref<64x128xf32, #tpu.memory_space<vmem>>[vector<16xi32>, vector<16xi32>], vector<16xf32>,
      %gather3A_1191 = arith.constant 6 : i32
      %gather3A_1192 = arith.constant 0 : i32
      %gather3A_1193 = arith.constant 0 : i32
      %gather3A_1194 = tpu.memref_slice %arg11[%gather3A_1191, %gather3A_1192, %gather3A_1193] : memref<8x64x128xf32, #tpu.memory_space<vmem>> -> memref<1x64x128xf32, #tpu.memory_space<vmem>>
      %gather3A_1195 = tpu.memref_squeeze %gather3A_1194 : memref<1x64x128xf32, #tpu.memory_space<vmem>> -> memref<64x128xf32, #tpu.memory_space<vmem>>
      %gather3A_1196 = tpu.vector_load_idx %gather3A_1195[%add3A_15, %mul3A_1168] : memref<64x128xf32, #tpu.memory_space<vmem>>[vector<16xi32>, vector<16xi32>], vector<16xf32>,
      tpu.vector_store_idx %arg14[%add3A_15, %mul3A_1172], %gather3A_1196 : memref<64x128xf32, #tpu.memory_space<vmem>>[vector<16xi32>, vector<16xi32>], vector<16xf32>,
      %mul3A_1197 = arith.constant 16 : i32
      %mul3A_1198 = arith.muli %scan3A_43, %mul3A_1197 : i32
      %add3A_1199 = arith.constant 8 : i32
      %add3A_1200 = arith.addi %mul3A_1198, %add3A_1199 : i32
      %add3A_1201 = arith.constant 7 : i32
      %add3A_1202 = arith.addi %add3A_1200, %add3A_1201 : i32
      %slice3A_1203 = vector.extract_strided_slice %get3A_47 {offsets = [15], sizes = [1], strides = [1]} : vector<16xi32> to vector<1xi32>
      %squeeze3A_1204 = vector.extract %slice3A_1203[0] : i32 from vector<1xi32>
      %broadcast_in_dim3A_1205 = arith.constant 1 : i32
      %broadcast_in_dim3A_1206 = vector.broadcast %broadcast_in_dim3A_1205 : i32 to vector<16xi32>
      %and3A_1207 = arith.constant 127 : i32
      %and3A_1208 = arith.andi %squeeze3A_1204, %and3A_1207 : i32
      %mul3A_1209 = vector.broadcast %and3A_1208 : i32 to vector<16xi32>
      %mul3A_1210 = arith.muli %broadcast_in_dim3A_1206, %mul3A_1209 : vector<16xi32>
      %broadcast_in_dim3A_1211 = arith.constant 1 : i32
      %broadcast_in_dim3A_1212 = vector.broadcast %broadcast_in_dim3A_1211 : i32 to vector<16xi32>
      %mul3A_1213 = vector.broadcast %add3A_1202 : i32 to vector<16xi32>
      %mul3A_1214 = arith.muli %broadcast_in_dim3A_1212, %mul3A_1213 : vector<16xi32>
      %gather3A_1215 = arith.constant 7 : i32
      %gather3A_1216 = arith.constant 0 : i32
      %gather3A_1217 = arith.constant 0 : i32
      %gather3A_1218 = tpu.memref_slice %arg11[%gather3A_1215, %gather3A_1216, %gather3A_1217] : memref<8x64x128xf32, #tpu.memory_space<vmem>> -> memref<1x64x128xf32, #tpu.memory_space<vmem>>
      %gather3A_1219 = tpu.memref_squeeze %gather3A_1218 : memref<1x64x128xf32, #tpu.memory_space<vmem>> -> memref<64x128xf32, #tpu.memory_space<vmem>>
      %gather3A_1220 = tpu.vector_load_idx %gather3A_1219[%add3A_3, %mul3A_1210] : memref<64x128xf32, #tpu.memory_space<vmem>>[vector<16xi32>, vector<16xi32>], vector<16xf32>,
      tpu.vector_store_idx %arg14[%add3A_3, %mul3A_1214], %gather3A_1220 : memref<64x128xf32, #tpu.memory_space<vmem>>[vector<16xi32>, vector<16xi32>], vector<16xf32>,
      %gather3A_1221 = arith.constant 7 : i32
      %gather3A_1222 = arith.constant 0 : i32
      %gather3A_1223 = arith.constant 0 : i32
      %gather3A_1224 = tpu.memref_slice %arg11[%gather3A_1221, %gather3A_1222, %gather3A_1223] : memref<8x64x128xf32, #tpu.memory_space<vmem>> -> memref<1x64x128xf32, #tpu.memory_space<vmem>>
      %gather3A_1225 = tpu.memref_squeeze %gather3A_1224 : memref<1x64x128xf32, #tpu.memory_space<vmem>> -> memref<64x128xf32, #tpu.memory_space<vmem>>
      %gather3A_1226 = tpu.vector_load_idx %gather3A_1225[%add3A_7, %mul3A_1210] : memref<64x128xf32, #tpu.memory_space<vmem>>[vector<16xi32>, vector<16xi32>], vector<16xf32>,
      tpu.vector_store_idx %arg14[%add3A_7, %mul3A_1214], %gather3A_1226 : memref<64x128xf32, #tpu.memory_space<vmem>>[vector<16xi32>, vector<16xi32>], vector<16xf32>,
      %gather3A_1227 = arith.constant 7 : i32
      %gather3A_1228 = arith.constant 0 : i32
      %gather3A_1229 = arith.constant 0 : i32
      %gather3A_1230 = tpu.memref_slice %arg11[%gather3A_1227, %gather3A_1228, %gather3A_1229] : memref<8x64x128xf32, #tpu.memory_space<vmem>> -> memref<1x64x128xf32, #tpu.memory_space<vmem>>
      %gather3A_1231 = tpu.memref_squeeze %gather3A_1230 : memref<1x64x128xf32, #tpu.memory_space<vmem>> -> memref<64x128xf32, #tpu.memory_space<vmem>>
      %gather3A_1232 = tpu.vector_load_idx %gather3A_1231[%add3A_11, %mul3A_1210] : memref<64x128xf32, #tpu.memory_space<vmem>>[vector<16xi32>, vector<16xi32>], vector<16xf32>,
      tpu.vector_store_idx %arg14[%add3A_11, %mul3A_1214], %gather3A_1232 : memref<64x128xf32, #tpu.memory_space<vmem>>[vector<16xi32>, vector<16xi32>], vector<16xf32>,
      %gather3A_1233 = arith.constant 7 : i32
      %gather3A_1234 = arith.constant 0 : i32
      %gather3A_1235 = arith.constant 0 : i32
      %gather3A_1236 = tpu.memref_slice %arg11[%gather3A_1233, %gather3A_1234, %gather3A_1235] : memref<8x64x128xf32, #tpu.memory_space<vmem>> -> memref<1x64x128xf32, #tpu.memory_space<vmem>>
      %gather3A_1237 = tpu.memref_squeeze %gather3A_1236 : memref<1x64x128xf32, #tpu.memory_space<vmem>> -> memref<64x128xf32, #tpu.memory_space<vmem>>
      %gather3A_1238 = tpu.vector_load_idx %gather3A_1237[%add3A_15, %mul3A_1210] : memref<64x128xf32, #tpu.memory_space<vmem>>[vector<16xi32>, vector<16xi32>], vector<16xf32>,
      tpu.vector_store_idx %arg14[%add3A_15, %mul3A_1214], %gather3A_1238 : memref<64x128xf32, #tpu.memory_space<vmem>>[vector<16xi32>, vector<16xi32>], vector<16xf32>,
      %scan3A_1239 = arith.constant 0 : i32
      scf.yield %scan3A_1239 : i32
    }
    %scan3A_21 = arith.constant 8 : i32
    "tpu.region"() ({
      %run_scoped3A = tpu.sem_alloc : memref<!tpu.dma_semaphore, #tpu.memory_space<semaphore_mem>>
      %dma_start3A = arith.constant 0 : i32
      %dma_start3A_43 = arith.constant 0 : i32
      %dma_start3A_44 = tpu.memref_slice %arg8[%add3A, %dma_start3A, %dma_start3A_43] : memref<32x64x128xf32, #tpu.memory_space<hbm>> -> memref<1x64x128xf32, #tpu.memory_space<hbm>>
      %dma_start3A_45 = tpu.memref_squeeze %dma_start3A_44 : memref<1x64x128xf32, #tpu.memory_space<hbm>> -> memref<64x128xf32, #tpu.memory_space<hbm>>
      %dma_start3A_46 = arith.constant 0 : i32
      %dma_start3A_47 = arith.constant 0 : i32
      %dma_start3A_48 = tpu.memref_slice %arg8[%add3A, %dma_start3A_46, %dma_start3A_47] : memref<32x64x128xf32, #tpu.memory_space<hbm>> -> memref<1x64x128xf32, #tpu.memory_space<hbm>>
      %dma_start3A_49 = tpu.memref_squeeze %dma_start3A_48 : memref<1x64x128xf32, #tpu.memory_space<hbm>> -> memref<64x128xf32, #tpu.memory_space<hbm>>
      tpu.enqueue_dma source(%arg14 : memref<64x128xf32, #tpu.memory_space<vmem>>) target(%dma_start3A_49 : memref<64x128xf32, #tpu.memory_space<hbm>>) target_semaphore(%run_scoped3A : memref<!tpu.dma_semaphore, #tpu.memory_space<semaphore_mem>>)
      %dma_wait3A = arith.constant 0 : i32
      %dma_wait3A_50 = arith.constant 0 : i32
      %dma_wait3A_51 = tpu.memref_slice %arg8[%add3A, %dma_wait3A, %dma_wait3A_50] : memref<32x64x128xf32, #tpu.memory_space<hbm>> -> memref<1x64x128xf32, #tpu.memory_space<hbm>>
      %dma_wait3A_52 = tpu.memref_squeeze %dma_wait3A_51 : memref<1x64x128xf32, #tpu.memory_space<hbm>> -> memref<64x128xf32, #tpu.memory_space<hbm>>
      %dma_wait3A_53 = arith.constant 0 : i32
      %dma_wait3A_54 = arith.constant 0 : i32
      %dma_wait3A_55 = tpu.memref_slice %arg8[%add3A, %dma_wait3A_53, %dma_wait3A_54] : memref<32x64x128xf32, #tpu.memory_space<hbm>> -> memref<1x64x128xf32, #tpu.memory_space<hbm>>
      %dma_wait3A_56 = tpu.memref_squeeze %dma_wait3A_55 : memref<1x64x128xf32, #tpu.memory_space<hbm>> -> memref<64x128xf32, #tpu.memory_space<hbm>>
      tpu.wait_dma2 semaphore(%run_scoped3A : memref<!tpu.dma_semaphore, #tpu.memory_space<semaphore_mem>>) src(%arg14 : memref<64x128xf32, #tpu.memory_space<vmem>>) dst(%dma_wait3A_56 : memref<64x128xf32, #tpu.memory_space<hbm>>)
      tpu.yield
    }) : () -> ()
    %scan3A_22 = arith.constant 0 : i32
    %scan3A_23 = arith.constant 0 : i32
    %scan3A_24 = arith.constant 8 : i32
    %scan3A_25 = arith.addi %scan3A_23, %scan3A_24 : i32
    %scan3A_26 = arith.constant 1 : i32
    %scan3A_27 = scf.for %scan3A_43 = %scan3A_23 to %scan3A_25 step %scan3A_26 iter_args(%scan3A_44 = %scan3A_22) -> (i32)  : i32 {
      %mul3A_45 = arith.constant 16 : i32
      %mul3A_46 = arith.muli %scan3A_43, %mul3A_45 : i32
      %get3A = arith.index_cast %mul3A_46 : i32 to index
      %get3A_47 = tpu.vector_load %arg9[%get3A] {strides = array<i32>} : memref<128xi32, #tpu.memory_space<vmem>>, vector<16xi32>,
      %slice3A = vector.extract_strided_slice %get3A_47 {offsets = [0], sizes = [1], strides = [1]} : vector<16xi32> to vector<1xi32>
      %squeeze3A = vector.extract %slice3A[0] : i32 from vector<1xi32>
      %shift_right_arithmetic3A = arith.constant 7 : i32
      %shift_right_arithmetic3A_48 = arith.shrsi %squeeze3A, %shift_right_arithmetic3A : i32
      %mul3A_49 = arith.constant 128 : i32
      %mul3A_50 = arith.muli %shift_right_arithmetic3A_48, %mul3A_49 : i32
      %multiple_of3A = tpu.assume_multiple %mul3A_50, 128 : i32
      %dma_start3A = arith.constant 0 : i32
      %dma_start3A_51 = arith.constant 0 : i32
      %dma_start3A_52 = arith.constant 0 : i32
      %dma_start3A_53 = tpu.memref_slice %arg11[%dma_start3A, %dma_start3A_51, %dma_start3A_52] : memref<8x64x128xf32, #tpu.memory_space<vmem>> -> memref<1x64x128xf32, #tpu.memory_space<vmem>>
      %dma_start3A_54 = tpu.memref_squeeze %dma_start3A_53 : memref<1x64x128xf32, #tpu.memory_space<vmem>> -> memref<64x128xf32, #tpu.memory_space<vmem>>
      %dma_start3A_55 = arith.constant 0 : i32
      %dma_start3A_56 = tpu.memref_slice %arg4[%dma_start3A_55, %multiple_of3A] : memref<64x1000000xf32, #tpu.memory_space<hbm>> -> memref<64x128xf32, #tpu.memory_space<hbm>>
      %dma_start3A_57 = arith.constant 0 : i32
      %dma_start3A_58 = arith.constant 0 : i32
      %dma_start3A_59 = tpu.memref_slice %arg11[%dma_start3A, %dma_start3A_57, %dma_start3A_58] : memref<8x64x128xf32, #tpu.memory_space<vmem>> -> memref<1x64x128xf32, #tpu.memory_space<vmem>>
      %dma_start3A_60 = tpu.memref_squeeze %dma_start3A_59 : memref<1x64x128xf32, #tpu.memory_space<vmem>> -> memref<64x128xf32, #tpu.memory_space<vmem>>
      %dma_start3A_61 = arith.constant 0 : i32
      %dma_start3A_62 = tpu.memref_slice %arg4[%dma_start3A_61, %multiple_of3A] : memref<64x1000000xf32, #tpu.memory_space<hbm>> -> memref<64x128xf32, #tpu.memory_space<hbm>>
      tpu.enqueue_dma source(%dma_start3A_62 : memref<64x128xf32, #tpu.memory_space<hbm>>) target(%dma_start3A_60 : memref<64x128xf32, #tpu.memory_space<vmem>>) target_semaphore(%arg15 : memref<!tpu.dma_semaphore, #tpu.memory_space<semaphore_mem>>)
      %slice3A_63 = vector.extract_strided_slice %get3A_47 {offsets = [1], sizes = [1], strides = [1]} : vector<16xi32> to vector<1xi32>
      %squeeze3A_64 = vector.extract %slice3A_63[0] : i32 from vector<1xi32>
      %shift_right_arithmetic3A_65 = arith.constant 7 : i32
      %shift_right_arithmetic3A_66 = arith.shrsi %squeeze3A_64, %shift_right_arithmetic3A_65 : i32
      %mul3A_67 = arith.constant 128 : i32
      %mul3A_68 = arith.muli %shift_right_arithmetic3A_66, %mul3A_67 : i32
      %multiple_of3A_69 = tpu.assume_multiple %mul3A_68, 128 : i32
      %dma_start3A_70 = arith.constant 1 : i32
      %dma_start3A_71 = arith.constant 0 : i32
      %dma_start3A_72 = arith.constant 0 : i32
      %dma_start3A_73 = tpu.memref_slice %arg11[%dma_start3A_70, %dma_start3A_71, %dma_start3A_72] : memref<8x64x128xf32, #tpu.memory_space<vmem>> -> memref<1x64x128xf32, #tpu.memory_space<vmem>>
      %dma_start3A_74 = tpu.memref_squeeze %dma_start3A_73 : memref<1x64x128xf32, #tpu.memory_space<vmem>> -> memref<64x128xf32, #tpu.memory_space<vmem>>
      %dma_start3A_75 = arith.constant 0 : i32
      %dma_start3A_76 = tpu.memref_slice %arg4[%dma_start3A_75, %multiple_of3A_69] : memref<64x1000000xf32, #tpu.memory_space<hbm>> -> memref<64x128xf32, #tpu.memory_space<hbm>>
      %dma_start3A_77 = arith.constant 0 : i32
      %dma_start3A_78 = arith.constant 0 : i32
      %dma_start3A_79 = tpu.memref_slice %arg11[%dma_start3A_70, %dma_start3A_77, %dma_start3A_78] : memref<8x64x128xf32, #tpu.memory_space<vmem>> -> memref<1x64x128xf32, #tpu.memory_space<vmem>>
      %dma_start3A_80 = tpu.memref_squeeze %dma_start3A_79 : memref<1x64x128xf32, #tpu.memory_space<vmem>> -> memref<64x128xf32, #tpu.memory_space<vmem>>
      %dma_start3A_81 = arith.constant 0 : i32
      %dma_start3A_82 = tpu.memref_slice %arg4[%dma_start3A_81, %multiple_of3A_69] : memref<64x1000000xf32, #tpu.memory_space<hbm>> -> memref<64x128xf32, #tpu.memory_space<hbm>>
      tpu.enqueue_dma source(%dma_start3A_82 : memref<64x128xf32, #tpu.memory_space<hbm>>) target(%dma_start3A_80 : memref<64x128xf32, #tpu.memory_space<vmem>>) target_semaphore(%arg15 : memref<!tpu.dma_semaphore, #tpu.memory_space<semaphore_mem>>)
      %slice3A_83 = vector.extract_strided_slice %get3A_47 {offsets = [2], sizes = [1], strides = [1]} : vector<16xi32> to vector<1xi32>
      %squeeze3A_84 = vector.extract %slice3A_83[0] : i32 from vector<1xi32>
      %shift_right_arithmetic3A_85 = arith.constant 7 : i32
      %shift_right_arithmetic3A_86 = arith.shrsi %squeeze3A_84, %shift_right_arithmetic3A_85 : i32
      %mul3A_87 = arith.constant 128 : i32
      %mul3A_88 = arith.muli %shift_right_arithmetic3A_86, %mul3A_87 : i32
      %multiple_of3A_89 = tpu.assume_multiple %mul3A_88, 128 : i32
      %dma_start3A_90 = arith.constant 2 : i32
      %dma_start3A_91 = arith.constant 0 : i32
      %dma_start3A_92 = arith.constant 0 : i32
      %dma_start3A_93 = tpu.memref_slice %arg11[%dma_start3A_90, %dma_start3A_91, %dma_start3A_92] : memref<8x64x128xf32, #tpu.memory_space<vmem>> -> memref<1x64x128xf32, #tpu.memory_space<vmem>>
      %dma_start3A_94 = tpu.memref_squeeze %dma_start3A_93 : memref<1x64x128xf32, #tpu.memory_space<vmem>> -> memref<64x128xf32, #tpu.memory_space<vmem>>
      %dma_start3A_95 = arith.constant 0 : i32
      %dma_start3A_96 = tpu.memref_slice %arg4[%dma_start3A_95, %multiple_of3A_89] : memref<64x1000000xf32, #tpu.memory_space<hbm>> -> memref<64x128xf32, #tpu.memory_space<hbm>>
      %dma_start3A_97 = arith.constant 0 : i32
      %dma_start3A_98 = arith.constant 0 : i32
      %dma_start3A_99 = tpu.memref_slice %arg11[%dma_start3A_90, %dma_start3A_97, %dma_start3A_98] : memref<8x64x128xf32, #tpu.memory_space<vmem>> -> memref<1x64x128xf32, #tpu.memory_space<vmem>>
      %dma_start3A_100 = tpu.memref_squeeze %dma_start3A_99 : memref<1x64x128xf32, #tpu.memory_space<vmem>> -> memref<64x128xf32, #tpu.memory_space<vmem>>
      %dma_start3A_101 = arith.constant 0 : i32
      %dma_start3A_102 = tpu.memref_slice %arg4[%dma_start3A_101, %multiple_of3A_89] : memref<64x1000000xf32, #tpu.memory_space<hbm>> -> memref<64x128xf32, #tpu.memory_space<hbm>>
      tpu.enqueue_dma source(%dma_start3A_102 : memref<64x128xf32, #tpu.memory_space<hbm>>) target(%dma_start3A_100 : memref<64x128xf32, #tpu.memory_space<vmem>>) target_semaphore(%arg15 : memref<!tpu.dma_semaphore, #tpu.memory_space<semaphore_mem>>)
      %slice3A_103 = vector.extract_strided_slice %get3A_47 {offsets = [3], sizes = [1], strides = [1]} : vector<16xi32> to vector<1xi32>
      %squeeze3A_104 = vector.extract %slice3A_103[0] : i32 from vector<1xi32>
      %shift_right_arithmetic3A_105 = arith.constant 7 : i32
      %shift_right_arithmetic3A_106 = arith.shrsi %squeeze3A_104, %shift_right_arithmetic3A_105 : i32
      %mul3A_107 = arith.constant 128 : i32
      %mul3A_108 = arith.muli %shift_right_arithmetic3A_106, %mul3A_107 : i32
      %multiple_of3A_109 = tpu.assume_multiple %mul3A_108, 128 : i32
      %dma_start3A_110 = arith.constant 3 : i32
      %dma_start3A_111 = arith.constant 0 : i32
      %dma_start3A_112 = arith.constant 0 : i32
      %dma_start3A_113 = tpu.memref_slice %arg11[%dma_start3A_110, %dma_start3A_111, %dma_start3A_112] : memref<8x64x128xf32, #tpu.memory_space<vmem>> -> memref<1x64x128xf32, #tpu.memory_space<vmem>>
      %dma_start3A_114 = tpu.memref_squeeze %dma_start3A_113 : memref<1x64x128xf32, #tpu.memory_space<vmem>> -> memref<64x128xf32, #tpu.memory_space<vmem>>
      %dma_start3A_115 = arith.constant 0 : i32
      %dma_start3A_116 = tpu.memref_slice %arg4[%dma_start3A_115, %multiple_of3A_109] : memref<64x1000000xf32, #tpu.memory_space<hbm>> -> memref<64x128xf32, #tpu.memory_space<hbm>>
      %dma_start3A_117 = arith.constant 0 : i32
      %dma_start3A_118 = arith.constant 0 : i32
      %dma_start3A_119 = tpu.memref_slice %arg11[%dma_start3A_110, %dma_start3A_117, %dma_start3A_118] : memref<8x64x128xf32, #tpu.memory_space<vmem>> -> memref<1x64x128xf32, #tpu.memory_space<vmem>>
      %dma_start3A_120 = tpu.memref_squeeze %dma_start3A_119 : memref<1x64x128xf32, #tpu.memory_space<vmem>> -> memref<64x128xf32, #tpu.memory_space<vmem>>
      %dma_start3A_121 = arith.constant 0 : i32
      %dma_start3A_122 = tpu.memref_slice %arg4[%dma_start3A_121, %multiple_of3A_109] : memref<64x1000000xf32, #tpu.memory_space<hbm>> -> memref<64x128xf32, #tpu.memory_space<hbm>>
      tpu.enqueue_dma source(%dma_start3A_122 : memref<64x128xf32, #tpu.memory_space<hbm>>) target(%dma_start3A_120 : memref<64x128xf32, #tpu.memory_space<vmem>>) target_semaphore(%arg15 : memref<!tpu.dma_semaphore, #tpu.memory_space<semaphore_mem>>)
      %slice3A_123 = vector.extract_strided_slice %get3A_47 {offsets = [4], sizes = [1], strides = [1]} : vector<16xi32> to vector<1xi32>
      %squeeze3A_124 = vector.extract %slice3A_123[0] : i32 from vector<1xi32>
      %shift_right_arithmetic3A_125 = arith.constant 7 : i32
      %shift_right_arithmetic3A_126 = arith.shrsi %squeeze3A_124, %shift_right_arithmetic3A_125 : i32
      %mul3A_127 = arith.constant 128 : i32
      %mul3A_128 = arith.muli %shift_right_arithmetic3A_126, %mul3A_127 : i32
      %multiple_of3A_129 = tpu.assume_multiple %mul3A_128, 128 : i32
      %dma_start3A_130 = arith.constant 4 : i32
      %dma_start3A_131 = arith.constant 0 : i32
      %dma_start3A_132 = arith.constant 0 : i32
      %dma_start3A_133 = tpu.memref_slice %arg11[%dma_start3A_130, %dma_start3A_131, %dma_start3A_132] : memref<8x64x128xf32, #tpu.memory_space<vmem>> -> memref<1x64x128xf32, #tpu.memory_space<vmem>>
      %dma_start3A_134 = tpu.memref_squeeze %dma_start3A_133 : memref<1x64x128xf32, #tpu.memory_space<vmem>> -> memref<64x128xf32, #tpu.memory_space<vmem>>
      %dma_start3A_135 = arith.constant 0 : i32
      %dma_start3A_136 = tpu.memref_slice %arg4[%dma_start3A_135, %multiple_of3A_129] : memref<64x1000000xf32, #tpu.memory_space<hbm>> -> memref<64x128xf32, #tpu.memory_space<hbm>>
      %dma_start3A_137 = arith.constant 0 : i32
      %dma_start3A_138 = arith.constant 0 : i32
      %dma_start3A_139 = tpu.memref_slice %arg11[%dma_start3A_130, %dma_start3A_137, %dma_start3A_138] : memref<8x64x128xf32, #tpu.memory_space<vmem>> -> memref<1x64x128xf32, #tpu.memory_space<vmem>>
      %dma_start3A_140 = tpu.memref_squeeze %dma_start3A_139 : memref<1x64x128xf32, #tpu.memory_space<vmem>> -> memref<64x128xf32, #tpu.memory_space<vmem>>
      %dma_start3A_141 = arith.constant 0 : i32
      %dma_start3A_142 = tpu.memref_slice %arg4[%dma_start3A_141, %multiple_of3A_129] : memref<64x1000000xf32, #tpu.memory_space<hbm>> -> memref<64x128xf32, #tpu.memory_space<hbm>>
      tpu.enqueue_dma source(%dma_start3A_142 : memref<64x128xf32, #tpu.memory_space<hbm>>) target(%dma_start3A_140 : memref<64x128xf32, #tpu.memory_space<vmem>>) target_semaphore(%arg15 : memref<!tpu.dma_semaphore, #tpu.memory_space<semaphore_mem>>)
      %slice3A_143 = vector.extract_strided_slice %get3A_47 {offsets = [5], sizes = [1], strides = [1]} : vector<16xi32> to vector<1xi32>
      %squeeze3A_144 = vector.extract %slice3A_143[0] : i32 from vector<1xi32>
      %shift_right_arithmetic3A_145 = arith.constant 7 : i32
      %shift_right_arithmetic3A_146 = arith.shrsi %squeeze3A_144, %shift_right_arithmetic3A_145 : i32
      %mul3A_147 = arith.constant 128 : i32
      %mul3A_148 = arith.muli %shift_right_arithmetic3A_146, %mul3A_147 : i32
      %multiple_of3A_149 = tpu.assume_multiple %mul3A_148, 128 : i32
      %dma_start3A_150 = arith.constant 5 : i32
      %dma_start3A_151 = arith.constant 0 : i32
      %dma_start3A_152 = arith.constant 0 : i32
      %dma_start3A_153 = tpu.memref_slice %arg11[%dma_start3A_150, %dma_start3A_151, %dma_start3A_152] : memref<8x64x128xf32, #tpu.memory_space<vmem>> -> memref<1x64x128xf32, #tpu.memory_space<vmem>>
      %dma_start3A_154 = tpu.memref_squeeze %dma_start3A_153 : memref<1x64x128xf32, #tpu.memory_space<vmem>> -> memref<64x128xf32, #tpu.memory_space<vmem>>
      %dma_start3A_155 = arith.constant 0 : i32
      %dma_start3A_156 = tpu.memref_slice %arg4[%dma_start3A_155, %multiple_of3A_149] : memref<64x1000000xf32, #tpu.memory_space<hbm>> -> memref<64x128xf32, #tpu.memory_space<hbm>>
      %dma_start3A_157 = arith.constant 0 : i32
      %dma_start3A_158 = arith.constant 0 : i32
      %dma_start3A_159 = tpu.memref_slice %arg11[%dma_start3A_150, %dma_start3A_157, %dma_start3A_158] : memref<8x64x128xf32, #tpu.memory_space<vmem>> -> memref<1x64x128xf32, #tpu.memory_space<vmem>>
      %dma_start3A_160 = tpu.memref_squeeze %dma_start3A_159 : memref<1x64x128xf32, #tpu.memory_space<vmem>> -> memref<64x128xf32, #tpu.memory_space<vmem>>
      %dma_start3A_161 = arith.constant 0 : i32
      %dma_start3A_162 = tpu.memref_slice %arg4[%dma_start3A_161, %multiple_of3A_149] : memref<64x1000000xf32, #tpu.memory_space<hbm>> -> memref<64x128xf32, #tpu.memory_space<hbm>>
      tpu.enqueue_dma source(%dma_start3A_162 : memref<64x128xf32, #tpu.memory_space<hbm>>) target(%dma_start3A_160 : memref<64x128xf32, #tpu.memory_space<vmem>>) target_semaphore(%arg15 : memref<!tpu.dma_semaphore, #tpu.memory_space<semaphore_mem>>)
      %slice3A_163 = vector.extract_strided_slice %get3A_47 {offsets = [6], sizes = [1], strides = [1]} : vector<16xi32> to vector<1xi32>
      %squeeze3A_164 = vector.extract %slice3A_163[0] : i32 from vector<1xi32>
      %shift_right_arithmetic3A_165 = arith.constant 7 : i32
      %shift_right_arithmetic3A_166 = arith.shrsi %squeeze3A_164, %shift_right_arithmetic3A_165 : i32
      %mul3A_167 = arith.constant 128 : i32
      %mul3A_168 = arith.muli %shift_right_arithmetic3A_166, %mul3A_167 : i32
      %multiple_of3A_169 = tpu.assume_multiple %mul3A_168, 128 : i32
      %dma_start3A_170 = arith.constant 6 : i32
      %dma_start3A_171 = arith.constant 0 : i32
      %dma_start3A_172 = arith.constant 0 : i32
      %dma_start3A_173 = tpu.memref_slice %arg11[%dma_start3A_170, %dma_start3A_171, %dma_start3A_172] : memref<8x64x128xf32, #tpu.memory_space<vmem>> -> memref<1x64x128xf32, #tpu.memory_space<vmem>>
      %dma_start3A_174 = tpu.memref_squeeze %dma_start3A_173 : memref<1x64x128xf32, #tpu.memory_space<vmem>> -> memref<64x128xf32, #tpu.memory_space<vmem>>
      %dma_start3A_175 = arith.constant 0 : i32
      %dma_start3A_176 = tpu.memref_slice %arg4[%dma_start3A_175, %multiple_of3A_169] : memref<64x1000000xf32, #tpu.memory_space<hbm>> -> memref<64x128xf32, #tpu.memory_space<hbm>>
      %dma_start3A_177 = arith.constant 0 : i32
      %dma_start3A_178 = arith.constant 0 : i32
      %dma_start3A_179 = tpu.memref_slice %arg11[%dma_start3A_170, %dma_start3A_177, %dma_start3A_178] : memref<8x64x128xf32, #tpu.memory_space<vmem>> -> memref<1x64x128xf32, #tpu.memory_space<vmem>>
      %dma_start3A_180 = tpu.memref_squeeze %dma_start3A_179 : memref<1x64x128xf32, #tpu.memory_space<vmem>> -> memref<64x128xf32, #tpu.memory_space<vmem>>
      %dma_start3A_181 = arith.constant 0 : i32
      %dma_start3A_182 = tpu.memref_slice %arg4[%dma_start3A_181, %multiple_of3A_169] : memref<64x1000000xf32, #tpu.memory_space<hbm>> -> memref<64x128xf32, #tpu.memory_space<hbm>>
      tpu.enqueue_dma source(%dma_start3A_182 : memref<64x128xf32, #tpu.memory_space<hbm>>) target(%dma_start3A_180 : memref<64x128xf32, #tpu.memory_space<vmem>>) target_semaphore(%arg15 : memref<!tpu.dma_semaphore, #tpu.memory_space<semaphore_mem>>)
      %slice3A_183 = vector.extract_strided_slice %get3A_47 {offsets = [7], sizes = [1], strides = [1]} : vector<16xi32> to vector<1xi32>
      %squeeze3A_184 = vector.extract %slice3A_183[0] : i32 from vector<1xi32>
      %shift_right_arithmetic3A_185 = arith.constant 7 : i32
      %shift_right_arithmetic3A_186 = arith.shrsi %squeeze3A_184, %shift_right_arithmetic3A_185 : i32
      %mul3A_187 = arith.constant 128 : i32
      %mul3A_188 = arith.muli %shift_right_arithmetic3A_186, %mul3A_187 : i32
      %multiple_of3A_189 = tpu.assume_multiple %mul3A_188, 128 : i32
      %dma_start3A_190 = arith.constant 7 : i32
      %dma_start3A_191 = arith.constant 0 : i32
      %dma_start3A_192 = arith.constant 0 : i32
      %dma_start3A_193 = tpu.memref_slice %arg11[%dma_start3A_190, %dma_start3A_191, %dma_start3A_192] : memref<8x64x128xf32, #tpu.memory_space<vmem>> -> memref<1x64x128xf32, #tpu.memory_space<vmem>>
      %dma_start3A_194 = tpu.memref_squeeze %dma_start3A_193 : memref<1x64x128xf32, #tpu.memory_space<vmem>> -> memref<64x128xf32, #tpu.memory_space<vmem>>
      %dma_start3A_195 = arith.constant 0 : i32
      %dma_start3A_196 = tpu.memref_slice %arg4[%dma_start3A_195, %multiple_of3A_189] : memref<64x1000000xf32, #tpu.memory_space<hbm>> -> memref<64x128xf32, #tpu.memory_space<hbm>>
      %dma_start3A_197 = arith.constant 0 : i32
      %dma_start3A_198 = arith.constant 0 : i32
      %dma_start3A_199 = tpu.memref_slice %arg11[%dma_start3A_190, %dma_start3A_197, %dma_start3A_198] : memref<8x64x128xf32, #tpu.memory_space<vmem>> -> memref<1x64x128xf32, #tpu.memory_space<vmem>>
      %dma_start3A_200 = tpu.memref_squeeze %dma_start3A_199 : memref<1x64x128xf32, #tpu.memory_space<vmem>> -> memref<64x128xf32, #tpu.memory_space<vmem>>
      %dma_start3A_201 = arith.constant 0 : i32
      %dma_start3A_202 = tpu.memref_slice %arg4[%dma_start3A_201, %multiple_of3A_189] : memref<64x1000000xf32, #tpu.memory_space<hbm>> -> memref<64x128xf32, #tpu.memory_space<hbm>>
      tpu.enqueue_dma source(%dma_start3A_202 : memref<64x128xf32, #tpu.memory_space<hbm>>) target(%dma_start3A_200 : memref<64x128xf32, #tpu.memory_space<vmem>>) target_semaphore(%arg15 : memref<!tpu.dma_semaphore, #tpu.memory_space<semaphore_mem>>)
      %dma_wait3A = arith.constant 0 : i32
      %dma_wait3A_203 = arith.constant 0 : i32
      %dma_wait3A_204 = arith.constant 0 : i32
      %dma_wait3A_205 = tpu.memref_slice %arg11[%dma_wait3A, %dma_wait3A_203, %dma_wait3A_204] : memref<8x64x128xf32, #tpu.memory_space<vmem>> -> memref<1x64x128xf32, #tpu.memory_space<vmem>>
      %dma_wait3A_206 = tpu.memref_squeeze %dma_wait3A_205 : memref<1x64x128xf32, #tpu.memory_space<vmem>> -> memref<64x128xf32, #tpu.memory_space<vmem>>
      %dma_wait3A_207 = arith.constant 0 : i32
      %dma_wait3A_208 = tpu.memref_slice %arg4[%dma_wait3A_207, %multiple_of3A] : memref<64x1000000xf32, #tpu.memory_space<hbm>> -> memref<64x128xf32, #tpu.memory_space<hbm>>
      %dma_wait3A_209 = arith.constant 0 : i32
      %dma_wait3A_210 = arith.constant 0 : i32
      %dma_wait3A_211 = tpu.memref_slice %arg11[%dma_wait3A, %dma_wait3A_209, %dma_wait3A_210] : memref<8x64x128xf32, #tpu.memory_space<vmem>> -> memref<1x64x128xf32, #tpu.memory_space<vmem>>
      %dma_wait3A_212 = tpu.memref_squeeze %dma_wait3A_211 : memref<1x64x128xf32, #tpu.memory_space<vmem>> -> memref<64x128xf32, #tpu.memory_space<vmem>>
      %dma_wait3A_213 = arith.constant 0 : i32
      %dma_wait3A_214 = tpu.memref_slice %arg4[%dma_wait3A_213, %multiple_of3A] : memref<64x1000000xf32, #tpu.memory_space<hbm>> -> memref<64x128xf32, #tpu.memory_space<hbm>>
      tpu.wait_dma2 semaphore(%arg15 : memref<!tpu.dma_semaphore, #tpu.memory_space<semaphore_mem>>) src(%dma_wait3A_214 : memref<64x128xf32, #tpu.memory_space<hbm>>) dst(%dma_wait3A_212 : memref<64x128xf32, #tpu.memory_space<vmem>>)
      %dma_wait3A_215 = arith.constant 1 : i32
      %dma_wait3A_216 = arith.constant 0 : i32
      %dma_wait3A_217 = arith.constant 0 : i32
      %dma_wait3A_218 = tpu.memref_slice %arg11[%dma_wait3A_215, %dma_wait3A_216, %dma_wait3A_217] : memref<8x64x128xf32, #tpu.memory_space<vmem>> -> memref<1x64x128xf32, #tpu.memory_space<vmem>>
      %dma_wait3A_219 = tpu.memref_squeeze %dma_wait3A_218 : memref<1x64x128xf32, #tpu.memory_space<vmem>> -> memref<64x128xf32, #tpu.memory_space<vmem>>
      %dma_wait3A_220 = arith.constant 0 : i32
      %dma_wait3A_221 = tpu.memref_slice %arg4[%dma_wait3A_220, %multiple_of3A_69] : memref<64x1000000xf32, #tpu.memory_space<hbm>> -> memref<64x128xf32, #tpu.memory_space<hbm>>
      %dma_wait3A_222 = arith.constant 0 : i32
      %dma_wait3A_223 = arith.constant 0 : i32
      %dma_wait3A_224 = tpu.memref_slice %arg11[%dma_wait3A_215, %dma_wait3A_222, %dma_wait3A_223] : memref<8x64x128xf32, #tpu.memory_space<vmem>> -> memref<1x64x128xf32, #tpu.memory_space<vmem>>
      %dma_wait3A_225 = tpu.memref_squeeze %dma_wait3A_224 : memref<1x64x128xf32, #tpu.memory_space<vmem>> -> memref<64x128xf32, #tpu.memory_space<vmem>>
      %dma_wait3A_226 = arith.constant 0 : i32
      %dma_wait3A_227 = tpu.memref_slice %arg4[%dma_wait3A_226, %multiple_of3A_69] : memref<64x1000000xf32, #tpu.memory_space<hbm>> -> memref<64x128xf32, #tpu.memory_space<hbm>>
      tpu.wait_dma2 semaphore(%arg15 : memref<!tpu.dma_semaphore, #tpu.memory_space<semaphore_mem>>) src(%dma_wait3A_227 : memref<64x128xf32, #tpu.memory_space<hbm>>) dst(%dma_wait3A_225 : memref<64x128xf32, #tpu.memory_space<vmem>>)
      %dma_wait3A_228 = arith.constant 2 : i32
      %dma_wait3A_229 = arith.constant 0 : i32
      %dma_wait3A_230 = arith.constant 0 : i32
      %dma_wait3A_231 = tpu.memref_slice %arg11[%dma_wait3A_228, %dma_wait3A_229, %dma_wait3A_230] : memref<8x64x128xf32, #tpu.memory_space<vmem>> -> memref<1x64x128xf32, #tpu.memory_space<vmem>>
      %dma_wait3A_232 = tpu.memref_squeeze %dma_wait3A_231 : memref<1x64x128xf32, #tpu.memory_space<vmem>> -> memref<64x128xf32, #tpu.memory_space<vmem>>
      %dma_wait3A_233 = arith.constant 0 : i32
      %dma_wait3A_234 = tpu.memref_slice %arg4[%dma_wait3A_233, %multiple_of3A_89] : memref<64x1000000xf32, #tpu.memory_space<hbm>> -> memref<64x128xf32, #tpu.memory_space<hbm>>
      %dma_wait3A_235 = arith.constant 0 : i32
      %dma_wait3A_236 = arith.constant 0 : i32
      %dma_wait3A_237 = tpu.memref_slice %arg11[%dma_wait3A_228, %dma_wait3A_235, %dma_wait3A_236] : memref<8x64x128xf32, #tpu.memory_space<vmem>> -> memref<1x64x128xf32, #tpu.memory_space<vmem>>
      %dma_wait3A_238 = tpu.memref_squeeze %dma_wait3A_237 : memref<1x64x128xf32, #tpu.memory_space<vmem>> -> memref<64x128xf32, #tpu.memory_space<vmem>>
      %dma_wait3A_239 = arith.constant 0 : i32
      %dma_wait3A_240 = tpu.memref_slice %arg4[%dma_wait3A_239, %multiple_of3A_89] : memref<64x1000000xf32, #tpu.memory_space<hbm>> -> memref<64x128xf32, #tpu.memory_space<hbm>>
      tpu.wait_dma2 semaphore(%arg15 : memref<!tpu.dma_semaphore, #tpu.memory_space<semaphore_mem>>) src(%dma_wait3A_240 : memref<64x128xf32, #tpu.memory_space<hbm>>) dst(%dma_wait3A_238 : memref<64x128xf32, #tpu.memory_space<vmem>>)
      %dma_wait3A_241 = arith.constant 3 : i32
      %dma_wait3A_242 = arith.constant 0 : i32
      %dma_wait3A_243 = arith.constant 0 : i32
      %dma_wait3A_244 = tpu.memref_slice %arg11[%dma_wait3A_241, %dma_wait3A_242, %dma_wait3A_243] : memref<8x64x128xf32, #tpu.memory_space<vmem>> -> memref<1x64x128xf32, #tpu.memory_space<vmem>>
      %dma_wait3A_245 = tpu.memref_squeeze %dma_wait3A_244 : memref<1x64x128xf32, #tpu.memory_space<vmem>> -> memref<64x128xf32, #tpu.memory_space<vmem>>
      %dma_wait3A_246 = arith.constant 0 : i32
      %dma_wait3A_247 = tpu.memref_slice %arg4[%dma_wait3A_246, %multiple_of3A_109] : memref<64x1000000xf32, #tpu.memory_space<hbm>> -> memref<64x128xf32, #tpu.memory_space<hbm>>
      %dma_wait3A_248 = arith.constant 0 : i32
      %dma_wait3A_249 = arith.constant 0 : i32
      %dma_wait3A_250 = tpu.memref_slice %arg11[%dma_wait3A_241, %dma_wait3A_248, %dma_wait3A_249] : memref<8x64x128xf32, #tpu.memory_space<vmem>> -> memref<1x64x128xf32, #tpu.memory_space<vmem>>
      %dma_wait3A_251 = tpu.memref_squeeze %dma_wait3A_250 : memref<1x64x128xf32, #tpu.memory_space<vmem>> -> memref<64x128xf32, #tpu.memory_space<vmem>>
      %dma_wait3A_252 = arith.constant 0 : i32
      %dma_wait3A_253 = tpu.memref_slice %arg4[%dma_wait3A_252, %multiple_of3A_109] : memref<64x1000000xf32, #tpu.memory_space<hbm>> -> memref<64x128xf32, #tpu.memory_space<hbm>>
      tpu.wait_dma2 semaphore(%arg15 : memref<!tpu.dma_semaphore, #tpu.memory_space<semaphore_mem>>) src(%dma_wait3A_253 : memref<64x128xf32, #tpu.memory_space<hbm>>) dst(%dma_wait3A_251 : memref<64x128xf32, #tpu.memory_space<vmem>>)
      %dma_wait3A_254 = arith.constant 4 : i32
      %dma_wait3A_255 = arith.constant 0 : i32
      %dma_wait3A_256 = arith.constant 0 : i32
      %dma_wait3A_257 = tpu.memref_slice %arg11[%dma_wait3A_254, %dma_wait3A_255, %dma_wait3A_256] : memref<8x64x128xf32, #tpu.memory_space<vmem>> -> memref<1x64x128xf32, #tpu.memory_space<vmem>>
      %dma_wait3A_258 = tpu.memref_squeeze %dma_wait3A_257 : memref<1x64x128xf32, #tpu.memory_space<vmem>> -> memref<64x128xf32, #tpu.memory_space<vmem>>
      %dma_wait3A_259 = arith.constant 0 : i32
      %dma_wait3A_260 = tpu.memref_slice %arg4[%dma_wait3A_259, %multiple_of3A_129] : memref<64x1000000xf32, #tpu.memory_space<hbm>> -> memref<64x128xf32, #tpu.memory_space<hbm>>
      %dma_wait3A_261 = arith.constant 0 : i32
      %dma_wait3A_262 = arith.constant 0 : i32
      %dma_wait3A_263 = tpu.memref_slice %arg11[%dma_wait3A_254, %dma_wait3A_261, %dma_wait3A_262] : memref<8x64x128xf32, #tpu.memory_space<vmem>> -> memref<1x64x128xf32, #tpu.memory_space<vmem>>
      %dma_wait3A_264 = tpu.memref_squeeze %dma_wait3A_263 : memref<1x64x128xf32, #tpu.memory_space<vmem>> -> memref<64x128xf32, #tpu.memory_space<vmem>>
      %dma_wait3A_265 = arith.constant 0 : i32
      %dma_wait3A_266 = tpu.memref_slice %arg4[%dma_wait3A_265, %multiple_of3A_129] : memref<64x1000000xf32, #tpu.memory_space<hbm>> -> memref<64x128xf32, #tpu.memory_space<hbm>>
      tpu.wait_dma2 semaphore(%arg15 : memref<!tpu.dma_semaphore, #tpu.memory_space<semaphore_mem>>) src(%dma_wait3A_266 : memref<64x128xf32, #tpu.memory_space<hbm>>) dst(%dma_wait3A_264 : memref<64x128xf32, #tpu.memory_space<vmem>>)
      %dma_wait3A_267 = arith.constant 5 : i32
      %dma_wait3A_268 = arith.constant 0 : i32
      %dma_wait3A_269 = arith.constant 0 : i32
      %dma_wait3A_270 = tpu.memref_slice %arg11[%dma_wait3A_267, %dma_wait3A_268, %dma_wait3A_269] : memref<8x64x128xf32, #tpu.memory_space<vmem>> -> memref<1x64x128xf32, #tpu.memory_space<vmem>>
      %dma_wait3A_271 = tpu.memref_squeeze %dma_wait3A_270 : memref<1x64x128xf32, #tpu.memory_space<vmem>> -> memref<64x128xf32, #tpu.memory_space<vmem>>
      %dma_wait3A_272 = arith.constant 0 : i32
      %dma_wait3A_273 = tpu.memref_slice %arg4[%dma_wait3A_272, %multiple_of3A_149] : memref<64x1000000xf32, #tpu.memory_space<hbm>> -> memref<64x128xf32, #tpu.memory_space<hbm>>
      %dma_wait3A_274 = arith.constant 0 : i32
      %dma_wait3A_275 = arith.constant 0 : i32
      %dma_wait3A_276 = tpu.memref_slice %arg11[%dma_wait3A_267, %dma_wait3A_274, %dma_wait3A_275] : memref<8x64x128xf32, #tpu.memory_space<vmem>> -> memref<1x64x128xf32, #tpu.memory_space<vmem>>
      %dma_wait3A_277 = tpu.memref_squeeze %dma_wait3A_276 : memref<1x64x128xf32, #tpu.memory_space<vmem>> -> memref<64x128xf32, #tpu.memory_space<vmem>>
      %dma_wait3A_278 = arith.constant 0 : i32
      %dma_wait3A_279 = tpu.memref_slice %arg4[%dma_wait3A_278, %multiple_of3A_149] : memref<64x1000000xf32, #tpu.memory_space<hbm>> -> memref<64x128xf32, #tpu.memory_space<hbm>>
      tpu.wait_dma2 semaphore(%arg15 : memref<!tpu.dma_semaphore, #tpu.memory_space<semaphore_mem>>) src(%dma_wait3A_279 : memref<64x128xf32, #tpu.memory_space<hbm>>) dst(%dma_wait3A_277 : memref<64x128xf32, #tpu.memory_space<vmem>>)
      %dma_wait3A_280 = arith.constant 6 : i32
      %dma_wait3A_281 = arith.constant 0 : i32
      %dma_wait3A_282 = arith.constant 0 : i32
      %dma_wait3A_283 = tpu.memref_slice %arg11[%dma_wait3A_280, %dma_wait3A_281, %dma_wait3A_282] : memref<8x64x128xf32, #tpu.memory_space<vmem>> -> memref<1x64x128xf32, #tpu.memory_space<vmem>>
      %dma_wait3A_284 = tpu.memref_squeeze %dma_wait3A_283 : memref<1x64x128xf32, #tpu.memory_space<vmem>> -> memref<64x128xf32, #tpu.memory_space<vmem>>
      %dma_wait3A_285 = arith.constant 0 : i32
      %dma_wait3A_286 = tpu.memref_slice %arg4[%dma_wait3A_285, %multiple_of3A_169] : memref<64x1000000xf32, #tpu.memory_space<hbm>> -> memref<64x128xf32, #tpu.memory_space<hbm>>
      %dma_wait3A_287 = arith.constant 0 : i32
      %dma_wait3A_288 = arith.constant 0 : i32
      %dma_wait3A_289 = tpu.memref_slice %arg11[%dma_wait3A_280, %dma_wait3A_287, %dma_wait3A_288] : memref<8x64x128xf32, #tpu.memory_space<vmem>> -> memref<1x64x128xf32, #tpu.memory_space<vmem>>
      %dma_wait3A_290 = tpu.memref_squeeze %dma_wait3A_289 : memref<1x64x128xf32, #tpu.memory_space<vmem>> -> memref<64x128xf32, #tpu.memory_space<vmem>>
      %dma_wait3A_291 = arith.constant 0 : i32
      %dma_wait3A_292 = tpu.memref_slice %arg4[%dma_wait3A_291, %multiple_of3A_169] : memref<64x1000000xf32, #tpu.memory_space<hbm>> -> memref<64x128xf32, #tpu.memory_space<hbm>>
      tpu.wait_dma2 semaphore(%arg15 : memref<!tpu.dma_semaphore, #tpu.memory_space<semaphore_mem>>) src(%dma_wait3A_292 : memref<64x128xf32, #tpu.memory_space<hbm>>) dst(%dma_wait3A_290 : memref<64x128xf32, #tpu.memory_space<vmem>>)
      %dma_wait3A_293 = arith.constant 7 : i32
      %dma_wait3A_294 = arith.constant 0 : i32
      %dma_wait3A_295 = arith.constant 0 : i32
      %dma_wait3A_296 = tpu.memref_slice %arg11[%dma_wait3A_293, %dma_wait3A_294, %dma_wait3A_295] : memref<8x64x128xf32, #tpu.memory_space<vmem>> -> memref<1x64x128xf32, #tpu.memory_space<vmem>>
      %dma_wait3A_297 = tpu.memref_squeeze %dma_wait3A_296 : memref<1x64x128xf32, #tpu.memory_space<vmem>> -> memref<64x128xf32, #tpu.memory_space<vmem>>
      %dma_wait3A_298 = arith.constant 0 : i32
      %dma_wait3A_299 = tpu.memref_slice %arg4[%dma_wait3A_298, %multiple_of3A_189] : memref<64x1000000xf32, #tpu.memory_space<hbm>> -> memref<64x128xf32, #tpu.memory_space<hbm>>
      %dma_wait3A_300 = arith.constant 0 : i32
      %dma_wait3A_301 = arith.constant 0 : i32
      %dma_wait3A_302 = tpu.memref_slice %arg11[%dma_wait3A_293, %dma_wait3A_300, %dma_wait3A_301] : memref<8x64x128xf32, #tpu.memory_space<vmem>> -> memref<1x64x128xf32, #tpu.memory_space<vmem>>
      %dma_wait3A_303 = tpu.memref_squeeze %dma_wait3A_302 : memref<1x64x128xf32, #tpu.memory_space<vmem>> -> memref<64x128xf32, #tpu.memory_space<vmem>>
      %dma_wait3A_304 = arith.constant 0 : i32
      %dma_wait3A_305 = tpu.memref_slice %arg4[%dma_wait3A_304, %multiple_of3A_189] : memref<64x1000000xf32, #tpu.memory_space<hbm>> -> memref<64x128xf32, #tpu.memory_space<hbm>>
      tpu.wait_dma2 semaphore(%arg15 : memref<!tpu.dma_semaphore, #tpu.memory_space<semaphore_mem>>) src(%dma_wait3A_305 : memref<64x128xf32, #tpu.memory_space<hbm>>) dst(%dma_wait3A_303 : memref<64x128xf32, #tpu.memory_space<vmem>>)
      %mul3A_306 = arith.constant 16 : i32
      %mul3A_307 = arith.muli %scan3A_43, %mul3A_306 : i32
      %add3A_308 = arith.constant 0 : i32
      %add3A_309 = arith.addi %mul3A_307, %add3A_308 : i32
      %add3A_310 = arith.constant 0 : i32
      %add3A_311 = arith.addi %add3A_309, %add3A_310 : i32
      %slice3A_312 = vector.extract_strided_slice %get3A_47 {offsets = [0], sizes = [1], strides = [1]} : vector<16xi32> to vector<1xi32>
      %squeeze3A_313 = vector.extract %slice3A_312[0] : i32 from vector<1xi32>
      %broadcast_in_dim3A = arith.constant 1 : i32
      %broadcast_in_dim3A_314 = vector.broadcast %broadcast_in_dim3A : i32 to vector<16xi32>
      %and3A = arith.constant 127 : i32
      %and3A_315 = arith.andi %squeeze3A_313, %and3A : i32
      %mul3A_316 = vector.broadcast %and3A_315 : i32 to vector<16xi32>
      %mul3A_317 = arith.muli %broadcast_in_dim3A_314, %mul3A_316 : vector<16xi32>
      %broadcast_in_dim3A_318 = arith.constant 1 : i32
      %broadcast_in_dim3A_319 = vector.broadcast %broadcast_in_dim3A_318 : i32 to vector<16xi32>
      %mul3A_320 = vector.broadcast %add3A_311 : i32 to vector<16xi32>
      %mul3A_321 = arith.muli %broadcast_in_dim3A_319, %mul3A_320 : vector<16xi32>
      %gather3A = arith.constant 0 : i32
      %gather3A_322 = arith.constant 0 : i32
      %gather3A_323 = arith.constant 0 : i32
      %gather3A_324 = tpu.memref_slice %arg11[%gather3A, %gather3A_322, %gather3A_323] : memref<8x64x128xf32, #tpu.memory_space<vmem>> -> memref<1x64x128xf32, #tpu.memory_space<vmem>>
      %gather3A_325 = tpu.memref_squeeze %gather3A_324 : memref<1x64x128xf32, #tpu.memory_space<vmem>> -> memref<64x128xf32, #tpu.memory_space<vmem>>
      %gather3A_326 = tpu.vector_load_idx %gather3A_325[%add3A_3, %mul3A_317] : memref<64x128xf32, #tpu.memory_space<vmem>>[vector<16xi32>, vector<16xi32>], vector<16xf32>,
      tpu.vector_store_idx %arg12[%add3A_3, %mul3A_321], %gather3A_326 : memref<64x128xf32, #tpu.memory_space<vmem>>[vector<16xi32>, vector<16xi32>], vector<16xf32>,
      %gather3A_327 = arith.constant 0 : i32
      %gather3A_328 = arith.constant 0 : i32
      %gather3A_329 = arith.constant 0 : i32
      %gather3A_330 = tpu.memref_slice %arg11[%gather3A_327, %gather3A_328, %gather3A_329] : memref<8x64x128xf32, #tpu.memory_space<vmem>> -> memref<1x64x128xf32, #tpu.memory_space<vmem>>
      %gather3A_331 = tpu.memref_squeeze %gather3A_330 : memref<1x64x128xf32, #tpu.memory_space<vmem>> -> memref<64x128xf32, #tpu.memory_space<vmem>>
      %gather3A_332 = tpu.vector_load_idx %gather3A_331[%add3A_7, %mul3A_317] : memref<64x128xf32, #tpu.memory_space<vmem>>[vector<16xi32>, vector<16xi32>], vector<16xf32>,
      tpu.vector_store_idx %arg12[%add3A_7, %mul3A_321], %gather3A_332 : memref<64x128xf32, #tpu.memory_space<vmem>>[vector<16xi32>, vector<16xi32>], vector<16xf32>,
      %gather3A_333 = arith.constant 0 : i32
      %gather3A_334 = arith.constant 0 : i32
      %gather3A_335 = arith.constant 0 : i32
      %gather3A_336 = tpu.memref_slice %arg11[%gather3A_333, %gather3A_334, %gather3A_335] : memref<8x64x128xf32, #tpu.memory_space<vmem>> -> memref<1x64x128xf32, #tpu.memory_space<vmem>>
      %gather3A_337 = tpu.memref_squeeze %gather3A_336 : memref<1x64x128xf32, #tpu.memory_space<vmem>> -> memref<64x128xf32, #tpu.memory_space<vmem>>
      %gather3A_338 = tpu.vector_load_idx %gather3A_337[%add3A_11, %mul3A_317] : memref<64x128xf32, #tpu.memory_space<vmem>>[vector<16xi32>, vector<16xi32>], vector<16xf32>,
      tpu.vector_store_idx %arg12[%add3A_11, %mul3A_321], %gather3A_338 : memref<64x128xf32, #tpu.memory_space<vmem>>[vector<16xi32>, vector<16xi32>], vector<16xf32>,
      %gather3A_339 = arith.constant 0 : i32
      %gather3A_340 = arith.constant 0 : i32
      %gather3A_341 = arith.constant 0 : i32
      %gather3A_342 = tpu.memref_slice %arg11[%gather3A_339, %gather3A_340, %gather3A_341] : memref<8x64x128xf32, #tpu.memory_space<vmem>> -> memref<1x64x128xf32, #tpu.memory_space<vmem>>
      %gather3A_343 = tpu.memref_squeeze %gather3A_342 : memref<1x64x128xf32, #tpu.memory_space<vmem>> -> memref<64x128xf32, #tpu.memory_space<vmem>>
      %gather3A_344 = tpu.vector_load_idx %gather3A_343[%add3A_15, %mul3A_317] : memref<64x128xf32, #tpu.memory_space<vmem>>[vector<16xi32>, vector<16xi32>], vector<16xf32>,
      tpu.vector_store_idx %arg12[%add3A_15, %mul3A_321], %gather3A_344 : memref<64x128xf32, #tpu.memory_space<vmem>>[vector<16xi32>, vector<16xi32>], vector<16xf32>,
      %mul3A_345 = arith.constant 16 : i32
      %mul3A_346 = arith.muli %scan3A_43, %mul3A_345 : i32
      %add3A_347 = arith.constant 0 : i32
      %add3A_348 = arith.addi %mul3A_346, %add3A_347 : i32
      %add3A_349 = arith.constant 1 : i32
      %add3A_350 = arith.addi %add3A_348, %add3A_349 : i32
      %slice3A_351 = vector.extract_strided_slice %get3A_47 {offsets = [1], sizes = [1], strides = [1]} : vector<16xi32> to vector<1xi32>
      %squeeze3A_352 = vector.extract %slice3A_351[0] : i32 from vector<1xi32>
      %broadcast_in_dim3A_353 = arith.constant 1 : i32
      %broadcast_in_dim3A_354 = vector.broadcast %broadcast_in_dim3A_353 : i32 to vector<16xi32>
      %and3A_355 = arith.constant 127 : i32
      %and3A_356 = arith.andi %squeeze3A_352, %and3A_355 : i32
      %mul3A_357 = vector.broadcast %and3A_356 : i32 to vector<16xi32>
      %mul3A_358 = arith.muli %broadcast_in_dim3A_354, %mul3A_357 : vector<16xi32>
      %broadcast_in_dim3A_359 = arith.constant 1 : i32
      %broadcast_in_dim3A_360 = vector.broadcast %broadcast_in_dim3A_359 : i32 to vector<16xi32>
      %mul3A_361 = vector.broadcast %add3A_350 : i32 to vector<16xi32>
      %mul3A_362 = arith.muli %broadcast_in_dim3A_360, %mul3A_361 : vector<16xi32>
      %gather3A_363 = arith.constant 1 : i32
      %gather3A_364 = arith.constant 0 : i32
      %gather3A_365 = arith.constant 0 : i32
      %gather3A_366 = tpu.memref_slice %arg11[%gather3A_363, %gather3A_364, %gather3A_365] : memref<8x64x128xf32, #tpu.memory_space<vmem>> -> memref<1x64x128xf32, #tpu.memory_space<vmem>>
      %gather3A_367 = tpu.memref_squeeze %gather3A_366 : memref<1x64x128xf32, #tpu.memory_space<vmem>> -> memref<64x128xf32, #tpu.memory_space<vmem>>
      %gather3A_368 = tpu.vector_load_idx %gather3A_367[%add3A_3, %mul3A_358] : memref<64x128xf32, #tpu.memory_space<vmem>>[vector<16xi32>, vector<16xi32>], vector<16xf32>,
      tpu.vector_store_idx %arg12[%add3A_3, %mul3A_362], %gather3A_368 : memref<64x128xf32, #tpu.memory_space<vmem>>[vector<16xi32>, vector<16xi32>], vector<16xf32>,
      %gather3A_369 = arith.constant 1 : i32
      %gather3A_370 = arith.constant 0 : i32
      %gather3A_371 = arith.constant 0 : i32
      %gather3A_372 = tpu.memref_slice %arg11[%gather3A_369, %gather3A_370, %gather3A_371] : memref<8x64x128xf32, #tpu.memory_space<vmem>> -> memref<1x64x128xf32, #tpu.memory_space<vmem>>
      %gather3A_373 = tpu.memref_squeeze %gather3A_372 : memref<1x64x128xf32, #tpu.memory_space<vmem>> -> memref<64x128xf32, #tpu.memory_space<vmem>>
      %gather3A_374 = tpu.vector_load_idx %gather3A_373[%add3A_7, %mul3A_358] : memref<64x128xf32, #tpu.memory_space<vmem>>[vector<16xi32>, vector<16xi32>], vector<16xf32>,
      tpu.vector_store_idx %arg12[%add3A_7, %mul3A_362], %gather3A_374 : memref<64x128xf32, #tpu.memory_space<vmem>>[vector<16xi32>, vector<16xi32>], vector<16xf32>,
      %gather3A_375 = arith.constant 1 : i32
      %gather3A_376 = arith.constant 0 : i32
      %gather3A_377 = arith.constant 0 : i32
      %gather3A_378 = tpu.memref_slice %arg11[%gather3A_375, %gather3A_376, %gather3A_377] : memref<8x64x128xf32, #tpu.memory_space<vmem>> -> memref<1x64x128xf32, #tpu.memory_space<vmem>>
      %gather3A_379 = tpu.memref_squeeze %gather3A_378 : memref<1x64x128xf32, #tpu.memory_space<vmem>> -> memref<64x128xf32, #tpu.memory_space<vmem>>
      %gather3A_380 = tpu.vector_load_idx %gather3A_379[%add3A_11, %mul3A_358] : memref<64x128xf32, #tpu.memory_space<vmem>>[vector<16xi32>, vector<16xi32>], vector<16xf32>,
      tpu.vector_store_idx %arg12[%add3A_11, %mul3A_362], %gather3A_380 : memref<64x128xf32, #tpu.memory_space<vmem>>[vector<16xi32>, vector<16xi32>], vector<16xf32>,
      %gather3A_381 = arith.constant 1 : i32
      %gather3A_382 = arith.constant 0 : i32
      %gather3A_383 = arith.constant 0 : i32
      %gather3A_384 = tpu.memref_slice %arg11[%gather3A_381, %gather3A_382, %gather3A_383] : memref<8x64x128xf32, #tpu.memory_space<vmem>> -> memref<1x64x128xf32, #tpu.memory_space<vmem>>
      %gather3A_385 = tpu.memref_squeeze %gather3A_384 : memref<1x64x128xf32, #tpu.memory_space<vmem>> -> memref<64x128xf32, #tpu.memory_space<vmem>>
      %gather3A_386 = tpu.vector_load_idx %gather3A_385[%add3A_15, %mul3A_358] : memref<64x128xf32, #tpu.memory_space<vmem>>[vector<16xi32>, vector<16xi32>], vector<16xf32>,
      tpu.vector_store_idx %arg12[%add3A_15, %mul3A_362], %gather3A_386 : memref<64x128xf32, #tpu.memory_space<vmem>>[vector<16xi32>, vector<16xi32>], vector<16xf32>,
      %mul3A_387 = arith.constant 16 : i32
      %mul3A_388 = arith.muli %scan3A_43, %mul3A_387 : i32
      %add3A_389 = arith.constant 0 : i32
      %add3A_390 = arith.addi %mul3A_388, %add3A_389 : i32
      %add3A_391 = arith.constant 2 : i32
      %add3A_392 = arith.addi %add3A_390, %add3A_391 : i32
      %slice3A_393 = vector.extract_strided_slice %get3A_47 {offsets = [2], sizes = [1], strides = [1]} : vector<16xi32> to vector<1xi32>
      %squeeze3A_394 = vector.extract %slice3A_393[0] : i32 from vector<1xi32>
      %broadcast_in_dim3A_395 = arith.constant 1 : i32
      %broadcast_in_dim3A_396 = vector.broadcast %broadcast_in_dim3A_395 : i32 to vector<16xi32>
      %and3A_397 = arith.constant 127 : i32
      %and3A_398 = arith.andi %squeeze3A_394, %and3A_397 : i32
      %mul3A_399 = vector.broadcast %and3A_398 : i32 to vector<16xi32>
      %mul3A_400 = arith.muli %broadcast_in_dim3A_396, %mul3A_399 : vector<16xi32>
      %broadcast_in_dim3A_401 = arith.constant 1 : i32
      %broadcast_in_dim3A_402 = vector.broadcast %broadcast_in_dim3A_401 : i32 to vector<16xi32>
      %mul3A_403 = vector.broadcast %add3A_392 : i32 to vector<16xi32>
      %mul3A_404 = arith.muli %broadcast_in_dim3A_402, %mul3A_403 : vector<16xi32>
      %gather3A_405 = arith.constant 2 : i32
      %gather3A_406 = arith.constant 0 : i32
      %gather3A_407 = arith.constant 0 : i32
      %gather3A_408 = tpu.memref_slice %arg11[%gather3A_405, %gather3A_406, %gather3A_407] : memref<8x64x128xf32, #tpu.memory_space<vmem>> -> memref<1x64x128xf32, #tpu.memory_space<vmem>>
      %gather3A_409 = tpu.memref_squeeze %gather3A_408 : memref<1x64x128xf32, #tpu.memory_space<vmem>> -> memref<64x128xf32, #tpu.memory_space<vmem>>
      %gather3A_410 = tpu.vector_load_idx %gather3A_409[%add3A_3, %mul3A_400] : memref<64x128xf32, #tpu.memory_space<vmem>>[vector<16xi32>, vector<16xi32>], vector<16xf32>,
      tpu.vector_store_idx %arg12[%add3A_3, %mul3A_404], %gather3A_410 : memref<64x128xf32, #tpu.memory_space<vmem>>[vector<16xi32>, vector<16xi32>], vector<16xf32>,
      %gather3A_411 = arith.constant 2 : i32
      %gather3A_412 = arith.constant 0 : i32
      %gather3A_413 = arith.constant 0 : i32
      %gather3A_414 = tpu.memref_slice %arg11[%gather3A_411, %gather3A_412, %gather3A_413] : memref<8x64x128xf32, #tpu.memory_space<vmem>> -> memref<1x64x128xf32, #tpu.memory_space<vmem>>
      %gather3A_415 = tpu.memref_squeeze %gather3A_414 : memref<1x64x128xf32, #tpu.memory_space<vmem>> -> memref<64x128xf32, #tpu.memory_space<vmem>>
      %gather3A_416 = tpu.vector_load_idx %gather3A_415[%add3A_7, %mul3A_400] : memref<64x128xf32, #tpu.memory_space<vmem>>[vector<16xi32>, vector<16xi32>], vector<16xf32>,
      tpu.vector_store_idx %arg12[%add3A_7, %mul3A_404], %gather3A_416 : memref<64x128xf32, #tpu.memory_space<vmem>>[vector<16xi32>, vector<16xi32>], vector<16xf32>,
      %gather3A_417 = arith.constant 2 : i32
      %gather3A_418 = arith.constant 0 : i32
      %gather3A_419 = arith.constant 0 : i32
      %gather3A_420 = tpu.memref_slice %arg11[%gather3A_417, %gather3A_418, %gather3A_419] : memref<8x64x128xf32, #tpu.memory_space<vmem>> -> memref<1x64x128xf32, #tpu.memory_space<vmem>>
      %gather3A_421 = tpu.memref_squeeze %gather3A_420 : memref<1x64x128xf32, #tpu.memory_space<vmem>> -> memref<64x128xf32, #tpu.memory_space<vmem>>
      %gather3A_422 = tpu.vector_load_idx %gather3A_421[%add3A_11, %mul3A_400] : memref<64x128xf32, #tpu.memory_space<vmem>>[vector<16xi32>, vector<16xi32>], vector<16xf32>,
      tpu.vector_store_idx %arg12[%add3A_11, %mul3A_404], %gather3A_422 : memref<64x128xf32, #tpu.memory_space<vmem>>[vector<16xi32>, vector<16xi32>], vector<16xf32>,
      %gather3A_423 = arith.constant 2 : i32
      %gather3A_424 = arith.constant 0 : i32
      %gather3A_425 = arith.constant 0 : i32
      %gather3A_426 = tpu.memref_slice %arg11[%gather3A_423, %gather3A_424, %gather3A_425] : memref<8x64x128xf32, #tpu.memory_space<vmem>> -> memref<1x64x128xf32, #tpu.memory_space<vmem>>
      %gather3A_427 = tpu.memref_squeeze %gather3A_426 : memref<1x64x128xf32, #tpu.memory_space<vmem>> -> memref<64x128xf32, #tpu.memory_space<vmem>>
      %gather3A_428 = tpu.vector_load_idx %gather3A_427[%add3A_15, %mul3A_400] : memref<64x128xf32, #tpu.memory_space<vmem>>[vector<16xi32>, vector<16xi32>], vector<16xf32>,
      tpu.vector_store_idx %arg12[%add3A_15, %mul3A_404], %gather3A_428 : memref<64x128xf32, #tpu.memory_space<vmem>>[vector<16xi32>, vector<16xi32>], vector<16xf32>,
      %mul3A_429 = arith.constant 16 : i32
      %mul3A_430 = arith.muli %scan3A_43, %mul3A_429 : i32
      %add3A_431 = arith.constant 0 : i32
      %add3A_432 = arith.addi %mul3A_430, %add3A_431 : i32
      %add3A_433 = arith.constant 3 : i32
      %add3A_434 = arith.addi %add3A_432, %add3A_433 : i32
      %slice3A_435 = vector.extract_strided_slice %get3A_47 {offsets = [3], sizes = [1], strides = [1]} : vector<16xi32> to vector<1xi32>
      %squeeze3A_436 = vector.extract %slice3A_435[0] : i32 from vector<1xi32>
      %broadcast_in_dim3A_437 = arith.constant 1 : i32
      %broadcast_in_dim3A_438 = vector.broadcast %broadcast_in_dim3A_437 : i32 to vector<16xi32>
      %and3A_439 = arith.constant 127 : i32
      %and3A_440 = arith.andi %squeeze3A_436, %and3A_439 : i32
      %mul3A_441 = vector.broadcast %and3A_440 : i32 to vector<16xi32>
      %mul3A_442 = arith.muli %broadcast_in_dim3A_438, %mul3A_441 : vector<16xi32>
      %broadcast_in_dim3A_443 = arith.constant 1 : i32
      %broadcast_in_dim3A_444 = vector.broadcast %broadcast_in_dim3A_443 : i32 to vector<16xi32>
      %mul3A_445 = vector.broadcast %add3A_434 : i32 to vector<16xi32>
      %mul3A_446 = arith.muli %broadcast_in_dim3A_444, %mul3A_445 : vector<16xi32>
      %gather3A_447 = arith.constant 3 : i32
      %gather3A_448 = arith.constant 0 : i32
      %gather3A_449 = arith.constant 0 : i32
      %gather3A_450 = tpu.memref_slice %arg11[%gather3A_447, %gather3A_448, %gather3A_449] : memref<8x64x128xf32, #tpu.memory_space<vmem>> -> memref<1x64x128xf32, #tpu.memory_space<vmem>>
      %gather3A_451 = tpu.memref_squeeze %gather3A_450 : memref<1x64x128xf32, #tpu.memory_space<vmem>> -> memref<64x128xf32, #tpu.memory_space<vmem>>
      %gather3A_452 = tpu.vector_load_idx %gather3A_451[%add3A_3, %mul3A_442] : memref<64x128xf32, #tpu.memory_space<vmem>>[vector<16xi32>, vector<16xi32>], vector<16xf32>,
      tpu.vector_store_idx %arg12[%add3A_3, %mul3A_446], %gather3A_452 : memref<64x128xf32, #tpu.memory_space<vmem>>[vector<16xi32>, vector<16xi32>], vector<16xf32>,
      %gather3A_453 = arith.constant 3 : i32
      %gather3A_454 = arith.constant 0 : i32
      %gather3A_455 = arith.constant 0 : i32
      %gather3A_456 = tpu.memref_slice %arg11[%gather3A_453, %gather3A_454, %gather3A_455] : memref<8x64x128xf32, #tpu.memory_space<vmem>> -> memref<1x64x128xf32, #tpu.memory_space<vmem>>
      %gather3A_457 = tpu.memref_squeeze %gather3A_456 : memref<1x64x128xf32, #tpu.memory_space<vmem>> -> memref<64x128xf32, #tpu.memory_space<vmem>>
      %gather3A_458 = tpu.vector_load_idx %gather3A_457[%add3A_7, %mul3A_442] : memref<64x128xf32, #tpu.memory_space<vmem>>[vector<16xi32>, vector<16xi32>], vector<16xf32>,
      tpu.vector_store_idx %arg12[%add3A_7, %mul3A_446], %gather3A_458 : memref<64x128xf32, #tpu.memory_space<vmem>>[vector<16xi32>, vector<16xi32>], vector<16xf32>,
      %gather3A_459 = arith.constant 3 : i32
      %gather3A_460 = arith.constant 0 : i32
      %gather3A_461 = arith.constant 0 : i32
      %gather3A_462 = tpu.memref_slice %arg11[%gather3A_459, %gather3A_460, %gather3A_461] : memref<8x64x128xf32, #tpu.memory_space<vmem>> -> memref<1x64x128xf32, #tpu.memory_space<vmem>>
      %gather3A_463 = tpu.memref_squeeze %gather3A_462 : memref<1x64x128xf32, #tpu.memory_space<vmem>> -> memref<64x128xf32, #tpu.memory_space<vmem>>
      %gather3A_464 = tpu.vector_load_idx %gather3A_463[%add3A_11, %mul3A_442] : memref<64x128xf32, #tpu.memory_space<vmem>>[vector<16xi32>, vector<16xi32>], vector<16xf32>,
      tpu.vector_store_idx %arg12[%add3A_11, %mul3A_446], %gather3A_464 : memref<64x128xf32, #tpu.memory_space<vmem>>[vector<16xi32>, vector<16xi32>], vector<16xf32>,
      %gather3A_465 = arith.constant 3 : i32
      %gather3A_466 = arith.constant 0 : i32
      %gather3A_467 = arith.constant 0 : i32
      %gather3A_468 = tpu.memref_slice %arg11[%gather3A_465, %gather3A_466, %gather3A_467] : memref<8x64x128xf32, #tpu.memory_space<vmem>> -> memref<1x64x128xf32, #tpu.memory_space<vmem>>
      %gather3A_469 = tpu.memref_squeeze %gather3A_468 : memref<1x64x128xf32, #tpu.memory_space<vmem>> -> memref<64x128xf32, #tpu.memory_space<vmem>>
      %gather3A_470 = tpu.vector_load_idx %gather3A_469[%add3A_15, %mul3A_442] : memref<64x128xf32, #tpu.memory_space<vmem>>[vector<16xi32>, vector<16xi32>], vector<16xf32>,
      tpu.vector_store_idx %arg12[%add3A_15, %mul3A_446], %gather3A_470 : memref<64x128xf32, #tpu.memory_space<vmem>>[vector<16xi32>, vector<16xi32>], vector<16xf32>,
      %mul3A_471 = arith.constant 16 : i32
      %mul3A_472 = arith.muli %scan3A_43, %mul3A_471 : i32
      %add3A_473 = arith.constant 0 : i32
      %add3A_474 = arith.addi %mul3A_472, %add3A_473 : i32
      %add3A_475 = arith.constant 4 : i32
      %add3A_476 = arith.addi %add3A_474, %add3A_475 : i32
      %slice3A_477 = vector.extract_strided_slice %get3A_47 {offsets = [4], sizes = [1], strides = [1]} : vector<16xi32> to vector<1xi32>
      %squeeze3A_478 = vector.extract %slice3A_477[0] : i32 from vector<1xi32>
      %broadcast_in_dim3A_479 = arith.constant 1 : i32
      %broadcast_in_dim3A_480 = vector.broadcast %broadcast_in_dim3A_479 : i32 to vector<16xi32>
      %and3A_481 = arith.constant 127 : i32
      %and3A_482 = arith.andi %squeeze3A_478, %and3A_481 : i32
      %mul3A_483 = vector.broadcast %and3A_482 : i32 to vector<16xi32>
      %mul3A_484 = arith.muli %broadcast_in_dim3A_480, %mul3A_483 : vector<16xi32>
      %broadcast_in_dim3A_485 = arith.constant 1 : i32
      %broadcast_in_dim3A_486 = vector.broadcast %broadcast_in_dim3A_485 : i32 to vector<16xi32>
      %mul3A_487 = vector.broadcast %add3A_476 : i32 to vector<16xi32>
      %mul3A_488 = arith.muli %broadcast_in_dim3A_486, %mul3A_487 : vector<16xi32>
      %gather3A_489 = arith.constant 4 : i32
      %gather3A_490 = arith.constant 0 : i32
      %gather3A_491 = arith.constant 0 : i32
      %gather3A_492 = tpu.memref_slice %arg11[%gather3A_489, %gather3A_490, %gather3A_491] : memref<8x64x128xf32, #tpu.memory_space<vmem>> -> memref<1x64x128xf32, #tpu.memory_space<vmem>>
      %gather3A_493 = tpu.memref_squeeze %gather3A_492 : memref<1x64x128xf32, #tpu.memory_space<vmem>> -> memref<64x128xf32, #tpu.memory_space<vmem>>
      %gather3A_494 = tpu.vector_load_idx %gather3A_493[%add3A_3, %mul3A_484] : memref<64x128xf32, #tpu.memory_space<vmem>>[vector<16xi32>, vector<16xi32>], vector<16xf32>,
      tpu.vector_store_idx %arg12[%add3A_3, %mul3A_488], %gather3A_494 : memref<64x128xf32, #tpu.memory_space<vmem>>[vector<16xi32>, vector<16xi32>], vector<16xf32>,
      %gather3A_495 = arith.constant 4 : i32
      %gather3A_496 = arith.constant 0 : i32
      %gather3A_497 = arith.constant 0 : i32
      %gather3A_498 = tpu.memref_slice %arg11[%gather3A_495, %gather3A_496, %gather3A_497] : memref<8x64x128xf32, #tpu.memory_space<vmem>> -> memref<1x64x128xf32, #tpu.memory_space<vmem>>
      %gather3A_499 = tpu.memref_squeeze %gather3A_498 : memref<1x64x128xf32, #tpu.memory_space<vmem>> -> memref<64x128xf32, #tpu.memory_space<vmem>>
      %gather3A_500 = tpu.vector_load_idx %gather3A_499[%add3A_7, %mul3A_484] : memref<64x128xf32, #tpu.memory_space<vmem>>[vector<16xi32>, vector<16xi32>], vector<16xf32>,
      tpu.vector_store_idx %arg12[%add3A_7, %mul3A_488], %gather3A_500 : memref<64x128xf32, #tpu.memory_space<vmem>>[vector<16xi32>, vector<16xi32>], vector<16xf32>,
      %gather3A_501 = arith.constant 4 : i32
      %gather3A_502 = arith.constant 0 : i32
      %gather3A_503 = arith.constant 0 : i32
      %gather3A_504 = tpu.memref_slice %arg11[%gather3A_501, %gather3A_502, %gather3A_503] : memref<8x64x128xf32, #tpu.memory_space<vmem>> -> memref<1x64x128xf32, #tpu.memory_space<vmem>>
      %gather3A_505 = tpu.memref_squeeze %gather3A_504 : memref<1x64x128xf32, #tpu.memory_space<vmem>> -> memref<64x128xf32, #tpu.memory_space<vmem>>
      %gather3A_506 = tpu.vector_load_idx %gather3A_505[%add3A_11, %mul3A_484] : memref<64x128xf32, #tpu.memory_space<vmem>>[vector<16xi32>, vector<16xi32>], vector<16xf32>,
      tpu.vector_store_idx %arg12[%add3A_11, %mul3A_488], %gather3A_506 : memref<64x128xf32, #tpu.memory_space<vmem>>[vector<16xi32>, vector<16xi32>], vector<16xf32>,
      %gather3A_507 = arith.constant 4 : i32
      %gather3A_508 = arith.constant 0 : i32
      %gather3A_509 = arith.constant 0 : i32
      %gather3A_510 = tpu.memref_slice %arg11[%gather3A_507, %gather3A_508, %gather3A_509] : memref<8x64x128xf32, #tpu.memory_space<vmem>> -> memref<1x64x128xf32, #tpu.memory_space<vmem>>
      %gather3A_511 = tpu.memref_squeeze %gather3A_510 : memref<1x64x128xf32, #tpu.memory_space<vmem>> -> memref<64x128xf32, #tpu.memory_space<vmem>>
      %gather3A_512 = tpu.vector_load_idx %gather3A_511[%add3A_15, %mul3A_484] : memref<64x128xf32, #tpu.memory_space<vmem>>[vector<16xi32>, vector<16xi32>], vector<16xf32>,
      tpu.vector_store_idx %arg12[%add3A_15, %mul3A_488], %gather3A_512 : memref<64x128xf32, #tpu.memory_space<vmem>>[vector<16xi32>, vector<16xi32>], vector<16xf32>,
      %mul3A_513 = arith.constant 16 : i32
      %mul3A_514 = arith.muli %scan3A_43, %mul3A_513 : i32
      %add3A_515 = arith.constant 0 : i32
      %add3A_516 = arith.addi %mul3A_514, %add3A_515 : i32
      %add3A_517 = arith.constant 5 : i32
      %add3A_518 = arith.addi %add3A_516, %add3A_517 : i32
      %slice3A_519 = vector.extract_strided_slice %get3A_47 {offsets = [5], sizes = [1], strides = [1]} : vector<16xi32> to vector<1xi32>
      %squeeze3A_520 = vector.extract %slice3A_519[0] : i32 from vector<1xi32>
      %broadcast_in_dim3A_521 = arith.constant 1 : i32
      %broadcast_in_dim3A_522 = vector.broadcast %broadcast_in_dim3A_521 : i32 to vector<16xi32>
      %and3A_523 = arith.constant 127 : i32
      %and3A_524 = arith.andi %squeeze3A_520, %and3A_523 : i32
      %mul3A_525 = vector.broadcast %and3A_524 : i32 to vector<16xi32>
      %mul3A_526 = arith.muli %broadcast_in_dim3A_522, %mul3A_525 : vector<16xi32>
      %broadcast_in_dim3A_527 = arith.constant 1 : i32
      %broadcast_in_dim3A_528 = vector.broadcast %broadcast_in_dim3A_527 : i32 to vector<16xi32>
      %mul3A_529 = vector.broadcast %add3A_518 : i32 to vector<16xi32>
      %mul3A_530 = arith.muli %broadcast_in_dim3A_528, %mul3A_529 : vector<16xi32>
      %gather3A_531 = arith.constant 5 : i32
      %gather3A_532 = arith.constant 0 : i32
      %gather3A_533 = arith.constant 0 : i32
      %gather3A_534 = tpu.memref_slice %arg11[%gather3A_531, %gather3A_532, %gather3A_533] : memref<8x64x128xf32, #tpu.memory_space<vmem>> -> memref<1x64x128xf32, #tpu.memory_space<vmem>>
      %gather3A_535 = tpu.memref_squeeze %gather3A_534 : memref<1x64x128xf32, #tpu.memory_space<vmem>> -> memref<64x128xf32, #tpu.memory_space<vmem>>
      %gather3A_536 = tpu.vector_load_idx %gather3A_535[%add3A_3, %mul3A_526] : memref<64x128xf32, #tpu.memory_space<vmem>>[vector<16xi32>, vector<16xi32>], vector<16xf32>,
      tpu.vector_store_idx %arg12[%add3A_3, %mul3A_530], %gather3A_536 : memref<64x128xf32, #tpu.memory_space<vmem>>[vector<16xi32>, vector<16xi32>], vector<16xf32>,
      %gather3A_537 = arith.constant 5 : i32
      %gather3A_538 = arith.constant 0 : i32
      %gather3A_539 = arith.constant 0 : i32
      %gather3A_540 = tpu.memref_slice %arg11[%gather3A_537, %gather3A_538, %gather3A_539] : memref<8x64x128xf32, #tpu.memory_space<vmem>> -> memref<1x64x128xf32, #tpu.memory_space<vmem>>
      %gather3A_541 = tpu.memref_squeeze %gather3A_540 : memref<1x64x128xf32, #tpu.memory_space<vmem>> -> memref<64x128xf32, #tpu.memory_space<vmem>>
      %gather3A_542 = tpu.vector_load_idx %gather3A_541[%add3A_7, %mul3A_526] : memref<64x128xf32, #tpu.memory_space<vmem>>[vector<16xi32>, vector<16xi32>], vector<16xf32>,
      tpu.vector_store_idx %arg12[%add3A_7, %mul3A_530], %gather3A_542 : memref<64x128xf32, #tpu.memory_space<vmem>>[vector<16xi32>, vector<16xi32>], vector<16xf32>,
      %gather3A_543 = arith.constant 5 : i32
      %gather3A_544 = arith.constant 0 : i32
      %gather3A_545 = arith.constant 0 : i32
      %gather3A_546 = tpu.memref_slice %arg11[%gather3A_543, %gather3A_544, %gather3A_545] : memref<8x64x128xf32, #tpu.memory_space<vmem>> -> memref<1x64x128xf32, #tpu.memory_space<vmem>>
      %gather3A_547 = tpu.memref_squeeze %gather3A_546 : memref<1x64x128xf32, #tpu.memory_space<vmem>> -> memref<64x128xf32, #tpu.memory_space<vmem>>
      %gather3A_548 = tpu.vector_load_idx %gather3A_547[%add3A_11, %mul3A_526] : memref<64x128xf32, #tpu.memory_space<vmem>>[vector<16xi32>, vector<16xi32>], vector<16xf32>,
      tpu.vector_store_idx %arg12[%add3A_11, %mul3A_530], %gather3A_548 : memref<64x128xf32, #tpu.memory_space<vmem>>[vector<16xi32>, vector<16xi32>], vector<16xf32>,
      %gather3A_549 = arith.constant 5 : i32
      %gather3A_550 = arith.constant 0 : i32
      %gather3A_551 = arith.constant 0 : i32
      %gather3A_552 = tpu.memref_slice %arg11[%gather3A_549, %gather3A_550, %gather3A_551] : memref<8x64x128xf32, #tpu.memory_space<vmem>> -> memref<1x64x128xf32, #tpu.memory_space<vmem>>
      %gather3A_553 = tpu.memref_squeeze %gather3A_552 : memref<1x64x128xf32, #tpu.memory_space<vmem>> -> memref<64x128xf32, #tpu.memory_space<vmem>>
      %gather3A_554 = tpu.vector_load_idx %gather3A_553[%add3A_15, %mul3A_526] : memref<64x128xf32, #tpu.memory_space<vmem>>[vector<16xi32>, vector<16xi32>], vector<16xf32>,
      tpu.vector_store_idx %arg12[%add3A_15, %mul3A_530], %gather3A_554 : memref<64x128xf32, #tpu.memory_space<vmem>>[vector<16xi32>, vector<16xi32>], vector<16xf32>,
      %mul3A_555 = arith.constant 16 : i32
      %mul3A_556 = arith.muli %scan3A_43, %mul3A_555 : i32
      %add3A_557 = arith.constant 0 : i32
      %add3A_558 = arith.addi %mul3A_556, %add3A_557 : i32
      %add3A_559 = arith.constant 6 : i32
      %add3A_560 = arith.addi %add3A_558, %add3A_559 : i32
      %slice3A_561 = vector.extract_strided_slice %get3A_47 {offsets = [6], sizes = [1], strides = [1]} : vector<16xi32> to vector<1xi32>
      %squeeze3A_562 = vector.extract %slice3A_561[0] : i32 from vector<1xi32>
      %broadcast_in_dim3A_563 = arith.constant 1 : i32
      %broadcast_in_dim3A_564 = vector.broadcast %broadcast_in_dim3A_563 : i32 to vector<16xi32>
      %and3A_565 = arith.constant 127 : i32
      %and3A_566 = arith.andi %squeeze3A_562, %and3A_565 : i32
      %mul3A_567 = vector.broadcast %and3A_566 : i32 to vector<16xi32>
      %mul3A_568 = arith.muli %broadcast_in_dim3A_564, %mul3A_567 : vector<16xi32>
      %broadcast_in_dim3A_569 = arith.constant 1 : i32
      %broadcast_in_dim3A_570 = vector.broadcast %broadcast_in_dim3A_569 : i32 to vector<16xi32>
      %mul3A_571 = vector.broadcast %add3A_560 : i32 to vector<16xi32>
      %mul3A_572 = arith.muli %broadcast_in_dim3A_570, %mul3A_571 : vector<16xi32>
      %gather3A_573 = arith.constant 6 : i32
      %gather3A_574 = arith.constant 0 : i32
      %gather3A_575 = arith.constant 0 : i32
      %gather3A_576 = tpu.memref_slice %arg11[%gather3A_573, %gather3A_574, %gather3A_575] : memref<8x64x128xf32, #tpu.memory_space<vmem>> -> memref<1x64x128xf32, #tpu.memory_space<vmem>>
      %gather3A_577 = tpu.memref_squeeze %gather3A_576 : memref<1x64x128xf32, #tpu.memory_space<vmem>> -> memref<64x128xf32, #tpu.memory_space<vmem>>
      %gather3A_578 = tpu.vector_load_idx %gather3A_577[%add3A_3, %mul3A_568] : memref<64x128xf32, #tpu.memory_space<vmem>>[vector<16xi32>, vector<16xi32>], vector<16xf32>,
      tpu.vector_store_idx %arg12[%add3A_3, %mul3A_572], %gather3A_578 : memref<64x128xf32, #tpu.memory_space<vmem>>[vector<16xi32>, vector<16xi32>], vector<16xf32>,
      %gather3A_579 = arith.constant 6 : i32
      %gather3A_580 = arith.constant 0 : i32
      %gather3A_581 = arith.constant 0 : i32
      %gather3A_582 = tpu.memref_slice %arg11[%gather3A_579, %gather3A_580, %gather3A_581] : memref<8x64x128xf32, #tpu.memory_space<vmem>> -> memref<1x64x128xf32, #tpu.memory_space<vmem>>
      %gather3A_583 = tpu.memref_squeeze %gather3A_582 : memref<1x64x128xf32, #tpu.memory_space<vmem>> -> memref<64x128xf32, #tpu.memory_space<vmem>>
      %gather3A_584 = tpu.vector_load_idx %gather3A_583[%add3A_7, %mul3A_568] : memref<64x128xf32, #tpu.memory_space<vmem>>[vector<16xi32>, vector<16xi32>], vector<16xf32>,
      tpu.vector_store_idx %arg12[%add3A_7, %mul3A_572], %gather3A_584 : memref<64x128xf32, #tpu.memory_space<vmem>>[vector<16xi32>, vector<16xi32>], vector<16xf32>,
      %gather3A_585 = arith.constant 6 : i32
      %gather3A_586 = arith.constant 0 : i32
      %gather3A_587 = arith.constant 0 : i32
      %gather3A_588 = tpu.memref_slice %arg11[%gather3A_585, %gather3A_586, %gather3A_587] : memref<8x64x128xf32, #tpu.memory_space<vmem>> -> memref<1x64x128xf32, #tpu.memory_space<vmem>>
      %gather3A_589 = tpu.memref_squeeze %gather3A_588 : memref<1x64x128xf32, #tpu.memory_space<vmem>> -> memref<64x128xf32, #tpu.memory_space<vmem>>
      %gather3A_590 = tpu.vector_load_idx %gather3A_589[%add3A_11, %mul3A_568] : memref<64x128xf32, #tpu.memory_space<vmem>>[vector<16xi32>, vector<16xi32>], vector<16xf32>,
      tpu.vector_store_idx %arg12[%add3A_11, %mul3A_572], %gather3A_590 : memref<64x128xf32, #tpu.memory_space<vmem>>[vector<16xi32>, vector<16xi32>], vector<16xf32>,
      %gather3A_591 = arith.constant 6 : i32
      %gather3A_592 = arith.constant 0 : i32
      %gather3A_593 = arith.constant 0 : i32
      %gather3A_594 = tpu.memref_slice %arg11[%gather3A_591, %gather3A_592, %gather3A_593] : memref<8x64x128xf32, #tpu.memory_space<vmem>> -> memref<1x64x128xf32, #tpu.memory_space<vmem>>
      %gather3A_595 = tpu.memref_squeeze %gather3A_594 : memref<1x64x128xf32, #tpu.memory_space<vmem>> -> memref<64x128xf32, #tpu.memory_space<vmem>>
      %gather3A_596 = tpu.vector_load_idx %gather3A_595[%add3A_15, %mul3A_568] : memref<64x128xf32, #tpu.memory_space<vmem>>[vector<16xi32>, vector<16xi32>], vector<16xf32>,
      tpu.vector_store_idx %arg12[%add3A_15, %mul3A_572], %gather3A_596 : memref<64x128xf32, #tpu.memory_space<vmem>>[vector<16xi32>, vector<16xi32>], vector<16xf32>,
      %mul3A_597 = arith.constant 16 : i32
      %mul3A_598 = arith.muli %scan3A_43, %mul3A_597 : i32
      %add3A_599 = arith.constant 0 : i32
      %add3A_600 = arith.addi %mul3A_598, %add3A_599 : i32
      %add3A_601 = arith.constant 7 : i32
      %add3A_602 = arith.addi %add3A_600, %add3A_601 : i32
      %slice3A_603 = vector.extract_strided_slice %get3A_47 {offsets = [7], sizes = [1], strides = [1]} : vector<16xi32> to vector<1xi32>
      %squeeze3A_604 = vector.extract %slice3A_603[0] : i32 from vector<1xi32>
      %broadcast_in_dim3A_605 = arith.constant 1 : i32
      %broadcast_in_dim3A_606 = vector.broadcast %broadcast_in_dim3A_605 : i32 to vector<16xi32>
      %and3A_607 = arith.constant 127 : i32
      %and3A_608 = arith.andi %squeeze3A_604, %and3A_607 : i32
      %mul3A_609 = vector.broadcast %and3A_608 : i32 to vector<16xi32>
      %mul3A_610 = arith.muli %broadcast_in_dim3A_606, %mul3A_609 : vector<16xi32>
      %broadcast_in_dim3A_611 = arith.constant 1 : i32
      %broadcast_in_dim3A_612 = vector.broadcast %broadcast_in_dim3A_611 : i32 to vector<16xi32>
      %mul3A_613 = vector.broadcast %add3A_602 : i32 to vector<16xi32>
      %mul3A_614 = arith.muli %broadcast_in_dim3A_612, %mul3A_613 : vector<16xi32>
      %gather3A_615 = arith.constant 7 : i32
      %gather3A_616 = arith.constant 0 : i32
      %gather3A_617 = arith.constant 0 : i32
      %gather3A_618 = tpu.memref_slice %arg11[%gather3A_615, %gather3A_616, %gather3A_617] : memref<8x64x128xf32, #tpu.memory_space<vmem>> -> memref<1x64x128xf32, #tpu.memory_space<vmem>>
      %gather3A_619 = tpu.memref_squeeze %gather3A_618 : memref<1x64x128xf32, #tpu.memory_space<vmem>> -> memref<64x128xf32, #tpu.memory_space<vmem>>
      %gather3A_620 = tpu.vector_load_idx %gather3A_619[%add3A_3, %mul3A_610] : memref<64x128xf32, #tpu.memory_space<vmem>>[vector<16xi32>, vector<16xi32>], vector<16xf32>,
      tpu.vector_store_idx %arg12[%add3A_3, %mul3A_614], %gather3A_620 : memref<64x128xf32, #tpu.memory_space<vmem>>[vector<16xi32>, vector<16xi32>], vector<16xf32>,
      %gather3A_621 = arith.constant 7 : i32
      %gather3A_622 = arith.constant 0 : i32
      %gather3A_623 = arith.constant 0 : i32
      %gather3A_624 = tpu.memref_slice %arg11[%gather3A_621, %gather3A_622, %gather3A_623] : memref<8x64x128xf32, #tpu.memory_space<vmem>> -> memref<1x64x128xf32, #tpu.memory_space<vmem>>
      %gather3A_625 = tpu.memref_squeeze %gather3A_624 : memref<1x64x128xf32, #tpu.memory_space<vmem>> -> memref<64x128xf32, #tpu.memory_space<vmem>>
      %gather3A_626 = tpu.vector_load_idx %gather3A_625[%add3A_7, %mul3A_610] : memref<64x128xf32, #tpu.memory_space<vmem>>[vector<16xi32>, vector<16xi32>], vector<16xf32>,
      tpu.vector_store_idx %arg12[%add3A_7, %mul3A_614], %gather3A_626 : memref<64x128xf32, #tpu.memory_space<vmem>>[vector<16xi32>, vector<16xi32>], vector<16xf32>,
      %gather3A_627 = arith.constant 7 : i32
      %gather3A_628 = arith.constant 0 : i32
      %gather3A_629 = arith.constant 0 : i32
      %gather3A_630 = tpu.memref_slice %arg11[%gather3A_627, %gather3A_628, %gather3A_629] : memref<8x64x128xf32, #tpu.memory_space<vmem>> -> memref<1x64x128xf32, #tpu.memory_space<vmem>>
      %gather3A_631 = tpu.memref_squeeze %gather3A_630 : memref<1x64x128xf32, #tpu.memory_space<vmem>> -> memref<64x128xf32, #tpu.memory_space<vmem>>
      %gather3A_632 = tpu.vector_load_idx %gather3A_631[%add3A_11, %mul3A_610] : memref<64x128xf32, #tpu.memory_space<vmem>>[vector<16xi32>, vector<16xi32>], vector<16xf32>,
      tpu.vector_store_idx %arg12[%add3A_11, %mul3A_614], %gather3A_632 : memref<64x128xf32, #tpu.memory_space<vmem>>[vector<16xi32>, vector<16xi32>], vector<16xf32>,
      %gather3A_633 = arith.constant 7 : i32
      %gather3A_634 = arith.constant 0 : i32
      %gather3A_635 = arith.constant 0 : i32
      %gather3A_636 = tpu.memref_slice %arg11[%gather3A_633, %gather3A_634, %gather3A_635] : memref<8x64x128xf32, #tpu.memory_space<vmem>> -> memref<1x64x128xf32, #tpu.memory_space<vmem>>
      %gather3A_637 = tpu.memref_squeeze %gather3A_636 : memref<1x64x128xf32, #tpu.memory_space<vmem>> -> memref<64x128xf32, #tpu.memory_space<vmem>>
      %gather3A_638 = tpu.vector_load_idx %gather3A_637[%add3A_15, %mul3A_610] : memref<64x128xf32, #tpu.memory_space<vmem>>[vector<16xi32>, vector<16xi32>], vector<16xf32>,
      tpu.vector_store_idx %arg12[%add3A_15, %mul3A_614], %gather3A_638 : memref<64x128xf32, #tpu.memory_space<vmem>>[vector<16xi32>, vector<16xi32>], vector<16xf32>,
      %slice3A_639 = vector.extract_strided_slice %get3A_47 {offsets = [8], sizes = [1], strides = [1]} : vector<16xi32> to vector<1xi32>
      %squeeze3A_640 = vector.extract %slice3A_639[0] : i32 from vector<1xi32>
      %shift_right_arithmetic3A_641 = arith.constant 7 : i32
      %shift_right_arithmetic3A_642 = arith.shrsi %squeeze3A_640, %shift_right_arithmetic3A_641 : i32
      %mul3A_643 = arith.constant 128 : i32
      %mul3A_644 = arith.muli %shift_right_arithmetic3A_642, %mul3A_643 : i32
      %multiple_of3A_645 = tpu.assume_multiple %mul3A_644, 128 : i32
      %dma_start3A_646 = arith.constant 0 : i32
      %dma_start3A_647 = arith.constant 0 : i32
      %dma_start3A_648 = arith.constant 0 : i32
      %dma_start3A_649 = tpu.memref_slice %arg11[%dma_start3A_646, %dma_start3A_647, %dma_start3A_648] : memref<8x64x128xf32, #tpu.memory_space<vmem>> -> memref<1x64x128xf32, #tpu.memory_space<vmem>>
      %dma_start3A_650 = tpu.memref_squeeze %dma_start3A_649 : memref<1x64x128xf32, #tpu.memory_space<vmem>> -> memref<64x128xf32, #tpu.memory_space<vmem>>
      %dma_start3A_651 = arith.constant 0 : i32
      %dma_start3A_652 = tpu.memref_slice %arg4[%dma_start3A_651, %multiple_of3A_645] : memref<64x1000000xf32, #tpu.memory_space<hbm>> -> memref<64x128xf32, #tpu.memory_space<hbm>>
      %dma_start3A_653 = arith.constant 0 : i32
      %dma_start3A_654 = arith.constant 0 : i32
      %dma_start3A_655 = tpu.memref_slice %arg11[%dma_start3A_646, %dma_start3A_653, %dma_start3A_654] : memref<8x64x128xf32, #tpu.memory_space<vmem>> -> memref<1x64x128xf32, #tpu.memory_space<vmem>>
      %dma_start3A_656 = tpu.memref_squeeze %dma_start3A_655 : memref<1x64x128xf32, #tpu.memory_space<vmem>> -> memref<64x128xf32, #tpu.memory_space<vmem>>
      %dma_start3A_657 = arith.constant 0 : i32
      %dma_start3A_658 = tpu.memref_slice %arg4[%dma_start3A_657, %multiple_of3A_645] : memref<64x1000000xf32, #tpu.memory_space<hbm>> -> memref<64x128xf32, #tpu.memory_space<hbm>>
      tpu.enqueue_dma source(%dma_start3A_658 : memref<64x128xf32, #tpu.memory_space<hbm>>) target(%dma_start3A_656 : memref<64x128xf32, #tpu.memory_space<vmem>>) target_semaphore(%arg15 : memref<!tpu.dma_semaphore, #tpu.memory_space<semaphore_mem>>)
      %slice3A_659 = vector.extract_strided_slice %get3A_47 {offsets = [9], sizes = [1], strides = [1]} : vector<16xi32> to vector<1xi32>
      %squeeze3A_660 = vector.extract %slice3A_659[0] : i32 from vector<1xi32>
      %shift_right_arithmetic3A_661 = arith.constant 7 : i32
      %shift_right_arithmetic3A_662 = arith.shrsi %squeeze3A_660, %shift_right_arithmetic3A_661 : i32
      %mul3A_663 = arith.constant 128 : i32
      %mul3A_664 = arith.muli %shift_right_arithmetic3A_662, %mul3A_663 : i32
      %multiple_of3A_665 = tpu.assume_multiple %mul3A_664, 128 : i32
      %dma_start3A_666 = arith.constant 1 : i32
      %dma_start3A_667 = arith.constant 0 : i32
      %dma_start3A_668 = arith.constant 0 : i32
      %dma_start3A_669 = tpu.memref_slice %arg11[%dma_start3A_666, %dma_start3A_667, %dma_start3A_668] : memref<8x64x128xf32, #tpu.memory_space<vmem>> -> memref<1x64x128xf32, #tpu.memory_space<vmem>>
      %dma_start3A_670 = tpu.memref_squeeze %dma_start3A_669 : memref<1x64x128xf32, #tpu.memory_space<vmem>> -> memref<64x128xf32, #tpu.memory_space<vmem>>
      %dma_start3A_671 = arith.constant 0 : i32
      %dma_start3A_672 = tpu.memref_slice %arg4[%dma_start3A_671, %multiple_of3A_665] : memref<64x1000000xf32, #tpu.memory_space<hbm>> -> memref<64x128xf32, #tpu.memory_space<hbm>>
      %dma_start3A_673 = arith.constant 0 : i32
      %dma_start3A_674 = arith.constant 0 : i32
      %dma_start3A_675 = tpu.memref_slice %arg11[%dma_start3A_666, %dma_start3A_673, %dma_start3A_674] : memref<8x64x128xf32, #tpu.memory_space<vmem>> -> memref<1x64x128xf32, #tpu.memory_space<vmem>>
      %dma_start3A_676 = tpu.memref_squeeze %dma_start3A_675 : memref<1x64x128xf32, #tpu.memory_space<vmem>> -> memref<64x128xf32, #tpu.memory_space<vmem>>
      %dma_start3A_677 = arith.constant 0 : i32
      %dma_start3A_678 = tpu.memref_slice %arg4[%dma_start3A_677, %multiple_of3A_665] : memref<64x1000000xf32, #tpu.memory_space<hbm>> -> memref<64x128xf32, #tpu.memory_space<hbm>>
      tpu.enqueue_dma source(%dma_start3A_678 : memref<64x128xf32, #tpu.memory_space<hbm>>) target(%dma_start3A_676 : memref<64x128xf32, #tpu.memory_space<vmem>>) target_semaphore(%arg15 : memref<!tpu.dma_semaphore, #tpu.memory_space<semaphore_mem>>)
      %slice3A_679 = vector.extract_strided_slice %get3A_47 {offsets = [10], sizes = [1], strides = [1]} : vector<16xi32> to vector<1xi32>
      %squeeze3A_680 = vector.extract %slice3A_679[0] : i32 from vector<1xi32>
      %shift_right_arithmetic3A_681 = arith.constant 7 : i32
      %shift_right_arithmetic3A_682 = arith.shrsi %squeeze3A_680, %shift_right_arithmetic3A_681 : i32
      %mul3A_683 = arith.constant 128 : i32
      %mul3A_684 = arith.muli %shift_right_arithmetic3A_682, %mul3A_683 : i32
      %multiple_of3A_685 = tpu.assume_multiple %mul3A_684, 128 : i32
      %dma_start3A_686 = arith.constant 2 : i32
      %dma_start3A_687 = arith.constant 0 : i32
      %dma_start3A_688 = arith.constant 0 : i32
      %dma_start3A_689 = tpu.memref_slice %arg11[%dma_start3A_686, %dma_start3A_687, %dma_start3A_688] : memref<8x64x128xf32, #tpu.memory_space<vmem>> -> memref<1x64x128xf32, #tpu.memory_space<vmem>>
      %dma_start3A_690 = tpu.memref_squeeze %dma_start3A_689 : memref<1x64x128xf32, #tpu.memory_space<vmem>> -> memref<64x128xf32, #tpu.memory_space<vmem>>
      %dma_start3A_691 = arith.constant 0 : i32
      %dma_start3A_692 = tpu.memref_slice %arg4[%dma_start3A_691, %multiple_of3A_685] : memref<64x1000000xf32, #tpu.memory_space<hbm>> -> memref<64x128xf32, #tpu.memory_space<hbm>>
      %dma_start3A_693 = arith.constant 0 : i32
      %dma_start3A_694 = arith.constant 0 : i32
      %dma_start3A_695 = tpu.memref_slice %arg11[%dma_start3A_686, %dma_start3A_693, %dma_start3A_694] : memref<8x64x128xf32, #tpu.memory_space<vmem>> -> memref<1x64x128xf32, #tpu.memory_space<vmem>>
      %dma_start3A_696 = tpu.memref_squeeze %dma_start3A_695 : memref<1x64x128xf32, #tpu.memory_space<vmem>> -> memref<64x128xf32, #tpu.memory_space<vmem>>
      %dma_start3A_697 = arith.constant 0 : i32
      %dma_start3A_698 = tpu.memref_slice %arg4[%dma_start3A_697, %multiple_of3A_685] : memref<64x1000000xf32, #tpu.memory_space<hbm>> -> memref<64x128xf32, #tpu.memory_space<hbm>>
      tpu.enqueue_dma source(%dma_start3A_698 : memref<64x128xf32, #tpu.memory_space<hbm>>) target(%dma_start3A_696 : memref<64x128xf32, #tpu.memory_space<vmem>>) target_semaphore(%arg15 : memref<!tpu.dma_semaphore, #tpu.memory_space<semaphore_mem>>)
      %slice3A_699 = vector.extract_strided_slice %get3A_47 {offsets = [11], sizes = [1], strides = [1]} : vector<16xi32> to vector<1xi32>
      %squeeze3A_700 = vector.extract %slice3A_699[0] : i32 from vector<1xi32>
      %shift_right_arithmetic3A_701 = arith.constant 7 : i32
      %shift_right_arithmetic3A_702 = arith.shrsi %squeeze3A_700, %shift_right_arithmetic3A_701 : i32
      %mul3A_703 = arith.constant 128 : i32
      %mul3A_704 = arith.muli %shift_right_arithmetic3A_702, %mul3A_703 : i32
      %multiple_of3A_705 = tpu.assume_multiple %mul3A_704, 128 : i32
      %dma_start3A_706 = arith.constant 3 : i32
      %dma_start3A_707 = arith.constant 0 : i32
      %dma_start3A_708 = arith.constant 0 : i32
      %dma_start3A_709 = tpu.memref_slice %arg11[%dma_start3A_706, %dma_start3A_707, %dma_start3A_708] : memref<8x64x128xf32, #tpu.memory_space<vmem>> -> memref<1x64x128xf32, #tpu.memory_space<vmem>>
      %dma_start3A_710 = tpu.memref_squeeze %dma_start3A_709 : memref<1x64x128xf32, #tpu.memory_space<vmem>> -> memref<64x128xf32, #tpu.memory_space<vmem>>
      %dma_start3A_711 = arith.constant 0 : i32
      %dma_start3A_712 = tpu.memref_slice %arg4[%dma_start3A_711, %multiple_of3A_705] : memref<64x1000000xf32, #tpu.memory_space<hbm>> -> memref<64x128xf32, #tpu.memory_space<hbm>>
      %dma_start3A_713 = arith.constant 0 : i32
      %dma_start3A_714 = arith.constant 0 : i32
      %dma_start3A_715 = tpu.memref_slice %arg11[%dma_start3A_706, %dma_start3A_713, %dma_start3A_714] : memref<8x64x128xf32, #tpu.memory_space<vmem>> -> memref<1x64x128xf32, #tpu.memory_space<vmem>>
      %dma_start3A_716 = tpu.memref_squeeze %dma_start3A_715 : memref<1x64x128xf32, #tpu.memory_space<vmem>> -> memref<64x128xf32, #tpu.memory_space<vmem>>
      %dma_start3A_717 = arith.constant 0 : i32
      %dma_start3A_718 = tpu.memref_slice %arg4[%dma_start3A_717, %multiple_of3A_705] : memref<64x1000000xf32, #tpu.memory_space<hbm>> -> memref<64x128xf32, #tpu.memory_space<hbm>>
      tpu.enqueue_dma source(%dma_start3A_718 : memref<64x128xf32, #tpu.memory_space<hbm>>) target(%dma_start3A_716 : memref<64x128xf32, #tpu.memory_space<vmem>>) target_semaphore(%arg15 : memref<!tpu.dma_semaphore, #tpu.memory_space<semaphore_mem>>)
      %slice3A_719 = vector.extract_strided_slice %get3A_47 {offsets = [12], sizes = [1], strides = [1]} : vector<16xi32> to vector<1xi32>
      %squeeze3A_720 = vector.extract %slice3A_719[0] : i32 from vector<1xi32>
      %shift_right_arithmetic3A_721 = arith.constant 7 : i32
      %shift_right_arithmetic3A_722 = arith.shrsi %squeeze3A_720, %shift_right_arithmetic3A_721 : i32
      %mul3A_723 = arith.constant 128 : i32
      %mul3A_724 = arith.muli %shift_right_arithmetic3A_722, %mul3A_723 : i32
      %multiple_of3A_725 = tpu.assume_multiple %mul3A_724, 128 : i32
      %dma_start3A_726 = arith.constant 4 : i32
      %dma_start3A_727 = arith.constant 0 : i32
      %dma_start3A_728 = arith.constant 0 : i32
      %dma_start3A_729 = tpu.memref_slice %arg11[%dma_start3A_726, %dma_start3A_727, %dma_start3A_728] : memref<8x64x128xf32, #tpu.memory_space<vmem>> -> memref<1x64x128xf32, #tpu.memory_space<vmem>>
      %dma_start3A_730 = tpu.memref_squeeze %dma_start3A_729 : memref<1x64x128xf32, #tpu.memory_space<vmem>> -> memref<64x128xf32, #tpu.memory_space<vmem>>
      %dma_start3A_731 = arith.constant 0 : i32
      %dma_start3A_732 = tpu.memref_slice %arg4[%dma_start3A_731, %multiple_of3A_725] : memref<64x1000000xf32, #tpu.memory_space<hbm>> -> memref<64x128xf32, #tpu.memory_space<hbm>>
      %dma_start3A_733 = arith.constant 0 : i32
      %dma_start3A_734 = arith.constant 0 : i32
      %dma_start3A_735 = tpu.memref_slice %arg11[%dma_start3A_726, %dma_start3A_733, %dma_start3A_734] : memref<8x64x128xf32, #tpu.memory_space<vmem>> -> memref<1x64x128xf32, #tpu.memory_space<vmem>>
      %dma_start3A_736 = tpu.memref_squeeze %dma_start3A_735 : memref<1x64x128xf32, #tpu.memory_space<vmem>> -> memref<64x128xf32, #tpu.memory_space<vmem>>
      %dma_start3A_737 = arith.constant 0 : i32
      %dma_start3A_738 = tpu.memref_slice %arg4[%dma_start3A_737, %multiple_of3A_725] : memref<64x1000000xf32, #tpu.memory_space<hbm>> -> memref<64x128xf32, #tpu.memory_space<hbm>>
      tpu.enqueue_dma source(%dma_start3A_738 : memref<64x128xf32, #tpu.memory_space<hbm>>) target(%dma_start3A_736 : memref<64x128xf32, #tpu.memory_space<vmem>>) target_semaphore(%arg15 : memref<!tpu.dma_semaphore, #tpu.memory_space<semaphore_mem>>)
      %slice3A_739 = vector.extract_strided_slice %get3A_47 {offsets = [13], sizes = [1], strides = [1]} : vector<16xi32> to vector<1xi32>
      %squeeze3A_740 = vector.extract %slice3A_739[0] : i32 from vector<1xi32>
      %shift_right_arithmetic3A_741 = arith.constant 7 : i32
      %shift_right_arithmetic3A_742 = arith.shrsi %squeeze3A_740, %shift_right_arithmetic3A_741 : i32
      %mul3A_743 = arith.constant 128 : i32
      %mul3A_744 = arith.muli %shift_right_arithmetic3A_742, %mul3A_743 : i32
      %multiple_of3A_745 = tpu.assume_multiple %mul3A_744, 128 : i32
      %dma_start3A_746 = arith.constant 5 : i32
      %dma_start3A_747 = arith.constant 0 : i32
      %dma_start3A_748 = arith.constant 0 : i32
      %dma_start3A_749 = tpu.memref_slice %arg11[%dma_start3A_746, %dma_start3A_747, %dma_start3A_748] : memref<8x64x128xf32, #tpu.memory_space<vmem>> -> memref<1x64x128xf32, #tpu.memory_space<vmem>>
      %dma_start3A_750 = tpu.memref_squeeze %dma_start3A_749 : memref<1x64x128xf32, #tpu.memory_space<vmem>> -> memref<64x128xf32, #tpu.memory_space<vmem>>
      %dma_start3A_751 = arith.constant 0 : i32
      %dma_start3A_752 = tpu.memref_slice %arg4[%dma_start3A_751, %multiple_of3A_745] : memref<64x1000000xf32, #tpu.memory_space<hbm>> -> memref<64x128xf32, #tpu.memory_space<hbm>>
      %dma_start3A_753 = arith.constant 0 : i32
      %dma_start3A_754 = arith.constant 0 : i32
      %dma_start3A_755 = tpu.memref_slice %arg11[%dma_start3A_746, %dma_start3A_753, %dma_start3A_754] : memref<8x64x128xf32, #tpu.memory_space<vmem>> -> memref<1x64x128xf32, #tpu.memory_space<vmem>>
      %dma_start3A_756 = tpu.memref_squeeze %dma_start3A_755 : memref<1x64x128xf32, #tpu.memory_space<vmem>> -> memref<64x128xf32, #tpu.memory_space<vmem>>
      %dma_start3A_757 = arith.constant 0 : i32
      %dma_start3A_758 = tpu.memref_slice %arg4[%dma_start3A_757, %multiple_of3A_745] : memref<64x1000000xf32, #tpu.memory_space<hbm>> -> memref<64x128xf32, #tpu.memory_space<hbm>>
      tpu.enqueue_dma source(%dma_start3A_758 : memref<64x128xf32, #tpu.memory_space<hbm>>) target(%dma_start3A_756 : memref<64x128xf32, #tpu.memory_space<vmem>>) target_semaphore(%arg15 : memref<!tpu.dma_semaphore, #tpu.memory_space<semaphore_mem>>)
      %slice3A_759 = vector.extract_strided_slice %get3A_47 {offsets = [14], sizes = [1], strides = [1]} : vector<16xi32> to vector<1xi32>
      %squeeze3A_760 = vector.extract %slice3A_759[0] : i32 from vector<1xi32>
      %shift_right_arithmetic3A_761 = arith.constant 7 : i32
      %shift_right_arithmetic3A_762 = arith.shrsi %squeeze3A_760, %shift_right_arithmetic3A_761 : i32
      %mul3A_763 = arith.constant 128 : i32
      %mul3A_764 = arith.muli %shift_right_arithmetic3A_762, %mul3A_763 : i32
      %multiple_of3A_765 = tpu.assume_multiple %mul3A_764, 128 : i32
      %dma_start3A_766 = arith.constant 6 : i32
      %dma_start3A_767 = arith.constant 0 : i32
      %dma_start3A_768 = arith.constant 0 : i32
      %dma_start3A_769 = tpu.memref_slice %arg11[%dma_start3A_766, %dma_start3A_767, %dma_start3A_768] : memref<8x64x128xf32, #tpu.memory_space<vmem>> -> memref<1x64x128xf32, #tpu.memory_space<vmem>>
      %dma_start3A_770 = tpu.memref_squeeze %dma_start3A_769 : memref<1x64x128xf32, #tpu.memory_space<vmem>> -> memref<64x128xf32, #tpu.memory_space<vmem>>
      %dma_start3A_771 = arith.constant 0 : i32
      %dma_start3A_772 = tpu.memref_slice %arg4[%dma_start3A_771, %multiple_of3A_765] : memref<64x1000000xf32, #tpu.memory_space<hbm>> -> memref<64x128xf32, #tpu.memory_space<hbm>>
      %dma_start3A_773 = arith.constant 0 : i32
      %dma_start3A_774 = arith.constant 0 : i32
      %dma_start3A_775 = tpu.memref_slice %arg11[%dma_start3A_766, %dma_start3A_773, %dma_start3A_774] : memref<8x64x128xf32, #tpu.memory_space<vmem>> -> memref<1x64x128xf32, #tpu.memory_space<vmem>>
      %dma_start3A_776 = tpu.memref_squeeze %dma_start3A_775 : memref<1x64x128xf32, #tpu.memory_space<vmem>> -> memref<64x128xf32, #tpu.memory_space<vmem>>
      %dma_start3A_777 = arith.constant 0 : i32
      %dma_start3A_778 = tpu.memref_slice %arg4[%dma_start3A_777, %multiple_of3A_765] : memref<64x1000000xf32, #tpu.memory_space<hbm>> -> memref<64x128xf32, #tpu.memory_space<hbm>>
      tpu.enqueue_dma source(%dma_start3A_778 : memref<64x128xf32, #tpu.memory_space<hbm>>) target(%dma_start3A_776 : memref<64x128xf32, #tpu.memory_space<vmem>>) target_semaphore(%arg15 : memref<!tpu.dma_semaphore, #tpu.memory_space<semaphore_mem>>)
      %slice3A_779 = vector.extract_strided_slice %get3A_47 {offsets = [15], sizes = [1], strides = [1]} : vector<16xi32> to vector<1xi32>
      %squeeze3A_780 = vector.extract %slice3A_779[0] : i32 from vector<1xi32>
      %shift_right_arithmetic3A_781 = arith.constant 7 : i32
      %shift_right_arithmetic3A_782 = arith.shrsi %squeeze3A_780, %shift_right_arithmetic3A_781 : i32
      %mul3A_783 = arith.constant 128 : i32
      %mul3A_784 = arith.muli %shift_right_arithmetic3A_782, %mul3A_783 : i32
      %multiple_of3A_785 = tpu.assume_multiple %mul3A_784, 128 : i32
      %dma_start3A_786 = arith.constant 7 : i32
      %dma_start3A_787 = arith.constant 0 : i32
      %dma_start3A_788 = arith.constant 0 : i32
      %dma_start3A_789 = tpu.memref_slice %arg11[%dma_start3A_786, %dma_start3A_787, %dma_start3A_788] : memref<8x64x128xf32, #tpu.memory_space<vmem>> -> memref<1x64x128xf32, #tpu.memory_space<vmem>>
      %dma_start3A_790 = tpu.memref_squeeze %dma_start3A_789 : memref<1x64x128xf32, #tpu.memory_space<vmem>> -> memref<64x128xf32, #tpu.memory_space<vmem>>
      %dma_start3A_791 = arith.constant 0 : i32
      %dma_start3A_792 = tpu.memref_slice %arg4[%dma_start3A_791, %multiple_of3A_785] : memref<64x1000000xf32, #tpu.memory_space<hbm>> -> memref<64x128xf32, #tpu.memory_space<hbm>>
      %dma_start3A_793 = arith.constant 0 : i32
      %dma_start3A_794 = arith.constant 0 : i32
      %dma_start3A_795 = tpu.memref_slice %arg11[%dma_start3A_786, %dma_start3A_793, %dma_start3A_794] : memref<8x64x128xf32, #tpu.memory_space<vmem>> -> memref<1x64x128xf32, #tpu.memory_space<vmem>>
      %dma_start3A_796 = tpu.memref_squeeze %dma_start3A_795 : memref<1x64x128xf32, #tpu.memory_space<vmem>> -> memref<64x128xf32, #tpu.memory_space<vmem>>
      %dma_start3A_797 = arith.constant 0 : i32
      %dma_start3A_798 = tpu.memref_slice %arg4[%dma_start3A_797, %multiple_of3A_785] : memref<64x1000000xf32, #tpu.memory_space<hbm>> -> memref<64x128xf32, #tpu.memory_space<hbm>>
      tpu.enqueue_dma source(%dma_start3A_798 : memref<64x128xf32, #tpu.memory_space<hbm>>) target(%dma_start3A_796 : memref<64x128xf32, #tpu.memory_space<vmem>>) target_semaphore(%arg15 : memref<!tpu.dma_semaphore, #tpu.memory_space<semaphore_mem>>)
      %dma_wait3A_799 = arith.constant 0 : i32
      %dma_wait3A_800 = arith.constant 0 : i32
      %dma_wait3A_801 = arith.constant 0 : i32
      %dma_wait3A_802 = tpu.memref_slice %arg11[%dma_wait3A_799, %dma_wait3A_800, %dma_wait3A_801] : memref<8x64x128xf32, #tpu.memory_space<vmem>> -> memref<1x64x128xf32, #tpu.memory_space<vmem>>
      %dma_wait3A_803 = tpu.memref_squeeze %dma_wait3A_802 : memref<1x64x128xf32, #tpu.memory_space<vmem>> -> memref<64x128xf32, #tpu.memory_space<vmem>>
      %dma_wait3A_804 = arith.constant 0 : i32
      %dma_wait3A_805 = tpu.memref_slice %arg4[%dma_wait3A_804, %multiple_of3A_645] : memref<64x1000000xf32, #tpu.memory_space<hbm>> -> memref<64x128xf32, #tpu.memory_space<hbm>>
      %dma_wait3A_806 = arith.constant 0 : i32
      %dma_wait3A_807 = arith.constant 0 : i32
      %dma_wait3A_808 = tpu.memref_slice %arg11[%dma_wait3A_799, %dma_wait3A_806, %dma_wait3A_807] : memref<8x64x128xf32, #tpu.memory_space<vmem>> -> memref<1x64x128xf32, #tpu.memory_space<vmem>>
      %dma_wait3A_809 = tpu.memref_squeeze %dma_wait3A_808 : memref<1x64x128xf32, #tpu.memory_space<vmem>> -> memref<64x128xf32, #tpu.memory_space<vmem>>
      %dma_wait3A_810 = arith.constant 0 : i32
      %dma_wait3A_811 = tpu.memref_slice %arg4[%dma_wait3A_810, %multiple_of3A_645] : memref<64x1000000xf32, #tpu.memory_space<hbm>> -> memref<64x128xf32, #tpu.memory_space<hbm>>
      tpu.wait_dma2 semaphore(%arg15 : memref<!tpu.dma_semaphore, #tpu.memory_space<semaphore_mem>>) src(%dma_wait3A_811 : memref<64x128xf32, #tpu.memory_space<hbm>>) dst(%dma_wait3A_809 : memref<64x128xf32, #tpu.memory_space<vmem>>)
      %dma_wait3A_812 = arith.constant 1 : i32
      %dma_wait3A_813 = arith.constant 0 : i32
      %dma_wait3A_814 = arith.constant 0 : i32
      %dma_wait3A_815 = tpu.memref_slice %arg11[%dma_wait3A_812, %dma_wait3A_813, %dma_wait3A_814] : memref<8x64x128xf32, #tpu.memory_space<vmem>> -> memref<1x64x128xf32, #tpu.memory_space<vmem>>
      %dma_wait3A_816 = tpu.memref_squeeze %dma_wait3A_815 : memref<1x64x128xf32, #tpu.memory_space<vmem>> -> memref<64x128xf32, #tpu.memory_space<vmem>>
      %dma_wait3A_817 = arith.constant 0 : i32
      %dma_wait3A_818 = tpu.memref_slice %arg4[%dma_wait3A_817, %multiple_of3A_665] : memref<64x1000000xf32, #tpu.memory_space<hbm>> -> memref<64x128xf32, #tpu.memory_space<hbm>>
      %dma_wait3A_819 = arith.constant 0 : i32
      %dma_wait3A_820 = arith.constant 0 : i32
      %dma_wait3A_821 = tpu.memref_slice %arg11[%dma_wait3A_812, %dma_wait3A_819, %dma_wait3A_820] : memref<8x64x128xf32, #tpu.memory_space<vmem>> -> memref<1x64x128xf32, #tpu.memory_space<vmem>>
      %dma_wait3A_822 = tpu.memref_squeeze %dma_wait3A_821 : memref<1x64x128xf32, #tpu.memory_space<vmem>> -> memref<64x128xf32, #tpu.memory_space<vmem>>
      %dma_wait3A_823 = arith.constant 0 : i32
      %dma_wait3A_824 = tpu.memref_slice %arg4[%dma_wait3A_823, %multiple_of3A_665] : memref<64x1000000xf32, #tpu.memory_space<hbm>> -> memref<64x128xf32, #tpu.memory_space<hbm>>
      tpu.wait_dma2 semaphore(%arg15 : memref<!tpu.dma_semaphore, #tpu.memory_space<semaphore_mem>>) src(%dma_wait3A_824 : memref<64x128xf32, #tpu.memory_space<hbm>>) dst(%dma_wait3A_822 : memref<64x128xf32, #tpu.memory_space<vmem>>)
      %dma_wait3A_825 = arith.constant 2 : i32
      %dma_wait3A_826 = arith.constant 0 : i32
      %dma_wait3A_827 = arith.constant 0 : i32
      %dma_wait3A_828 = tpu.memref_slice %arg11[%dma_wait3A_825, %dma_wait3A_826, %dma_wait3A_827] : memref<8x64x128xf32, #tpu.memory_space<vmem>> -> memref<1x64x128xf32, #tpu.memory_space<vmem>>
      %dma_wait3A_829 = tpu.memref_squeeze %dma_wait3A_828 : memref<1x64x128xf32, #tpu.memory_space<vmem>> -> memref<64x128xf32, #tpu.memory_space<vmem>>
      %dma_wait3A_830 = arith.constant 0 : i32
      %dma_wait3A_831 = tpu.memref_slice %arg4[%dma_wait3A_830, %multiple_of3A_685] : memref<64x1000000xf32, #tpu.memory_space<hbm>> -> memref<64x128xf32, #tpu.memory_space<hbm>>
      %dma_wait3A_832 = arith.constant 0 : i32
      %dma_wait3A_833 = arith.constant 0 : i32
      %dma_wait3A_834 = tpu.memref_slice %arg11[%dma_wait3A_825, %dma_wait3A_832, %dma_wait3A_833] : memref<8x64x128xf32, #tpu.memory_space<vmem>> -> memref<1x64x128xf32, #tpu.memory_space<vmem>>
      %dma_wait3A_835 = tpu.memref_squeeze %dma_wait3A_834 : memref<1x64x128xf32, #tpu.memory_space<vmem>> -> memref<64x128xf32, #tpu.memory_space<vmem>>
      %dma_wait3A_836 = arith.constant 0 : i32
      %dma_wait3A_837 = tpu.memref_slice %arg4[%dma_wait3A_836, %multiple_of3A_685] : memref<64x1000000xf32, #tpu.memory_space<hbm>> -> memref<64x128xf32, #tpu.memory_space<hbm>>
      tpu.wait_dma2 semaphore(%arg15 : memref<!tpu.dma_semaphore, #tpu.memory_space<semaphore_mem>>) src(%dma_wait3A_837 : memref<64x128xf32, #tpu.memory_space<hbm>>) dst(%dma_wait3A_835 : memref<64x128xf32, #tpu.memory_space<vmem>>)
      %dma_wait3A_838 = arith.constant 3 : i32
      %dma_wait3A_839 = arith.constant 0 : i32
      %dma_wait3A_840 = arith.constant 0 : i32
      %dma_wait3A_841 = tpu.memref_slice %arg11[%dma_wait3A_838, %dma_wait3A_839, %dma_wait3A_840] : memref<8x64x128xf32, #tpu.memory_space<vmem>> -> memref<1x64x128xf32, #tpu.memory_space<vmem>>
      %dma_wait3A_842 = tpu.memref_squeeze %dma_wait3A_841 : memref<1x64x128xf32, #tpu.memory_space<vmem>> -> memref<64x128xf32, #tpu.memory_space<vmem>>
      %dma_wait3A_843 = arith.constant 0 : i32
      %dma_wait3A_844 = tpu.memref_slice %arg4[%dma_wait3A_843, %multiple_of3A_705] : memref<64x1000000xf32, #tpu.memory_space<hbm>> -> memref<64x128xf32, #tpu.memory_space<hbm>>
      %dma_wait3A_845 = arith.constant 0 : i32
      %dma_wait3A_846 = arith.constant 0 : i32
      %dma_wait3A_847 = tpu.memref_slice %arg11[%dma_wait3A_838, %dma_wait3A_845, %dma_wait3A_846] : memref<8x64x128xf32, #tpu.memory_space<vmem>> -> memref<1x64x128xf32, #tpu.memory_space<vmem>>
      %dma_wait3A_848 = tpu.memref_squeeze %dma_wait3A_847 : memref<1x64x128xf32, #tpu.memory_space<vmem>> -> memref<64x128xf32, #tpu.memory_space<vmem>>
      %dma_wait3A_849 = arith.constant 0 : i32
      %dma_wait3A_850 = tpu.memref_slice %arg4[%dma_wait3A_849, %multiple_of3A_705] : memref<64x1000000xf32, #tpu.memory_space<hbm>> -> memref<64x128xf32, #tpu.memory_space<hbm>>
      tpu.wait_dma2 semaphore(%arg15 : memref<!tpu.dma_semaphore, #tpu.memory_space<semaphore_mem>>) src(%dma_wait3A_850 : memref<64x128xf32, #tpu.memory_space<hbm>>) dst(%dma_wait3A_848 : memref<64x128xf32, #tpu.memory_space<vmem>>)
      %dma_wait3A_851 = arith.constant 4 : i32
      %dma_wait3A_852 = arith.constant 0 : i32
      %dma_wait3A_853 = arith.constant 0 : i32
      %dma_wait3A_854 = tpu.memref_slice %arg11[%dma_wait3A_851, %dma_wait3A_852, %dma_wait3A_853] : memref<8x64x128xf32, #tpu.memory_space<vmem>> -> memref<1x64x128xf32, #tpu.memory_space<vmem>>
      %dma_wait3A_855 = tpu.memref_squeeze %dma_wait3A_854 : memref<1x64x128xf32, #tpu.memory_space<vmem>> -> memref<64x128xf32, #tpu.memory_space<vmem>>
      %dma_wait3A_856 = arith.constant 0 : i32
      %dma_wait3A_857 = tpu.memref_slice %arg4[%dma_wait3A_856, %multiple_of3A_725] : memref<64x1000000xf32, #tpu.memory_space<hbm>> -> memref<64x128xf32, #tpu.memory_space<hbm>>
      %dma_wait3A_858 = arith.constant 0 : i32
      %dma_wait3A_859 = arith.constant 0 : i32
      %dma_wait3A_860 = tpu.memref_slice %arg11[%dma_wait3A_851, %dma_wait3A_858, %dma_wait3A_859] : memref<8x64x128xf32, #tpu.memory_space<vmem>> -> memref<1x64x128xf32, #tpu.memory_space<vmem>>
      %dma_wait3A_861 = tpu.memref_squeeze %dma_wait3A_860 : memref<1x64x128xf32, #tpu.memory_space<vmem>> -> memref<64x128xf32, #tpu.memory_space<vmem>>
      %dma_wait3A_862 = arith.constant 0 : i32
      %dma_wait3A_863 = tpu.memref_slice %arg4[%dma_wait3A_862, %multiple_of3A_725] : memref<64x1000000xf32, #tpu.memory_space<hbm>> -> memref<64x128xf32, #tpu.memory_space<hbm>>
      tpu.wait_dma2 semaphore(%arg15 : memref<!tpu.dma_semaphore, #tpu.memory_space<semaphore_mem>>) src(%dma_wait3A_863 : memref<64x128xf32, #tpu.memory_space<hbm>>) dst(%dma_wait3A_861 : memref<64x128xf32, #tpu.memory_space<vmem>>)
      %dma_wait3A_864 = arith.constant 5 : i32
      %dma_wait3A_865 = arith.constant 0 : i32
      %dma_wait3A_866 = arith.constant 0 : i32
      %dma_wait3A_867 = tpu.memref_slice %arg11[%dma_wait3A_864, %dma_wait3A_865, %dma_wait3A_866] : memref<8x64x128xf32, #tpu.memory_space<vmem>> -> memref<1x64x128xf32, #tpu.memory_space<vmem>>
      %dma_wait3A_868 = tpu.memref_squeeze %dma_wait3A_867 : memref<1x64x128xf32, #tpu.memory_space<vmem>> -> memref<64x128xf32, #tpu.memory_space<vmem>>
      %dma_wait3A_869 = arith.constant 0 : i32
      %dma_wait3A_870 = tpu.memref_slice %arg4[%dma_wait3A_869, %multiple_of3A_745] : memref<64x1000000xf32, #tpu.memory_space<hbm>> -> memref<64x128xf32, #tpu.memory_space<hbm>>
      %dma_wait3A_871 = arith.constant 0 : i32
      %dma_wait3A_872 = arith.constant 0 : i32
      %dma_wait3A_873 = tpu.memref_slice %arg11[%dma_wait3A_864, %dma_wait3A_871, %dma_wait3A_872] : memref<8x64x128xf32, #tpu.memory_space<vmem>> -> memref<1x64x128xf32, #tpu.memory_space<vmem>>
      %dma_wait3A_874 = tpu.memref_squeeze %dma_wait3A_873 : memref<1x64x128xf32, #tpu.memory_space<vmem>> -> memref<64x128xf32, #tpu.memory_space<vmem>>
      %dma_wait3A_875 = arith.constant 0 : i32
      %dma_wait3A_876 = tpu.memref_slice %arg4[%dma_wait3A_875, %multiple_of3A_745] : memref<64x1000000xf32, #tpu.memory_space<hbm>> -> memref<64x128xf32, #tpu.memory_space<hbm>>
      tpu.wait_dma2 semaphore(%arg15 : memref<!tpu.dma_semaphore, #tpu.memory_space<semaphore_mem>>) src(%dma_wait3A_876 : memref<64x128xf32, #tpu.memory_space<hbm>>) dst(%dma_wait3A_874 : memref<64x128xf32, #tpu.memory_space<vmem>>)
      %dma_wait3A_877 = arith.constant 6 : i32
      %dma_wait3A_878 = arith.constant 0 : i32
      %dma_wait3A_879 = arith.constant 0 : i32
      %dma_wait3A_880 = tpu.memref_slice %arg11[%dma_wait3A_877, %dma_wait3A_878, %dma_wait3A_879] : memref<8x64x128xf32, #tpu.memory_space<vmem>> -> memref<1x64x128xf32, #tpu.memory_space<vmem>>
      %dma_wait3A_881 = tpu.memref_squeeze %dma_wait3A_880 : memref<1x64x128xf32, #tpu.memory_space<vmem>> -> memref<64x128xf32, #tpu.memory_space<vmem>>
      %dma_wait3A_882 = arith.constant 0 : i32
      %dma_wait3A_883 = tpu.memref_slice %arg4[%dma_wait3A_882, %multiple_of3A_765] : memref<64x1000000xf32, #tpu.memory_space<hbm>> -> memref<64x128xf32, #tpu.memory_space<hbm>>
      %dma_wait3A_884 = arith.constant 0 : i32
      %dma_wait3A_885 = arith.constant 0 : i32
      %dma_wait3A_886 = tpu.memref_slice %arg11[%dma_wait3A_877, %dma_wait3A_884, %dma_wait3A_885] : memref<8x64x128xf32, #tpu.memory_space<vmem>> -> memref<1x64x128xf32, #tpu.memory_space<vmem>>
      %dma_wait3A_887 = tpu.memref_squeeze %dma_wait3A_886 : memref<1x64x128xf32, #tpu.memory_space<vmem>> -> memref<64x128xf32, #tpu.memory_space<vmem>>
      %dma_wait3A_888 = arith.constant 0 : i32
      %dma_wait3A_889 = tpu.memref_slice %arg4[%dma_wait3A_888, %multiple_of3A_765] : memref<64x1000000xf32, #tpu.memory_space<hbm>> -> memref<64x128xf32, #tpu.memory_space<hbm>>
      tpu.wait_dma2 semaphore(%arg15 : memref<!tpu.dma_semaphore, #tpu.memory_space<semaphore_mem>>) src(%dma_wait3A_889 : memref<64x128xf32, #tpu.memory_space<hbm>>) dst(%dma_wait3A_887 : memref<64x128xf32, #tpu.memory_space<vmem>>)
      %dma_wait3A_890 = arith.constant 7 : i32
      %dma_wait3A_891 = arith.constant 0 : i32
      %dma_wait3A_892 = arith.constant 0 : i32
      %dma_wait3A_893 = tpu.memref_slice %arg11[%dma_wait3A_890, %dma_wait3A_891, %dma_wait3A_892] : memref<8x64x128xf32, #tpu.memory_space<vmem>> -> memref<1x64x128xf32, #tpu.memory_space<vmem>>
      %dma_wait3A_894 = tpu.memref_squeeze %dma_wait3A_893 : memref<1x64x128xf32, #tpu.memory_space<vmem>> -> memref<64x128xf32, #tpu.memory_space<vmem>>
      %dma_wait3A_895 = arith.constant 0 : i32
      %dma_wait3A_896 = tpu.memref_slice %arg4[%dma_wait3A_895, %multiple_of3A_785] : memref<64x1000000xf32, #tpu.memory_space<hbm>> -> memref<64x128xf32, #tpu.memory_space<hbm>>
      %dma_wait3A_897 = arith.constant 0 : i32
      %dma_wait3A_898 = arith.constant 0 : i32
      %dma_wait3A_899 = tpu.memref_slice %arg11[%dma_wait3A_890, %dma_wait3A_897, %dma_wait3A_898] : memref<8x64x128xf32, #tpu.memory_space<vmem>> -> memref<1x64x128xf32, #tpu.memory_space<vmem>>
      %dma_wait3A_900 = tpu.memref_squeeze %dma_wait3A_899 : memref<1x64x128xf32, #tpu.memory_space<vmem>> -> memref<64x128xf32, #tpu.memory_space<vmem>>
      %dma_wait3A_901 = arith.constant 0 : i32
      %dma_wait3A_902 = tpu.memref_slice %arg4[%dma_wait3A_901, %multiple_of3A_785] : memref<64x1000000xf32, #tpu.memory_space<hbm>> -> memref<64x128xf32, #tpu.memory_space<hbm>>
      tpu.wait_dma2 semaphore(%arg15 : memref<!tpu.dma_semaphore, #tpu.memory_space<semaphore_mem>>) src(%dma_wait3A_902 : memref<64x128xf32, #tpu.memory_space<hbm>>) dst(%dma_wait3A_900 : memref<64x128xf32, #tpu.memory_space<vmem>>)
      %mul3A_903 = arith.constant 16 : i32
      %mul3A_904 = arith.muli %scan3A_43, %mul3A_903 : i32
      %add3A_905 = arith.constant 8 : i32
      %add3A_906 = arith.addi %mul3A_904, %add3A_905 : i32
      %add3A_907 = arith.constant 0 : i32
      %add3A_908 = arith.addi %add3A_906, %add3A_907 : i32
      %slice3A_909 = vector.extract_strided_slice %get3A_47 {offsets = [8], sizes = [1], strides = [1]} : vector<16xi32> to vector<1xi32>
      %squeeze3A_910 = vector.extract %slice3A_909[0] : i32 from vector<1xi32>
      %broadcast_in_dim3A_911 = arith.constant 1 : i32
      %broadcast_in_dim3A_912 = vector.broadcast %broadcast_in_dim3A_911 : i32 to vector<16xi32>
      %and3A_913 = arith.constant 127 : i32
      %and3A_914 = arith.andi %squeeze3A_910, %and3A_913 : i32
      %mul3A_915 = vector.broadcast %and3A_914 : i32 to vector<16xi32>
      %mul3A_916 = arith.muli %broadcast_in_dim3A_912, %mul3A_915 : vector<16xi32>
      %broadcast_in_dim3A_917 = arith.constant 1 : i32
      %broadcast_in_dim3A_918 = vector.broadcast %broadcast_in_dim3A_917 : i32 to vector<16xi32>
      %mul3A_919 = vector.broadcast %add3A_908 : i32 to vector<16xi32>
      %mul3A_920 = arith.muli %broadcast_in_dim3A_918, %mul3A_919 : vector<16xi32>
      %gather3A_921 = arith.constant 0 : i32
      %gather3A_922 = arith.constant 0 : i32
      %gather3A_923 = arith.constant 0 : i32
      %gather3A_924 = tpu.memref_slice %arg11[%gather3A_921, %gather3A_922, %gather3A_923] : memref<8x64x128xf32, #tpu.memory_space<vmem>> -> memref<1x64x128xf32, #tpu.memory_space<vmem>>
      %gather3A_925 = tpu.memref_squeeze %gather3A_924 : memref<1x64x128xf32, #tpu.memory_space<vmem>> -> memref<64x128xf32, #tpu.memory_space<vmem>>
      %gather3A_926 = tpu.vector_load_idx %gather3A_925[%add3A_3, %mul3A_916] : memref<64x128xf32, #tpu.memory_space<vmem>>[vector<16xi32>, vector<16xi32>], vector<16xf32>,
      tpu.vector_store_idx %arg12[%add3A_3, %mul3A_920], %gather3A_926 : memref<64x128xf32, #tpu.memory_space<vmem>>[vector<16xi32>, vector<16xi32>], vector<16xf32>,
      %gather3A_927 = arith.constant 0 : i32
      %gather3A_928 = arith.constant 0 : i32
      %gather3A_929 = arith.constant 0 : i32
      %gather3A_930 = tpu.memref_slice %arg11[%gather3A_927, %gather3A_928, %gather3A_929] : memref<8x64x128xf32, #tpu.memory_space<vmem>> -> memref<1x64x128xf32, #tpu.memory_space<vmem>>
      %gather3A_931 = tpu.memref_squeeze %gather3A_930 : memref<1x64x128xf32, #tpu.memory_space<vmem>> -> memref<64x128xf32, #tpu.memory_space<vmem>>
      %gather3A_932 = tpu.vector_load_idx %gather3A_931[%add3A_7, %mul3A_916] : memref<64x128xf32, #tpu.memory_space<vmem>>[vector<16xi32>, vector<16xi32>], vector<16xf32>,
      tpu.vector_store_idx %arg12[%add3A_7, %mul3A_920], %gather3A_932 : memref<64x128xf32, #tpu.memory_space<vmem>>[vector<16xi32>, vector<16xi32>], vector<16xf32>,
      %gather3A_933 = arith.constant 0 : i32
      %gather3A_934 = arith.constant 0 : i32
      %gather3A_935 = arith.constant 0 : i32
      %gather3A_936 = tpu.memref_slice %arg11[%gather3A_933, %gather3A_934, %gather3A_935] : memref<8x64x128xf32, #tpu.memory_space<vmem>> -> memref<1x64x128xf32, #tpu.memory_space<vmem>>
      %gather3A_937 = tpu.memref_squeeze %gather3A_936 : memref<1x64x128xf32, #tpu.memory_space<vmem>> -> memref<64x128xf32, #tpu.memory_space<vmem>>
      %gather3A_938 = tpu.vector_load_idx %gather3A_937[%add3A_11, %mul3A_916] : memref<64x128xf32, #tpu.memory_space<vmem>>[vector<16xi32>, vector<16xi32>], vector<16xf32>,
      tpu.vector_store_idx %arg12[%add3A_11, %mul3A_920], %gather3A_938 : memref<64x128xf32, #tpu.memory_space<vmem>>[vector<16xi32>, vector<16xi32>], vector<16xf32>,
      %gather3A_939 = arith.constant 0 : i32
      %gather3A_940 = arith.constant 0 : i32
      %gather3A_941 = arith.constant 0 : i32
      %gather3A_942 = tpu.memref_slice %arg11[%gather3A_939, %gather3A_940, %gather3A_941] : memref<8x64x128xf32, #tpu.memory_space<vmem>> -> memref<1x64x128xf32, #tpu.memory_space<vmem>>
      %gather3A_943 = tpu.memref_squeeze %gather3A_942 : memref<1x64x128xf32, #tpu.memory_space<vmem>> -> memref<64x128xf32, #tpu.memory_space<vmem>>
      %gather3A_944 = tpu.vector_load_idx %gather3A_943[%add3A_15, %mul3A_916] : memref<64x128xf32, #tpu.memory_space<vmem>>[vector<16xi32>, vector<16xi32>], vector<16xf32>,
      tpu.vector_store_idx %arg12[%add3A_15, %mul3A_920], %gather3A_944 : memref<64x128xf32, #tpu.memory_space<vmem>>[vector<16xi32>, vector<16xi32>], vector<16xf32>,
      %mul3A_945 = arith.constant 16 : i32
      %mul3A_946 = arith.muli %scan3A_43, %mul3A_945 : i32
      %add3A_947 = arith.constant 8 : i32
      %add3A_948 = arith.addi %mul3A_946, %add3A_947 : i32
      %add3A_949 = arith.constant 1 : i32
      %add3A_950 = arith.addi %add3A_948, %add3A_949 : i32
      %slice3A_951 = vector.extract_strided_slice %get3A_47 {offsets = [9], sizes = [1], strides = [1]} : vector<16xi32> to vector<1xi32>
      %squeeze3A_952 = vector.extract %slice3A_951[0] : i32 from vector<1xi32>
      %broadcast_in_dim3A_953 = arith.constant 1 : i32
      %broadcast_in_dim3A_954 = vector.broadcast %broadcast_in_dim3A_953 : i32 to vector<16xi32>
      %and3A_955 = arith.constant 127 : i32
      %and3A_956 = arith.andi %squeeze3A_952, %and3A_955 : i32
      %mul3A_957 = vector.broadcast %and3A_956 : i32 to vector<16xi32>
      %mul3A_958 = arith.muli %broadcast_in_dim3A_954, %mul3A_957 : vector<16xi32>
      %broadcast_in_dim3A_959 = arith.constant 1 : i32
      %broadcast_in_dim3A_960 = vector.broadcast %broadcast_in_dim3A_959 : i32 to vector<16xi32>
      %mul3A_961 = vector.broadcast %add3A_950 : i32 to vector<16xi32>
      %mul3A_962 = arith.muli %broadcast_in_dim3A_960, %mul3A_961 : vector<16xi32>
      %gather3A_963 = arith.constant 1 : i32
      %gather3A_964 = arith.constant 0 : i32
      %gather3A_965 = arith.constant 0 : i32
      %gather3A_966 = tpu.memref_slice %arg11[%gather3A_963, %gather3A_964, %gather3A_965] : memref<8x64x128xf32, #tpu.memory_space<vmem>> -> memref<1x64x128xf32, #tpu.memory_space<vmem>>
      %gather3A_967 = tpu.memref_squeeze %gather3A_966 : memref<1x64x128xf32, #tpu.memory_space<vmem>> -> memref<64x128xf32, #tpu.memory_space<vmem>>
      %gather3A_968 = tpu.vector_load_idx %gather3A_967[%add3A_3, %mul3A_958] : memref<64x128xf32, #tpu.memory_space<vmem>>[vector<16xi32>, vector<16xi32>], vector<16xf32>,
      tpu.vector_store_idx %arg12[%add3A_3, %mul3A_962], %gather3A_968 : memref<64x128xf32, #tpu.memory_space<vmem>>[vector<16xi32>, vector<16xi32>], vector<16xf32>,
      %gather3A_969 = arith.constant 1 : i32
      %gather3A_970 = arith.constant 0 : i32
      %gather3A_971 = arith.constant 0 : i32
      %gather3A_972 = tpu.memref_slice %arg11[%gather3A_969, %gather3A_970, %gather3A_971] : memref<8x64x128xf32, #tpu.memory_space<vmem>> -> memref<1x64x128xf32, #tpu.memory_space<vmem>>
      %gather3A_973 = tpu.memref_squeeze %gather3A_972 : memref<1x64x128xf32, #tpu.memory_space<vmem>> -> memref<64x128xf32, #tpu.memory_space<vmem>>
      %gather3A_974 = tpu.vector_load_idx %gather3A_973[%add3A_7, %mul3A_958] : memref<64x128xf32, #tpu.memory_space<vmem>>[vector<16xi32>, vector<16xi32>], vector<16xf32>,
      tpu.vector_store_idx %arg12[%add3A_7, %mul3A_962], %gather3A_974 : memref<64x128xf32, #tpu.memory_space<vmem>>[vector<16xi32>, vector<16xi32>], vector<16xf32>,
      %gather3A_975 = arith.constant 1 : i32
      %gather3A_976 = arith.constant 0 : i32
      %gather3A_977 = arith.constant 0 : i32
      %gather3A_978 = tpu.memref_slice %arg11[%gather3A_975, %gather3A_976, %gather3A_977] : memref<8x64x128xf32, #tpu.memory_space<vmem>> -> memref<1x64x128xf32, #tpu.memory_space<vmem>>
      %gather3A_979 = tpu.memref_squeeze %gather3A_978 : memref<1x64x128xf32, #tpu.memory_space<vmem>> -> memref<64x128xf32, #tpu.memory_space<vmem>>
      %gather3A_980 = tpu.vector_load_idx %gather3A_979[%add3A_11, %mul3A_958] : memref<64x128xf32, #tpu.memory_space<vmem>>[vector<16xi32>, vector<16xi32>], vector<16xf32>,
      tpu.vector_store_idx %arg12[%add3A_11, %mul3A_962], %gather3A_980 : memref<64x128xf32, #tpu.memory_space<vmem>>[vector<16xi32>, vector<16xi32>], vector<16xf32>,
      %gather3A_981 = arith.constant 1 : i32
      %gather3A_982 = arith.constant 0 : i32
      %gather3A_983 = arith.constant 0 : i32
      %gather3A_984 = tpu.memref_slice %arg11[%gather3A_981, %gather3A_982, %gather3A_983] : memref<8x64x128xf32, #tpu.memory_space<vmem>> -> memref<1x64x128xf32, #tpu.memory_space<vmem>>
      %gather3A_985 = tpu.memref_squeeze %gather3A_984 : memref<1x64x128xf32, #tpu.memory_space<vmem>> -> memref<64x128xf32, #tpu.memory_space<vmem>>
      %gather3A_986 = tpu.vector_load_idx %gather3A_985[%add3A_15, %mul3A_958] : memref<64x128xf32, #tpu.memory_space<vmem>>[vector<16xi32>, vector<16xi32>], vector<16xf32>,
      tpu.vector_store_idx %arg12[%add3A_15, %mul3A_962], %gather3A_986 : memref<64x128xf32, #tpu.memory_space<vmem>>[vector<16xi32>, vector<16xi32>], vector<16xf32>,
      %mul3A_987 = arith.constant 16 : i32
      %mul3A_988 = arith.muli %scan3A_43, %mul3A_987 : i32
      %add3A_989 = arith.constant 8 : i32
      %add3A_990 = arith.addi %mul3A_988, %add3A_989 : i32
      %add3A_991 = arith.constant 2 : i32
      %add3A_992 = arith.addi %add3A_990, %add3A_991 : i32
      %slice3A_993 = vector.extract_strided_slice %get3A_47 {offsets = [10], sizes = [1], strides = [1]} : vector<16xi32> to vector<1xi32>
      %squeeze3A_994 = vector.extract %slice3A_993[0] : i32 from vector<1xi32>
      %broadcast_in_dim3A_995 = arith.constant 1 : i32
      %broadcast_in_dim3A_996 = vector.broadcast %broadcast_in_dim3A_995 : i32 to vector<16xi32>
      %and3A_997 = arith.constant 127 : i32
      %and3A_998 = arith.andi %squeeze3A_994, %and3A_997 : i32
      %mul3A_999 = vector.broadcast %and3A_998 : i32 to vector<16xi32>
      %mul3A_1000 = arith.muli %broadcast_in_dim3A_996, %mul3A_999 : vector<16xi32>
      %broadcast_in_dim3A_1001 = arith.constant 1 : i32
      %broadcast_in_dim3A_1002 = vector.broadcast %broadcast_in_dim3A_1001 : i32 to vector<16xi32>
      %mul3A_1003 = vector.broadcast %add3A_992 : i32 to vector<16xi32>
      %mul3A_1004 = arith.muli %broadcast_in_dim3A_1002, %mul3A_1003 : vector<16xi32>
      %gather3A_1005 = arith.constant 2 : i32
      %gather3A_1006 = arith.constant 0 : i32
      %gather3A_1007 = arith.constant 0 : i32
      %gather3A_1008 = tpu.memref_slice %arg11[%gather3A_1005, %gather3A_1006, %gather3A_1007] : memref<8x64x128xf32, #tpu.memory_space<vmem>> -> memref<1x64x128xf32, #tpu.memory_space<vmem>>
      %gather3A_1009 = tpu.memref_squeeze %gather3A_1008 : memref<1x64x128xf32, #tpu.memory_space<vmem>> -> memref<64x128xf32, #tpu.memory_space<vmem>>
      %gather3A_1010 = tpu.vector_load_idx %gather3A_1009[%add3A_3, %mul3A_1000] : memref<64x128xf32, #tpu.memory_space<vmem>>[vector<16xi32>, vector<16xi32>], vector<16xf32>,
      tpu.vector_store_idx %arg12[%add3A_3, %mul3A_1004], %gather3A_1010 : memref<64x128xf32, #tpu.memory_space<vmem>>[vector<16xi32>, vector<16xi32>], vector<16xf32>,
      %gather3A_1011 = arith.constant 2 : i32
      %gather3A_1012 = arith.constant 0 : i32
      %gather3A_1013 = arith.constant 0 : i32
      %gather3A_1014 = tpu.memref_slice %arg11[%gather3A_1011, %gather3A_1012, %gather3A_1013] : memref<8x64x128xf32, #tpu.memory_space<vmem>> -> memref<1x64x128xf32, #tpu.memory_space<vmem>>
      %gather3A_1015 = tpu.memref_squeeze %gather3A_1014 : memref<1x64x128xf32, #tpu.memory_space<vmem>> -> memref<64x128xf32, #tpu.memory_space<vmem>>
      %gather3A_1016 = tpu.vector_load_idx %gather3A_1015[%add3A_7, %mul3A_1000] : memref<64x128xf32, #tpu.memory_space<vmem>>[vector<16xi32>, vector<16xi32>], vector<16xf32>,
      tpu.vector_store_idx %arg12[%add3A_7, %mul3A_1004], %gather3A_1016 : memref<64x128xf32, #tpu.memory_space<vmem>>[vector<16xi32>, vector<16xi32>], vector<16xf32>,
      %gather3A_1017 = arith.constant 2 : i32
      %gather3A_1018 = arith.constant 0 : i32
      %gather3A_1019 = arith.constant 0 : i32
      %gather3A_1020 = tpu.memref_slice %arg11[%gather3A_1017, %gather3A_1018, %gather3A_1019] : memref<8x64x128xf32, #tpu.memory_space<vmem>> -> memref<1x64x128xf32, #tpu.memory_space<vmem>>
      %gather3A_1021 = tpu.memref_squeeze %gather3A_1020 : memref<1x64x128xf32, #tpu.memory_space<vmem>> -> memref<64x128xf32, #tpu.memory_space<vmem>>
      %gather3A_1022 = tpu.vector_load_idx %gather3A_1021[%add3A_11, %mul3A_1000] : memref<64x128xf32, #tpu.memory_space<vmem>>[vector<16xi32>, vector<16xi32>], vector<16xf32>,
      tpu.vector_store_idx %arg12[%add3A_11, %mul3A_1004], %gather3A_1022 : memref<64x128xf32, #tpu.memory_space<vmem>>[vector<16xi32>, vector<16xi32>], vector<16xf32>,
      %gather3A_1023 = arith.constant 2 : i32
      %gather3A_1024 = arith.constant 0 : i32
      %gather3A_1025 = arith.constant 0 : i32
      %gather3A_1026 = tpu.memref_slice %arg11[%gather3A_1023, %gather3A_1024, %gather3A_1025] : memref<8x64x128xf32, #tpu.memory_space<vmem>> -> memref<1x64x128xf32, #tpu.memory_space<vmem>>
      %gather3A_1027 = tpu.memref_squeeze %gather3A_1026 : memref<1x64x128xf32, #tpu.memory_space<vmem>> -> memref<64x128xf32, #tpu.memory_space<vmem>>
      %gather3A_1028 = tpu.vector_load_idx %gather3A_1027[%add3A_15, %mul3A_1000] : memref<64x128xf32, #tpu.memory_space<vmem>>[vector<16xi32>, vector<16xi32>], vector<16xf32>,
      tpu.vector_store_idx %arg12[%add3A_15, %mul3A_1004], %gather3A_1028 : memref<64x128xf32, #tpu.memory_space<vmem>>[vector<16xi32>, vector<16xi32>], vector<16xf32>,
      %mul3A_1029 = arith.constant 16 : i32
      %mul3A_1030 = arith.muli %scan3A_43, %mul3A_1029 : i32
      %add3A_1031 = arith.constant 8 : i32
      %add3A_1032 = arith.addi %mul3A_1030, %add3A_1031 : i32
      %add3A_1033 = arith.constant 3 : i32
      %add3A_1034 = arith.addi %add3A_1032, %add3A_1033 : i32
      %slice3A_1035 = vector.extract_strided_slice %get3A_47 {offsets = [11], sizes = [1], strides = [1]} : vector<16xi32> to vector<1xi32>
      %squeeze3A_1036 = vector.extract %slice3A_1035[0] : i32 from vector<1xi32>
      %broadcast_in_dim3A_1037 = arith.constant 1 : i32
      %broadcast_in_dim3A_1038 = vector.broadcast %broadcast_in_dim3A_1037 : i32 to vector<16xi32>
      %and3A_1039 = arith.constant 127 : i32
      %and3A_1040 = arith.andi %squeeze3A_1036, %and3A_1039 : i32
      %mul3A_1041 = vector.broadcast %and3A_1040 : i32 to vector<16xi32>
      %mul3A_1042 = arith.muli %broadcast_in_dim3A_1038, %mul3A_1041 : vector<16xi32>
      %broadcast_in_dim3A_1043 = arith.constant 1 : i32
      %broadcast_in_dim3A_1044 = vector.broadcast %broadcast_in_dim3A_1043 : i32 to vector<16xi32>
      %mul3A_1045 = vector.broadcast %add3A_1034 : i32 to vector<16xi32>
      %mul3A_1046 = arith.muli %broadcast_in_dim3A_1044, %mul3A_1045 : vector<16xi32>
      %gather3A_1047 = arith.constant 3 : i32
      %gather3A_1048 = arith.constant 0 : i32
      %gather3A_1049 = arith.constant 0 : i32
      %gather3A_1050 = tpu.memref_slice %arg11[%gather3A_1047, %gather3A_1048, %gather3A_1049] : memref<8x64x128xf32, #tpu.memory_space<vmem>> -> memref<1x64x128xf32, #tpu.memory_space<vmem>>
      %gather3A_1051 = tpu.memref_squeeze %gather3A_1050 : memref<1x64x128xf32, #tpu.memory_space<vmem>> -> memref<64x128xf32, #tpu.memory_space<vmem>>
      %gather3A_1052 = tpu.vector_load_idx %gather3A_1051[%add3A_3, %mul3A_1042] : memref<64x128xf32, #tpu.memory_space<vmem>>[vector<16xi32>, vector<16xi32>], vector<16xf32>,
      tpu.vector_store_idx %arg12[%add3A_3, %mul3A_1046], %gather3A_1052 : memref<64x128xf32, #tpu.memory_space<vmem>>[vector<16xi32>, vector<16xi32>], vector<16xf32>,
      %gather3A_1053 = arith.constant 3 : i32
      %gather3A_1054 = arith.constant 0 : i32
      %gather3A_1055 = arith.constant 0 : i32
      %gather3A_1056 = tpu.memref_slice %arg11[%gather3A_1053, %gather3A_1054, %gather3A_1055] : memref<8x64x128xf32, #tpu.memory_space<vmem>> -> memref<1x64x128xf32, #tpu.memory_space<vmem>>
      %gather3A_1057 = tpu.memref_squeeze %gather3A_1056 : memref<1x64x128xf32, #tpu.memory_space<vmem>> -> memref<64x128xf32, #tpu.memory_space<vmem>>
      %gather3A_1058 = tpu.vector_load_idx %gather3A_1057[%add3A_7, %mul3A_1042] : memref<64x128xf32, #tpu.memory_space<vmem>>[vector<16xi32>, vector<16xi32>], vector<16xf32>,
      tpu.vector_store_idx %arg12[%add3A_7, %mul3A_1046], %gather3A_1058 : memref<64x128xf32, #tpu.memory_space<vmem>>[vector<16xi32>, vector<16xi32>], vector<16xf32>,
      %gather3A_1059 = arith.constant 3 : i32
      %gather3A_1060 = arith.constant 0 : i32
      %gather3A_1061 = arith.constant 0 : i32
      %gather3A_1062 = tpu.memref_slice %arg11[%gather3A_1059, %gather3A_1060, %gather3A_1061] : memref<8x64x128xf32, #tpu.memory_space<vmem>> -> memref<1x64x128xf32, #tpu.memory_space<vmem>>
      %gather3A_1063 = tpu.memref_squeeze %gather3A_1062 : memref<1x64x128xf32, #tpu.memory_space<vmem>> -> memref<64x128xf32, #tpu.memory_space<vmem>>
      %gather3A_1064 = tpu.vector_load_idx %gather3A_1063[%add3A_11, %mul3A_1042] : memref<64x128xf32, #tpu.memory_space<vmem>>[vector<16xi32>, vector<16xi32>], vector<16xf32>,
      tpu.vector_store_idx %arg12[%add3A_11, %mul3A_1046], %gather3A_1064 : memref<64x128xf32, #tpu.memory_space<vmem>>[vector<16xi32>, vector<16xi32>], vector<16xf32>,
      %gather3A_1065 = arith.constant 3 : i32
      %gather3A_1066 = arith.constant 0 : i32
      %gather3A_1067 = arith.constant 0 : i32
      %gather3A_1068 = tpu.memref_slice %arg11[%gather3A_1065, %gather3A_1066, %gather3A_1067] : memref<8x64x128xf32, #tpu.memory_space<vmem>> -> memref<1x64x128xf32, #tpu.memory_space<vmem>>
      %gather3A_1069 = tpu.memref_squeeze %gather3A_1068 : memref<1x64x128xf32, #tpu.memory_space<vmem>> -> memref<64x128xf32, #tpu.memory_space<vmem>>
      %gather3A_1070 = tpu.vector_load_idx %gather3A_1069[%add3A_15, %mul3A_1042] : memref<64x128xf32, #tpu.memory_space<vmem>>[vector<16xi32>, vector<16xi32>], vector<16xf32>,
      tpu.vector_store_idx %arg12[%add3A_15, %mul3A_1046], %gather3A_1070 : memref<64x128xf32, #tpu.memory_space<vmem>>[vector<16xi32>, vector<16xi32>], vector<16xf32>,
      %mul3A_1071 = arith.constant 16 : i32
      %mul3A_1072 = arith.muli %scan3A_43, %mul3A_1071 : i32
      %add3A_1073 = arith.constant 8 : i32
      %add3A_1074 = arith.addi %mul3A_1072, %add3A_1073 : i32
      %add3A_1075 = arith.constant 4 : i32
      %add3A_1076 = arith.addi %add3A_1074, %add3A_1075 : i32
      %slice3A_1077 = vector.extract_strided_slice %get3A_47 {offsets = [12], sizes = [1], strides = [1]} : vector<16xi32> to vector<1xi32>
      %squeeze3A_1078 = vector.extract %slice3A_1077[0] : i32 from vector<1xi32>
      %broadcast_in_dim3A_1079 = arith.constant 1 : i32
      %broadcast_in_dim3A_1080 = vector.broadcast %broadcast_in_dim3A_1079 : i32 to vector<16xi32>
      %and3A_1081 = arith.constant 127 : i32
      %and3A_1082 = arith.andi %squeeze3A_1078, %and3A_1081 : i32
      %mul3A_1083 = vector.broadcast %and3A_1082 : i32 to vector<16xi32>
      %mul3A_1084 = arith.muli %broadcast_in_dim3A_1080, %mul3A_1083 : vector<16xi32>
      %broadcast_in_dim3A_1085 = arith.constant 1 : i32
      %broadcast_in_dim3A_1086 = vector.broadcast %broadcast_in_dim3A_1085 : i32 to vector<16xi32>
      %mul3A_1087 = vector.broadcast %add3A_1076 : i32 to vector<16xi32>
      %mul3A_1088 = arith.muli %broadcast_in_dim3A_1086, %mul3A_1087 : vector<16xi32>
      %gather3A_1089 = arith.constant 4 : i32
      %gather3A_1090 = arith.constant 0 : i32
      %gather3A_1091 = arith.constant 0 : i32
      %gather3A_1092 = tpu.memref_slice %arg11[%gather3A_1089, %gather3A_1090, %gather3A_1091] : memref<8x64x128xf32, #tpu.memory_space<vmem>> -> memref<1x64x128xf32, #tpu.memory_space<vmem>>
      %gather3A_1093 = tpu.memref_squeeze %gather3A_1092 : memref<1x64x128xf32, #tpu.memory_space<vmem>> -> memref<64x128xf32, #tpu.memory_space<vmem>>
      %gather3A_1094 = tpu.vector_load_idx %gather3A_1093[%add3A_3, %mul3A_1084] : memref<64x128xf32, #tpu.memory_space<vmem>>[vector<16xi32>, vector<16xi32>], vector<16xf32>,
      tpu.vector_store_idx %arg12[%add3A_3, %mul3A_1088], %gather3A_1094 : memref<64x128xf32, #tpu.memory_space<vmem>>[vector<16xi32>, vector<16xi32>], vector<16xf32>,
      %gather3A_1095 = arith.constant 4 : i32
      %gather3A_1096 = arith.constant 0 : i32
      %gather3A_1097 = arith.constant 0 : i32
      %gather3A_1098 = tpu.memref_slice %arg11[%gather3A_1095, %gather3A_1096, %gather3A_1097] : memref<8x64x128xf32, #tpu.memory_space<vmem>> -> memref<1x64x128xf32, #tpu.memory_space<vmem>>
      %gather3A_1099 = tpu.memref_squeeze %gather3A_1098 : memref<1x64x128xf32, #tpu.memory_space<vmem>> -> memref<64x128xf32, #tpu.memory_space<vmem>>
      %gather3A_1100 = tpu.vector_load_idx %gather3A_1099[%add3A_7, %mul3A_1084] : memref<64x128xf32, #tpu.memory_space<vmem>>[vector<16xi32>, vector<16xi32>], vector<16xf32>,
      tpu.vector_store_idx %arg12[%add3A_7, %mul3A_1088], %gather3A_1100 : memref<64x128xf32, #tpu.memory_space<vmem>>[vector<16xi32>, vector<16xi32>], vector<16xf32>,
      %gather3A_1101 = arith.constant 4 : i32
      %gather3A_1102 = arith.constant 0 : i32
      %gather3A_1103 = arith.constant 0 : i32
      %gather3A_1104 = tpu.memref_slice %arg11[%gather3A_1101, %gather3A_1102, %gather3A_1103] : memref<8x64x128xf32, #tpu.memory_space<vmem>> -> memref<1x64x128xf32, #tpu.memory_space<vmem>>
      %gather3A_1105 = tpu.memref_squeeze %gather3A_1104 : memref<1x64x128xf32, #tpu.memory_space<vmem>> -> memref<64x128xf32, #tpu.memory_space<vmem>>
      %gather3A_1106 = tpu.vector_load_idx %gather3A_1105[%add3A_11, %mul3A_1084] : memref<64x128xf32, #tpu.memory_space<vmem>>[vector<16xi32>, vector<16xi32>], vector<16xf32>,
      tpu.vector_store_idx %arg12[%add3A_11, %mul3A_1088], %gather3A_1106 : memref<64x128xf32, #tpu.memory_space<vmem>>[vector<16xi32>, vector<16xi32>], vector<16xf32>,
      %gather3A_1107 = arith.constant 4 : i32
      %gather3A_1108 = arith.constant 0 : i32
      %gather3A_1109 = arith.constant 0 : i32
      %gather3A_1110 = tpu.memref_slice %arg11[%gather3A_1107, %gather3A_1108, %gather3A_1109] : memref<8x64x128xf32, #tpu.memory_space<vmem>> -> memref<1x64x128xf32, #tpu.memory_space<vmem>>
      %gather3A_1111 = tpu.memref_squeeze %gather3A_1110 : memref<1x64x128xf32, #tpu.memory_space<vmem>> -> memref<64x128xf32, #tpu.memory_space<vmem>>
      %gather3A_1112 = tpu.vector_load_idx %gather3A_1111[%add3A_15, %mul3A_1084] : memref<64x128xf32, #tpu.memory_space<vmem>>[vector<16xi32>, vector<16xi32>], vector<16xf32>,
      tpu.vector_store_idx %arg12[%add3A_15, %mul3A_1088], %gather3A_1112 : memref<64x128xf32, #tpu.memory_space<vmem>>[vector<16xi32>, vector<16xi32>], vector<16xf32>,
      %mul3A_1113 = arith.constant 16 : i32
      %mul3A_1114 = arith.muli %scan3A_43, %mul3A_1113 : i32
      %add3A_1115 = arith.constant 8 : i32
      %add3A_1116 = arith.addi %mul3A_1114, %add3A_1115 : i32
      %add3A_1117 = arith.constant 5 : i32
      %add3A_1118 = arith.addi %add3A_1116, %add3A_1117 : i32
      %slice3A_1119 = vector.extract_strided_slice %get3A_47 {offsets = [13], sizes = [1], strides = [1]} : vector<16xi32> to vector<1xi32>
      %squeeze3A_1120 = vector.extract %slice3A_1119[0] : i32 from vector<1xi32>
      %broadcast_in_dim3A_1121 = arith.constant 1 : i32
      %broadcast_in_dim3A_1122 = vector.broadcast %broadcast_in_dim3A_1121 : i32 to vector<16xi32>
      %and3A_1123 = arith.constant 127 : i32
      %and3A_1124 = arith.andi %squeeze3A_1120, %and3A_1123 : i32
      %mul3A_1125 = vector.broadcast %and3A_1124 : i32 to vector<16xi32>
      %mul3A_1126 = arith.muli %broadcast_in_dim3A_1122, %mul3A_1125 : vector<16xi32>
      %broadcast_in_dim3A_1127 = arith.constant 1 : i32
      %broadcast_in_dim3A_1128 = vector.broadcast %broadcast_in_dim3A_1127 : i32 to vector<16xi32>
      %mul3A_1129 = vector.broadcast %add3A_1118 : i32 to vector<16xi32>
      %mul3A_1130 = arith.muli %broadcast_in_dim3A_1128, %mul3A_1129 : vector<16xi32>
      %gather3A_1131 = arith.constant 5 : i32
      %gather3A_1132 = arith.constant 0 : i32
      %gather3A_1133 = arith.constant 0 : i32
      %gather3A_1134 = tpu.memref_slice %arg11[%gather3A_1131, %gather3A_1132, %gather3A_1133] : memref<8x64x128xf32, #tpu.memory_space<vmem>> -> memref<1x64x128xf32, #tpu.memory_space<vmem>>
      %gather3A_1135 = tpu.memref_squeeze %gather3A_1134 : memref<1x64x128xf32, #tpu.memory_space<vmem>> -> memref<64x128xf32, #tpu.memory_space<vmem>>
      %gather3A_1136 = tpu.vector_load_idx %gather3A_1135[%add3A_3, %mul3A_1126] : memref<64x128xf32, #tpu.memory_space<vmem>>[vector<16xi32>, vector<16xi32>], vector<16xf32>,
      tpu.vector_store_idx %arg12[%add3A_3, %mul3A_1130], %gather3A_1136 : memref<64x128xf32, #tpu.memory_space<vmem>>[vector<16xi32>, vector<16xi32>], vector<16xf32>,
      %gather3A_1137 = arith.constant 5 : i32
      %gather3A_1138 = arith.constant 0 : i32
      %gather3A_1139 = arith.constant 0 : i32
      %gather3A_1140 = tpu.memref_slice %arg11[%gather3A_1137, %gather3A_1138, %gather3A_1139] : memref<8x64x128xf32, #tpu.memory_space<vmem>> -> memref<1x64x128xf32, #tpu.memory_space<vmem>>
      %gather3A_1141 = tpu.memref_squeeze %gather3A_1140 : memref<1x64x128xf32, #tpu.memory_space<vmem>> -> memref<64x128xf32, #tpu.memory_space<vmem>>
      %gather3A_1142 = tpu.vector_load_idx %gather3A_1141[%add3A_7, %mul3A_1126] : memref<64x128xf32, #tpu.memory_space<vmem>>[vector<16xi32>, vector<16xi32>], vector<16xf32>,
      tpu.vector_store_idx %arg12[%add3A_7, %mul3A_1130], %gather3A_1142 : memref<64x128xf32, #tpu.memory_space<vmem>>[vector<16xi32>, vector<16xi32>], vector<16xf32>,
      %gather3A_1143 = arith.constant 5 : i32
      %gather3A_1144 = arith.constant 0 : i32
      %gather3A_1145 = arith.constant 0 : i32
      %gather3A_1146 = tpu.memref_slice %arg11[%gather3A_1143, %gather3A_1144, %gather3A_1145] : memref<8x64x128xf32, #tpu.memory_space<vmem>> -> memref<1x64x128xf32, #tpu.memory_space<vmem>>
      %gather3A_1147 = tpu.memref_squeeze %gather3A_1146 : memref<1x64x128xf32, #tpu.memory_space<vmem>> -> memref<64x128xf32, #tpu.memory_space<vmem>>
      %gather3A_1148 = tpu.vector_load_idx %gather3A_1147[%add3A_11, %mul3A_1126] : memref<64x128xf32, #tpu.memory_space<vmem>>[vector<16xi32>, vector<16xi32>], vector<16xf32>,
      tpu.vector_store_idx %arg12[%add3A_11, %mul3A_1130], %gather3A_1148 : memref<64x128xf32, #tpu.memory_space<vmem>>[vector<16xi32>, vector<16xi32>], vector<16xf32>,
      %gather3A_1149 = arith.constant 5 : i32
      %gather3A_1150 = arith.constant 0 : i32
      %gather3A_1151 = arith.constant 0 : i32
      %gather3A_1152 = tpu.memref_slice %arg11[%gather3A_1149, %gather3A_1150, %gather3A_1151] : memref<8x64x128xf32, #tpu.memory_space<vmem>> -> memref<1x64x128xf32, #tpu.memory_space<vmem>>
      %gather3A_1153 = tpu.memref_squeeze %gather3A_1152 : memref<1x64x128xf32, #tpu.memory_space<vmem>> -> memref<64x128xf32, #tpu.memory_space<vmem>>
      %gather3A_1154 = tpu.vector_load_idx %gather3A_1153[%add3A_15, %mul3A_1126] : memref<64x128xf32, #tpu.memory_space<vmem>>[vector<16xi32>, vector<16xi32>], vector<16xf32>,
      tpu.vector_store_idx %arg12[%add3A_15, %mul3A_1130], %gather3A_1154 : memref<64x128xf32, #tpu.memory_space<vmem>>[vector<16xi32>, vector<16xi32>], vector<16xf32>,
      %mul3A_1155 = arith.constant 16 : i32
      %mul3A_1156 = arith.muli %scan3A_43, %mul3A_1155 : i32
      %add3A_1157 = arith.constant 8 : i32
      %add3A_1158 = arith.addi %mul3A_1156, %add3A_1157 : i32
      %add3A_1159 = arith.constant 6 : i32
      %add3A_1160 = arith.addi %add3A_1158, %add3A_1159 : i32
      %slice3A_1161 = vector.extract_strided_slice %get3A_47 {offsets = [14], sizes = [1], strides = [1]} : vector<16xi32> to vector<1xi32>
      %squeeze3A_1162 = vector.extract %slice3A_1161[0] : i32 from vector<1xi32>
      %broadcast_in_dim3A_1163 = arith.constant 1 : i32
      %broadcast_in_dim3A_1164 = vector.broadcast %broadcast_in_dim3A_1163 : i32 to vector<16xi32>
      %and3A_1165 = arith.constant 127 : i32
      %and3A_1166 = arith.andi %squeeze3A_1162, %and3A_1165 : i32
      %mul3A_1167 = vector.broadcast %and3A_1166 : i32 to vector<16xi32>
      %mul3A_1168 = arith.muli %broadcast_in_dim3A_1164, %mul3A_1167 : vector<16xi32>
      %broadcast_in_dim3A_1169 = arith.constant 1 : i32
      %broadcast_in_dim3A_1170 = vector.broadcast %broadcast_in_dim3A_1169 : i32 to vector<16xi32>
      %mul3A_1171 = vector.broadcast %add3A_1160 : i32 to vector<16xi32>
      %mul3A_1172 = arith.muli %broadcast_in_dim3A_1170, %mul3A_1171 : vector<16xi32>
      %gather3A_1173 = arith.constant 6 : i32
      %gather3A_1174 = arith.constant 0 : i32
      %gather3A_1175 = arith.constant 0 : i32
      %gather3A_1176 = tpu.memref_slice %arg11[%gather3A_1173, %gather3A_1174, %gather3A_1175] : memref<8x64x128xf32, #tpu.memory_space<vmem>> -> memref<1x64x128xf32, #tpu.memory_space<vmem>>
      %gather3A_1177 = tpu.memref_squeeze %gather3A_1176 : memref<1x64x128xf32, #tpu.memory_space<vmem>> -> memref<64x128xf32, #tpu.memory_space<vmem>>
      %gather3A_1178 = tpu.vector_load_idx %gather3A_1177[%add3A_3, %mul3A_1168] : memref<64x128xf32, #tpu.memory_space<vmem>>[vector<16xi32>, vector<16xi32>], vector<16xf32>,
      tpu.vector_store_idx %arg12[%add3A_3, %mul3A_1172], %gather3A_1178 : memref<64x128xf32, #tpu.memory_space<vmem>>[vector<16xi32>, vector<16xi32>], vector<16xf32>,
      %gather3A_1179 = arith.constant 6 : i32
      %gather3A_1180 = arith.constant 0 : i32
      %gather3A_1181 = arith.constant 0 : i32
      %gather3A_1182 = tpu.memref_slice %arg11[%gather3A_1179, %gather3A_1180, %gather3A_1181] : memref<8x64x128xf32, #tpu.memory_space<vmem>> -> memref<1x64x128xf32, #tpu.memory_space<vmem>>
      %gather3A_1183 = tpu.memref_squeeze %gather3A_1182 : memref<1x64x128xf32, #tpu.memory_space<vmem>> -> memref<64x128xf32, #tpu.memory_space<vmem>>
      %gather3A_1184 = tpu.vector_load_idx %gather3A_1183[%add3A_7, %mul3A_1168] : memref<64x128xf32, #tpu.memory_space<vmem>>[vector<16xi32>, vector<16xi32>], vector<16xf32>,
      tpu.vector_store_idx %arg12[%add3A_7, %mul3A_1172], %gather3A_1184 : memref<64x128xf32, #tpu.memory_space<vmem>>[vector<16xi32>, vector<16xi32>], vector<16xf32>,
      %gather3A_1185 = arith.constant 6 : i32
      %gather3A_1186 = arith.constant 0 : i32
      %gather3A_1187 = arith.constant 0 : i32
      %gather3A_1188 = tpu.memref_slice %arg11[%gather3A_1185, %gather3A_1186, %gather3A_1187] : memref<8x64x128xf32, #tpu.memory_space<vmem>> -> memref<1x64x128xf32, #tpu.memory_space<vmem>>
      %gather3A_1189 = tpu.memref_squeeze %gather3A_1188 : memref<1x64x128xf32, #tpu.memory_space<vmem>> -> memref<64x128xf32, #tpu.memory_space<vmem>>
      %gather3A_1190 = tpu.vector_load_idx %gather3A_1189[%add3A_11, %mul3A_1168] : memref<64x128xf32, #tpu.memory_space<vmem>>[vector<16xi32>, vector<16xi32>], vector<16xf32>,
      tpu.vector_store_idx %arg12[%add3A_11, %mul3A_1172], %gather3A_1190 : memref<64x128xf32, #tpu.memory_space<vmem>>[vector<16xi32>, vector<16xi32>], vector<16xf32>,
      %gather3A_1191 = arith.constant 6 : i32
      %gather3A_1192 = arith.constant 0 : i32
      %gather3A_1193 = arith.constant 0 : i32
      %gather3A_1194 = tpu.memref_slice %arg11[%gather3A_1191, %gather3A_1192, %gather3A_1193] : memref<8x64x128xf32, #tpu.memory_space<vmem>> -> memref<1x64x128xf32, #tpu.memory_space<vmem>>
      %gather3A_1195 = tpu.memref_squeeze %gather3A_1194 : memref<1x64x128xf32, #tpu.memory_space<vmem>> -> memref<64x128xf32, #tpu.memory_space<vmem>>
      %gather3A_1196 = tpu.vector_load_idx %gather3A_1195[%add3A_15, %mul3A_1168] : memref<64x128xf32, #tpu.memory_space<vmem>>[vector<16xi32>, vector<16xi32>], vector<16xf32>,
      tpu.vector_store_idx %arg12[%add3A_15, %mul3A_1172], %gather3A_1196 : memref<64x128xf32, #tpu.memory_space<vmem>>[vector<16xi32>, vector<16xi32>], vector<16xf32>,
      %mul3A_1197 = arith.constant 16 : i32
      %mul3A_1198 = arith.muli %scan3A_43, %mul3A_1197 : i32
      %add3A_1199 = arith.constant 8 : i32
      %add3A_1200 = arith.addi %mul3A_1198, %add3A_1199 : i32
      %add3A_1201 = arith.constant 7 : i32
      %add3A_1202 = arith.addi %add3A_1200, %add3A_1201 : i32
      %slice3A_1203 = vector.extract_strided_slice %get3A_47 {offsets = [15], sizes = [1], strides = [1]} : vector<16xi32> to vector<1xi32>
      %squeeze3A_1204 = vector.extract %slice3A_1203[0] : i32 from vector<1xi32>
      %broadcast_in_dim3A_1205 = arith.constant 1 : i32
      %broadcast_in_dim3A_1206 = vector.broadcast %broadcast_in_dim3A_1205 : i32 to vector<16xi32>
      %and3A_1207 = arith.constant 127 : i32
      %and3A_1208 = arith.andi %squeeze3A_1204, %and3A_1207 : i32
      %mul3A_1209 = vector.broadcast %and3A_1208 : i32 to vector<16xi32>
      %mul3A_1210 = arith.muli %broadcast_in_dim3A_1206, %mul3A_1209 : vector<16xi32>
      %broadcast_in_dim3A_1211 = arith.constant 1 : i32
      %broadcast_in_dim3A_1212 = vector.broadcast %broadcast_in_dim3A_1211 : i32 to vector<16xi32>
      %mul3A_1213 = vector.broadcast %add3A_1202 : i32 to vector<16xi32>
      %mul3A_1214 = arith.muli %broadcast_in_dim3A_1212, %mul3A_1213 : vector<16xi32>
      %gather3A_1215 = arith.constant 7 : i32
      %gather3A_1216 = arith.constant 0 : i32
      %gather3A_1217 = arith.constant 0 : i32
      %gather3A_1218 = tpu.memref_slice %arg11[%gather3A_1215, %gather3A_1216, %gather3A_1217] : memref<8x64x128xf32, #tpu.memory_space<vmem>> -> memref<1x64x128xf32, #tpu.memory_space<vmem>>
      %gather3A_1219 = tpu.memref_squeeze %gather3A_1218 : memref<1x64x128xf32, #tpu.memory_space<vmem>> -> memref<64x128xf32, #tpu.memory_space<vmem>>
      %gather3A_1220 = tpu.vector_load_idx %gather3A_1219[%add3A_3, %mul3A_1210] : memref<64x128xf32, #tpu.memory_space<vmem>>[vector<16xi32>, vector<16xi32>], vector<16xf32>,
      tpu.vector_store_idx %arg12[%add3A_3, %mul3A_1214], %gather3A_1220 : memref<64x128xf32, #tpu.memory_space<vmem>>[vector<16xi32>, vector<16xi32>], vector<16xf32>,
      %gather3A_1221 = arith.constant 7 : i32
      %gather3A_1222 = arith.constant 0 : i32
      %gather3A_1223 = arith.constant 0 : i32
      %gather3A_1224 = tpu.memref_slice %arg11[%gather3A_1221, %gather3A_1222, %gather3A_1223] : memref<8x64x128xf32, #tpu.memory_space<vmem>> -> memref<1x64x128xf32, #tpu.memory_space<vmem>>
      %gather3A_1225 = tpu.memref_squeeze %gather3A_1224 : memref<1x64x128xf32, #tpu.memory_space<vmem>> -> memref<64x128xf32, #tpu.memory_space<vmem>>
      %gather3A_1226 = tpu.vector_load_idx %gather3A_1225[%add3A_7, %mul3A_1210] : memref<64x128xf32, #tpu.memory_space<vmem>>[vector<16xi32>, vector<16xi32>], vector<16xf32>,
      tpu.vector_store_idx %arg12[%add3A_7, %mul3A_1214], %gather3A_1226 : memref<64x128xf32, #tpu.memory_space<vmem>>[vector<16xi32>, vector<16xi32>], vector<16xf32>,
      %gather3A_1227 = arith.constant 7 : i32
      %gather3A_1228 = arith.constant 0 : i32
      %gather3A_1229 = arith.constant 0 : i32
      %gather3A_1230 = tpu.memref_slice %arg11[%gather3A_1227, %gather3A_1228, %gather3A_1229] : memref<8x64x128xf32, #tpu.memory_space<vmem>> -> memref<1x64x128xf32, #tpu.memory_space<vmem>>
      %gather3A_1231 = tpu.memref_squeeze %gather3A_1230 : memref<1x64x128xf32, #tpu.memory_space<vmem>> -> memref<64x128xf32, #tpu.memory_space<vmem>>
      %gather3A_1232 = tpu.vector_load_idx %gather3A_1231[%add3A_11, %mul3A_1210] : memref<64x128xf32, #tpu.memory_space<vmem>>[vector<16xi32>, vector<16xi32>], vector<16xf32>,
      tpu.vector_store_idx %arg12[%add3A_11, %mul3A_1214], %gather3A_1232 : memref<64x128xf32, #tpu.memory_space<vmem>>[vector<16xi32>, vector<16xi32>], vector<16xf32>,
      %gather3A_1233 = arith.constant 7 : i32
      %gather3A_1234 = arith.constant 0 : i32
      %gather3A_1235 = arith.constant 0 : i32
      %gather3A_1236 = tpu.memref_slice %arg11[%gather3A_1233, %gather3A_1234, %gather3A_1235] : memref<8x64x128xf32, #tpu.memory_space<vmem>> -> memref<1x64x128xf32, #tpu.memory_space<vmem>>
      %gather3A_1237 = tpu.memref_squeeze %gather3A_1236 : memref<1x64x128xf32, #tpu.memory_space<vmem>> -> memref<64x128xf32, #tpu.memory_space<vmem>>
      %gather3A_1238 = tpu.vector_load_idx %gather3A_1237[%add3A_15, %mul3A_1210] : memref<64x128xf32, #tpu.memory_space<vmem>>[vector<16xi32>, vector<16xi32>], vector<16xf32>,
      tpu.vector_store_idx %arg12[%add3A_15, %mul3A_1214], %gather3A_1238 : memref<64x128xf32, #tpu.memory_space<vmem>>[vector<16xi32>, vector<16xi32>], vector<16xf32>,
      %scan3A_1239 = arith.constant 0 : i32
      scf.yield %scan3A_1239 : i32
    }
    %scan3A_28 = arith.constant 8 : i32
    %scan3A_29 = arith.constant 0 : i32
    %scan3A_30 = arith.constant 0 : i32
    %scan3A_31 = arith.constant 8 : i32
    %scan3A_32 = arith.addi %scan3A_30, %scan3A_31 : i32
    %scan3A_33 = arith.constant 1 : i32
    %scan3A_34 = scf.for %scan3A_43 = %scan3A_30 to %scan3A_32 step %scan3A_33 iter_args(%scan3A_44 = %scan3A_29) -> (i32)  : i32 {
      %mul3A_45 = arith.constant 16 : i32
      %mul3A_46 = arith.muli %scan3A_43, %mul3A_45 : i32
      %get3A = arith.index_cast %mul3A_46 : i32 to index
      %get3A_47 = tpu.vector_load %arg10[%get3A] {strides = array<i32>} : memref<128xi32, #tpu.memory_space<vmem>>, vector<16xi32>,
      %slice3A = vector.extract_strided_slice %get3A_47 {offsets = [0], sizes = [1], strides = [1]} : vector<16xi32> to vector<1xi32>
      %squeeze3A = vector.extract %slice3A[0] : i32 from vector<1xi32>
      %shift_right_arithmetic3A = arith.constant 7 : i32
      %shift_right_arithmetic3A_48 = arith.shrsi %squeeze3A, %shift_right_arithmetic3A : i32
      %mul3A_49 = arith.constant 128 : i32
      %mul3A_50 = arith.muli %shift_right_arithmetic3A_48, %mul3A_49 : i32
      %multiple_of3A = tpu.assume_multiple %mul3A_50, 128 : i32
      %dma_start3A = arith.constant 0 : i32
      %dma_start3A_51 = arith.constant 0 : i32
      %dma_start3A_52 = arith.constant 0 : i32
      %dma_start3A_53 = tpu.memref_slice %arg11[%dma_start3A, %dma_start3A_51, %dma_start3A_52] : memref<8x64x128xf32, #tpu.memory_space<vmem>> -> memref<1x64x128xf32, #tpu.memory_space<vmem>>
      %dma_start3A_54 = tpu.memref_squeeze %dma_start3A_53 : memref<1x64x128xf32, #tpu.memory_space<vmem>> -> memref<64x128xf32, #tpu.memory_space<vmem>>
      %dma_start3A_55 = arith.constant 0 : i32
      %dma_start3A_56 = tpu.memref_slice %arg5[%dma_start3A_55, %multiple_of3A] : memref<64x1000000xf32, #tpu.memory_space<hbm>> -> memref<64x128xf32, #tpu.memory_space<hbm>>
      %dma_start3A_57 = arith.constant 0 : i32
      %dma_start3A_58 = arith.constant 0 : i32
      %dma_start3A_59 = tpu.memref_slice %arg11[%dma_start3A, %dma_start3A_57, %dma_start3A_58] : memref<8x64x128xf32, #tpu.memory_space<vmem>> -> memref<1x64x128xf32, #tpu.memory_space<vmem>>
      %dma_start3A_60 = tpu.memref_squeeze %dma_start3A_59 : memref<1x64x128xf32, #tpu.memory_space<vmem>> -> memref<64x128xf32, #tpu.memory_space<vmem>>
      %dma_start3A_61 = arith.constant 0 : i32
      %dma_start3A_62 = tpu.memref_slice %arg5[%dma_start3A_61, %multiple_of3A] : memref<64x1000000xf32, #tpu.memory_space<hbm>> -> memref<64x128xf32, #tpu.memory_space<hbm>>
      tpu.enqueue_dma source(%dma_start3A_62 : memref<64x128xf32, #tpu.memory_space<hbm>>) target(%dma_start3A_60 : memref<64x128xf32, #tpu.memory_space<vmem>>) target_semaphore(%arg15 : memref<!tpu.dma_semaphore, #tpu.memory_space<semaphore_mem>>)
      %slice3A_63 = vector.extract_strided_slice %get3A_47 {offsets = [1], sizes = [1], strides = [1]} : vector<16xi32> to vector<1xi32>
      %squeeze3A_64 = vector.extract %slice3A_63[0] : i32 from vector<1xi32>
      %shift_right_arithmetic3A_65 = arith.constant 7 : i32
      %shift_right_arithmetic3A_66 = arith.shrsi %squeeze3A_64, %shift_right_arithmetic3A_65 : i32
      %mul3A_67 = arith.constant 128 : i32
      %mul3A_68 = arith.muli %shift_right_arithmetic3A_66, %mul3A_67 : i32
      %multiple_of3A_69 = tpu.assume_multiple %mul3A_68, 128 : i32
      %dma_start3A_70 = arith.constant 1 : i32
      %dma_start3A_71 = arith.constant 0 : i32
      %dma_start3A_72 = arith.constant 0 : i32
      %dma_start3A_73 = tpu.memref_slice %arg11[%dma_start3A_70, %dma_start3A_71, %dma_start3A_72] : memref<8x64x128xf32, #tpu.memory_space<vmem>> -> memref<1x64x128xf32, #tpu.memory_space<vmem>>
      %dma_start3A_74 = tpu.memref_squeeze %dma_start3A_73 : memref<1x64x128xf32, #tpu.memory_space<vmem>> -> memref<64x128xf32, #tpu.memory_space<vmem>>
      %dma_start3A_75 = arith.constant 0 : i32
      %dma_start3A_76 = tpu.memref_slice %arg5[%dma_start3A_75, %multiple_of3A_69] : memref<64x1000000xf32, #tpu.memory_space<hbm>> -> memref<64x128xf32, #tpu.memory_space<hbm>>
      %dma_start3A_77 = arith.constant 0 : i32
      %dma_start3A_78 = arith.constant 0 : i32
      %dma_start3A_79 = tpu.memref_slice %arg11[%dma_start3A_70, %dma_start3A_77, %dma_start3A_78] : memref<8x64x128xf32, #tpu.memory_space<vmem>> -> memref<1x64x128xf32, #tpu.memory_space<vmem>>
      %dma_start3A_80 = tpu.memref_squeeze %dma_start3A_79 : memref<1x64x128xf32, #tpu.memory_space<vmem>> -> memref<64x128xf32, #tpu.memory_space<vmem>>
      %dma_start3A_81 = arith.constant 0 : i32
      %dma_start3A_82 = tpu.memref_slice %arg5[%dma_start3A_81, %multiple_of3A_69] : memref<64x1000000xf32, #tpu.memory_space<hbm>> -> memref<64x128xf32, #tpu.memory_space<hbm>>
      tpu.enqueue_dma source(%dma_start3A_82 : memref<64x128xf32, #tpu.memory_space<hbm>>) target(%dma_start3A_80 : memref<64x128xf32, #tpu.memory_space<vmem>>) target_semaphore(%arg15 : memref<!tpu.dma_semaphore, #tpu.memory_space<semaphore_mem>>)
      %slice3A_83 = vector.extract_strided_slice %get3A_47 {offsets = [2], sizes = [1], strides = [1]} : vector<16xi32> to vector<1xi32>
      %squeeze3A_84 = vector.extract %slice3A_83[0] : i32 from vector<1xi32>
      %shift_right_arithmetic3A_85 = arith.constant 7 : i32
      %shift_right_arithmetic3A_86 = arith.shrsi %squeeze3A_84, %shift_right_arithmetic3A_85 : i32
      %mul3A_87 = arith.constant 128 : i32
      %mul3A_88 = arith.muli %shift_right_arithmetic3A_86, %mul3A_87 : i32
      %multiple_of3A_89 = tpu.assume_multiple %mul3A_88, 128 : i32
      %dma_start3A_90 = arith.constant 2 : i32
      %dma_start3A_91 = arith.constant 0 : i32
      %dma_start3A_92 = arith.constant 0 : i32
      %dma_start3A_93 = tpu.memref_slice %arg11[%dma_start3A_90, %dma_start3A_91, %dma_start3A_92] : memref<8x64x128xf32, #tpu.memory_space<vmem>> -> memref<1x64x128xf32, #tpu.memory_space<vmem>>
      %dma_start3A_94 = tpu.memref_squeeze %dma_start3A_93 : memref<1x64x128xf32, #tpu.memory_space<vmem>> -> memref<64x128xf32, #tpu.memory_space<vmem>>
      %dma_start3A_95 = arith.constant 0 : i32
      %dma_start3A_96 = tpu.memref_slice %arg5[%dma_start3A_95, %multiple_of3A_89] : memref<64x1000000xf32, #tpu.memory_space<hbm>> -> memref<64x128xf32, #tpu.memory_space<hbm>>
      %dma_start3A_97 = arith.constant 0 : i32
      %dma_start3A_98 = arith.constant 0 : i32
      %dma_start3A_99 = tpu.memref_slice %arg11[%dma_start3A_90, %dma_start3A_97, %dma_start3A_98] : memref<8x64x128xf32, #tpu.memory_space<vmem>> -> memref<1x64x128xf32, #tpu.memory_space<vmem>>
      %dma_start3A_100 = tpu.memref_squeeze %dma_start3A_99 : memref<1x64x128xf32, #tpu.memory_space<vmem>> -> memref<64x128xf32, #tpu.memory_space<vmem>>
      %dma_start3A_101 = arith.constant 0 : i32
      %dma_start3A_102 = tpu.memref_slice %arg5[%dma_start3A_101, %multiple_of3A_89] : memref<64x1000000xf32, #tpu.memory_space<hbm>> -> memref<64x128xf32, #tpu.memory_space<hbm>>
      tpu.enqueue_dma source(%dma_start3A_102 : memref<64x128xf32, #tpu.memory_space<hbm>>) target(%dma_start3A_100 : memref<64x128xf32, #tpu.memory_space<vmem>>) target_semaphore(%arg15 : memref<!tpu.dma_semaphore, #tpu.memory_space<semaphore_mem>>)
      %slice3A_103 = vector.extract_strided_slice %get3A_47 {offsets = [3], sizes = [1], strides = [1]} : vector<16xi32> to vector<1xi32>
      %squeeze3A_104 = vector.extract %slice3A_103[0] : i32 from vector<1xi32>
      %shift_right_arithmetic3A_105 = arith.constant 7 : i32
      %shift_right_arithmetic3A_106 = arith.shrsi %squeeze3A_104, %shift_right_arithmetic3A_105 : i32
      %mul3A_107 = arith.constant 128 : i32
      %mul3A_108 = arith.muli %shift_right_arithmetic3A_106, %mul3A_107 : i32
      %multiple_of3A_109 = tpu.assume_multiple %mul3A_108, 128 : i32
      %dma_start3A_110 = arith.constant 3 : i32
      %dma_start3A_111 = arith.constant 0 : i32
      %dma_start3A_112 = arith.constant 0 : i32
      %dma_start3A_113 = tpu.memref_slice %arg11[%dma_start3A_110, %dma_start3A_111, %dma_start3A_112] : memref<8x64x128xf32, #tpu.memory_space<vmem>> -> memref<1x64x128xf32, #tpu.memory_space<vmem>>
      %dma_start3A_114 = tpu.memref_squeeze %dma_start3A_113 : memref<1x64x128xf32, #tpu.memory_space<vmem>> -> memref<64x128xf32, #tpu.memory_space<vmem>>
      %dma_start3A_115 = arith.constant 0 : i32
      %dma_start3A_116 = tpu.memref_slice %arg5[%dma_start3A_115, %multiple_of3A_109] : memref<64x1000000xf32, #tpu.memory_space<hbm>> -> memref<64x128xf32, #tpu.memory_space<hbm>>
      %dma_start3A_117 = arith.constant 0 : i32
      %dma_start3A_118 = arith.constant 0 : i32
      %dma_start3A_119 = tpu.memref_slice %arg11[%dma_start3A_110, %dma_start3A_117, %dma_start3A_118] : memref<8x64x128xf32, #tpu.memory_space<vmem>> -> memref<1x64x128xf32, #tpu.memory_space<vmem>>
      %dma_start3A_120 = tpu.memref_squeeze %dma_start3A_119 : memref<1x64x128xf32, #tpu.memory_space<vmem>> -> memref<64x128xf32, #tpu.memory_space<vmem>>
      %dma_start3A_121 = arith.constant 0 : i32
      %dma_start3A_122 = tpu.memref_slice %arg5[%dma_start3A_121, %multiple_of3A_109] : memref<64x1000000xf32, #tpu.memory_space<hbm>> -> memref<64x128xf32, #tpu.memory_space<hbm>>
      tpu.enqueue_dma source(%dma_start3A_122 : memref<64x128xf32, #tpu.memory_space<hbm>>) target(%dma_start3A_120 : memref<64x128xf32, #tpu.memory_space<vmem>>) target_semaphore(%arg15 : memref<!tpu.dma_semaphore, #tpu.memory_space<semaphore_mem>>)
      %slice3A_123 = vector.extract_strided_slice %get3A_47 {offsets = [4], sizes = [1], strides = [1]} : vector<16xi32> to vector<1xi32>
      %squeeze3A_124 = vector.extract %slice3A_123[0] : i32 from vector<1xi32>
      %shift_right_arithmetic3A_125 = arith.constant 7 : i32
      %shift_right_arithmetic3A_126 = arith.shrsi %squeeze3A_124, %shift_right_arithmetic3A_125 : i32
      %mul3A_127 = arith.constant 128 : i32
      %mul3A_128 = arith.muli %shift_right_arithmetic3A_126, %mul3A_127 : i32
      %multiple_of3A_129 = tpu.assume_multiple %mul3A_128, 128 : i32
      %dma_start3A_130 = arith.constant 4 : i32
      %dma_start3A_131 = arith.constant 0 : i32
      %dma_start3A_132 = arith.constant 0 : i32
      %dma_start3A_133 = tpu.memref_slice %arg11[%dma_start3A_130, %dma_start3A_131, %dma_start3A_132] : memref<8x64x128xf32, #tpu.memory_space<vmem>> -> memref<1x64x128xf32, #tpu.memory_space<vmem>>
      %dma_start3A_134 = tpu.memref_squeeze %dma_start3A_133 : memref<1x64x128xf32, #tpu.memory_space<vmem>> -> memref<64x128xf32, #tpu.memory_space<vmem>>
      %dma_start3A_135 = arith.constant 0 : i32
      %dma_start3A_136 = tpu.memref_slice %arg5[%dma_start3A_135, %multiple_of3A_129] : memref<64x1000000xf32, #tpu.memory_space<hbm>> -> memref<64x128xf32, #tpu.memory_space<hbm>>
      %dma_start3A_137 = arith.constant 0 : i32
      %dma_start3A_138 = arith.constant 0 : i32
      %dma_start3A_139 = tpu.memref_slice %arg11[%dma_start3A_130, %dma_start3A_137, %dma_start3A_138] : memref<8x64x128xf32, #tpu.memory_space<vmem>> -> memref<1x64x128xf32, #tpu.memory_space<vmem>>
      %dma_start3A_140 = tpu.memref_squeeze %dma_start3A_139 : memref<1x64x128xf32, #tpu.memory_space<vmem>> -> memref<64x128xf32, #tpu.memory_space<vmem>>
      %dma_start3A_141 = arith.constant 0 : i32
      %dma_start3A_142 = tpu.memref_slice %arg5[%dma_start3A_141, %multiple_of3A_129] : memref<64x1000000xf32, #tpu.memory_space<hbm>> -> memref<64x128xf32, #tpu.memory_space<hbm>>
      tpu.enqueue_dma source(%dma_start3A_142 : memref<64x128xf32, #tpu.memory_space<hbm>>) target(%dma_start3A_140 : memref<64x128xf32, #tpu.memory_space<vmem>>) target_semaphore(%arg15 : memref<!tpu.dma_semaphore, #tpu.memory_space<semaphore_mem>>)
      %slice3A_143 = vector.extract_strided_slice %get3A_47 {offsets = [5], sizes = [1], strides = [1]} : vector<16xi32> to vector<1xi32>
      %squeeze3A_144 = vector.extract %slice3A_143[0] : i32 from vector<1xi32>
      %shift_right_arithmetic3A_145 = arith.constant 7 : i32
      %shift_right_arithmetic3A_146 = arith.shrsi %squeeze3A_144, %shift_right_arithmetic3A_145 : i32
      %mul3A_147 = arith.constant 128 : i32
      %mul3A_148 = arith.muli %shift_right_arithmetic3A_146, %mul3A_147 : i32
      %multiple_of3A_149 = tpu.assume_multiple %mul3A_148, 128 : i32
      %dma_start3A_150 = arith.constant 5 : i32
      %dma_start3A_151 = arith.constant 0 : i32
      %dma_start3A_152 = arith.constant 0 : i32
      %dma_start3A_153 = tpu.memref_slice %arg11[%dma_start3A_150, %dma_start3A_151, %dma_start3A_152] : memref<8x64x128xf32, #tpu.memory_space<vmem>> -> memref<1x64x128xf32, #tpu.memory_space<vmem>>
      %dma_start3A_154 = tpu.memref_squeeze %dma_start3A_153 : memref<1x64x128xf32, #tpu.memory_space<vmem>> -> memref<64x128xf32, #tpu.memory_space<vmem>>
      %dma_start3A_155 = arith.constant 0 : i32
      %dma_start3A_156 = tpu.memref_slice %arg5[%dma_start3A_155, %multiple_of3A_149] : memref<64x1000000xf32, #tpu.memory_space<hbm>> -> memref<64x128xf32, #tpu.memory_space<hbm>>
      %dma_start3A_157 = arith.constant 0 : i32
      %dma_start3A_158 = arith.constant 0 : i32
      %dma_start3A_159 = tpu.memref_slice %arg11[%dma_start3A_150, %dma_start3A_157, %dma_start3A_158] : memref<8x64x128xf32, #tpu.memory_space<vmem>> -> memref<1x64x128xf32, #tpu.memory_space<vmem>>
      %dma_start3A_160 = tpu.memref_squeeze %dma_start3A_159 : memref<1x64x128xf32, #tpu.memory_space<vmem>> -> memref<64x128xf32, #tpu.memory_space<vmem>>
      %dma_start3A_161 = arith.constant 0 : i32
      %dma_start3A_162 = tpu.memref_slice %arg5[%dma_start3A_161, %multiple_of3A_149] : memref<64x1000000xf32, #tpu.memory_space<hbm>> -> memref<64x128xf32, #tpu.memory_space<hbm>>
      tpu.enqueue_dma source(%dma_start3A_162 : memref<64x128xf32, #tpu.memory_space<hbm>>) target(%dma_start3A_160 : memref<64x128xf32, #tpu.memory_space<vmem>>) target_semaphore(%arg15 : memref<!tpu.dma_semaphore, #tpu.memory_space<semaphore_mem>>)
      %slice3A_163 = vector.extract_strided_slice %get3A_47 {offsets = [6], sizes = [1], strides = [1]} : vector<16xi32> to vector<1xi32>
      %squeeze3A_164 = vector.extract %slice3A_163[0] : i32 from vector<1xi32>
      %shift_right_arithmetic3A_165 = arith.constant 7 : i32
      %shift_right_arithmetic3A_166 = arith.shrsi %squeeze3A_164, %shift_right_arithmetic3A_165 : i32
      %mul3A_167 = arith.constant 128 : i32
      %mul3A_168 = arith.muli %shift_right_arithmetic3A_166, %mul3A_167 : i32
      %multiple_of3A_169 = tpu.assume_multiple %mul3A_168, 128 : i32
      %dma_start3A_170 = arith.constant 6 : i32
      %dma_start3A_171 = arith.constant 0 : i32
      %dma_start3A_172 = arith.constant 0 : i32
      %dma_start3A_173 = tpu.memref_slice %arg11[%dma_start3A_170, %dma_start3A_171, %dma_start3A_172] : memref<8x64x128xf32, #tpu.memory_space<vmem>> -> memref<1x64x128xf32, #tpu.memory_space<vmem>>
      %dma_start3A_174 = tpu.memref_squeeze %dma_start3A_173 : memref<1x64x128xf32, #tpu.memory_space<vmem>> -> memref<64x128xf32, #tpu.memory_space<vmem>>
      %dma_start3A_175 = arith.constant 0 : i32
      %dma_start3A_176 = tpu.memref_slice %arg5[%dma_start3A_175, %multiple_of3A_169] : memref<64x1000000xf32, #tpu.memory_space<hbm>> -> memref<64x128xf32, #tpu.memory_space<hbm>>
      %dma_start3A_177 = arith.constant 0 : i32
      %dma_start3A_178 = arith.constant 0 : i32
      %dma_start3A_179 = tpu.memref_slice %arg11[%dma_start3A_170, %dma_start3A_177, %dma_start3A_178] : memref<8x64x128xf32, #tpu.memory_space<vmem>> -> memref<1x64x128xf32, #tpu.memory_space<vmem>>
      %dma_start3A_180 = tpu.memref_squeeze %dma_start3A_179 : memref<1x64x128xf32, #tpu.memory_space<vmem>> -> memref<64x128xf32, #tpu.memory_space<vmem>>
      %dma_start3A_181 = arith.constant 0 : i32
      %dma_start3A_182 = tpu.memref_slice %arg5[%dma_start3A_181, %multiple_of3A_169] : memref<64x1000000xf32, #tpu.memory_space<hbm>> -> memref<64x128xf32, #tpu.memory_space<hbm>>
      tpu.enqueue_dma source(%dma_start3A_182 : memref<64x128xf32, #tpu.memory_space<hbm>>) target(%dma_start3A_180 : memref<64x128xf32, #tpu.memory_space<vmem>>) target_semaphore(%arg15 : memref<!tpu.dma_semaphore, #tpu.memory_space<semaphore_mem>>)
      %slice3A_183 = vector.extract_strided_slice %get3A_47 {offsets = [7], sizes = [1], strides = [1]} : vector<16xi32> to vector<1xi32>
      %squeeze3A_184 = vector.extract %slice3A_183[0] : i32 from vector<1xi32>
      %shift_right_arithmetic3A_185 = arith.constant 7 : i32
      %shift_right_arithmetic3A_186 = arith.shrsi %squeeze3A_184, %shift_right_arithmetic3A_185 : i32
      %mul3A_187 = arith.constant 128 : i32
      %mul3A_188 = arith.muli %shift_right_arithmetic3A_186, %mul3A_187 : i32
      %multiple_of3A_189 = tpu.assume_multiple %mul3A_188, 128 : i32
      %dma_start3A_190 = arith.constant 7 : i32
      %dma_start3A_191 = arith.constant 0 : i32
      %dma_start3A_192 = arith.constant 0 : i32
      %dma_start3A_193 = tpu.memref_slice %arg11[%dma_start3A_190, %dma_start3A_191, %dma_start3A_192] : memref<8x64x128xf32, #tpu.memory_space<vmem>> -> memref<1x64x128xf32, #tpu.memory_space<vmem>>
      %dma_start3A_194 = tpu.memref_squeeze %dma_start3A_193 : memref<1x64x128xf32, #tpu.memory_space<vmem>> -> memref<64x128xf32, #tpu.memory_space<vmem>>
      %dma_start3A_195 = arith.constant 0 : i32
      %dma_start3A_196 = tpu.memref_slice %arg5[%dma_start3A_195, %multiple_of3A_189] : memref<64x1000000xf32, #tpu.memory_space<hbm>> -> memref<64x128xf32, #tpu.memory_space<hbm>>
      %dma_start3A_197 = arith.constant 0 : i32
      %dma_start3A_198 = arith.constant 0 : i32
      %dma_start3A_199 = tpu.memref_slice %arg11[%dma_start3A_190, %dma_start3A_197, %dma_start3A_198] : memref<8x64x128xf32, #tpu.memory_space<vmem>> -> memref<1x64x128xf32, #tpu.memory_space<vmem>>
      %dma_start3A_200 = tpu.memref_squeeze %dma_start3A_199 : memref<1x64x128xf32, #tpu.memory_space<vmem>> -> memref<64x128xf32, #tpu.memory_space<vmem>>
      %dma_start3A_201 = arith.constant 0 : i32
      %dma_start3A_202 = tpu.memref_slice %arg5[%dma_start3A_201, %multiple_of3A_189] : memref<64x1000000xf32, #tpu.memory_space<hbm>> -> memref<64x128xf32, #tpu.memory_space<hbm>>
      tpu.enqueue_dma source(%dma_start3A_202 : memref<64x128xf32, #tpu.memory_space<hbm>>) target(%dma_start3A_200 : memref<64x128xf32, #tpu.memory_space<vmem>>) target_semaphore(%arg15 : memref<!tpu.dma_semaphore, #tpu.memory_space<semaphore_mem>>)
      %dma_wait3A = arith.constant 0 : i32
      %dma_wait3A_203 = arith.constant 0 : i32
      %dma_wait3A_204 = arith.constant 0 : i32
      %dma_wait3A_205 = tpu.memref_slice %arg11[%dma_wait3A, %dma_wait3A_203, %dma_wait3A_204] : memref<8x64x128xf32, #tpu.memory_space<vmem>> -> memref<1x64x128xf32, #tpu.memory_space<vmem>>
      %dma_wait3A_206 = tpu.memref_squeeze %dma_wait3A_205 : memref<1x64x128xf32, #tpu.memory_space<vmem>> -> memref<64x128xf32, #tpu.memory_space<vmem>>
      %dma_wait3A_207 = arith.constant 0 : i32
      %dma_wait3A_208 = tpu.memref_slice %arg5[%dma_wait3A_207, %multiple_of3A] : memref<64x1000000xf32, #tpu.memory_space<hbm>> -> memref<64x128xf32, #tpu.memory_space<hbm>>
      %dma_wait3A_209 = arith.constant 0 : i32
      %dma_wait3A_210 = arith.constant 0 : i32
      %dma_wait3A_211 = tpu.memref_slice %arg11[%dma_wait3A, %dma_wait3A_209, %dma_wait3A_210] : memref<8x64x128xf32, #tpu.memory_space<vmem>> -> memref<1x64x128xf32, #tpu.memory_space<vmem>>
      %dma_wait3A_212 = tpu.memref_squeeze %dma_wait3A_211 : memref<1x64x128xf32, #tpu.memory_space<vmem>> -> memref<64x128xf32, #tpu.memory_space<vmem>>
      %dma_wait3A_213 = arith.constant 0 : i32
      %dma_wait3A_214 = tpu.memref_slice %arg5[%dma_wait3A_213, %multiple_of3A] : memref<64x1000000xf32, #tpu.memory_space<hbm>> -> memref<64x128xf32, #tpu.memory_space<hbm>>
      tpu.wait_dma2 semaphore(%arg15 : memref<!tpu.dma_semaphore, #tpu.memory_space<semaphore_mem>>) src(%dma_wait3A_214 : memref<64x128xf32, #tpu.memory_space<hbm>>) dst(%dma_wait3A_212 : memref<64x128xf32, #tpu.memory_space<vmem>>)
      %dma_wait3A_215 = arith.constant 1 : i32
      %dma_wait3A_216 = arith.constant 0 : i32
      %dma_wait3A_217 = arith.constant 0 : i32
      %dma_wait3A_218 = tpu.memref_slice %arg11[%dma_wait3A_215, %dma_wait3A_216, %dma_wait3A_217] : memref<8x64x128xf32, #tpu.memory_space<vmem>> -> memref<1x64x128xf32, #tpu.memory_space<vmem>>
      %dma_wait3A_219 = tpu.memref_squeeze %dma_wait3A_218 : memref<1x64x128xf32, #tpu.memory_space<vmem>> -> memref<64x128xf32, #tpu.memory_space<vmem>>
      %dma_wait3A_220 = arith.constant 0 : i32
      %dma_wait3A_221 = tpu.memref_slice %arg5[%dma_wait3A_220, %multiple_of3A_69] : memref<64x1000000xf32, #tpu.memory_space<hbm>> -> memref<64x128xf32, #tpu.memory_space<hbm>>
      %dma_wait3A_222 = arith.constant 0 : i32
      %dma_wait3A_223 = arith.constant 0 : i32
      %dma_wait3A_224 = tpu.memref_slice %arg11[%dma_wait3A_215, %dma_wait3A_222, %dma_wait3A_223] : memref<8x64x128xf32, #tpu.memory_space<vmem>> -> memref<1x64x128xf32, #tpu.memory_space<vmem>>
      %dma_wait3A_225 = tpu.memref_squeeze %dma_wait3A_224 : memref<1x64x128xf32, #tpu.memory_space<vmem>> -> memref<64x128xf32, #tpu.memory_space<vmem>>
      %dma_wait3A_226 = arith.constant 0 : i32
      %dma_wait3A_227 = tpu.memref_slice %arg5[%dma_wait3A_226, %multiple_of3A_69] : memref<64x1000000xf32, #tpu.memory_space<hbm>> -> memref<64x128xf32, #tpu.memory_space<hbm>>
      tpu.wait_dma2 semaphore(%arg15 : memref<!tpu.dma_semaphore, #tpu.memory_space<semaphore_mem>>) src(%dma_wait3A_227 : memref<64x128xf32, #tpu.memory_space<hbm>>) dst(%dma_wait3A_225 : memref<64x128xf32, #tpu.memory_space<vmem>>)
      %dma_wait3A_228 = arith.constant 2 : i32
      %dma_wait3A_229 = arith.constant 0 : i32
      %dma_wait3A_230 = arith.constant 0 : i32
      %dma_wait3A_231 = tpu.memref_slice %arg11[%dma_wait3A_228, %dma_wait3A_229, %dma_wait3A_230] : memref<8x64x128xf32, #tpu.memory_space<vmem>> -> memref<1x64x128xf32, #tpu.memory_space<vmem>>
      %dma_wait3A_232 = tpu.memref_squeeze %dma_wait3A_231 : memref<1x64x128xf32, #tpu.memory_space<vmem>> -> memref<64x128xf32, #tpu.memory_space<vmem>>
      %dma_wait3A_233 = arith.constant 0 : i32
      %dma_wait3A_234 = tpu.memref_slice %arg5[%dma_wait3A_233, %multiple_of3A_89] : memref<64x1000000xf32, #tpu.memory_space<hbm>> -> memref<64x128xf32, #tpu.memory_space<hbm>>
      %dma_wait3A_235 = arith.constant 0 : i32
      %dma_wait3A_236 = arith.constant 0 : i32
      %dma_wait3A_237 = tpu.memref_slice %arg11[%dma_wait3A_228, %dma_wait3A_235, %dma_wait3A_236] : memref<8x64x128xf32, #tpu.memory_space<vmem>> -> memref<1x64x128xf32, #tpu.memory_space<vmem>>
      %dma_wait3A_238 = tpu.memref_squeeze %dma_wait3A_237 : memref<1x64x128xf32, #tpu.memory_space<vmem>> -> memref<64x128xf32, #tpu.memory_space<vmem>>
      %dma_wait3A_239 = arith.constant 0 : i32
      %dma_wait3A_240 = tpu.memref_slice %arg5[%dma_wait3A_239, %multiple_of3A_89] : memref<64x1000000xf32, #tpu.memory_space<hbm>> -> memref<64x128xf32, #tpu.memory_space<hbm>>
      tpu.wait_dma2 semaphore(%arg15 : memref<!tpu.dma_semaphore, #tpu.memory_space<semaphore_mem>>) src(%dma_wait3A_240 : memref<64x128xf32, #tpu.memory_space<hbm>>) dst(%dma_wait3A_238 : memref<64x128xf32, #tpu.memory_space<vmem>>)
      %dma_wait3A_241 = arith.constant 3 : i32
      %dma_wait3A_242 = arith.constant 0 : i32
      %dma_wait3A_243 = arith.constant 0 : i32
      %dma_wait3A_244 = tpu.memref_slice %arg11[%dma_wait3A_241, %dma_wait3A_242, %dma_wait3A_243] : memref<8x64x128xf32, #tpu.memory_space<vmem>> -> memref<1x64x128xf32, #tpu.memory_space<vmem>>
      %dma_wait3A_245 = tpu.memref_squeeze %dma_wait3A_244 : memref<1x64x128xf32, #tpu.memory_space<vmem>> -> memref<64x128xf32, #tpu.memory_space<vmem>>
      %dma_wait3A_246 = arith.constant 0 : i32
      %dma_wait3A_247 = tpu.memref_slice %arg5[%dma_wait3A_246, %multiple_of3A_109] : memref<64x1000000xf32, #tpu.memory_space<hbm>> -> memref<64x128xf32, #tpu.memory_space<hbm>>
      %dma_wait3A_248 = arith.constant 0 : i32
      %dma_wait3A_249 = arith.constant 0 : i32
      %dma_wait3A_250 = tpu.memref_slice %arg11[%dma_wait3A_241, %dma_wait3A_248, %dma_wait3A_249] : memref<8x64x128xf32, #tpu.memory_space<vmem>> -> memref<1x64x128xf32, #tpu.memory_space<vmem>>
      %dma_wait3A_251 = tpu.memref_squeeze %dma_wait3A_250 : memref<1x64x128xf32, #tpu.memory_space<vmem>> -> memref<64x128xf32, #tpu.memory_space<vmem>>
      %dma_wait3A_252 = arith.constant 0 : i32
      %dma_wait3A_253 = tpu.memref_slice %arg5[%dma_wait3A_252, %multiple_of3A_109] : memref<64x1000000xf32, #tpu.memory_space<hbm>> -> memref<64x128xf32, #tpu.memory_space<hbm>>
      tpu.wait_dma2 semaphore(%arg15 : memref<!tpu.dma_semaphore, #tpu.memory_space<semaphore_mem>>) src(%dma_wait3A_253 : memref<64x128xf32, #tpu.memory_space<hbm>>) dst(%dma_wait3A_251 : memref<64x128xf32, #tpu.memory_space<vmem>>)
      %dma_wait3A_254 = arith.constant 4 : i32
      %dma_wait3A_255 = arith.constant 0 : i32
      %dma_wait3A_256 = arith.constant 0 : i32
      %dma_wait3A_257 = tpu.memref_slice %arg11[%dma_wait3A_254, %dma_wait3A_255, %dma_wait3A_256] : memref<8x64x128xf32, #tpu.memory_space<vmem>> -> memref<1x64x128xf32, #tpu.memory_space<vmem>>
      %dma_wait3A_258 = tpu.memref_squeeze %dma_wait3A_257 : memref<1x64x128xf32, #tpu.memory_space<vmem>> -> memref<64x128xf32, #tpu.memory_space<vmem>>
      %dma_wait3A_259 = arith.constant 0 : i32
      %dma_wait3A_260 = tpu.memref_slice %arg5[%dma_wait3A_259, %multiple_of3A_129] : memref<64x1000000xf32, #tpu.memory_space<hbm>> -> memref<64x128xf32, #tpu.memory_space<hbm>>
      %dma_wait3A_261 = arith.constant 0 : i32
      %dma_wait3A_262 = arith.constant 0 : i32
      %dma_wait3A_263 = tpu.memref_slice %arg11[%dma_wait3A_254, %dma_wait3A_261, %dma_wait3A_262] : memref<8x64x128xf32, #tpu.memory_space<vmem>> -> memref<1x64x128xf32, #tpu.memory_space<vmem>>
      %dma_wait3A_264 = tpu.memref_squeeze %dma_wait3A_263 : memref<1x64x128xf32, #tpu.memory_space<vmem>> -> memref<64x128xf32, #tpu.memory_space<vmem>>
      %dma_wait3A_265 = arith.constant 0 : i32
      %dma_wait3A_266 = tpu.memref_slice %arg5[%dma_wait3A_265, %multiple_of3A_129] : memref<64x1000000xf32, #tpu.memory_space<hbm>> -> memref<64x128xf32, #tpu.memory_space<hbm>>
      tpu.wait_dma2 semaphore(%arg15 : memref<!tpu.dma_semaphore, #tpu.memory_space<semaphore_mem>>) src(%dma_wait3A_266 : memref<64x128xf32, #tpu.memory_space<hbm>>) dst(%dma_wait3A_264 : memref<64x128xf32, #tpu.memory_space<vmem>>)
      %dma_wait3A_267 = arith.constant 5 : i32
      %dma_wait3A_268 = arith.constant 0 : i32
      %dma_wait3A_269 = arith.constant 0 : i32
      %dma_wait3A_270 = tpu.memref_slice %arg11[%dma_wait3A_267, %dma_wait3A_268, %dma_wait3A_269] : memref<8x64x128xf32, #tpu.memory_space<vmem>> -> memref<1x64x128xf32, #tpu.memory_space<vmem>>
      %dma_wait3A_271 = tpu.memref_squeeze %dma_wait3A_270 : memref<1x64x128xf32, #tpu.memory_space<vmem>> -> memref<64x128xf32, #tpu.memory_space<vmem>>
      %dma_wait3A_272 = arith.constant 0 : i32
      %dma_wait3A_273 = tpu.memref_slice %arg5[%dma_wait3A_272, %multiple_of3A_149] : memref<64x1000000xf32, #tpu.memory_space<hbm>> -> memref<64x128xf32, #tpu.memory_space<hbm>>
      %dma_wait3A_274 = arith.constant 0 : i32
      %dma_wait3A_275 = arith.constant 0 : i32
      %dma_wait3A_276 = tpu.memref_slice %arg11[%dma_wait3A_267, %dma_wait3A_274, %dma_wait3A_275] : memref<8x64x128xf32, #tpu.memory_space<vmem>> -> memref<1x64x128xf32, #tpu.memory_space<vmem>>
      %dma_wait3A_277 = tpu.memref_squeeze %dma_wait3A_276 : memref<1x64x128xf32, #tpu.memory_space<vmem>> -> memref<64x128xf32, #tpu.memory_space<vmem>>
      %dma_wait3A_278 = arith.constant 0 : i32
      %dma_wait3A_279 = tpu.memref_slice %arg5[%dma_wait3A_278, %multiple_of3A_149] : memref<64x1000000xf32, #tpu.memory_space<hbm>> -> memref<64x128xf32, #tpu.memory_space<hbm>>
      tpu.wait_dma2 semaphore(%arg15 : memref<!tpu.dma_semaphore, #tpu.memory_space<semaphore_mem>>) src(%dma_wait3A_279 : memref<64x128xf32, #tpu.memory_space<hbm>>) dst(%dma_wait3A_277 : memref<64x128xf32, #tpu.memory_space<vmem>>)
      %dma_wait3A_280 = arith.constant 6 : i32
      %dma_wait3A_281 = arith.constant 0 : i32
      %dma_wait3A_282 = arith.constant 0 : i32
      %dma_wait3A_283 = tpu.memref_slice %arg11[%dma_wait3A_280, %dma_wait3A_281, %dma_wait3A_282] : memref<8x64x128xf32, #tpu.memory_space<vmem>> -> memref<1x64x128xf32, #tpu.memory_space<vmem>>
      %dma_wait3A_284 = tpu.memref_squeeze %dma_wait3A_283 : memref<1x64x128xf32, #tpu.memory_space<vmem>> -> memref<64x128xf32, #tpu.memory_space<vmem>>
      %dma_wait3A_285 = arith.constant 0 : i32
      %dma_wait3A_286 = tpu.memref_slice %arg5[%dma_wait3A_285, %multiple_of3A_169] : memref<64x1000000xf32, #tpu.memory_space<hbm>> -> memref<64x128xf32, #tpu.memory_space<hbm>>
      %dma_wait3A_287 = arith.constant 0 : i32
      %dma_wait3A_288 = arith.constant 0 : i32
      %dma_wait3A_289 = tpu.memref_slice %arg11[%dma_wait3A_280, %dma_wait3A_287, %dma_wait3A_288] : memref<8x64x128xf32, #tpu.memory_space<vmem>> -> memref<1x64x128xf32, #tpu.memory_space<vmem>>
      %dma_wait3A_290 = tpu.memref_squeeze %dma_wait3A_289 : memref<1x64x128xf32, #tpu.memory_space<vmem>> -> memref<64x128xf32, #tpu.memory_space<vmem>>
      %dma_wait3A_291 = arith.constant 0 : i32
      %dma_wait3A_292 = tpu.memref_slice %arg5[%dma_wait3A_291, %multiple_of3A_169] : memref<64x1000000xf32, #tpu.memory_space<hbm>> -> memref<64x128xf32, #tpu.memory_space<hbm>>
      tpu.wait_dma2 semaphore(%arg15 : memref<!tpu.dma_semaphore, #tpu.memory_space<semaphore_mem>>) src(%dma_wait3A_292 : memref<64x128xf32, #tpu.memory_space<hbm>>) dst(%dma_wait3A_290 : memref<64x128xf32, #tpu.memory_space<vmem>>)
      %dma_wait3A_293 = arith.constant 7 : i32
      %dma_wait3A_294 = arith.constant 0 : i32
      %dma_wait3A_295 = arith.constant 0 : i32
      %dma_wait3A_296 = tpu.memref_slice %arg11[%dma_wait3A_293, %dma_wait3A_294, %dma_wait3A_295] : memref<8x64x128xf32, #tpu.memory_space<vmem>> -> memref<1x64x128xf32, #tpu.memory_space<vmem>>
      %dma_wait3A_297 = tpu.memref_squeeze %dma_wait3A_296 : memref<1x64x128xf32, #tpu.memory_space<vmem>> -> memref<64x128xf32, #tpu.memory_space<vmem>>
      %dma_wait3A_298 = arith.constant 0 : i32
      %dma_wait3A_299 = tpu.memref_slice %arg5[%dma_wait3A_298, %multiple_of3A_189] : memref<64x1000000xf32, #tpu.memory_space<hbm>> -> memref<64x128xf32, #tpu.memory_space<hbm>>
      %dma_wait3A_300 = arith.constant 0 : i32
      %dma_wait3A_301 = arith.constant 0 : i32
      %dma_wait3A_302 = tpu.memref_slice %arg11[%dma_wait3A_293, %dma_wait3A_300, %dma_wait3A_301] : memref<8x64x128xf32, #tpu.memory_space<vmem>> -> memref<1x64x128xf32, #tpu.memory_space<vmem>>
      %dma_wait3A_303 = tpu.memref_squeeze %dma_wait3A_302 : memref<1x64x128xf32, #tpu.memory_space<vmem>> -> memref<64x128xf32, #tpu.memory_space<vmem>>
      %dma_wait3A_304 = arith.constant 0 : i32
      %dma_wait3A_305 = tpu.memref_slice %arg5[%dma_wait3A_304, %multiple_of3A_189] : memref<64x1000000xf32, #tpu.memory_space<hbm>> -> memref<64x128xf32, #tpu.memory_space<hbm>>
      tpu.wait_dma2 semaphore(%arg15 : memref<!tpu.dma_semaphore, #tpu.memory_space<semaphore_mem>>) src(%dma_wait3A_305 : memref<64x128xf32, #tpu.memory_space<hbm>>) dst(%dma_wait3A_303 : memref<64x128xf32, #tpu.memory_space<vmem>>)
      %mul3A_306 = arith.constant 16 : i32
      %mul3A_307 = arith.muli %scan3A_43, %mul3A_306 : i32
      %add3A_308 = arith.constant 0 : i32
      %add3A_309 = arith.addi %mul3A_307, %add3A_308 : i32
      %add3A_310 = arith.constant 0 : i32
      %add3A_311 = arith.addi %add3A_309, %add3A_310 : i32
      %slice3A_312 = vector.extract_strided_slice %get3A_47 {offsets = [0], sizes = [1], strides = [1]} : vector<16xi32> to vector<1xi32>
      %squeeze3A_313 = vector.extract %slice3A_312[0] : i32 from vector<1xi32>
      %broadcast_in_dim3A = arith.constant 1 : i32
      %broadcast_in_dim3A_314 = vector.broadcast %broadcast_in_dim3A : i32 to vector<16xi32>
      %and3A = arith.constant 127 : i32
      %and3A_315 = arith.andi %squeeze3A_313, %and3A : i32
      %mul3A_316 = vector.broadcast %and3A_315 : i32 to vector<16xi32>
      %mul3A_317 = arith.muli %broadcast_in_dim3A_314, %mul3A_316 : vector<16xi32>
      %broadcast_in_dim3A_318 = arith.constant 1 : i32
      %broadcast_in_dim3A_319 = vector.broadcast %broadcast_in_dim3A_318 : i32 to vector<16xi32>
      %mul3A_320 = vector.broadcast %add3A_311 : i32 to vector<16xi32>
      %mul3A_321 = arith.muli %broadcast_in_dim3A_319, %mul3A_320 : vector<16xi32>
      %gather3A = arith.constant 0 : i32
      %gather3A_322 = arith.constant 0 : i32
      %gather3A_323 = arith.constant 0 : i32
      %gather3A_324 = tpu.memref_slice %arg11[%gather3A, %gather3A_322, %gather3A_323] : memref<8x64x128xf32, #tpu.memory_space<vmem>> -> memref<1x64x128xf32, #tpu.memory_space<vmem>>
      %gather3A_325 = tpu.memref_squeeze %gather3A_324 : memref<1x64x128xf32, #tpu.memory_space<vmem>> -> memref<64x128xf32, #tpu.memory_space<vmem>>
      %gather3A_326 = tpu.vector_load_idx %gather3A_325[%add3A_3, %mul3A_317] : memref<64x128xf32, #tpu.memory_space<vmem>>[vector<16xi32>, vector<16xi32>], vector<16xf32>,
      tpu.vector_store_idx %arg13[%add3A_3, %mul3A_321], %gather3A_326 : memref<64x128xf32, #tpu.memory_space<vmem>>[vector<16xi32>, vector<16xi32>], vector<16xf32>,
      %gather3A_327 = arith.constant 0 : i32
      %gather3A_328 = arith.constant 0 : i32
      %gather3A_329 = arith.constant 0 : i32
      %gather3A_330 = tpu.memref_slice %arg11[%gather3A_327, %gather3A_328, %gather3A_329] : memref<8x64x128xf32, #tpu.memory_space<vmem>> -> memref<1x64x128xf32, #tpu.memory_space<vmem>>
      %gather3A_331 = tpu.memref_squeeze %gather3A_330 : memref<1x64x128xf32, #tpu.memory_space<vmem>> -> memref<64x128xf32, #tpu.memory_space<vmem>>
      %gather3A_332 = tpu.vector_load_idx %gather3A_331[%add3A_7, %mul3A_317] : memref<64x128xf32, #tpu.memory_space<vmem>>[vector<16xi32>, vector<16xi32>], vector<16xf32>,
      tpu.vector_store_idx %arg13[%add3A_7, %mul3A_321], %gather3A_332 : memref<64x128xf32, #tpu.memory_space<vmem>>[vector<16xi32>, vector<16xi32>], vector<16xf32>,
      %gather3A_333 = arith.constant 0 : i32
      %gather3A_334 = arith.constant 0 : i32
      %gather3A_335 = arith.constant 0 : i32
      %gather3A_336 = tpu.memref_slice %arg11[%gather3A_333, %gather3A_334, %gather3A_335] : memref<8x64x128xf32, #tpu.memory_space<vmem>> -> memref<1x64x128xf32, #tpu.memory_space<vmem>>
      %gather3A_337 = tpu.memref_squeeze %gather3A_336 : memref<1x64x128xf32, #tpu.memory_space<vmem>> -> memref<64x128xf32, #tpu.memory_space<vmem>>
      %gather3A_338 = tpu.vector_load_idx %gather3A_337[%add3A_11, %mul3A_317] : memref<64x128xf32, #tpu.memory_space<vmem>>[vector<16xi32>, vector<16xi32>], vector<16xf32>,
      tpu.vector_store_idx %arg13[%add3A_11, %mul3A_321], %gather3A_338 : memref<64x128xf32, #tpu.memory_space<vmem>>[vector<16xi32>, vector<16xi32>], vector<16xf32>,
      %gather3A_339 = arith.constant 0 : i32
      %gather3A_340 = arith.constant 0 : i32
      %gather3A_341 = arith.constant 0 : i32
      %gather3A_342 = tpu.memref_slice %arg11[%gather3A_339, %gather3A_340, %gather3A_341] : memref<8x64x128xf32, #tpu.memory_space<vmem>> -> memref<1x64x128xf32, #tpu.memory_space<vmem>>
      %gather3A_343 = tpu.memref_squeeze %gather3A_342 : memref<1x64x128xf32, #tpu.memory_space<vmem>> -> memref<64x128xf32, #tpu.memory_space<vmem>>
      %gather3A_344 = tpu.vector_load_idx %gather3A_343[%add3A_15, %mul3A_317] : memref<64x128xf32, #tpu.memory_space<vmem>>[vector<16xi32>, vector<16xi32>], vector<16xf32>,
      tpu.vector_store_idx %arg13[%add3A_15, %mul3A_321], %gather3A_344 : memref<64x128xf32, #tpu.memory_space<vmem>>[vector<16xi32>, vector<16xi32>], vector<16xf32>,
      %mul3A_345 = arith.constant 16 : i32
      %mul3A_346 = arith.muli %scan3A_43, %mul3A_345 : i32
      %add3A_347 = arith.constant 0 : i32
      %add3A_348 = arith.addi %mul3A_346, %add3A_347 : i32
      %add3A_349 = arith.constant 1 : i32
      %add3A_350 = arith.addi %add3A_348, %add3A_349 : i32
      %slice3A_351 = vector.extract_strided_slice %get3A_47 {offsets = [1], sizes = [1], strides = [1]} : vector<16xi32> to vector<1xi32>
      %squeeze3A_352 = vector.extract %slice3A_351[0] : i32 from vector<1xi32>
      %broadcast_in_dim3A_353 = arith.constant 1 : i32
      %broadcast_in_dim3A_354 = vector.broadcast %broadcast_in_dim3A_353 : i32 to vector<16xi32>
      %and3A_355 = arith.constant 127 : i32
      %and3A_356 = arith.andi %squeeze3A_352, %and3A_355 : i32
      %mul3A_357 = vector.broadcast %and3A_356 : i32 to vector<16xi32>
      %mul3A_358 = arith.muli %broadcast_in_dim3A_354, %mul3A_357 : vector<16xi32>
      %broadcast_in_dim3A_359 = arith.constant 1 : i32
      %broadcast_in_dim3A_360 = vector.broadcast %broadcast_in_dim3A_359 : i32 to vector<16xi32>
      %mul3A_361 = vector.broadcast %add3A_350 : i32 to vector<16xi32>
      %mul3A_362 = arith.muli %broadcast_in_dim3A_360, %mul3A_361 : vector<16xi32>
      %gather3A_363 = arith.constant 1 : i32
      %gather3A_364 = arith.constant 0 : i32
      %gather3A_365 = arith.constant 0 : i32
      %gather3A_366 = tpu.memref_slice %arg11[%gather3A_363, %gather3A_364, %gather3A_365] : memref<8x64x128xf32, #tpu.memory_space<vmem>> -> memref<1x64x128xf32, #tpu.memory_space<vmem>>
      %gather3A_367 = tpu.memref_squeeze %gather3A_366 : memref<1x64x128xf32, #tpu.memory_space<vmem>> -> memref<64x128xf32, #tpu.memory_space<vmem>>
      %gather3A_368 = tpu.vector_load_idx %gather3A_367[%add3A_3, %mul3A_358] : memref<64x128xf32, #tpu.memory_space<vmem>>[vector<16xi32>, vector<16xi32>], vector<16xf32>,
      tpu.vector_store_idx %arg13[%add3A_3, %mul3A_362], %gather3A_368 : memref<64x128xf32, #tpu.memory_space<vmem>>[vector<16xi32>, vector<16xi32>], vector<16xf32>,
      %gather3A_369 = arith.constant 1 : i32
      %gather3A_370 = arith.constant 0 : i32
      %gather3A_371 = arith.constant 0 : i32
      %gather3A_372 = tpu.memref_slice %arg11[%gather3A_369, %gather3A_370, %gather3A_371] : memref<8x64x128xf32, #tpu.memory_space<vmem>> -> memref<1x64x128xf32, #tpu.memory_space<vmem>>
      %gather3A_373 = tpu.memref_squeeze %gather3A_372 : memref<1x64x128xf32, #tpu.memory_space<vmem>> -> memref<64x128xf32, #tpu.memory_space<vmem>>
      %gather3A_374 = tpu.vector_load_idx %gather3A_373[%add3A_7, %mul3A_358] : memref<64x128xf32, #tpu.memory_space<vmem>>[vector<16xi32>, vector<16xi32>], vector<16xf32>,
      tpu.vector_store_idx %arg13[%add3A_7, %mul3A_362], %gather3A_374 : memref<64x128xf32, #tpu.memory_space<vmem>>[vector<16xi32>, vector<16xi32>], vector<16xf32>,
      %gather3A_375 = arith.constant 1 : i32
      %gather3A_376 = arith.constant 0 : i32
      %gather3A_377 = arith.constant 0 : i32
      %gather3A_378 = tpu.memref_slice %arg11[%gather3A_375, %gather3A_376, %gather3A_377] : memref<8x64x128xf32, #tpu.memory_space<vmem>> -> memref<1x64x128xf32, #tpu.memory_space<vmem>>
      %gather3A_379 = tpu.memref_squeeze %gather3A_378 : memref<1x64x128xf32, #tpu.memory_space<vmem>> -> memref<64x128xf32, #tpu.memory_space<vmem>>
      %gather3A_380 = tpu.vector_load_idx %gather3A_379[%add3A_11, %mul3A_358] : memref<64x128xf32, #tpu.memory_space<vmem>>[vector<16xi32>, vector<16xi32>], vector<16xf32>,
      tpu.vector_store_idx %arg13[%add3A_11, %mul3A_362], %gather3A_380 : memref<64x128xf32, #tpu.memory_space<vmem>>[vector<16xi32>, vector<16xi32>], vector<16xf32>,
      %gather3A_381 = arith.constant 1 : i32
      %gather3A_382 = arith.constant 0 : i32
      %gather3A_383 = arith.constant 0 : i32
      %gather3A_384 = tpu.memref_slice %arg11[%gather3A_381, %gather3A_382, %gather3A_383] : memref<8x64x128xf32, #tpu.memory_space<vmem>> -> memref<1x64x128xf32, #tpu.memory_space<vmem>>
      %gather3A_385 = tpu.memref_squeeze %gather3A_384 : memref<1x64x128xf32, #tpu.memory_space<vmem>> -> memref<64x128xf32, #tpu.memory_space<vmem>>
      %gather3A_386 = tpu.vector_load_idx %gather3A_385[%add3A_15, %mul3A_358] : memref<64x128xf32, #tpu.memory_space<vmem>>[vector<16xi32>, vector<16xi32>], vector<16xf32>,
      tpu.vector_store_idx %arg13[%add3A_15, %mul3A_362], %gather3A_386 : memref<64x128xf32, #tpu.memory_space<vmem>>[vector<16xi32>, vector<16xi32>], vector<16xf32>,
      %mul3A_387 = arith.constant 16 : i32
      %mul3A_388 = arith.muli %scan3A_43, %mul3A_387 : i32
      %add3A_389 = arith.constant 0 : i32
      %add3A_390 = arith.addi %mul3A_388, %add3A_389 : i32
      %add3A_391 = arith.constant 2 : i32
      %add3A_392 = arith.addi %add3A_390, %add3A_391 : i32
      %slice3A_393 = vector.extract_strided_slice %get3A_47 {offsets = [2], sizes = [1], strides = [1]} : vector<16xi32> to vector<1xi32>
      %squeeze3A_394 = vector.extract %slice3A_393[0] : i32 from vector<1xi32>
      %broadcast_in_dim3A_395 = arith.constant 1 : i32
      %broadcast_in_dim3A_396 = vector.broadcast %broadcast_in_dim3A_395 : i32 to vector<16xi32>
      %and3A_397 = arith.constant 127 : i32
      %and3A_398 = arith.andi %squeeze3A_394, %and3A_397 : i32
      %mul3A_399 = vector.broadcast %and3A_398 : i32 to vector<16xi32>
      %mul3A_400 = arith.muli %broadcast_in_dim3A_396, %mul3A_399 : vector<16xi32>
      %broadcast_in_dim3A_401 = arith.constant 1 : i32
      %broadcast_in_dim3A_402 = vector.broadcast %broadcast_in_dim3A_401 : i32 to vector<16xi32>
      %mul3A_403 = vector.broadcast %add3A_392 : i32 to vector<16xi32>
      %mul3A_404 = arith.muli %broadcast_in_dim3A_402, %mul3A_403 : vector<16xi32>
      %gather3A_405 = arith.constant 2 : i32
      %gather3A_406 = arith.constant 0 : i32
      %gather3A_407 = arith.constant 0 : i32
      %gather3A_408 = tpu.memref_slice %arg11[%gather3A_405, %gather3A_406, %gather3A_407] : memref<8x64x128xf32, #tpu.memory_space<vmem>> -> memref<1x64x128xf32, #tpu.memory_space<vmem>>
      %gather3A_409 = tpu.memref_squeeze %gather3A_408 : memref<1x64x128xf32, #tpu.memory_space<vmem>> -> memref<64x128xf32, #tpu.memory_space<vmem>>
      %gather3A_410 = tpu.vector_load_idx %gather3A_409[%add3A_3, %mul3A_400] : memref<64x128xf32, #tpu.memory_space<vmem>>[vector<16xi32>, vector<16xi32>], vector<16xf32>,
      tpu.vector_store_idx %arg13[%add3A_3, %mul3A_404], %gather3A_410 : memref<64x128xf32, #tpu.memory_space<vmem>>[vector<16xi32>, vector<16xi32>], vector<16xf32>,
      %gather3A_411 = arith.constant 2 : i32
      %gather3A_412 = arith.constant 0 : i32
      %gather3A_413 = arith.constant 0 : i32
      %gather3A_414 = tpu.memref_slice %arg11[%gather3A_411, %gather3A_412, %gather3A_413] : memref<8x64x128xf32, #tpu.memory_space<vmem>> -> memref<1x64x128xf32, #tpu.memory_space<vmem>>
      %gather3A_415 = tpu.memref_squeeze %gather3A_414 : memref<1x64x128xf32, #tpu.memory_space<vmem>> -> memref<64x128xf32, #tpu.memory_space<vmem>>
      %gather3A_416 = tpu.vector_load_idx %gather3A_415[%add3A_7, %mul3A_400] : memref<64x128xf32, #tpu.memory_space<vmem>>[vector<16xi32>, vector<16xi32>], vector<16xf32>,
      tpu.vector_store_idx %arg13[%add3A_7, %mul3A_404], %gather3A_416 : memref<64x128xf32, #tpu.memory_space<vmem>>[vector<16xi32>, vector<16xi32>], vector<16xf32>,
      %gather3A_417 = arith.constant 2 : i32
      %gather3A_418 = arith.constant 0 : i32
      %gather3A_419 = arith.constant 0 : i32
      %gather3A_420 = tpu.memref_slice %arg11[%gather3A_417, %gather3A_418, %gather3A_419] : memref<8x64x128xf32, #tpu.memory_space<vmem>> -> memref<1x64x128xf32, #tpu.memory_space<vmem>>
      %gather3A_421 = tpu.memref_squeeze %gather3A_420 : memref<1x64x128xf32, #tpu.memory_space<vmem>> -> memref<64x128xf32, #tpu.memory_space<vmem>>
      %gather3A_422 = tpu.vector_load_idx %gather3A_421[%add3A_11, %mul3A_400] : memref<64x128xf32, #tpu.memory_space<vmem>>[vector<16xi32>, vector<16xi32>], vector<16xf32>,
      tpu.vector_store_idx %arg13[%add3A_11, %mul3A_404], %gather3A_422 : memref<64x128xf32, #tpu.memory_space<vmem>>[vector<16xi32>, vector<16xi32>], vector<16xf32>,
      %gather3A_423 = arith.constant 2 : i32
      %gather3A_424 = arith.constant 0 : i32
      %gather3A_425 = arith.constant 0 : i32
      %gather3A_426 = tpu.memref_slice %arg11[%gather3A_423, %gather3A_424, %gather3A_425] : memref<8x64x128xf32, #tpu.memory_space<vmem>> -> memref<1x64x128xf32, #tpu.memory_space<vmem>>
      %gather3A_427 = tpu.memref_squeeze %gather3A_426 : memref<1x64x128xf32, #tpu.memory_space<vmem>> -> memref<64x128xf32, #tpu.memory_space<vmem>>
      %gather3A_428 = tpu.vector_load_idx %gather3A_427[%add3A_15, %mul3A_400] : memref<64x128xf32, #tpu.memory_space<vmem>>[vector<16xi32>, vector<16xi32>], vector<16xf32>,
      tpu.vector_store_idx %arg13[%add3A_15, %mul3A_404], %gather3A_428 : memref<64x128xf32, #tpu.memory_space<vmem>>[vector<16xi32>, vector<16xi32>], vector<16xf32>,
      %mul3A_429 = arith.constant 16 : i32
      %mul3A_430 = arith.muli %scan3A_43, %mul3A_429 : i32
      %add3A_431 = arith.constant 0 : i32
      %add3A_432 = arith.addi %mul3A_430, %add3A_431 : i32
      %add3A_433 = arith.constant 3 : i32
      %add3A_434 = arith.addi %add3A_432, %add3A_433 : i32
      %slice3A_435 = vector.extract_strided_slice %get3A_47 {offsets = [3], sizes = [1], strides = [1]} : vector<16xi32> to vector<1xi32>
      %squeeze3A_436 = vector.extract %slice3A_435[0] : i32 from vector<1xi32>
      %broadcast_in_dim3A_437 = arith.constant 1 : i32
      %broadcast_in_dim3A_438 = vector.broadcast %broadcast_in_dim3A_437 : i32 to vector<16xi32>
      %and3A_439 = arith.constant 127 : i32
      %and3A_440 = arith.andi %squeeze3A_436, %and3A_439 : i32
      %mul3A_441 = vector.broadcast %and3A_440 : i32 to vector<16xi32>
      %mul3A_442 = arith.muli %broadcast_in_dim3A_438, %mul3A_441 : vector<16xi32>
      %broadcast_in_dim3A_443 = arith.constant 1 : i32
      %broadcast_in_dim3A_444 = vector.broadcast %broadcast_in_dim3A_443 : i32 to vector<16xi32>
      %mul3A_445 = vector.broadcast %add3A_434 : i32 to vector<16xi32>
      %mul3A_446 = arith.muli %broadcast_in_dim3A_444, %mul3A_445 : vector<16xi32>
      %gather3A_447 = arith.constant 3 : i32
      %gather3A_448 = arith.constant 0 : i32
      %gather3A_449 = arith.constant 0 : i32
      %gather3A_450 = tpu.memref_slice %arg11[%gather3A_447, %gather3A_448, %gather3A_449] : memref<8x64x128xf32, #tpu.memory_space<vmem>> -> memref<1x64x128xf32, #tpu.memory_space<vmem>>
      %gather3A_451 = tpu.memref_squeeze %gather3A_450 : memref<1x64x128xf32, #tpu.memory_space<vmem>> -> memref<64x128xf32, #tpu.memory_space<vmem>>
      %gather3A_452 = tpu.vector_load_idx %gather3A_451[%add3A_3, %mul3A_442] : memref<64x128xf32, #tpu.memory_space<vmem>>[vector<16xi32>, vector<16xi32>], vector<16xf32>,
      tpu.vector_store_idx %arg13[%add3A_3, %mul3A_446], %gather3A_452 : memref<64x128xf32, #tpu.memory_space<vmem>>[vector<16xi32>, vector<16xi32>], vector<16xf32>,
      %gather3A_453 = arith.constant 3 : i32
      %gather3A_454 = arith.constant 0 : i32
      %gather3A_455 = arith.constant 0 : i32
      %gather3A_456 = tpu.memref_slice %arg11[%gather3A_453, %gather3A_454, %gather3A_455] : memref<8x64x128xf32, #tpu.memory_space<vmem>> -> memref<1x64x128xf32, #tpu.memory_space<vmem>>
      %gather3A_457 = tpu.memref_squeeze %gather3A_456 : memref<1x64x128xf32, #tpu.memory_space<vmem>> -> memref<64x128xf32, #tpu.memory_space<vmem>>
      %gather3A_458 = tpu.vector_load_idx %gather3A_457[%add3A_7, %mul3A_442] : memref<64x128xf32, #tpu.memory_space<vmem>>[vector<16xi32>, vector<16xi32>], vector<16xf32>,
      tpu.vector_store_idx %arg13[%add3A_7, %mul3A_446], %gather3A_458 : memref<64x128xf32, #tpu.memory_space<vmem>>[vector<16xi32>, vector<16xi32>], vector<16xf32>,
      %gather3A_459 = arith.constant 3 : i32
      %gather3A_460 = arith.constant 0 : i32
      %gather3A_461 = arith.constant 0 : i32
      %gather3A_462 = tpu.memref_slice %arg11[%gather3A_459, %gather3A_460, %gather3A_461] : memref<8x64x128xf32, #tpu.memory_space<vmem>> -> memref<1x64x128xf32, #tpu.memory_space<vmem>>
      %gather3A_463 = tpu.memref_squeeze %gather3A_462 : memref<1x64x128xf32, #tpu.memory_space<vmem>> -> memref<64x128xf32, #tpu.memory_space<vmem>>
      %gather3A_464 = tpu.vector_load_idx %gather3A_463[%add3A_11, %mul3A_442] : memref<64x128xf32, #tpu.memory_space<vmem>>[vector<16xi32>, vector<16xi32>], vector<16xf32>,
      tpu.vector_store_idx %arg13[%add3A_11, %mul3A_446], %gather3A_464 : memref<64x128xf32, #tpu.memory_space<vmem>>[vector<16xi32>, vector<16xi32>], vector<16xf32>,
      %gather3A_465 = arith.constant 3 : i32
      %gather3A_466 = arith.constant 0 : i32
      %gather3A_467 = arith.constant 0 : i32
      %gather3A_468 = tpu.memref_slice %arg11[%gather3A_465, %gather3A_466, %gather3A_467] : memref<8x64x128xf32, #tpu.memory_space<vmem>> -> memref<1x64x128xf32, #tpu.memory_space<vmem>>
      %gather3A_469 = tpu.memref_squeeze %gather3A_468 : memref<1x64x128xf32, #tpu.memory_space<vmem>> -> memref<64x128xf32, #tpu.memory_space<vmem>>
      %gather3A_470 = tpu.vector_load_idx %gather3A_469[%add3A_15, %mul3A_442] : memref<64x128xf32, #tpu.memory_space<vmem>>[vector<16xi32>, vector<16xi32>], vector<16xf32>,
      tpu.vector_store_idx %arg13[%add3A_15, %mul3A_446], %gather3A_470 : memref<64x128xf32, #tpu.memory_space<vmem>>[vector<16xi32>, vector<16xi32>], vector<16xf32>,
      %mul3A_471 = arith.constant 16 : i32
      %mul3A_472 = arith.muli %scan3A_43, %mul3A_471 : i32
      %add3A_473 = arith.constant 0 : i32
      %add3A_474 = arith.addi %mul3A_472, %add3A_473 : i32
      %add3A_475 = arith.constant 4 : i32
      %add3A_476 = arith.addi %add3A_474, %add3A_475 : i32
      %slice3A_477 = vector.extract_strided_slice %get3A_47 {offsets = [4], sizes = [1], strides = [1]} : vector<16xi32> to vector<1xi32>
      %squeeze3A_478 = vector.extract %slice3A_477[0] : i32 from vector<1xi32>
      %broadcast_in_dim3A_479 = arith.constant 1 : i32
      %broadcast_in_dim3A_480 = vector.broadcast %broadcast_in_dim3A_479 : i32 to vector<16xi32>
      %and3A_481 = arith.constant 127 : i32
      %and3A_482 = arith.andi %squeeze3A_478, %and3A_481 : i32
      %mul3A_483 = vector.broadcast %and3A_482 : i32 to vector<16xi32>
      %mul3A_484 = arith.muli %broadcast_in_dim3A_480, %mul3A_483 : vector<16xi32>
      %broadcast_in_dim3A_485 = arith.constant 1 : i32
      %broadcast_in_dim3A_486 = vector.broadcast %broadcast_in_dim3A_485 : i32 to vector<16xi32>
      %mul3A_487 = vector.broadcast %add3A_476 : i32 to vector<16xi32>
      %mul3A_488 = arith.muli %broadcast_in_dim3A_486, %mul3A_487 : vector<16xi32>
      %gather3A_489 = arith.constant 4 : i32
      %gather3A_490 = arith.constant 0 : i32
      %gather3A_491 = arith.constant 0 : i32
      %gather3A_492 = tpu.memref_slice %arg11[%gather3A_489, %gather3A_490, %gather3A_491] : memref<8x64x128xf32, #tpu.memory_space<vmem>> -> memref<1x64x128xf32, #tpu.memory_space<vmem>>
      %gather3A_493 = tpu.memref_squeeze %gather3A_492 : memref<1x64x128xf32, #tpu.memory_space<vmem>> -> memref<64x128xf32, #tpu.memory_space<vmem>>
      %gather3A_494 = tpu.vector_load_idx %gather3A_493[%add3A_3, %mul3A_484] : memref<64x128xf32, #tpu.memory_space<vmem>>[vector<16xi32>, vector<16xi32>], vector<16xf32>,
      tpu.vector_store_idx %arg13[%add3A_3, %mul3A_488], %gather3A_494 : memref<64x128xf32, #tpu.memory_space<vmem>>[vector<16xi32>, vector<16xi32>], vector<16xf32>,
      %gather3A_495 = arith.constant 4 : i32
      %gather3A_496 = arith.constant 0 : i32
      %gather3A_497 = arith.constant 0 : i32
      %gather3A_498 = tpu.memref_slice %arg11[%gather3A_495, %gather3A_496, %gather3A_497] : memref<8x64x128xf32, #tpu.memory_space<vmem>> -> memref<1x64x128xf32, #tpu.memory_space<vmem>>
      %gather3A_499 = tpu.memref_squeeze %gather3A_498 : memref<1x64x128xf32, #tpu.memory_space<vmem>> -> memref<64x128xf32, #tpu.memory_space<vmem>>
      %gather3A_500 = tpu.vector_load_idx %gather3A_499[%add3A_7, %mul3A_484] : memref<64x128xf32, #tpu.memory_space<vmem>>[vector<16xi32>, vector<16xi32>], vector<16xf32>,
      tpu.vector_store_idx %arg13[%add3A_7, %mul3A_488], %gather3A_500 : memref<64x128xf32, #tpu.memory_space<vmem>>[vector<16xi32>, vector<16xi32>], vector<16xf32>,
      %gather3A_501 = arith.constant 4 : i32
      %gather3A_502 = arith.constant 0 : i32
      %gather3A_503 = arith.constant 0 : i32
      %gather3A_504 = tpu.memref_slice %arg11[%gather3A_501, %gather3A_502, %gather3A_503] : memref<8x64x128xf32, #tpu.memory_space<vmem>> -> memref<1x64x128xf32, #tpu.memory_space<vmem>>
      %gather3A_505 = tpu.memref_squeeze %gather3A_504 : memref<1x64x128xf32, #tpu.memory_space<vmem>> -> memref<64x128xf32, #tpu.memory_space<vmem>>
      %gather3A_506 = tpu.vector_load_idx %gather3A_505[%add3A_11, %mul3A_484] : memref<64x128xf32, #tpu.memory_space<vmem>>[vector<16xi32>, vector<16xi32>], vector<16xf32>,
      tpu.vector_store_idx %arg13[%add3A_11, %mul3A_488], %gather3A_506 : memref<64x128xf32, #tpu.memory_space<vmem>>[vector<16xi32>, vector<16xi32>], vector<16xf32>,
      %gather3A_507 = arith.constant 4 : i32
      %gather3A_508 = arith.constant 0 : i32
      %gather3A_509 = arith.constant 0 : i32
      %gather3A_510 = tpu.memref_slice %arg11[%gather3A_507, %gather3A_508, %gather3A_509] : memref<8x64x128xf32, #tpu.memory_space<vmem>> -> memref<1x64x128xf32, #tpu.memory_space<vmem>>
      %gather3A_511 = tpu.memref_squeeze %gather3A_510 : memref<1x64x128xf32, #tpu.memory_space<vmem>> -> memref<64x128xf32, #tpu.memory_space<vmem>>
      %gather3A_512 = tpu.vector_load_idx %gather3A_511[%add3A_15, %mul3A_484] : memref<64x128xf32, #tpu.memory_space<vmem>>[vector<16xi32>, vector<16xi32>], vector<16xf32>,
      tpu.vector_store_idx %arg13[%add3A_15, %mul3A_488], %gather3A_512 : memref<64x128xf32, #tpu.memory_space<vmem>>[vector<16xi32>, vector<16xi32>], vector<16xf32>,
      %mul3A_513 = arith.constant 16 : i32
      %mul3A_514 = arith.muli %scan3A_43, %mul3A_513 : i32
      %add3A_515 = arith.constant 0 : i32
      %add3A_516 = arith.addi %mul3A_514, %add3A_515 : i32
      %add3A_517 = arith.constant 5 : i32
      %add3A_518 = arith.addi %add3A_516, %add3A_517 : i32
      %slice3A_519 = vector.extract_strided_slice %get3A_47 {offsets = [5], sizes = [1], strides = [1]} : vector<16xi32> to vector<1xi32>
      %squeeze3A_520 = vector.extract %slice3A_519[0] : i32 from vector<1xi32>
      %broadcast_in_dim3A_521 = arith.constant 1 : i32
      %broadcast_in_dim3A_522 = vector.broadcast %broadcast_in_dim3A_521 : i32 to vector<16xi32>
      %and3A_523 = arith.constant 127 : i32
      %and3A_524 = arith.andi %squeeze3A_520, %and3A_523 : i32
      %mul3A_525 = vector.broadcast %and3A_524 : i32 to vector<16xi32>
      %mul3A_526 = arith.muli %broadcast_in_dim3A_522, %mul3A_525 : vector<16xi32>
      %broadcast_in_dim3A_527 = arith.constant 1 : i32
      %broadcast_in_dim3A_528 = vector.broadcast %broadcast_in_dim3A_527 : i32 to vector<16xi32>
      %mul3A_529 = vector.broadcast %add3A_518 : i32 to vector<16xi32>
      %mul3A_530 = arith.muli %broadcast_in_dim3A_528, %mul3A_529 : vector<16xi32>
      %gather3A_531 = arith.constant 5 : i32
      %gather3A_532 = arith.constant 0 : i32
      %gather3A_533 = arith.constant 0 : i32
      %gather3A_534 = tpu.memref_slice %arg11[%gather3A_531, %gather3A_532, %gather3A_533] : memref<8x64x128xf32, #tpu.memory_space<vmem>> -> memref<1x64x128xf32, #tpu.memory_space<vmem>>
      %gather3A_535 = tpu.memref_squeeze %gather3A_534 : memref<1x64x128xf32, #tpu.memory_space<vmem>> -> memref<64x128xf32, #tpu.memory_space<vmem>>
      %gather3A_536 = tpu.vector_load_idx %gather3A_535[%add3A_3, %mul3A_526] : memref<64x128xf32, #tpu.memory_space<vmem>>[vector<16xi32>, vector<16xi32>], vector<16xf32>,
      tpu.vector_store_idx %arg13[%add3A_3, %mul3A_530], %gather3A_536 : memref<64x128xf32, #tpu.memory_space<vmem>>[vector<16xi32>, vector<16xi32>], vector<16xf32>,
      %gather3A_537 = arith.constant 5 : i32
      %gather3A_538 = arith.constant 0 : i32
      %gather3A_539 = arith.constant 0 : i32
      %gather3A_540 = tpu.memref_slice %arg11[%gather3A_537, %gather3A_538, %gather3A_539] : memref<8x64x128xf32, #tpu.memory_space<vmem>> -> memref<1x64x128xf32, #tpu.memory_space<vmem>>
      %gather3A_541 = tpu.memref_squeeze %gather3A_540 : memref<1x64x128xf32, #tpu.memory_space<vmem>> -> memref<64x128xf32, #tpu.memory_space<vmem>>
      %gather3A_542 = tpu.vector_load_idx %gather3A_541[%add3A_7, %mul3A_526] : memref<64x128xf32, #tpu.memory_space<vmem>>[vector<16xi32>, vector<16xi32>], vector<16xf32>,
      tpu.vector_store_idx %arg13[%add3A_7, %mul3A_530], %gather3A_542 : memref<64x128xf32, #tpu.memory_space<vmem>>[vector<16xi32>, vector<16xi32>], vector<16xf32>,
      %gather3A_543 = arith.constant 5 : i32
      %gather3A_544 = arith.constant 0 : i32
      %gather3A_545 = arith.constant 0 : i32
      %gather3A_546 = tpu.memref_slice %arg11[%gather3A_543, %gather3A_544, %gather3A_545] : memref<8x64x128xf32, #tpu.memory_space<vmem>> -> memref<1x64x128xf32, #tpu.memory_space<vmem>>
      %gather3A_547 = tpu.memref_squeeze %gather3A_546 : memref<1x64x128xf32, #tpu.memory_space<vmem>> -> memref<64x128xf32, #tpu.memory_space<vmem>>
      %gather3A_548 = tpu.vector_load_idx %gather3A_547[%add3A_11, %mul3A_526] : memref<64x128xf32, #tpu.memory_space<vmem>>[vector<16xi32>, vector<16xi32>], vector<16xf32>,
      tpu.vector_store_idx %arg13[%add3A_11, %mul3A_530], %gather3A_548 : memref<64x128xf32, #tpu.memory_space<vmem>>[vector<16xi32>, vector<16xi32>], vector<16xf32>,
      %gather3A_549 = arith.constant 5 : i32
      %gather3A_550 = arith.constant 0 : i32
      %gather3A_551 = arith.constant 0 : i32
      %gather3A_552 = tpu.memref_slice %arg11[%gather3A_549, %gather3A_550, %gather3A_551] : memref<8x64x128xf32, #tpu.memory_space<vmem>> -> memref<1x64x128xf32, #tpu.memory_space<vmem>>
      %gather3A_553 = tpu.memref_squeeze %gather3A_552 : memref<1x64x128xf32, #tpu.memory_space<vmem>> -> memref<64x128xf32, #tpu.memory_space<vmem>>
      %gather3A_554 = tpu.vector_load_idx %gather3A_553[%add3A_15, %mul3A_526] : memref<64x128xf32, #tpu.memory_space<vmem>>[vector<16xi32>, vector<16xi32>], vector<16xf32>,
      tpu.vector_store_idx %arg13[%add3A_15, %mul3A_530], %gather3A_554 : memref<64x128xf32, #tpu.memory_space<vmem>>[vector<16xi32>, vector<16xi32>], vector<16xf32>,
      %mul3A_555 = arith.constant 16 : i32
      %mul3A_556 = arith.muli %scan3A_43, %mul3A_555 : i32
      %add3A_557 = arith.constant 0 : i32
      %add3A_558 = arith.addi %mul3A_556, %add3A_557 : i32
      %add3A_559 = arith.constant 6 : i32
      %add3A_560 = arith.addi %add3A_558, %add3A_559 : i32
      %slice3A_561 = vector.extract_strided_slice %get3A_47 {offsets = [6], sizes = [1], strides = [1]} : vector<16xi32> to vector<1xi32>
      %squeeze3A_562 = vector.extract %slice3A_561[0] : i32 from vector<1xi32>
      %broadcast_in_dim3A_563 = arith.constant 1 : i32
      %broadcast_in_dim3A_564 = vector.broadcast %broadcast_in_dim3A_563 : i32 to vector<16xi32>
      %and3A_565 = arith.constant 127 : i32
      %and3A_566 = arith.andi %squeeze3A_562, %and3A_565 : i32
      %mul3A_567 = vector.broadcast %and3A_566 : i32 to vector<16xi32>
      %mul3A_568 = arith.muli %broadcast_in_dim3A_564, %mul3A_567 : vector<16xi32>
      %broadcast_in_dim3A_569 = arith.constant 1 : i32
      %broadcast_in_dim3A_570 = vector.broadcast %broadcast_in_dim3A_569 : i32 to vector<16xi32>
      %mul3A_571 = vector.broadcast %add3A_560 : i32 to vector<16xi32>
      %mul3A_572 = arith.muli %broadcast_in_dim3A_570, %mul3A_571 : vector<16xi32>
      %gather3A_573 = arith.constant 6 : i32
      %gather3A_574 = arith.constant 0 : i32
      %gather3A_575 = arith.constant 0 : i32
      %gather3A_576 = tpu.memref_slice %arg11[%gather3A_573, %gather3A_574, %gather3A_575] : memref<8x64x128xf32, #tpu.memory_space<vmem>> -> memref<1x64x128xf32, #tpu.memory_space<vmem>>
      %gather3A_577 = tpu.memref_squeeze %gather3A_576 : memref<1x64x128xf32, #tpu.memory_space<vmem>> -> memref<64x128xf32, #tpu.memory_space<vmem>>
      %gather3A_578 = tpu.vector_load_idx %gather3A_577[%add3A_3, %mul3A_568] : memref<64x128xf32, #tpu.memory_space<vmem>>[vector<16xi32>, vector<16xi32>], vector<16xf32>,
      tpu.vector_store_idx %arg13[%add3A_3, %mul3A_572], %gather3A_578 : memref<64x128xf32, #tpu.memory_space<vmem>>[vector<16xi32>, vector<16xi32>], vector<16xf32>,
      %gather3A_579 = arith.constant 6 : i32
      %gather3A_580 = arith.constant 0 : i32
      %gather3A_581 = arith.constant 0 : i32
      %gather3A_582 = tpu.memref_slice %arg11[%gather3A_579, %gather3A_580, %gather3A_581] : memref<8x64x128xf32, #tpu.memory_space<vmem>> -> memref<1x64x128xf32, #tpu.memory_space<vmem>>
      %gather3A_583 = tpu.memref_squeeze %gather3A_582 : memref<1x64x128xf32, #tpu.memory_space<vmem>> -> memref<64x128xf32, #tpu.memory_space<vmem>>
      %gather3A_584 = tpu.vector_load_idx %gather3A_583[%add3A_7, %mul3A_568] : memref<64x128xf32, #tpu.memory_space<vmem>>[vector<16xi32>, vector<16xi32>], vector<16xf32>,
      tpu.vector_store_idx %arg13[%add3A_7, %mul3A_572], %gather3A_584 : memref<64x128xf32, #tpu.memory_space<vmem>>[vector<16xi32>, vector<16xi32>], vector<16xf32>,
      %gather3A_585 = arith.constant 6 : i32
      %gather3A_586 = arith.constant 0 : i32
      %gather3A_587 = arith.constant 0 : i32
      %gather3A_588 = tpu.memref_slice %arg11[%gather3A_585, %gather3A_586, %gather3A_587] : memref<8x64x128xf32, #tpu.memory_space<vmem>> -> memref<1x64x128xf32, #tpu.memory_space<vmem>>
      %gather3A_589 = tpu.memref_squeeze %gather3A_588 : memref<1x64x128xf32, #tpu.memory_space<vmem>> -> memref<64x128xf32, #tpu.memory_space<vmem>>
      %gather3A_590 = tpu.vector_load_idx %gather3A_589[%add3A_11, %mul3A_568] : memref<64x128xf32, #tpu.memory_space<vmem>>[vector<16xi32>, vector<16xi32>], vector<16xf32>,
      tpu.vector_store_idx %arg13[%add3A_11, %mul3A_572], %gather3A_590 : memref<64x128xf32, #tpu.memory_space<vmem>>[vector<16xi32>, vector<16xi32>], vector<16xf32>,
      %gather3A_591 = arith.constant 6 : i32
      %gather3A_592 = arith.constant 0 : i32
      %gather3A_593 = arith.constant 0 : i32
      %gather3A_594 = tpu.memref_slice %arg11[%gather3A_591, %gather3A_592, %gather3A_593] : memref<8x64x128xf32, #tpu.memory_space<vmem>> -> memref<1x64x128xf32, #tpu.memory_space<vmem>>
      %gather3A_595 = tpu.memref_squeeze %gather3A_594 : memref<1x64x128xf32, #tpu.memory_space<vmem>> -> memref<64x128xf32, #tpu.memory_space<vmem>>
      %gather3A_596 = tpu.vector_load_idx %gather3A_595[%add3A_15, %mul3A_568] : memref<64x128xf32, #tpu.memory_space<vmem>>[vector<16xi32>, vector<16xi32>], vector<16xf32>,
      tpu.vector_store_idx %arg13[%add3A_15, %mul3A_572], %gather3A_596 : memref<64x128xf32, #tpu.memory_space<vmem>>[vector<16xi32>, vector<16xi32>], vector<16xf32>,
      %mul3A_597 = arith.constant 16 : i32
      %mul3A_598 = arith.muli %scan3A_43, %mul3A_597 : i32
      %add3A_599 = arith.constant 0 : i32
      %add3A_600 = arith.addi %mul3A_598, %add3A_599 : i32
      %add3A_601 = arith.constant 7 : i32
      %add3A_602 = arith.addi %add3A_600, %add3A_601 : i32
      %slice3A_603 = vector.extract_strided_slice %get3A_47 {offsets = [7], sizes = [1], strides = [1]} : vector<16xi32> to vector<1xi32>
      %squeeze3A_604 = vector.extract %slice3A_603[0] : i32 from vector<1xi32>
      %broadcast_in_dim3A_605 = arith.constant 1 : i32
      %broadcast_in_dim3A_606 = vector.broadcast %broadcast_in_dim3A_605 : i32 to vector<16xi32>
      %and3A_607 = arith.constant 127 : i32
      %and3A_608 = arith.andi %squeeze3A_604, %and3A_607 : i32
      %mul3A_609 = vector.broadcast %and3A_608 : i32 to vector<16xi32>
      %mul3A_610 = arith.muli %broadcast_in_dim3A_606, %mul3A_609 : vector<16xi32>
      %broadcast_in_dim3A_611 = arith.constant 1 : i32
      %broadcast_in_dim3A_612 = vector.broadcast %broadcast_in_dim3A_611 : i32 to vector<16xi32>
      %mul3A_613 = vector.broadcast %add3A_602 : i32 to vector<16xi32>
      %mul3A_614 = arith.muli %broadcast_in_dim3A_612, %mul3A_613 : vector<16xi32>
      %gather3A_615 = arith.constant 7 : i32
      %gather3A_616 = arith.constant 0 : i32
      %gather3A_617 = arith.constant 0 : i32
      %gather3A_618 = tpu.memref_slice %arg11[%gather3A_615, %gather3A_616, %gather3A_617] : memref<8x64x128xf32, #tpu.memory_space<vmem>> -> memref<1x64x128xf32, #tpu.memory_space<vmem>>
      %gather3A_619 = tpu.memref_squeeze %gather3A_618 : memref<1x64x128xf32, #tpu.memory_space<vmem>> -> memref<64x128xf32, #tpu.memory_space<vmem>>
      %gather3A_620 = tpu.vector_load_idx %gather3A_619[%add3A_3, %mul3A_610] : memref<64x128xf32, #tpu.memory_space<vmem>>[vector<16xi32>, vector<16xi32>], vector<16xf32>,
      tpu.vector_store_idx %arg13[%add3A_3, %mul3A_614], %gather3A_620 : memref<64x128xf32, #tpu.memory_space<vmem>>[vector<16xi32>, vector<16xi32>], vector<16xf32>,
      %gather3A_621 = arith.constant 7 : i32
      %gather3A_622 = arith.constant 0 : i32
      %gather3A_623 = arith.constant 0 : i32
      %gather3A_624 = tpu.memref_slice %arg11[%gather3A_621, %gather3A_622, %gather3A_623] : memref<8x64x128xf32, #tpu.memory_space<vmem>> -> memref<1x64x128xf32, #tpu.memory_space<vmem>>
      %gather3A_625 = tpu.memref_squeeze %gather3A_624 : memref<1x64x128xf32, #tpu.memory_space<vmem>> -> memref<64x128xf32, #tpu.memory_space<vmem>>
      %gather3A_626 = tpu.vector_load_idx %gather3A_625[%add3A_7, %mul3A_610] : memref<64x128xf32, #tpu.memory_space<vmem>>[vector<16xi32>, vector<16xi32>], vector<16xf32>,
      tpu.vector_store_idx %arg13[%add3A_7, %mul3A_614], %gather3A_626 : memref<64x128xf32, #tpu.memory_space<vmem>>[vector<16xi32>, vector<16xi32>], vector<16xf32>,
      %gather3A_627 = arith.constant 7 : i32
      %gather3A_628 = arith.constant 0 : i32
      %gather3A_629 = arith.constant 0 : i32
      %gather3A_630 = tpu.memref_slice %arg11[%gather3A_627, %gather3A_628, %gather3A_629] : memref<8x64x128xf32, #tpu.memory_space<vmem>> -> memref<1x64x128xf32, #tpu.memory_space<vmem>>
      %gather3A_631 = tpu.memref_squeeze %gather3A_630 : memref<1x64x128xf32, #tpu.memory_space<vmem>> -> memref<64x128xf32, #tpu.memory_space<vmem>>
      %gather3A_632 = tpu.vector_load_idx %gather3A_631[%add3A_11, %mul3A_610] : memref<64x128xf32, #tpu.memory_space<vmem>>[vector<16xi32>, vector<16xi32>], vector<16xf32>,
      tpu.vector_store_idx %arg13[%add3A_11, %mul3A_614], %gather3A_632 : memref<64x128xf32, #tpu.memory_space<vmem>>[vector<16xi32>, vector<16xi32>], vector<16xf32>,
      %gather3A_633 = arith.constant 7 : i32
      %gather3A_634 = arith.constant 0 : i32
      %gather3A_635 = arith.constant 0 : i32
      %gather3A_636 = tpu.memref_slice %arg11[%gather3A_633, %gather3A_634, %gather3A_635] : memref<8x64x128xf32, #tpu.memory_space<vmem>> -> memref<1x64x128xf32, #tpu.memory_space<vmem>>
      %gather3A_637 = tpu.memref_squeeze %gather3A_636 : memref<1x64x128xf32, #tpu.memory_space<vmem>> -> memref<64x128xf32, #tpu.memory_space<vmem>>
      %gather3A_638 = tpu.vector_load_idx %gather3A_637[%add3A_15, %mul3A_610] : memref<64x128xf32, #tpu.memory_space<vmem>>[vector<16xi32>, vector<16xi32>], vector<16xf32>,
      tpu.vector_store_idx %arg13[%add3A_15, %mul3A_614], %gather3A_638 : memref<64x128xf32, #tpu.memory_space<vmem>>[vector<16xi32>, vector<16xi32>], vector<16xf32>,
      %slice3A_639 = vector.extract_strided_slice %get3A_47 {offsets = [8], sizes = [1], strides = [1]} : vector<16xi32> to vector<1xi32>
      %squeeze3A_640 = vector.extract %slice3A_639[0] : i32 from vector<1xi32>
      %shift_right_arithmetic3A_641 = arith.constant 7 : i32
      %shift_right_arithmetic3A_642 = arith.shrsi %squeeze3A_640, %shift_right_arithmetic3A_641 : i32
      %mul3A_643 = arith.constant 128 : i32
      %mul3A_644 = arith.muli %shift_right_arithmetic3A_642, %mul3A_643 : i32
      %multiple_of3A_645 = tpu.assume_multiple %mul3A_644, 128 : i32
      %dma_start3A_646 = arith.constant 0 : i32
      %dma_start3A_647 = arith.constant 0 : i32
      %dma_start3A_648 = arith.constant 0 : i32
      %dma_start3A_649 = tpu.memref_slice %arg11[%dma_start3A_646, %dma_start3A_647, %dma_start3A_648] : memref<8x64x128xf32, #tpu.memory_space<vmem>> -> memref<1x64x128xf32, #tpu.memory_space<vmem>>
      %dma_start3A_650 = tpu.memref_squeeze %dma_start3A_649 : memref<1x64x128xf32, #tpu.memory_space<vmem>> -> memref<64x128xf32, #tpu.memory_space<vmem>>
      %dma_start3A_651 = arith.constant 0 : i32
      %dma_start3A_652 = tpu.memref_slice %arg5[%dma_start3A_651, %multiple_of3A_645] : memref<64x1000000xf32, #tpu.memory_space<hbm>> -> memref<64x128xf32, #tpu.memory_space<hbm>>
      %dma_start3A_653 = arith.constant 0 : i32
      %dma_start3A_654 = arith.constant 0 : i32
      %dma_start3A_655 = tpu.memref_slice %arg11[%dma_start3A_646, %dma_start3A_653, %dma_start3A_654] : memref<8x64x128xf32, #tpu.memory_space<vmem>> -> memref<1x64x128xf32, #tpu.memory_space<vmem>>
      %dma_start3A_656 = tpu.memref_squeeze %dma_start3A_655 : memref<1x64x128xf32, #tpu.memory_space<vmem>> -> memref<64x128xf32, #tpu.memory_space<vmem>>
      %dma_start3A_657 = arith.constant 0 : i32
      %dma_start3A_658 = tpu.memref_slice %arg5[%dma_start3A_657, %multiple_of3A_645] : memref<64x1000000xf32, #tpu.memory_space<hbm>> -> memref<64x128xf32, #tpu.memory_space<hbm>>
      tpu.enqueue_dma source(%dma_start3A_658 : memref<64x128xf32, #tpu.memory_space<hbm>>) target(%dma_start3A_656 : memref<64x128xf32, #tpu.memory_space<vmem>>) target_semaphore(%arg15 : memref<!tpu.dma_semaphore, #tpu.memory_space<semaphore_mem>>)
      %slice3A_659 = vector.extract_strided_slice %get3A_47 {offsets = [9], sizes = [1], strides = [1]} : vector<16xi32> to vector<1xi32>
      %squeeze3A_660 = vector.extract %slice3A_659[0] : i32 from vector<1xi32>
      %shift_right_arithmetic3A_661 = arith.constant 7 : i32
      %shift_right_arithmetic3A_662 = arith.shrsi %squeeze3A_660, %shift_right_arithmetic3A_661 : i32
      %mul3A_663 = arith.constant 128 : i32
      %mul3A_664 = arith.muli %shift_right_arithmetic3A_662, %mul3A_663 : i32
      %multiple_of3A_665 = tpu.assume_multiple %mul3A_664, 128 : i32
      %dma_start3A_666 = arith.constant 1 : i32
      %dma_start3A_667 = arith.constant 0 : i32
      %dma_start3A_668 = arith.constant 0 : i32
      %dma_start3A_669 = tpu.memref_slice %arg11[%dma_start3A_666, %dma_start3A_667, %dma_start3A_668] : memref<8x64x128xf32, #tpu.memory_space<vmem>> -> memref<1x64x128xf32, #tpu.memory_space<vmem>>
      %dma_start3A_670 = tpu.memref_squeeze %dma_start3A_669 : memref<1x64x128xf32, #tpu.memory_space<vmem>> -> memref<64x128xf32, #tpu.memory_space<vmem>>
      %dma_start3A_671 = arith.constant 0 : i32
      %dma_start3A_672 = tpu.memref_slice %arg5[%dma_start3A_671, %multiple_of3A_665] : memref<64x1000000xf32, #tpu.memory_space<hbm>> -> memref<64x128xf32, #tpu.memory_space<hbm>>
      %dma_start3A_673 = arith.constant 0 : i32
      %dma_start3A_674 = arith.constant 0 : i32
      %dma_start3A_675 = tpu.memref_slice %arg11[%dma_start3A_666, %dma_start3A_673, %dma_start3A_674] : memref<8x64x128xf32, #tpu.memory_space<vmem>> -> memref<1x64x128xf32, #tpu.memory_space<vmem>>
      %dma_start3A_676 = tpu.memref_squeeze %dma_start3A_675 : memref<1x64x128xf32, #tpu.memory_space<vmem>> -> memref<64x128xf32, #tpu.memory_space<vmem>>
      %dma_start3A_677 = arith.constant 0 : i32
      %dma_start3A_678 = tpu.memref_slice %arg5[%dma_start3A_677, %multiple_of3A_665] : memref<64x1000000xf32, #tpu.memory_space<hbm>> -> memref<64x128xf32, #tpu.memory_space<hbm>>
      tpu.enqueue_dma source(%dma_start3A_678 : memref<64x128xf32, #tpu.memory_space<hbm>>) target(%dma_start3A_676 : memref<64x128xf32, #tpu.memory_space<vmem>>) target_semaphore(%arg15 : memref<!tpu.dma_semaphore, #tpu.memory_space<semaphore_mem>>)
      %slice3A_679 = vector.extract_strided_slice %get3A_47 {offsets = [10], sizes = [1], strides = [1]} : vector<16xi32> to vector<1xi32>
      %squeeze3A_680 = vector.extract %slice3A_679[0] : i32 from vector<1xi32>
      %shift_right_arithmetic3A_681 = arith.constant 7 : i32
      %shift_right_arithmetic3A_682 = arith.shrsi %squeeze3A_680, %shift_right_arithmetic3A_681 : i32
      %mul3A_683 = arith.constant 128 : i32
      %mul3A_684 = arith.muli %shift_right_arithmetic3A_682, %mul3A_683 : i32
      %multiple_of3A_685 = tpu.assume_multiple %mul3A_684, 128 : i32
      %dma_start3A_686 = arith.constant 2 : i32
      %dma_start3A_687 = arith.constant 0 : i32
      %dma_start3A_688 = arith.constant 0 : i32
      %dma_start3A_689 = tpu.memref_slice %arg11[%dma_start3A_686, %dma_start3A_687, %dma_start3A_688] : memref<8x64x128xf32, #tpu.memory_space<vmem>> -> memref<1x64x128xf32, #tpu.memory_space<vmem>>
      %dma_start3A_690 = tpu.memref_squeeze %dma_start3A_689 : memref<1x64x128xf32, #tpu.memory_space<vmem>> -> memref<64x128xf32, #tpu.memory_space<vmem>>
      %dma_start3A_691 = arith.constant 0 : i32
      %dma_start3A_692 = tpu.memref_slice %arg5[%dma_start3A_691, %multiple_of3A_685] : memref<64x1000000xf32, #tpu.memory_space<hbm>> -> memref<64x128xf32, #tpu.memory_space<hbm>>
      %dma_start3A_693 = arith.constant 0 : i32
      %dma_start3A_694 = arith.constant 0 : i32
      %dma_start3A_695 = tpu.memref_slice %arg11[%dma_start3A_686, %dma_start3A_693, %dma_start3A_694] : memref<8x64x128xf32, #tpu.memory_space<vmem>> -> memref<1x64x128xf32, #tpu.memory_space<vmem>>
      %dma_start3A_696 = tpu.memref_squeeze %dma_start3A_695 : memref<1x64x128xf32, #tpu.memory_space<vmem>> -> memref<64x128xf32, #tpu.memory_space<vmem>>
      %dma_start3A_697 = arith.constant 0 : i32
      %dma_start3A_698 = tpu.memref_slice %arg5[%dma_start3A_697, %multiple_of3A_685] : memref<64x1000000xf32, #tpu.memory_space<hbm>> -> memref<64x128xf32, #tpu.memory_space<hbm>>
      tpu.enqueue_dma source(%dma_start3A_698 : memref<64x128xf32, #tpu.memory_space<hbm>>) target(%dma_start3A_696 : memref<64x128xf32, #tpu.memory_space<vmem>>) target_semaphore(%arg15 : memref<!tpu.dma_semaphore, #tpu.memory_space<semaphore_mem>>)
      %slice3A_699 = vector.extract_strided_slice %get3A_47 {offsets = [11], sizes = [1], strides = [1]} : vector<16xi32> to vector<1xi32>
      %squeeze3A_700 = vector.extract %slice3A_699[0] : i32 from vector<1xi32>
      %shift_right_arithmetic3A_701 = arith.constant 7 : i32
      %shift_right_arithmetic3A_702 = arith.shrsi %squeeze3A_700, %shift_right_arithmetic3A_701 : i32
      %mul3A_703 = arith.constant 128 : i32
      %mul3A_704 = arith.muli %shift_right_arithmetic3A_702, %mul3A_703 : i32
      %multiple_of3A_705 = tpu.assume_multiple %mul3A_704, 128 : i32
      %dma_start3A_706 = arith.constant 3 : i32
      %dma_start3A_707 = arith.constant 0 : i32
      %dma_start3A_708 = arith.constant 0 : i32
      %dma_start3A_709 = tpu.memref_slice %arg11[%dma_start3A_706, %dma_start3A_707, %dma_start3A_708] : memref<8x64x128xf32, #tpu.memory_space<vmem>> -> memref<1x64x128xf32, #tpu.memory_space<vmem>>
      %dma_start3A_710 = tpu.memref_squeeze %dma_start3A_709 : memref<1x64x128xf32, #tpu.memory_space<vmem>> -> memref<64x128xf32, #tpu.memory_space<vmem>>
      %dma_start3A_711 = arith.constant 0 : i32
      %dma_start3A_712 = tpu.memref_slice %arg5[%dma_start3A_711, %multiple_of3A_705] : memref<64x1000000xf32, #tpu.memory_space<hbm>> -> memref<64x128xf32, #tpu.memory_space<hbm>>
      %dma_start3A_713 = arith.constant 0 : i32
      %dma_start3A_714 = arith.constant 0 : i32
      %dma_start3A_715 = tpu.memref_slice %arg11[%dma_start3A_706, %dma_start3A_713, %dma_start3A_714] : memref<8x64x128xf32, #tpu.memory_space<vmem>> -> memref<1x64x128xf32, #tpu.memory_space<vmem>>
      %dma_start3A_716 = tpu.memref_squeeze %dma_start3A_715 : memref<1x64x128xf32, #tpu.memory_space<vmem>> -> memref<64x128xf32, #tpu.memory_space<vmem>>
      %dma_start3A_717 = arith.constant 0 : i32
      %dma_start3A_718 = tpu.memref_slice %arg5[%dma_start3A_717, %multiple_of3A_705] : memref<64x1000000xf32, #tpu.memory_space<hbm>> -> memref<64x128xf32, #tpu.memory_space<hbm>>
      tpu.enqueue_dma source(%dma_start3A_718 : memref<64x128xf32, #tpu.memory_space<hbm>>) target(%dma_start3A_716 : memref<64x128xf32, #tpu.memory_space<vmem>>) target_semaphore(%arg15 : memref<!tpu.dma_semaphore, #tpu.memory_space<semaphore_mem>>)
      %slice3A_719 = vector.extract_strided_slice %get3A_47 {offsets = [12], sizes = [1], strides = [1]} : vector<16xi32> to vector<1xi32>
      %squeeze3A_720 = vector.extract %slice3A_719[0] : i32 from vector<1xi32>
      %shift_right_arithmetic3A_721 = arith.constant 7 : i32
      %shift_right_arithmetic3A_722 = arith.shrsi %squeeze3A_720, %shift_right_arithmetic3A_721 : i32
      %mul3A_723 = arith.constant 128 : i32
      %mul3A_724 = arith.muli %shift_right_arithmetic3A_722, %mul3A_723 : i32
      %multiple_of3A_725 = tpu.assume_multiple %mul3A_724, 128 : i32
      %dma_start3A_726 = arith.constant 4 : i32
      %dma_start3A_727 = arith.constant 0 : i32
      %dma_start3A_728 = arith.constant 0 : i32
      %dma_start3A_729 = tpu.memref_slice %arg11[%dma_start3A_726, %dma_start3A_727, %dma_start3A_728] : memref<8x64x128xf32, #tpu.memory_space<vmem>> -> memref<1x64x128xf32, #tpu.memory_space<vmem>>
      %dma_start3A_730 = tpu.memref_squeeze %dma_start3A_729 : memref<1x64x128xf32, #tpu.memory_space<vmem>> -> memref<64x128xf32, #tpu.memory_space<vmem>>
      %dma_start3A_731 = arith.constant 0 : i32
      %dma_start3A_732 = tpu.memref_slice %arg5[%dma_start3A_731, %multiple_of3A_725] : memref<64x1000000xf32, #tpu.memory_space<hbm>> -> memref<64x128xf32, #tpu.memory_space<hbm>>
      %dma_start3A_733 = arith.constant 0 : i32
      %dma_start3A_734 = arith.constant 0 : i32
      %dma_start3A_735 = tpu.memref_slice %arg11[%dma_start3A_726, %dma_start3A_733, %dma_start3A_734] : memref<8x64x128xf32, #tpu.memory_space<vmem>> -> memref<1x64x128xf32, #tpu.memory_space<vmem>>
      %dma_start3A_736 = tpu.memref_squeeze %dma_start3A_735 : memref<1x64x128xf32, #tpu.memory_space<vmem>> -> memref<64x128xf32, #tpu.memory_space<vmem>>
      %dma_start3A_737 = arith.constant 0 : i32
      %dma_start3A_738 = tpu.memref_slice %arg5[%dma_start3A_737, %multiple_of3A_725] : memref<64x1000000xf32, #tpu.memory_space<hbm>> -> memref<64x128xf32, #tpu.memory_space<hbm>>
      tpu.enqueue_dma source(%dma_start3A_738 : memref<64x128xf32, #tpu.memory_space<hbm>>) target(%dma_start3A_736 : memref<64x128xf32, #tpu.memory_space<vmem>>) target_semaphore(%arg15 : memref<!tpu.dma_semaphore, #tpu.memory_space<semaphore_mem>>)
      %slice3A_739 = vector.extract_strided_slice %get3A_47 {offsets = [13], sizes = [1], strides = [1]} : vector<16xi32> to vector<1xi32>
      %squeeze3A_740 = vector.extract %slice3A_739[0] : i32 from vector<1xi32>
      %shift_right_arithmetic3A_741 = arith.constant 7 : i32
      %shift_right_arithmetic3A_742 = arith.shrsi %squeeze3A_740, %shift_right_arithmetic3A_741 : i32
      %mul3A_743 = arith.constant 128 : i32
      %mul3A_744 = arith.muli %shift_right_arithmetic3A_742, %mul3A_743 : i32
      %multiple_of3A_745 = tpu.assume_multiple %mul3A_744, 128 : i32
      %dma_start3A_746 = arith.constant 5 : i32
      %dma_start3A_747 = arith.constant 0 : i32
      %dma_start3A_748 = arith.constant 0 : i32
      %dma_start3A_749 = tpu.memref_slice %arg11[%dma_start3A_746, %dma_start3A_747, %dma_start3A_748] : memref<8x64x128xf32, #tpu.memory_space<vmem>> -> memref<1x64x128xf32, #tpu.memory_space<vmem>>
      %dma_start3A_750 = tpu.memref_squeeze %dma_start3A_749 : memref<1x64x128xf32, #tpu.memory_space<vmem>> -> memref<64x128xf32, #tpu.memory_space<vmem>>
      %dma_start3A_751 = arith.constant 0 : i32
      %dma_start3A_752 = tpu.memref_slice %arg5[%dma_start3A_751, %multiple_of3A_745] : memref<64x1000000xf32, #tpu.memory_space<hbm>> -> memref<64x128xf32, #tpu.memory_space<hbm>>
      %dma_start3A_753 = arith.constant 0 : i32
      %dma_start3A_754 = arith.constant 0 : i32
      %dma_start3A_755 = tpu.memref_slice %arg11[%dma_start3A_746, %dma_start3A_753, %dma_start3A_754] : memref<8x64x128xf32, #tpu.memory_space<vmem>> -> memref<1x64x128xf32, #tpu.memory_space<vmem>>
      %dma_start3A_756 = tpu.memref_squeeze %dma_start3A_755 : memref<1x64x128xf32, #tpu.memory_space<vmem>> -> memref<64x128xf32, #tpu.memory_space<vmem>>
      %dma_start3A_757 = arith.constant 0 : i32
      %dma_start3A_758 = tpu.memref_slice %arg5[%dma_start3A_757, %multiple_of3A_745] : memref<64x1000000xf32, #tpu.memory_space<hbm>> -> memref<64x128xf32, #tpu.memory_space<hbm>>
      tpu.enqueue_dma source(%dma_start3A_758 : memref<64x128xf32, #tpu.memory_space<hbm>>) target(%dma_start3A_756 : memref<64x128xf32, #tpu.memory_space<vmem>>) target_semaphore(%arg15 : memref<!tpu.dma_semaphore, #tpu.memory_space<semaphore_mem>>)
      %slice3A_759 = vector.extract_strided_slice %get3A_47 {offsets = [14], sizes = [1], strides = [1]} : vector<16xi32> to vector<1xi32>
      %squeeze3A_760 = vector.extract %slice3A_759[0] : i32 from vector<1xi32>
      %shift_right_arithmetic3A_761 = arith.constant 7 : i32
      %shift_right_arithmetic3A_762 = arith.shrsi %squeeze3A_760, %shift_right_arithmetic3A_761 : i32
      %mul3A_763 = arith.constant 128 : i32
      %mul3A_764 = arith.muli %shift_right_arithmetic3A_762, %mul3A_763 : i32
      %multiple_of3A_765 = tpu.assume_multiple %mul3A_764, 128 : i32
      %dma_start3A_766 = arith.constant 6 : i32
      %dma_start3A_767 = arith.constant 0 : i32
      %dma_start3A_768 = arith.constant 0 : i32
      %dma_start3A_769 = tpu.memref_slice %arg11[%dma_start3A_766, %dma_start3A_767, %dma_start3A_768] : memref<8x64x128xf32, #tpu.memory_space<vmem>> -> memref<1x64x128xf32, #tpu.memory_space<vmem>>
      %dma_start3A_770 = tpu.memref_squeeze %dma_start3A_769 : memref<1x64x128xf32, #tpu.memory_space<vmem>> -> memref<64x128xf32, #tpu.memory_space<vmem>>
      %dma_start3A_771 = arith.constant 0 : i32
      %dma_start3A_772 = tpu.memref_slice %arg5[%dma_start3A_771, %multiple_of3A_765] : memref<64x1000000xf32, #tpu.memory_space<hbm>> -> memref<64x128xf32, #tpu.memory_space<hbm>>
      %dma_start3A_773 = arith.constant 0 : i32
      %dma_start3A_774 = arith.constant 0 : i32
      %dma_start3A_775 = tpu.memref_slice %arg11[%dma_start3A_766, %dma_start3A_773, %dma_start3A_774] : memref<8x64x128xf32, #tpu.memory_space<vmem>> -> memref<1x64x128xf32, #tpu.memory_space<vmem>>
      %dma_start3A_776 = tpu.memref_squeeze %dma_start3A_775 : memref<1x64x128xf32, #tpu.memory_space<vmem>> -> memref<64x128xf32, #tpu.memory_space<vmem>>
      %dma_start3A_777 = arith.constant 0 : i32
      %dma_start3A_778 = tpu.memref_slice %arg5[%dma_start3A_777, %multiple_of3A_765] : memref<64x1000000xf32, #tpu.memory_space<hbm>> -> memref<64x128xf32, #tpu.memory_space<hbm>>
      tpu.enqueue_dma source(%dma_start3A_778 : memref<64x128xf32, #tpu.memory_space<hbm>>) target(%dma_start3A_776 : memref<64x128xf32, #tpu.memory_space<vmem>>) target_semaphore(%arg15 : memref<!tpu.dma_semaphore, #tpu.memory_space<semaphore_mem>>)
      %slice3A_779 = vector.extract_strided_slice %get3A_47 {offsets = [15], sizes = [1], strides = [1]} : vector<16xi32> to vector<1xi32>
      %squeeze3A_780 = vector.extract %slice3A_779[0] : i32 from vector<1xi32>
      %shift_right_arithmetic3A_781 = arith.constant 7 : i32
      %shift_right_arithmetic3A_782 = arith.shrsi %squeeze3A_780, %shift_right_arithmetic3A_781 : i32
      %mul3A_783 = arith.constant 128 : i32
      %mul3A_784 = arith.muli %shift_right_arithmetic3A_782, %mul3A_783 : i32
      %multiple_of3A_785 = tpu.assume_multiple %mul3A_784, 128 : i32
      %dma_start3A_786 = arith.constant 7 : i32
      %dma_start3A_787 = arith.constant 0 : i32
      %dma_start3A_788 = arith.constant 0 : i32
      %dma_start3A_789 = tpu.memref_slice %arg11[%dma_start3A_786, %dma_start3A_787, %dma_start3A_788] : memref<8x64x128xf32, #tpu.memory_space<vmem>> -> memref<1x64x128xf32, #tpu.memory_space<vmem>>
      %dma_start3A_790 = tpu.memref_squeeze %dma_start3A_789 : memref<1x64x128xf32, #tpu.memory_space<vmem>> -> memref<64x128xf32, #tpu.memory_space<vmem>>
      %dma_start3A_791 = arith.constant 0 : i32
      %dma_start3A_792 = tpu.memref_slice %arg5[%dma_start3A_791, %multiple_of3A_785] : memref<64x1000000xf32, #tpu.memory_space<hbm>> -> memref<64x128xf32, #tpu.memory_space<hbm>>
      %dma_start3A_793 = arith.constant 0 : i32
      %dma_start3A_794 = arith.constant 0 : i32
      %dma_start3A_795 = tpu.memref_slice %arg11[%dma_start3A_786, %dma_start3A_793, %dma_start3A_794] : memref<8x64x128xf32, #tpu.memory_space<vmem>> -> memref<1x64x128xf32, #tpu.memory_space<vmem>>
      %dma_start3A_796 = tpu.memref_squeeze %dma_start3A_795 : memref<1x64x128xf32, #tpu.memory_space<vmem>> -> memref<64x128xf32, #tpu.memory_space<vmem>>
      %dma_start3A_797 = arith.constant 0 : i32
      %dma_start3A_798 = tpu.memref_slice %arg5[%dma_start3A_797, %multiple_of3A_785] : memref<64x1000000xf32, #tpu.memory_space<hbm>> -> memref<64x128xf32, #tpu.memory_space<hbm>>
      tpu.enqueue_dma source(%dma_start3A_798 : memref<64x128xf32, #tpu.memory_space<hbm>>) target(%dma_start3A_796 : memref<64x128xf32, #tpu.memory_space<vmem>>) target_semaphore(%arg15 : memref<!tpu.dma_semaphore, #tpu.memory_space<semaphore_mem>>)
      %dma_wait3A_799 = arith.constant 0 : i32
      %dma_wait3A_800 = arith.constant 0 : i32
      %dma_wait3A_801 = arith.constant 0 : i32
      %dma_wait3A_802 = tpu.memref_slice %arg11[%dma_wait3A_799, %dma_wait3A_800, %dma_wait3A_801] : memref<8x64x128xf32, #tpu.memory_space<vmem>> -> memref<1x64x128xf32, #tpu.memory_space<vmem>>
      %dma_wait3A_803 = tpu.memref_squeeze %dma_wait3A_802 : memref<1x64x128xf32, #tpu.memory_space<vmem>> -> memref<64x128xf32, #tpu.memory_space<vmem>>
      %dma_wait3A_804 = arith.constant 0 : i32
      %dma_wait3A_805 = tpu.memref_slice %arg5[%dma_wait3A_804, %multiple_of3A_645] : memref<64x1000000xf32, #tpu.memory_space<hbm>> -> memref<64x128xf32, #tpu.memory_space<hbm>>
      %dma_wait3A_806 = arith.constant 0 : i32
      %dma_wait3A_807 = arith.constant 0 : i32
      %dma_wait3A_808 = tpu.memref_slice %arg11[%dma_wait3A_799, %dma_wait3A_806, %dma_wait3A_807] : memref<8x64x128xf32, #tpu.memory_space<vmem>> -> memref<1x64x128xf32, #tpu.memory_space<vmem>>
      %dma_wait3A_809 = tpu.memref_squeeze %dma_wait3A_808 : memref<1x64x128xf32, #tpu.memory_space<vmem>> -> memref<64x128xf32, #tpu.memory_space<vmem>>
      %dma_wait3A_810 = arith.constant 0 : i32
      %dma_wait3A_811 = tpu.memref_slice %arg5[%dma_wait3A_810, %multiple_of3A_645] : memref<64x1000000xf32, #tpu.memory_space<hbm>> -> memref<64x128xf32, #tpu.memory_space<hbm>>
      tpu.wait_dma2 semaphore(%arg15 : memref<!tpu.dma_semaphore, #tpu.memory_space<semaphore_mem>>) src(%dma_wait3A_811 : memref<64x128xf32, #tpu.memory_space<hbm>>) dst(%dma_wait3A_809 : memref<64x128xf32, #tpu.memory_space<vmem>>)
      %dma_wait3A_812 = arith.constant 1 : i32
      %dma_wait3A_813 = arith.constant 0 : i32
      %dma_wait3A_814 = arith.constant 0 : i32
      %dma_wait3A_815 = tpu.memref_slice %arg11[%dma_wait3A_812, %dma_wait3A_813, %dma_wait3A_814] : memref<8x64x128xf32, #tpu.memory_space<vmem>> -> memref<1x64x128xf32, #tpu.memory_space<vmem>>
      %dma_wait3A_816 = tpu.memref_squeeze %dma_wait3A_815 : memref<1x64x128xf32, #tpu.memory_space<vmem>> -> memref<64x128xf32, #tpu.memory_space<vmem>>
      %dma_wait3A_817 = arith.constant 0 : i32
      %dma_wait3A_818 = tpu.memref_slice %arg5[%dma_wait3A_817, %multiple_of3A_665] : memref<64x1000000xf32, #tpu.memory_space<hbm>> -> memref<64x128xf32, #tpu.memory_space<hbm>>
      %dma_wait3A_819 = arith.constant 0 : i32
      %dma_wait3A_820 = arith.constant 0 : i32
      %dma_wait3A_821 = tpu.memref_slice %arg11[%dma_wait3A_812, %dma_wait3A_819, %dma_wait3A_820] : memref<8x64x128xf32, #tpu.memory_space<vmem>> -> memref<1x64x128xf32, #tpu.memory_space<vmem>>
      %dma_wait3A_822 = tpu.memref_squeeze %dma_wait3A_821 : memref<1x64x128xf32, #tpu.memory_space<vmem>> -> memref<64x128xf32, #tpu.memory_space<vmem>>
      %dma_wait3A_823 = arith.constant 0 : i32
      %dma_wait3A_824 = tpu.memref_slice %arg5[%dma_wait3A_823, %multiple_of3A_665] : memref<64x1000000xf32, #tpu.memory_space<hbm>> -> memref<64x128xf32, #tpu.memory_space<hbm>>
      tpu.wait_dma2 semaphore(%arg15 : memref<!tpu.dma_semaphore, #tpu.memory_space<semaphore_mem>>) src(%dma_wait3A_824 : memref<64x128xf32, #tpu.memory_space<hbm>>) dst(%dma_wait3A_822 : memref<64x128xf32, #tpu.memory_space<vmem>>)
      %dma_wait3A_825 = arith.constant 2 : i32
      %dma_wait3A_826 = arith.constant 0 : i32
      %dma_wait3A_827 = arith.constant 0 : i32
      %dma_wait3A_828 = tpu.memref_slice %arg11[%dma_wait3A_825, %dma_wait3A_826, %dma_wait3A_827] : memref<8x64x128xf32, #tpu.memory_space<vmem>> -> memref<1x64x128xf32, #tpu.memory_space<vmem>>
      %dma_wait3A_829 = tpu.memref_squeeze %dma_wait3A_828 : memref<1x64x128xf32, #tpu.memory_space<vmem>> -> memref<64x128xf32, #tpu.memory_space<vmem>>
      %dma_wait3A_830 = arith.constant 0 : i32
      %dma_wait3A_831 = tpu.memref_slice %arg5[%dma_wait3A_830, %multiple_of3A_685] : memref<64x1000000xf32, #tpu.memory_space<hbm>> -> memref<64x128xf32, #tpu.memory_space<hbm>>
      %dma_wait3A_832 = arith.constant 0 : i32
      %dma_wait3A_833 = arith.constant 0 : i32
      %dma_wait3A_834 = tpu.memref_slice %arg11[%dma_wait3A_825, %dma_wait3A_832, %dma_wait3A_833] : memref<8x64x128xf32, #tpu.memory_space<vmem>> -> memref<1x64x128xf32, #tpu.memory_space<vmem>>
      %dma_wait3A_835 = tpu.memref_squeeze %dma_wait3A_834 : memref<1x64x128xf32, #tpu.memory_space<vmem>> -> memref<64x128xf32, #tpu.memory_space<vmem>>
      %dma_wait3A_836 = arith.constant 0 : i32
      %dma_wait3A_837 = tpu.memref_slice %arg5[%dma_wait3A_836, %multiple_of3A_685] : memref<64x1000000xf32, #tpu.memory_space<hbm>> -> memref<64x128xf32, #tpu.memory_space<hbm>>
      tpu.wait_dma2 semaphore(%arg15 : memref<!tpu.dma_semaphore, #tpu.memory_space<semaphore_mem>>) src(%dma_wait3A_837 : memref<64x128xf32, #tpu.memory_space<hbm>>) dst(%dma_wait3A_835 : memref<64x128xf32, #tpu.memory_space<vmem>>)
      %dma_wait3A_838 = arith.constant 3 : i32
      %dma_wait3A_839 = arith.constant 0 : i32
      %dma_wait3A_840 = arith.constant 0 : i32
      %dma_wait3A_841 = tpu.memref_slice %arg11[%dma_wait3A_838, %dma_wait3A_839, %dma_wait3A_840] : memref<8x64x128xf32, #tpu.memory_space<vmem>> -> memref<1x64x128xf32, #tpu.memory_space<vmem>>
      %dma_wait3A_842 = tpu.memref_squeeze %dma_wait3A_841 : memref<1x64x128xf32, #tpu.memory_space<vmem>> -> memref<64x128xf32, #tpu.memory_space<vmem>>
      %dma_wait3A_843 = arith.constant 0 : i32
      %dma_wait3A_844 = tpu.memref_slice %arg5[%dma_wait3A_843, %multiple_of3A_705] : memref<64x1000000xf32, #tpu.memory_space<hbm>> -> memref<64x128xf32, #tpu.memory_space<hbm>>
      %dma_wait3A_845 = arith.constant 0 : i32
      %dma_wait3A_846 = arith.constant 0 : i32
      %dma_wait3A_847 = tpu.memref_slice %arg11[%dma_wait3A_838, %dma_wait3A_845, %dma_wait3A_846] : memref<8x64x128xf32, #tpu.memory_space<vmem>> -> memref<1x64x128xf32, #tpu.memory_space<vmem>>
      %dma_wait3A_848 = tpu.memref_squeeze %dma_wait3A_847 : memref<1x64x128xf32, #tpu.memory_space<vmem>> -> memref<64x128xf32, #tpu.memory_space<vmem>>
      %dma_wait3A_849 = arith.constant 0 : i32
      %dma_wait3A_850 = tpu.memref_slice %arg5[%dma_wait3A_849, %multiple_of3A_705] : memref<64x1000000xf32, #tpu.memory_space<hbm>> -> memref<64x128xf32, #tpu.memory_space<hbm>>
      tpu.wait_dma2 semaphore(%arg15 : memref<!tpu.dma_semaphore, #tpu.memory_space<semaphore_mem>>) src(%dma_wait3A_850 : memref<64x128xf32, #tpu.memory_space<hbm>>) dst(%dma_wait3A_848 : memref<64x128xf32, #tpu.memory_space<vmem>>)
      %dma_wait3A_851 = arith.constant 4 : i32
      %dma_wait3A_852 = arith.constant 0 : i32
      %dma_wait3A_853 = arith.constant 0 : i32
      %dma_wait3A_854 = tpu.memref_slice %arg11[%dma_wait3A_851, %dma_wait3A_852, %dma_wait3A_853] : memref<8x64x128xf32, #tpu.memory_space<vmem>> -> memref<1x64x128xf32, #tpu.memory_space<vmem>>
      %dma_wait3A_855 = tpu.memref_squeeze %dma_wait3A_854 : memref<1x64x128xf32, #tpu.memory_space<vmem>> -> memref<64x128xf32, #tpu.memory_space<vmem>>
      %dma_wait3A_856 = arith.constant 0 : i32
      %dma_wait3A_857 = tpu.memref_slice %arg5[%dma_wait3A_856, %multiple_of3A_725] : memref<64x1000000xf32, #tpu.memory_space<hbm>> -> memref<64x128xf32, #tpu.memory_space<hbm>>
      %dma_wait3A_858 = arith.constant 0 : i32
      %dma_wait3A_859 = arith.constant 0 : i32
      %dma_wait3A_860 = tpu.memref_slice %arg11[%dma_wait3A_851, %dma_wait3A_858, %dma_wait3A_859] : memref<8x64x128xf32, #tpu.memory_space<vmem>> -> memref<1x64x128xf32, #tpu.memory_space<vmem>>
      %dma_wait3A_861 = tpu.memref_squeeze %dma_wait3A_860 : memref<1x64x128xf32, #tpu.memory_space<vmem>> -> memref<64x128xf32, #tpu.memory_space<vmem>>
      %dma_wait3A_862 = arith.constant 0 : i32
      %dma_wait3A_863 = tpu.memref_slice %arg5[%dma_wait3A_862, %multiple_of3A_725] : memref<64x1000000xf32, #tpu.memory_space<hbm>> -> memref<64x128xf32, #tpu.memory_space<hbm>>
      tpu.wait_dma2 semaphore(%arg15 : memref<!tpu.dma_semaphore, #tpu.memory_space<semaphore_mem>>) src(%dma_wait3A_863 : memref<64x128xf32, #tpu.memory_space<hbm>>) dst(%dma_wait3A_861 : memref<64x128xf32, #tpu.memory_space<vmem>>)
      %dma_wait3A_864 = arith.constant 5 : i32
      %dma_wait3A_865 = arith.constant 0 : i32
      %dma_wait3A_866 = arith.constant 0 : i32
      %dma_wait3A_867 = tpu.memref_slice %arg11[%dma_wait3A_864, %dma_wait3A_865, %dma_wait3A_866] : memref<8x64x128xf32, #tpu.memory_space<vmem>> -> memref<1x64x128xf32, #tpu.memory_space<vmem>>
      %dma_wait3A_868 = tpu.memref_squeeze %dma_wait3A_867 : memref<1x64x128xf32, #tpu.memory_space<vmem>> -> memref<64x128xf32, #tpu.memory_space<vmem>>
      %dma_wait3A_869 = arith.constant 0 : i32
      %dma_wait3A_870 = tpu.memref_slice %arg5[%dma_wait3A_869, %multiple_of3A_745] : memref<64x1000000xf32, #tpu.memory_space<hbm>> -> memref<64x128xf32, #tpu.memory_space<hbm>>
      %dma_wait3A_871 = arith.constant 0 : i32
      %dma_wait3A_872 = arith.constant 0 : i32
      %dma_wait3A_873 = tpu.memref_slice %arg11[%dma_wait3A_864, %dma_wait3A_871, %dma_wait3A_872] : memref<8x64x128xf32, #tpu.memory_space<vmem>> -> memref<1x64x128xf32, #tpu.memory_space<vmem>>
      %dma_wait3A_874 = tpu.memref_squeeze %dma_wait3A_873 : memref<1x64x128xf32, #tpu.memory_space<vmem>> -> memref<64x128xf32, #tpu.memory_space<vmem>>
      %dma_wait3A_875 = arith.constant 0 : i32
      %dma_wait3A_876 = tpu.memref_slice %arg5[%dma_wait3A_875, %multiple_of3A_745] : memref<64x1000000xf32, #tpu.memory_space<hbm>> -> memref<64x128xf32, #tpu.memory_space<hbm>>
      tpu.wait_dma2 semaphore(%arg15 : memref<!tpu.dma_semaphore, #tpu.memory_space<semaphore_mem>>) src(%dma_wait3A_876 : memref<64x128xf32, #tpu.memory_space<hbm>>) dst(%dma_wait3A_874 : memref<64x128xf32, #tpu.memory_space<vmem>>)
      %dma_wait3A_877 = arith.constant 6 : i32
      %dma_wait3A_878 = arith.constant 0 : i32
      %dma_wait3A_879 = arith.constant 0 : i32
      %dma_wait3A_880 = tpu.memref_slice %arg11[%dma_wait3A_877, %dma_wait3A_878, %dma_wait3A_879] : memref<8x64x128xf32, #tpu.memory_space<vmem>> -> memref<1x64x128xf32, #tpu.memory_space<vmem>>
      %dma_wait3A_881 = tpu.memref_squeeze %dma_wait3A_880 : memref<1x64x128xf32, #tpu.memory_space<vmem>> -> memref<64x128xf32, #tpu.memory_space<vmem>>
      %dma_wait3A_882 = arith.constant 0 : i32
      %dma_wait3A_883 = tpu.memref_slice %arg5[%dma_wait3A_882, %multiple_of3A_765] : memref<64x1000000xf32, #tpu.memory_space<hbm>> -> memref<64x128xf32, #tpu.memory_space<hbm>>
      %dma_wait3A_884 = arith.constant 0 : i32
      %dma_wait3A_885 = arith.constant 0 : i32
      %dma_wait3A_886 = tpu.memref_slice %arg11[%dma_wait3A_877, %dma_wait3A_884, %dma_wait3A_885] : memref<8x64x128xf32, #tpu.memory_space<vmem>> -> memref<1x64x128xf32, #tpu.memory_space<vmem>>
      %dma_wait3A_887 = tpu.memref_squeeze %dma_wait3A_886 : memref<1x64x128xf32, #tpu.memory_space<vmem>> -> memref<64x128xf32, #tpu.memory_space<vmem>>
      %dma_wait3A_888 = arith.constant 0 : i32
      %dma_wait3A_889 = tpu.memref_slice %arg5[%dma_wait3A_888, %multiple_of3A_765] : memref<64x1000000xf32, #tpu.memory_space<hbm>> -> memref<64x128xf32, #tpu.memory_space<hbm>>
      tpu.wait_dma2 semaphore(%arg15 : memref<!tpu.dma_semaphore, #tpu.memory_space<semaphore_mem>>) src(%dma_wait3A_889 : memref<64x128xf32, #tpu.memory_space<hbm>>) dst(%dma_wait3A_887 : memref<64x128xf32, #tpu.memory_space<vmem>>)
      %dma_wait3A_890 = arith.constant 7 : i32
      %dma_wait3A_891 = arith.constant 0 : i32
      %dma_wait3A_892 = arith.constant 0 : i32
      %dma_wait3A_893 = tpu.memref_slice %arg11[%dma_wait3A_890, %dma_wait3A_891, %dma_wait3A_892] : memref<8x64x128xf32, #tpu.memory_space<vmem>> -> memref<1x64x128xf32, #tpu.memory_space<vmem>>
      %dma_wait3A_894 = tpu.memref_squeeze %dma_wait3A_893 : memref<1x64x128xf32, #tpu.memory_space<vmem>> -> memref<64x128xf32, #tpu.memory_space<vmem>>
      %dma_wait3A_895 = arith.constant 0 : i32
      %dma_wait3A_896 = tpu.memref_slice %arg5[%dma_wait3A_895, %multiple_of3A_785] : memref<64x1000000xf32, #tpu.memory_space<hbm>> -> memref<64x128xf32, #tpu.memory_space<hbm>>
      %dma_wait3A_897 = arith.constant 0 : i32
      %dma_wait3A_898 = arith.constant 0 : i32
      %dma_wait3A_899 = tpu.memref_slice %arg11[%dma_wait3A_890, %dma_wait3A_897, %dma_wait3A_898] : memref<8x64x128xf32, #tpu.memory_space<vmem>> -> memref<1x64x128xf32, #tpu.memory_space<vmem>>
      %dma_wait3A_900 = tpu.memref_squeeze %dma_wait3A_899 : memref<1x64x128xf32, #tpu.memory_space<vmem>> -> memref<64x128xf32, #tpu.memory_space<vmem>>
      %dma_wait3A_901 = arith.constant 0 : i32
      %dma_wait3A_902 = tpu.memref_slice %arg5[%dma_wait3A_901, %multiple_of3A_785] : memref<64x1000000xf32, #tpu.memory_space<hbm>> -> memref<64x128xf32, #tpu.memory_space<hbm>>
      tpu.wait_dma2 semaphore(%arg15 : memref<!tpu.dma_semaphore, #tpu.memory_space<semaphore_mem>>) src(%dma_wait3A_902 : memref<64x128xf32, #tpu.memory_space<hbm>>) dst(%dma_wait3A_900 : memref<64x128xf32, #tpu.memory_space<vmem>>)
      %mul3A_903 = arith.constant 16 : i32
      %mul3A_904 = arith.muli %scan3A_43, %mul3A_903 : i32
      %add3A_905 = arith.constant 8 : i32
      %add3A_906 = arith.addi %mul3A_904, %add3A_905 : i32
      %add3A_907 = arith.constant 0 : i32
      %add3A_908 = arith.addi %add3A_906, %add3A_907 : i32
      %slice3A_909 = vector.extract_strided_slice %get3A_47 {offsets = [8], sizes = [1], strides = [1]} : vector<16xi32> to vector<1xi32>
      %squeeze3A_910 = vector.extract %slice3A_909[0] : i32 from vector<1xi32>
      %broadcast_in_dim3A_911 = arith.constant 1 : i32
      %broadcast_in_dim3A_912 = vector.broadcast %broadcast_in_dim3A_911 : i32 to vector<16xi32>
      %and3A_913 = arith.constant 127 : i32
      %and3A_914 = arith.andi %squeeze3A_910, %and3A_913 : i32
      %mul3A_915 = vector.broadcast %and3A_914 : i32 to vector<16xi32>
      %mul3A_916 = arith.muli %broadcast_in_dim3A_912, %mul3A_915 : vector<16xi32>
      %broadcast_in_dim3A_917 = arith.constant 1 : i32
      %broadcast_in_dim3A_918 = vector.broadcast %broadcast_in_dim3A_917 : i32 to vector<16xi32>
      %mul3A_919 = vector.broadcast %add3A_908 : i32 to vector<16xi32>
      %mul3A_920 = arith.muli %broadcast_in_dim3A_918, %mul3A_919 : vector<16xi32>
      %gather3A_921 = arith.constant 0 : i32
      %gather3A_922 = arith.constant 0 : i32
      %gather3A_923 = arith.constant 0 : i32
      %gather3A_924 = tpu.memref_slice %arg11[%gather3A_921, %gather3A_922, %gather3A_923] : memref<8x64x128xf32, #tpu.memory_space<vmem>> -> memref<1x64x128xf32, #tpu.memory_space<vmem>>
      %gather3A_925 = tpu.memref_squeeze %gather3A_924 : memref<1x64x128xf32, #tpu.memory_space<vmem>> -> memref<64x128xf32, #tpu.memory_space<vmem>>
      %gather3A_926 = tpu.vector_load_idx %gather3A_925[%add3A_3, %mul3A_916] : memref<64x128xf32, #tpu.memory_space<vmem>>[vector<16xi32>, vector<16xi32>], vector<16xf32>,
      tpu.vector_store_idx %arg13[%add3A_3, %mul3A_920], %gather3A_926 : memref<64x128xf32, #tpu.memory_space<vmem>>[vector<16xi32>, vector<16xi32>], vector<16xf32>,
      %gather3A_927 = arith.constant 0 : i32
      %gather3A_928 = arith.constant 0 : i32
      %gather3A_929 = arith.constant 0 : i32
      %gather3A_930 = tpu.memref_slice %arg11[%gather3A_927, %gather3A_928, %gather3A_929] : memref<8x64x128xf32, #tpu.memory_space<vmem>> -> memref<1x64x128xf32, #tpu.memory_space<vmem>>
      %gather3A_931 = tpu.memref_squeeze %gather3A_930 : memref<1x64x128xf32, #tpu.memory_space<vmem>> -> memref<64x128xf32, #tpu.memory_space<vmem>>
      %gather3A_932 = tpu.vector_load_idx %gather3A_931[%add3A_7, %mul3A_916] : memref<64x128xf32, #tpu.memory_space<vmem>>[vector<16xi32>, vector<16xi32>], vector<16xf32>,
      tpu.vector_store_idx %arg13[%add3A_7, %mul3A_920], %gather3A_932 : memref<64x128xf32, #tpu.memory_space<vmem>>[vector<16xi32>, vector<16xi32>], vector<16xf32>,
      %gather3A_933 = arith.constant 0 : i32
      %gather3A_934 = arith.constant 0 : i32
      %gather3A_935 = arith.constant 0 : i32
      %gather3A_936 = tpu.memref_slice %arg11[%gather3A_933, %gather3A_934, %gather3A_935] : memref<8x64x128xf32, #tpu.memory_space<vmem>> -> memref<1x64x128xf32, #tpu.memory_space<vmem>>
      %gather3A_937 = tpu.memref_squeeze %gather3A_936 : memref<1x64x128xf32, #tpu.memory_space<vmem>> -> memref<64x128xf32, #tpu.memory_space<vmem>>
      %gather3A_938 = tpu.vector_load_idx %gather3A_937[%add3A_11, %mul3A_916] : memref<64x128xf32, #tpu.memory_space<vmem>>[vector<16xi32>, vector<16xi32>], vector<16xf32>,
      tpu.vector_store_idx %arg13[%add3A_11, %mul3A_920], %gather3A_938 : memref<64x128xf32, #tpu.memory_space<vmem>>[vector<16xi32>, vector<16xi32>], vector<16xf32>,
      %gather3A_939 = arith.constant 0 : i32
      %gather3A_940 = arith.constant 0 : i32
      %gather3A_941 = arith.constant 0 : i32
      %gather3A_942 = tpu.memref_slice %arg11[%gather3A_939, %gather3A_940, %gather3A_941] : memref<8x64x128xf32, #tpu.memory_space<vmem>> -> memref<1x64x128xf32, #tpu.memory_space<vmem>>
      %gather3A_943 = tpu.memref_squeeze %gather3A_942 : memref<1x64x128xf32, #tpu.memory_space<vmem>> -> memref<64x128xf32, #tpu.memory_space<vmem>>
      %gather3A_944 = tpu.vector_load_idx %gather3A_943[%add3A_15, %mul3A_916] : memref<64x128xf32, #tpu.memory_space<vmem>>[vector<16xi32>, vector<16xi32>], vector<16xf32>,
      tpu.vector_store_idx %arg13[%add3A_15, %mul3A_920], %gather3A_944 : memref<64x128xf32, #tpu.memory_space<vmem>>[vector<16xi32>, vector<16xi32>], vector<16xf32>,
      %mul3A_945 = arith.constant 16 : i32
      %mul3A_946 = arith.muli %scan3A_43, %mul3A_945 : i32
      %add3A_947 = arith.constant 8 : i32
      %add3A_948 = arith.addi %mul3A_946, %add3A_947 : i32
      %add3A_949 = arith.constant 1 : i32
      %add3A_950 = arith.addi %add3A_948, %add3A_949 : i32
      %slice3A_951 = vector.extract_strided_slice %get3A_47 {offsets = [9], sizes = [1], strides = [1]} : vector<16xi32> to vector<1xi32>
      %squeeze3A_952 = vector.extract %slice3A_951[0] : i32 from vector<1xi32>
      %broadcast_in_dim3A_953 = arith.constant 1 : i32
      %broadcast_in_dim3A_954 = vector.broadcast %broadcast_in_dim3A_953 : i32 to vector<16xi32>
      %and3A_955 = arith.constant 127 : i32
      %and3A_956 = arith.andi %squeeze3A_952, %and3A_955 : i32
      %mul3A_957 = vector.broadcast %and3A_956 : i32 to vector<16xi32>
      %mul3A_958 = arith.muli %broadcast_in_dim3A_954, %mul3A_957 : vector<16xi32>
      %broadcast_in_dim3A_959 = arith.constant 1 : i32
      %broadcast_in_dim3A_960 = vector.broadcast %broadcast_in_dim3A_959 : i32 to vector<16xi32>
      %mul3A_961 = vector.broadcast %add3A_950 : i32 to vector<16xi32>
      %mul3A_962 = arith.muli %broadcast_in_dim3A_960, %mul3A_961 : vector<16xi32>
      %gather3A_963 = arith.constant 1 : i32
      %gather3A_964 = arith.constant 0 : i32
      %gather3A_965 = arith.constant 0 : i32
      %gather3A_966 = tpu.memref_slice %arg11[%gather3A_963, %gather3A_964, %gather3A_965] : memref<8x64x128xf32, #tpu.memory_space<vmem>> -> memref<1x64x128xf32, #tpu.memory_space<vmem>>
      %gather3A_967 = tpu.memref_squeeze %gather3A_966 : memref<1x64x128xf32, #tpu.memory_space<vmem>> -> memref<64x128xf32, #tpu.memory_space<vmem>>
      %gather3A_968 = tpu.vector_load_idx %gather3A_967[%add3A_3, %mul3A_958] : memref<64x128xf32, #tpu.memory_space<vmem>>[vector<16xi32>, vector<16xi32>], vector<16xf32>,
      tpu.vector_store_idx %arg13[%add3A_3, %mul3A_962], %gather3A_968 : memref<64x128xf32, #tpu.memory_space<vmem>>[vector<16xi32>, vector<16xi32>], vector<16xf32>,
      %gather3A_969 = arith.constant 1 : i32
      %gather3A_970 = arith.constant 0 : i32
      %gather3A_971 = arith.constant 0 : i32
      %gather3A_972 = tpu.memref_slice %arg11[%gather3A_969, %gather3A_970, %gather3A_971] : memref<8x64x128xf32, #tpu.memory_space<vmem>> -> memref<1x64x128xf32, #tpu.memory_space<vmem>>
      %gather3A_973 = tpu.memref_squeeze %gather3A_972 : memref<1x64x128xf32, #tpu.memory_space<vmem>> -> memref<64x128xf32, #tpu.memory_space<vmem>>
      %gather3A_974 = tpu.vector_load_idx %gather3A_973[%add3A_7, %mul3A_958] : memref<64x128xf32, #tpu.memory_space<vmem>>[vector<16xi32>, vector<16xi32>], vector<16xf32>,
      tpu.vector_store_idx %arg13[%add3A_7, %mul3A_962], %gather3A_974 : memref<64x128xf32, #tpu.memory_space<vmem>>[vector<16xi32>, vector<16xi32>], vector<16xf32>,
      %gather3A_975 = arith.constant 1 : i32
      %gather3A_976 = arith.constant 0 : i32
      %gather3A_977 = arith.constant 0 : i32
      %gather3A_978 = tpu.memref_slice %arg11[%gather3A_975, %gather3A_976, %gather3A_977] : memref<8x64x128xf32, #tpu.memory_space<vmem>> -> memref<1x64x128xf32, #tpu.memory_space<vmem>>
      %gather3A_979 = tpu.memref_squeeze %gather3A_978 : memref<1x64x128xf32, #tpu.memory_space<vmem>> -> memref<64x128xf32, #tpu.memory_space<vmem>>
      %gather3A_980 = tpu.vector_load_idx %gather3A_979[%add3A_11, %mul3A_958] : memref<64x128xf32, #tpu.memory_space<vmem>>[vector<16xi32>, vector<16xi32>], vector<16xf32>,
      tpu.vector_store_idx %arg13[%add3A_11, %mul3A_962], %gather3A_980 : memref<64x128xf32, #tpu.memory_space<vmem>>[vector<16xi32>, vector<16xi32>], vector<16xf32>,
      %gather3A_981 = arith.constant 1 : i32
      %gather3A_982 = arith.constant 0 : i32
      %gather3A_983 = arith.constant 0 : i32
      %gather3A_984 = tpu.memref_slice %arg11[%gather3A_981, %gather3A_982, %gather3A_983] : memref<8x64x128xf32, #tpu.memory_space<vmem>> -> memref<1x64x128xf32, #tpu.memory_space<vmem>>
      %gather3A_985 = tpu.memref_squeeze %gather3A_984 : memref<1x64x128xf32, #tpu.memory_space<vmem>> -> memref<64x128xf32, #tpu.memory_space<vmem>>
      %gather3A_986 = tpu.vector_load_idx %gather3A_985[%add3A_15, %mul3A_958] : memref<64x128xf32, #tpu.memory_space<vmem>>[vector<16xi32>, vector<16xi32>], vector<16xf32>,
      tpu.vector_store_idx %arg13[%add3A_15, %mul3A_962], %gather3A_986 : memref<64x128xf32, #tpu.memory_space<vmem>>[vector<16xi32>, vector<16xi32>], vector<16xf32>,
      %mul3A_987 = arith.constant 16 : i32
      %mul3A_988 = arith.muli %scan3A_43, %mul3A_987 : i32
      %add3A_989 = arith.constant 8 : i32
      %add3A_990 = arith.addi %mul3A_988, %add3A_989 : i32
      %add3A_991 = arith.constant 2 : i32
      %add3A_992 = arith.addi %add3A_990, %add3A_991 : i32
      %slice3A_993 = vector.extract_strided_slice %get3A_47 {offsets = [10], sizes = [1], strides = [1]} : vector<16xi32> to vector<1xi32>
      %squeeze3A_994 = vector.extract %slice3A_993[0] : i32 from vector<1xi32>
      %broadcast_in_dim3A_995 = arith.constant 1 : i32
      %broadcast_in_dim3A_996 = vector.broadcast %broadcast_in_dim3A_995 : i32 to vector<16xi32>
      %and3A_997 = arith.constant 127 : i32
      %and3A_998 = arith.andi %squeeze3A_994, %and3A_997 : i32
      %mul3A_999 = vector.broadcast %and3A_998 : i32 to vector<16xi32>
      %mul3A_1000 = arith.muli %broadcast_in_dim3A_996, %mul3A_999 : vector<16xi32>
      %broadcast_in_dim3A_1001 = arith.constant 1 : i32
      %broadcast_in_dim3A_1002 = vector.broadcast %broadcast_in_dim3A_1001 : i32 to vector<16xi32>
      %mul3A_1003 = vector.broadcast %add3A_992 : i32 to vector<16xi32>
      %mul3A_1004 = arith.muli %broadcast_in_dim3A_1002, %mul3A_1003 : vector<16xi32>
      %gather3A_1005 = arith.constant 2 : i32
      %gather3A_1006 = arith.constant 0 : i32
      %gather3A_1007 = arith.constant 0 : i32
      %gather3A_1008 = tpu.memref_slice %arg11[%gather3A_1005, %gather3A_1006, %gather3A_1007] : memref<8x64x128xf32, #tpu.memory_space<vmem>> -> memref<1x64x128xf32, #tpu.memory_space<vmem>>
      %gather3A_1009 = tpu.memref_squeeze %gather3A_1008 : memref<1x64x128xf32, #tpu.memory_space<vmem>> -> memref<64x128xf32, #tpu.memory_space<vmem>>
      %gather3A_1010 = tpu.vector_load_idx %gather3A_1009[%add3A_3, %mul3A_1000] : memref<64x128xf32, #tpu.memory_space<vmem>>[vector<16xi32>, vector<16xi32>], vector<16xf32>,
      tpu.vector_store_idx %arg13[%add3A_3, %mul3A_1004], %gather3A_1010 : memref<64x128xf32, #tpu.memory_space<vmem>>[vector<16xi32>, vector<16xi32>], vector<16xf32>,
      %gather3A_1011 = arith.constant 2 : i32
      %gather3A_1012 = arith.constant 0 : i32
      %gather3A_1013 = arith.constant 0 : i32
      %gather3A_1014 = tpu.memref_slice %arg11[%gather3A_1011, %gather3A_1012, %gather3A_1013] : memref<8x64x128xf32, #tpu.memory_space<vmem>> -> memref<1x64x128xf32, #tpu.memory_space<vmem>>
      %gather3A_1015 = tpu.memref_squeeze %gather3A_1014 : memref<1x64x128xf32, #tpu.memory_space<vmem>> -> memref<64x128xf32, #tpu.memory_space<vmem>>
      %gather3A_1016 = tpu.vector_load_idx %gather3A_1015[%add3A_7, %mul3A_1000] : memref<64x128xf32, #tpu.memory_space<vmem>>[vector<16xi32>, vector<16xi32>], vector<16xf32>,
      tpu.vector_store_idx %arg13[%add3A_7, %mul3A_1004], %gather3A_1016 : memref<64x128xf32, #tpu.memory_space<vmem>>[vector<16xi32>, vector<16xi32>], vector<16xf32>,
      %gather3A_1017 = arith.constant 2 : i32
      %gather3A_1018 = arith.constant 0 : i32
      %gather3A_1019 = arith.constant 0 : i32
      %gather3A_1020 = tpu.memref_slice %arg11[%gather3A_1017, %gather3A_1018, %gather3A_1019] : memref<8x64x128xf32, #tpu.memory_space<vmem>> -> memref<1x64x128xf32, #tpu.memory_space<vmem>>
      %gather3A_1021 = tpu.memref_squeeze %gather3A_1020 : memref<1x64x128xf32, #tpu.memory_space<vmem>> -> memref<64x128xf32, #tpu.memory_space<vmem>>
      %gather3A_1022 = tpu.vector_load_idx %gather3A_1021[%add3A_11, %mul3A_1000] : memref<64x128xf32, #tpu.memory_space<vmem>>[vector<16xi32>, vector<16xi32>], vector<16xf32>,
      tpu.vector_store_idx %arg13[%add3A_11, %mul3A_1004], %gather3A_1022 : memref<64x128xf32, #tpu.memory_space<vmem>>[vector<16xi32>, vector<16xi32>], vector<16xf32>,
      %gather3A_1023 = arith.constant 2 : i32
      %gather3A_1024 = arith.constant 0 : i32
      %gather3A_1025 = arith.constant 0 : i32
      %gather3A_1026 = tpu.memref_slice %arg11[%gather3A_1023, %gather3A_1024, %gather3A_1025] : memref<8x64x128xf32, #tpu.memory_space<vmem>> -> memref<1x64x128xf32, #tpu.memory_space<vmem>>
      %gather3A_1027 = tpu.memref_squeeze %gather3A_1026 : memref<1x64x128xf32, #tpu.memory_space<vmem>> -> memref<64x128xf32, #tpu.memory_space<vmem>>
      %gather3A_1028 = tpu.vector_load_idx %gather3A_1027[%add3A_15, %mul3A_1000] : memref<64x128xf32, #tpu.memory_space<vmem>>[vector<16xi32>, vector<16xi32>], vector<16xf32>,
      tpu.vector_store_idx %arg13[%add3A_15, %mul3A_1004], %gather3A_1028 : memref<64x128xf32, #tpu.memory_space<vmem>>[vector<16xi32>, vector<16xi32>], vector<16xf32>,
      %mul3A_1029 = arith.constant 16 : i32
      %mul3A_1030 = arith.muli %scan3A_43, %mul3A_1029 : i32
      %add3A_1031 = arith.constant 8 : i32
      %add3A_1032 = arith.addi %mul3A_1030, %add3A_1031 : i32
      %add3A_1033 = arith.constant 3 : i32
      %add3A_1034 = arith.addi %add3A_1032, %add3A_1033 : i32
      %slice3A_1035 = vector.extract_strided_slice %get3A_47 {offsets = [11], sizes = [1], strides = [1]} : vector<16xi32> to vector<1xi32>
      %squeeze3A_1036 = vector.extract %slice3A_1035[0] : i32 from vector<1xi32>
      %broadcast_in_dim3A_1037 = arith.constant 1 : i32
      %broadcast_in_dim3A_1038 = vector.broadcast %broadcast_in_dim3A_1037 : i32 to vector<16xi32>
      %and3A_1039 = arith.constant 127 : i32
      %and3A_1040 = arith.andi %squeeze3A_1036, %and3A_1039 : i32
      %mul3A_1041 = vector.broadcast %and3A_1040 : i32 to vector<16xi32>
      %mul3A_1042 = arith.muli %broadcast_in_dim3A_1038, %mul3A_1041 : vector<16xi32>
      %broadcast_in_dim3A_1043 = arith.constant 1 : i32
      %broadcast_in_dim3A_1044 = vector.broadcast %broadcast_in_dim3A_1043 : i32 to vector<16xi32>
      %mul3A_1045 = vector.broadcast %add3A_1034 : i32 to vector<16xi32>
      %mul3A_1046 = arith.muli %broadcast_in_dim3A_1044, %mul3A_1045 : vector<16xi32>
      %gather3A_1047 = arith.constant 3 : i32
      %gather3A_1048 = arith.constant 0 : i32
      %gather3A_1049 = arith.constant 0 : i32
      %gather3A_1050 = tpu.memref_slice %arg11[%gather3A_1047, %gather3A_1048, %gather3A_1049] : memref<8x64x128xf32, #tpu.memory_space<vmem>> -> memref<1x64x128xf32, #tpu.memory_space<vmem>>
      %gather3A_1051 = tpu.memref_squeeze %gather3A_1050 : memref<1x64x128xf32, #tpu.memory_space<vmem>> -> memref<64x128xf32, #tpu.memory_space<vmem>>
      %gather3A_1052 = tpu.vector_load_idx %gather3A_1051[%add3A_3, %mul3A_1042] : memref<64x128xf32, #tpu.memory_space<vmem>>[vector<16xi32>, vector<16xi32>], vector<16xf32>,
      tpu.vector_store_idx %arg13[%add3A_3, %mul3A_1046], %gather3A_1052 : memref<64x128xf32, #tpu.memory_space<vmem>>[vector<16xi32>, vector<16xi32>], vector<16xf32>,
      %gather3A_1053 = arith.constant 3 : i32
      %gather3A_1054 = arith.constant 0 : i32
      %gather3A_1055 = arith.constant 0 : i32
      %gather3A_1056 = tpu.memref_slice %arg11[%gather3A_1053, %gather3A_1054, %gather3A_1055] : memref<8x64x128xf32, #tpu.memory_space<vmem>> -> memref<1x64x128xf32, #tpu.memory_space<vmem>>
      %gather3A_1057 = tpu.memref_squeeze %gather3A_1056 : memref<1x64x128xf32, #tpu.memory_space<vmem>> -> memref<64x128xf32, #tpu.memory_space<vmem>>
      %gather3A_1058 = tpu.vector_load_idx %gather3A_1057[%add3A_7, %mul3A_1042] : memref<64x128xf32, #tpu.memory_space<vmem>>[vector<16xi32>, vector<16xi32>], vector<16xf32>,
      tpu.vector_store_idx %arg13[%add3A_7, %mul3A_1046], %gather3A_1058 : memref<64x128xf32, #tpu.memory_space<vmem>>[vector<16xi32>, vector<16xi32>], vector<16xf32>,
      %gather3A_1059 = arith.constant 3 : i32
      %gather3A_1060 = arith.constant 0 : i32
      %gather3A_1061 = arith.constant 0 : i32
      %gather3A_1062 = tpu.memref_slice %arg11[%gather3A_1059, %gather3A_1060, %gather3A_1061] : memref<8x64x128xf32, #tpu.memory_space<vmem>> -> memref<1x64x128xf32, #tpu.memory_space<vmem>>
      %gather3A_1063 = tpu.memref_squeeze %gather3A_1062 : memref<1x64x128xf32, #tpu.memory_space<vmem>> -> memref<64x128xf32, #tpu.memory_space<vmem>>
      %gather3A_1064 = tpu.vector_load_idx %gather3A_1063[%add3A_11, %mul3A_1042] : memref<64x128xf32, #tpu.memory_space<vmem>>[vector<16xi32>, vector<16xi32>], vector<16xf32>,
      tpu.vector_store_idx %arg13[%add3A_11, %mul3A_1046], %gather3A_1064 : memref<64x128xf32, #tpu.memory_space<vmem>>[vector<16xi32>, vector<16xi32>], vector<16xf32>,
      %gather3A_1065 = arith.constant 3 : i32
      %gather3A_1066 = arith.constant 0 : i32
      %gather3A_1067 = arith.constant 0 : i32
      %gather3A_1068 = tpu.memref_slice %arg11[%gather3A_1065, %gather3A_1066, %gather3A_1067] : memref<8x64x128xf32, #tpu.memory_space<vmem>> -> memref<1x64x128xf32, #tpu.memory_space<vmem>>
      %gather3A_1069 = tpu.memref_squeeze %gather3A_1068 : memref<1x64x128xf32, #tpu.memory_space<vmem>> -> memref<64x128xf32, #tpu.memory_space<vmem>>
      %gather3A_1070 = tpu.vector_load_idx %gather3A_1069[%add3A_15, %mul3A_1042] : memref<64x128xf32, #tpu.memory_space<vmem>>[vector<16xi32>, vector<16xi32>], vector<16xf32>,
      tpu.vector_store_idx %arg13[%add3A_15, %mul3A_1046], %gather3A_1070 : memref<64x128xf32, #tpu.memory_space<vmem>>[vector<16xi32>, vector<16xi32>], vector<16xf32>,
      %mul3A_1071 = arith.constant 16 : i32
      %mul3A_1072 = arith.muli %scan3A_43, %mul3A_1071 : i32
      %add3A_1073 = arith.constant 8 : i32
      %add3A_1074 = arith.addi %mul3A_1072, %add3A_1073 : i32
      %add3A_1075 = arith.constant 4 : i32
      %add3A_1076 = arith.addi %add3A_1074, %add3A_1075 : i32
      %slice3A_1077 = vector.extract_strided_slice %get3A_47 {offsets = [12], sizes = [1], strides = [1]} : vector<16xi32> to vector<1xi32>
      %squeeze3A_1078 = vector.extract %slice3A_1077[0] : i32 from vector<1xi32>
      %broadcast_in_dim3A_1079 = arith.constant 1 : i32
      %broadcast_in_dim3A_1080 = vector.broadcast %broadcast_in_dim3A_1079 : i32 to vector<16xi32>
      %and3A_1081 = arith.constant 127 : i32
      %and3A_1082 = arith.andi %squeeze3A_1078, %and3A_1081 : i32
      %mul3A_1083 = vector.broadcast %and3A_1082 : i32 to vector<16xi32>
      %mul3A_1084 = arith.muli %broadcast_in_dim3A_1080, %mul3A_1083 : vector<16xi32>
      %broadcast_in_dim3A_1085 = arith.constant 1 : i32
      %broadcast_in_dim3A_1086 = vector.broadcast %broadcast_in_dim3A_1085 : i32 to vector<16xi32>
      %mul3A_1087 = vector.broadcast %add3A_1076 : i32 to vector<16xi32>
      %mul3A_1088 = arith.muli %broadcast_in_dim3A_1086, %mul3A_1087 : vector<16xi32>
      %gather3A_1089 = arith.constant 4 : i32
      %gather3A_1090 = arith.constant 0 : i32
      %gather3A_1091 = arith.constant 0 : i32
      %gather3A_1092 = tpu.memref_slice %arg11[%gather3A_1089, %gather3A_1090, %gather3A_1091] : memref<8x64x128xf32, #tpu.memory_space<vmem>> -> memref<1x64x128xf32, #tpu.memory_space<vmem>>
      %gather3A_1093 = tpu.memref_squeeze %gather3A_1092 : memref<1x64x128xf32, #tpu.memory_space<vmem>> -> memref<64x128xf32, #tpu.memory_space<vmem>>
      %gather3A_1094 = tpu.vector_load_idx %gather3A_1093[%add3A_3, %mul3A_1084] : memref<64x128xf32, #tpu.memory_space<vmem>>[vector<16xi32>, vector<16xi32>], vector<16xf32>,
      tpu.vector_store_idx %arg13[%add3A_3, %mul3A_1088], %gather3A_1094 : memref<64x128xf32, #tpu.memory_space<vmem>>[vector<16xi32>, vector<16xi32>], vector<16xf32>,
      %gather3A_1095 = arith.constant 4 : i32
      %gather3A_1096 = arith.constant 0 : i32
      %gather3A_1097 = arith.constant 0 : i32
      %gather3A_1098 = tpu.memref_slice %arg11[%gather3A_1095, %gather3A_1096, %gather3A_1097] : memref<8x64x128xf32, #tpu.memory_space<vmem>> -> memref<1x64x128xf32, #tpu.memory_space<vmem>>
      %gather3A_1099 = tpu.memref_squeeze %gather3A_1098 : memref<1x64x128xf32, #tpu.memory_space<vmem>> -> memref<64x128xf32, #tpu.memory_space<vmem>>
      %gather3A_1100 = tpu.vector_load_idx %gather3A_1099[%add3A_7, %mul3A_1084] : memref<64x128xf32, #tpu.memory_space<vmem>>[vector<16xi32>, vector<16xi32>], vector<16xf32>,
      tpu.vector_store_idx %arg13[%add3A_7, %mul3A_1088], %gather3A_1100 : memref<64x128xf32, #tpu.memory_space<vmem>>[vector<16xi32>, vector<16xi32>], vector<16xf32>,
      %gather3A_1101 = arith.constant 4 : i32
      %gather3A_1102 = arith.constant 0 : i32
      %gather3A_1103 = arith.constant 0 : i32
      %gather3A_1104 = tpu.memref_slice %arg11[%gather3A_1101, %gather3A_1102, %gather3A_1103] : memref<8x64x128xf32, #tpu.memory_space<vmem>> -> memref<1x64x128xf32, #tpu.memory_space<vmem>>
      %gather3A_1105 = tpu.memref_squeeze %gather3A_1104 : memref<1x64x128xf32, #tpu.memory_space<vmem>> -> memref<64x128xf32, #tpu.memory_space<vmem>>
      %gather3A_1106 = tpu.vector_load_idx %gather3A_1105[%add3A_11, %mul3A_1084] : memref<64x128xf32, #tpu.memory_space<vmem>>[vector<16xi32>, vector<16xi32>], vector<16xf32>,
      tpu.vector_store_idx %arg13[%add3A_11, %mul3A_1088], %gather3A_1106 : memref<64x128xf32, #tpu.memory_space<vmem>>[vector<16xi32>, vector<16xi32>], vector<16xf32>,
      %gather3A_1107 = arith.constant 4 : i32
      %gather3A_1108 = arith.constant 0 : i32
      %gather3A_1109 = arith.constant 0 : i32
      %gather3A_1110 = tpu.memref_slice %arg11[%gather3A_1107, %gather3A_1108, %gather3A_1109] : memref<8x64x128xf32, #tpu.memory_space<vmem>> -> memref<1x64x128xf32, #tpu.memory_space<vmem>>
      %gather3A_1111 = tpu.memref_squeeze %gather3A_1110 : memref<1x64x128xf32, #tpu.memory_space<vmem>> -> memref<64x128xf32, #tpu.memory_space<vmem>>
      %gather3A_1112 = tpu.vector_load_idx %gather3A_1111[%add3A_15, %mul3A_1084] : memref<64x128xf32, #tpu.memory_space<vmem>>[vector<16xi32>, vector<16xi32>], vector<16xf32>,
      tpu.vector_store_idx %arg13[%add3A_15, %mul3A_1088], %gather3A_1112 : memref<64x128xf32, #tpu.memory_space<vmem>>[vector<16xi32>, vector<16xi32>], vector<16xf32>,
      %mul3A_1113 = arith.constant 16 : i32
      %mul3A_1114 = arith.muli %scan3A_43, %mul3A_1113 : i32
      %add3A_1115 = arith.constant 8 : i32
      %add3A_1116 = arith.addi %mul3A_1114, %add3A_1115 : i32
      %add3A_1117 = arith.constant 5 : i32
      %add3A_1118 = arith.addi %add3A_1116, %add3A_1117 : i32
      %slice3A_1119 = vector.extract_strided_slice %get3A_47 {offsets = [13], sizes = [1], strides = [1]} : vector<16xi32> to vector<1xi32>
      %squeeze3A_1120 = vector.extract %slice3A_1119[0] : i32 from vector<1xi32>
      %broadcast_in_dim3A_1121 = arith.constant 1 : i32
      %broadcast_in_dim3A_1122 = vector.broadcast %broadcast_in_dim3A_1121 : i32 to vector<16xi32>
      %and3A_1123 = arith.constant 127 : i32
      %and3A_1124 = arith.andi %squeeze3A_1120, %and3A_1123 : i32
      %mul3A_1125 = vector.broadcast %and3A_1124 : i32 to vector<16xi32>
      %mul3A_1126 = arith.muli %broadcast_in_dim3A_1122, %mul3A_1125 : vector<16xi32>
      %broadcast_in_dim3A_1127 = arith.constant 1 : i32
      %broadcast_in_dim3A_1128 = vector.broadcast %broadcast_in_dim3A_1127 : i32 to vector<16xi32>
      %mul3A_1129 = vector.broadcast %add3A_1118 : i32 to vector<16xi32>
      %mul3A_1130 = arith.muli %broadcast_in_dim3A_1128, %mul3A_1129 : vector<16xi32>
      %gather3A_1131 = arith.constant 5 : i32
      %gather3A_1132 = arith.constant 0 : i32
      %gather3A_1133 = arith.constant 0 : i32
      %gather3A_1134 = tpu.memref_slice %arg11[%gather3A_1131, %gather3A_1132, %gather3A_1133] : memref<8x64x128xf32, #tpu.memory_space<vmem>> -> memref<1x64x128xf32, #tpu.memory_space<vmem>>
      %gather3A_1135 = tpu.memref_squeeze %gather3A_1134 : memref<1x64x128xf32, #tpu.memory_space<vmem>> -> memref<64x128xf32, #tpu.memory_space<vmem>>
      %gather3A_1136 = tpu.vector_load_idx %gather3A_1135[%add3A_3, %mul3A_1126] : memref<64x128xf32, #tpu.memory_space<vmem>>[vector<16xi32>, vector<16xi32>], vector<16xf32>,
      tpu.vector_store_idx %arg13[%add3A_3, %mul3A_1130], %gather3A_1136 : memref<64x128xf32, #tpu.memory_space<vmem>>[vector<16xi32>, vector<16xi32>], vector<16xf32>,
      %gather3A_1137 = arith.constant 5 : i32
      %gather3A_1138 = arith.constant 0 : i32
      %gather3A_1139 = arith.constant 0 : i32
      %gather3A_1140 = tpu.memref_slice %arg11[%gather3A_1137, %gather3A_1138, %gather3A_1139] : memref<8x64x128xf32, #tpu.memory_space<vmem>> -> memref<1x64x128xf32, #tpu.memory_space<vmem>>
      %gather3A_1141 = tpu.memref_squeeze %gather3A_1140 : memref<1x64x128xf32, #tpu.memory_space<vmem>> -> memref<64x128xf32, #tpu.memory_space<vmem>>
      %gather3A_1142 = tpu.vector_load_idx %gather3A_1141[%add3A_7, %mul3A_1126] : memref<64x128xf32, #tpu.memory_space<vmem>>[vector<16xi32>, vector<16xi32>], vector<16xf32>,
      tpu.vector_store_idx %arg13[%add3A_7, %mul3A_1130], %gather3A_1142 : memref<64x128xf32, #tpu.memory_space<vmem>>[vector<16xi32>, vector<16xi32>], vector<16xf32>,
      %gather3A_1143 = arith.constant 5 : i32
      %gather3A_1144 = arith.constant 0 : i32
      %gather3A_1145 = arith.constant 0 : i32
      %gather3A_1146 = tpu.memref_slice %arg11[%gather3A_1143, %gather3A_1144, %gather3A_1145] : memref<8x64x128xf32, #tpu.memory_space<vmem>> -> memref<1x64x128xf32, #tpu.memory_space<vmem>>
      %gather3A_1147 = tpu.memref_squeeze %gather3A_1146 : memref<1x64x128xf32, #tpu.memory_space<vmem>> -> memref<64x128xf32, #tpu.memory_space<vmem>>
      %gather3A_1148 = tpu.vector_load_idx %gather3A_1147[%add3A_11, %mul3A_1126] : memref<64x128xf32, #tpu.memory_space<vmem>>[vector<16xi32>, vector<16xi32>], vector<16xf32>,
      tpu.vector_store_idx %arg13[%add3A_11, %mul3A_1130], %gather3A_1148 : memref<64x128xf32, #tpu.memory_space<vmem>>[vector<16xi32>, vector<16xi32>], vector<16xf32>,
      %gather3A_1149 = arith.constant 5 : i32
      %gather3A_1150 = arith.constant 0 : i32
      %gather3A_1151 = arith.constant 0 : i32
      %gather3A_1152 = tpu.memref_slice %arg11[%gather3A_1149, %gather3A_1150, %gather3A_1151] : memref<8x64x128xf32, #tpu.memory_space<vmem>> -> memref<1x64x128xf32, #tpu.memory_space<vmem>>
      %gather3A_1153 = tpu.memref_squeeze %gather3A_1152 : memref<1x64x128xf32, #tpu.memory_space<vmem>> -> memref<64x128xf32, #tpu.memory_space<vmem>>
      %gather3A_1154 = tpu.vector_load_idx %gather3A_1153[%add3A_15, %mul3A_1126] : memref<64x128xf32, #tpu.memory_space<vmem>>[vector<16xi32>, vector<16xi32>], vector<16xf32>,
      tpu.vector_store_idx %arg13[%add3A_15, %mul3A_1130], %gather3A_1154 : memref<64x128xf32, #tpu.memory_space<vmem>>[vector<16xi32>, vector<16xi32>], vector<16xf32>,
      %mul3A_1155 = arith.constant 16 : i32
      %mul3A_1156 = arith.muli %scan3A_43, %mul3A_1155 : i32
      %add3A_1157 = arith.constant 8 : i32
      %add3A_1158 = arith.addi %mul3A_1156, %add3A_1157 : i32
      %add3A_1159 = arith.constant 6 : i32
      %add3A_1160 = arith.addi %add3A_1158, %add3A_1159 : i32
      %slice3A_1161 = vector.extract_strided_slice %get3A_47 {offsets = [14], sizes = [1], strides = [1]} : vector<16xi32> to vector<1xi32>
      %squeeze3A_1162 = vector.extract %slice3A_1161[0] : i32 from vector<1xi32>
      %broadcast_in_dim3A_1163 = arith.constant 1 : i32
      %broadcast_in_dim3A_1164 = vector.broadcast %broadcast_in_dim3A_1163 : i32 to vector<16xi32>
      %and3A_1165 = arith.constant 127 : i32
      %and3A_1166 = arith.andi %squeeze3A_1162, %and3A_1165 : i32
      %mul3A_1167 = vector.broadcast %and3A_1166 : i32 to vector<16xi32>
      %mul3A_1168 = arith.muli %broadcast_in_dim3A_1164, %mul3A_1167 : vector<16xi32>
      %broadcast_in_dim3A_1169 = arith.constant 1 : i32
      %broadcast_in_dim3A_1170 = vector.broadcast %broadcast_in_dim3A_1169 : i32 to vector<16xi32>
      %mul3A_1171 = vector.broadcast %add3A_1160 : i32 to vector<16xi32>
      %mul3A_1172 = arith.muli %broadcast_in_dim3A_1170, %mul3A_1171 : vector<16xi32>
      %gather3A_1173 = arith.constant 6 : i32
      %gather3A_1174 = arith.constant 0 : i32
      %gather3A_1175 = arith.constant 0 : i32
      %gather3A_1176 = tpu.memref_slice %arg11[%gather3A_1173, %gather3A_1174, %gather3A_1175] : memref<8x64x128xf32, #tpu.memory_space<vmem>> -> memref<1x64x128xf32, #tpu.memory_space<vmem>>
      %gather3A_1177 = tpu.memref_squeeze %gather3A_1176 : memref<1x64x128xf32, #tpu.memory_space<vmem>> -> memref<64x128xf32, #tpu.memory_space<vmem>>
      %gather3A_1178 = tpu.vector_load_idx %gather3A_1177[%add3A_3, %mul3A_1168] : memref<64x128xf32, #tpu.memory_space<vmem>>[vector<16xi32>, vector<16xi32>], vector<16xf32>,
      tpu.vector_store_idx %arg13[%add3A_3, %mul3A_1172], %gather3A_1178 : memref<64x128xf32, #tpu.memory_space<vmem>>[vector<16xi32>, vector<16xi32>], vector<16xf32>,
      %gather3A_1179 = arith.constant 6 : i32
      %gather3A_1180 = arith.constant 0 : i32
      %gather3A_1181 = arith.constant 0 : i32
      %gather3A_1182 = tpu.memref_slice %arg11[%gather3A_1179, %gather3A_1180, %gather3A_1181] : memref<8x64x128xf32, #tpu.memory_space<vmem>> -> memref<1x64x128xf32, #tpu.memory_space<vmem>>
      %gather3A_1183 = tpu.memref_squeeze %gather3A_1182 : memref<1x64x128xf32, #tpu.memory_space<vmem>> -> memref<64x128xf32, #tpu.memory_space<vmem>>
      %gather3A_1184 = tpu.vector_load_idx %gather3A_1183[%add3A_7, %mul3A_1168] : memref<64x128xf32, #tpu.memory_space<vmem>>[vector<16xi32>, vector<16xi32>], vector<16xf32>,
      tpu.vector_store_idx %arg13[%add3A_7, %mul3A_1172], %gather3A_1184 : memref<64x128xf32, #tpu.memory_space<vmem>>[vector<16xi32>, vector<16xi32>], vector<16xf32>,
      %gather3A_1185 = arith.constant 6 : i32
      %gather3A_1186 = arith.constant 0 : i32
      %gather3A_1187 = arith.constant 0 : i32
      %gather3A_1188 = tpu.memref_slice %arg11[%gather3A_1185, %gather3A_1186, %gather3A_1187] : memref<8x64x128xf32, #tpu.memory_space<vmem>> -> memref<1x64x128xf32, #tpu.memory_space<vmem>>
      %gather3A_1189 = tpu.memref_squeeze %gather3A_1188 : memref<1x64x128xf32, #tpu.memory_space<vmem>> -> memref<64x128xf32, #tpu.memory_space<vmem>>
      %gather3A_1190 = tpu.vector_load_idx %gather3A_1189[%add3A_11, %mul3A_1168] : memref<64x128xf32, #tpu.memory_space<vmem>>[vector<16xi32>, vector<16xi32>], vector<16xf32>,
      tpu.vector_store_idx %arg13[%add3A_11, %mul3A_1172], %gather3A_1190 : memref<64x128xf32, #tpu.memory_space<vmem>>[vector<16xi32>, vector<16xi32>], vector<16xf32>,
      %gather3A_1191 = arith.constant 6 : i32
      %gather3A_1192 = arith.constant 0 : i32
      %gather3A_1193 = arith.constant 0 : i32
      %gather3A_1194 = tpu.memref_slice %arg11[%gather3A_1191, %gather3A_1192, %gather3A_1193] : memref<8x64x128xf32, #tpu.memory_space<vmem>> -> memref<1x64x128xf32, #tpu.memory_space<vmem>>
      %gather3A_1195 = tpu.memref_squeeze %gather3A_1194 : memref<1x64x128xf32, #tpu.memory_space<vmem>> -> memref<64x128xf32, #tpu.memory_space<vmem>>
      %gather3A_1196 = tpu.vector_load_idx %gather3A_1195[%add3A_15, %mul3A_1168] : memref<64x128xf32, #tpu.memory_space<vmem>>[vector<16xi32>, vector<16xi32>], vector<16xf32>,
      tpu.vector_store_idx %arg13[%add3A_15, %mul3A_1172], %gather3A_1196 : memref<64x128xf32, #tpu.memory_space<vmem>>[vector<16xi32>, vector<16xi32>], vector<16xf32>,
      %mul3A_1197 = arith.constant 16 : i32
      %mul3A_1198 = arith.muli %scan3A_43, %mul3A_1197 : i32
      %add3A_1199 = arith.constant 8 : i32
      %add3A_1200 = arith.addi %mul3A_1198, %add3A_1199 : i32
      %add3A_1201 = arith.constant 7 : i32
      %add3A_1202 = arith.addi %add3A_1200, %add3A_1201 : i32
      %slice3A_1203 = vector.extract_strided_slice %get3A_47 {offsets = [15], sizes = [1], strides = [1]} : vector<16xi32> to vector<1xi32>
      %squeeze3A_1204 = vector.extract %slice3A_1203[0] : i32 from vector<1xi32>
      %broadcast_in_dim3A_1205 = arith.constant 1 : i32
      %broadcast_in_dim3A_1206 = vector.broadcast %broadcast_in_dim3A_1205 : i32 to vector<16xi32>
      %and3A_1207 = arith.constant 127 : i32
      %and3A_1208 = arith.andi %squeeze3A_1204, %and3A_1207 : i32
      %mul3A_1209 = vector.broadcast %and3A_1208 : i32 to vector<16xi32>
      %mul3A_1210 = arith.muli %broadcast_in_dim3A_1206, %mul3A_1209 : vector<16xi32>
      %broadcast_in_dim3A_1211 = arith.constant 1 : i32
      %broadcast_in_dim3A_1212 = vector.broadcast %broadcast_in_dim3A_1211 : i32 to vector<16xi32>
      %mul3A_1213 = vector.broadcast %add3A_1202 : i32 to vector<16xi32>
      %mul3A_1214 = arith.muli %broadcast_in_dim3A_1212, %mul3A_1213 : vector<16xi32>
      %gather3A_1215 = arith.constant 7 : i32
      %gather3A_1216 = arith.constant 0 : i32
      %gather3A_1217 = arith.constant 0 : i32
      %gather3A_1218 = tpu.memref_slice %arg11[%gather3A_1215, %gather3A_1216, %gather3A_1217] : memref<8x64x128xf32, #tpu.memory_space<vmem>> -> memref<1x64x128xf32, #tpu.memory_space<vmem>>
      %gather3A_1219 = tpu.memref_squeeze %gather3A_1218 : memref<1x64x128xf32, #tpu.memory_space<vmem>> -> memref<64x128xf32, #tpu.memory_space<vmem>>
      %gather3A_1220 = tpu.vector_load_idx %gather3A_1219[%add3A_3, %mul3A_1210] : memref<64x128xf32, #tpu.memory_space<vmem>>[vector<16xi32>, vector<16xi32>], vector<16xf32>,
      tpu.vector_store_idx %arg13[%add3A_3, %mul3A_1214], %gather3A_1220 : memref<64x128xf32, #tpu.memory_space<vmem>>[vector<16xi32>, vector<16xi32>], vector<16xf32>,
      %gather3A_1221 = arith.constant 7 : i32
      %gather3A_1222 = arith.constant 0 : i32
      %gather3A_1223 = arith.constant 0 : i32
      %gather3A_1224 = tpu.memref_slice %arg11[%gather3A_1221, %gather3A_1222, %gather3A_1223] : memref<8x64x128xf32, #tpu.memory_space<vmem>> -> memref<1x64x128xf32, #tpu.memory_space<vmem>>
      %gather3A_1225 = tpu.memref_squeeze %gather3A_1224 : memref<1x64x128xf32, #tpu.memory_space<vmem>> -> memref<64x128xf32, #tpu.memory_space<vmem>>
      %gather3A_1226 = tpu.vector_load_idx %gather3A_1225[%add3A_7, %mul3A_1210] : memref<64x128xf32, #tpu.memory_space<vmem>>[vector<16xi32>, vector<16xi32>], vector<16xf32>,
      tpu.vector_store_idx %arg13[%add3A_7, %mul3A_1214], %gather3A_1226 : memref<64x128xf32, #tpu.memory_space<vmem>>[vector<16xi32>, vector<16xi32>], vector<16xf32>,
      %gather3A_1227 = arith.constant 7 : i32
      %gather3A_1228 = arith.constant 0 : i32
      %gather3A_1229 = arith.constant 0 : i32
      %gather3A_1230 = tpu.memref_slice %arg11[%gather3A_1227, %gather3A_1228, %gather3A_1229] : memref<8x64x128xf32, #tpu.memory_space<vmem>> -> memref<1x64x128xf32, #tpu.memory_space<vmem>>
      %gather3A_1231 = tpu.memref_squeeze %gather3A_1230 : memref<1x64x128xf32, #tpu.memory_space<vmem>> -> memref<64x128xf32, #tpu.memory_space<vmem>>
      %gather3A_1232 = tpu.vector_load_idx %gather3A_1231[%add3A_11, %mul3A_1210] : memref<64x128xf32, #tpu.memory_space<vmem>>[vector<16xi32>, vector<16xi32>], vector<16xf32>,
      tpu.vector_store_idx %arg13[%add3A_11, %mul3A_1214], %gather3A_1232 : memref<64x128xf32, #tpu.memory_space<vmem>>[vector<16xi32>, vector<16xi32>], vector<16xf32>,
      %gather3A_1233 = arith.constant 7 : i32
      %gather3A_1234 = arith.constant 0 : i32
      %gather3A_1235 = arith.constant 0 : i32
      %gather3A_1236 = tpu.memref_slice %arg11[%gather3A_1233, %gather3A_1234, %gather3A_1235] : memref<8x64x128xf32, #tpu.memory_space<vmem>> -> memref<1x64x128xf32, #tpu.memory_space<vmem>>
      %gather3A_1237 = tpu.memref_squeeze %gather3A_1236 : memref<1x64x128xf32, #tpu.memory_space<vmem>> -> memref<64x128xf32, #tpu.memory_space<vmem>>
      %gather3A_1238 = tpu.vector_load_idx %gather3A_1237[%add3A_15, %mul3A_1210] : memref<64x128xf32, #tpu.memory_space<vmem>>[vector<16xi32>, vector<16xi32>], vector<16xf32>,
      tpu.vector_store_idx %arg13[%add3A_15, %mul3A_1214], %gather3A_1238 : memref<64x128xf32, #tpu.memory_space<vmem>>[vector<16xi32>, vector<16xi32>], vector<16xf32>,
      %scan3A_1239 = arith.constant 0 : i32
      scf.yield %scan3A_1239 : i32
    }
    %scan3A_35 = arith.constant 8 : i32
    %scan3A_36 = arith.constant 0 : i32
    %scan3A_37 = arith.constant 0 : i32
    %scan3A_38 = arith.constant 64 : i32
    %scan3A_39 = arith.addi %scan3A_37, %scan3A_38 : i32
    %scan3A_40 = arith.constant 1 : i32
    %scan3A_41 = scf.for %scan3A_43 = %scan3A_37 to %scan3A_39 step %scan3A_40 iter_args(%scan3A_44 = %scan3A_36) -> (i32)  : i32 {
      %get3A = arith.index_cast %scan3A_43 : i32 to index
      %get3A_45 = arith.constant 0 : index
      %get3A_46 = tpu.vector_load %arg12[%get3A, %get3A_45] {strides = array<i32>} : memref<64x128xf32, #tpu.memory_space<vmem>>, vector<16xf32>,
      %get3A_47 = arith.index_cast %scan3A_43 : i32 to index
      %get3A_48 = arith.constant 0 : index
      %get3A_49 = tpu.vector_load %arg13[%get3A_47, %get3A_48] {strides = array<i32>} : memref<64x128xf32, #tpu.memory_space<vmem>>, vector<16xf32>,
      %mul3A_50 = arith.mulf %get3A_46, %get3A_49 : vector<16xf32>
      %swap3A = arith.index_cast %scan3A_43 : i32 to index
      %swap3A_51 = arith.constant 0 : index
      %swap3A_52 = tpu.vector_load %arg12[%swap3A, %swap3A_51] {strides = array<i32>} : memref<64x128xf32, #tpu.memory_space<vmem>>, vector<16xf32>,
      tpu.vector_store %arg12[%swap3A, %swap3A_51], %mul3A_50 {strides = array<i32>} : memref<64x128xf32, #tpu.memory_space<vmem>>, vector<16xf32>,
      %get3A_53 = arith.index_cast %scan3A_43 : i32 to index
      %get3A_54 = arith.constant 16 : index
      %get3A_55 = tpu.vector_load %arg12[%get3A_53, %get3A_54] {strides = array<i32>} : memref<64x128xf32, #tpu.memory_space<vmem>>, vector<16xf32>,
      %get3A_56 = arith.index_cast %scan3A_43 : i32 to index
      %get3A_57 = arith.constant 16 : index
      %get3A_58 = tpu.vector_load %arg13[%get3A_56, %get3A_57] {strides = array<i32>} : memref<64x128xf32, #tpu.memory_space<vmem>>, vector<16xf32>,
      %mul3A_59 = arith.mulf %get3A_55, %get3A_58 : vector<16xf32>
      %swap3A_60 = arith.index_cast %scan3A_43 : i32 to index
      %swap3A_61 = arith.constant 16 : index
      %swap3A_62 = tpu.vector_load %arg12[%swap3A_60, %swap3A_61] {strides = array<i32>} : memref<64x128xf32, #tpu.memory_space<vmem>>, vector<16xf32>,
      tpu.vector_store %arg12[%swap3A_60, %swap3A_61], %mul3A_59 {strides = array<i32>} : memref<64x128xf32, #tpu.memory_space<vmem>>, vector<16xf32>,
      %get3A_63 = arith.index_cast %scan3A_43 : i32 to index
      %get3A_64 = arith.constant 32 : index
      %get3A_65 = tpu.vector_load %arg12[%get3A_63, %get3A_64] {strides = array<i32>} : memref<64x128xf32, #tpu.memory_space<vmem>>, vector<16xf32>,
      %get3A_66 = arith.index_cast %scan3A_43 : i32 to index
      %get3A_67 = arith.constant 32 : index
      %get3A_68 = tpu.vector_load %arg13[%get3A_66, %get3A_67] {strides = array<i32>} : memref<64x128xf32, #tpu.memory_space<vmem>>, vector<16xf32>,
      %mul3A_69 = arith.mulf %get3A_65, %get3A_68 : vector<16xf32>
      %swap3A_70 = arith.index_cast %scan3A_43 : i32 to index
      %swap3A_71 = arith.constant 32 : index
      %swap3A_72 = tpu.vector_load %arg12[%swap3A_70, %swap3A_71] {strides = array<i32>} : memref<64x128xf32, #tpu.memory_space<vmem>>, vector<16xf32>,
      tpu.vector_store %arg12[%swap3A_70, %swap3A_71], %mul3A_69 {strides = array<i32>} : memref<64x128xf32, #tpu.memory_space<vmem>>, vector<16xf32>,
      %get3A_73 = arith.index_cast %scan3A_43 : i32 to index
      %get3A_74 = arith.constant 48 : index
      %get3A_75 = tpu.vector_load %arg12[%get3A_73, %get3A_74] {strides = array<i32>} : memref<64x128xf32, #tpu.memory_space<vmem>>, vector<16xf32>,
      %get3A_76 = arith.index_cast %scan3A_43 : i32 to index
      %get3A_77 = arith.constant 48 : index
      %get3A_78 = tpu.vector_load %arg13[%get3A_76, %get3A_77] {strides = array<i32>} : memref<64x128xf32, #tpu.memory_space<vmem>>, vector<16xf32>,
      %mul3A_79 = arith.mulf %get3A_75, %get3A_78 : vector<16xf32>
      %swap3A_80 = arith.index_cast %scan3A_43 : i32 to index
      %swap3A_81 = arith.constant 48 : index
      %swap3A_82 = tpu.vector_load %arg12[%swap3A_80, %swap3A_81] {strides = array<i32>} : memref<64x128xf32, #tpu.memory_space<vmem>>, vector<16xf32>,
      tpu.vector_store %arg12[%swap3A_80, %swap3A_81], %mul3A_79 {strides = array<i32>} : memref<64x128xf32, #tpu.memory_space<vmem>>, vector<16xf32>,
      %get3A_83 = arith.index_cast %scan3A_43 : i32 to index
      %get3A_84 = arith.constant 64 : index
      %get3A_85 = tpu.vector_load %arg12[%get3A_83, %get3A_84] {strides = array<i32>} : memref<64x128xf32, #tpu.memory_space<vmem>>, vector<16xf32>,
      %get3A_86 = arith.index_cast %scan3A_43 : i32 to index
      %get3A_87 = arith.constant 64 : index
      %get3A_88 = tpu.vector_load %arg13[%get3A_86, %get3A_87] {strides = array<i32>} : memref<64x128xf32, #tpu.memory_space<vmem>>, vector<16xf32>,
      %mul3A_89 = arith.mulf %get3A_85, %get3A_88 : vector<16xf32>
      %swap3A_90 = arith.index_cast %scan3A_43 : i32 to index
      %swap3A_91 = arith.constant 64 : index
      %swap3A_92 = tpu.vector_load %arg12[%swap3A_90, %swap3A_91] {strides = array<i32>} : memref<64x128xf32, #tpu.memory_space<vmem>>, vector<16xf32>,
      tpu.vector_store %arg12[%swap3A_90, %swap3A_91], %mul3A_89 {strides = array<i32>} : memref<64x128xf32, #tpu.memory_space<vmem>>, vector<16xf32>,
      %get3A_93 = arith.index_cast %scan3A_43 : i32 to index
      %get3A_94 = arith.constant 80 : index
      %get3A_95 = tpu.vector_load %arg12[%get3A_93, %get3A_94] {strides = array<i32>} : memref<64x128xf32, #tpu.memory_space<vmem>>, vector<16xf32>,
      %get3A_96 = arith.index_cast %scan3A_43 : i32 to index
      %get3A_97 = arith.constant 80 : index
      %get3A_98 = tpu.vector_load %arg13[%get3A_96, %get3A_97] {strides = array<i32>} : memref<64x128xf32, #tpu.memory_space<vmem>>, vector<16xf32>,
      %mul3A_99 = arith.mulf %get3A_95, %get3A_98 : vector<16xf32>
      %swap3A_100 = arith.index_cast %scan3A_43 : i32 to index
      %swap3A_101 = arith.constant 80 : index
      %swap3A_102 = tpu.vector_load %arg12[%swap3A_100, %swap3A_101] {strides = array<i32>} : memref<64x128xf32, #tpu.memory_space<vmem>>, vector<16xf32>,
      tpu.vector_store %arg12[%swap3A_100, %swap3A_101], %mul3A_99 {strides = array<i32>} : memref<64x128xf32, #tpu.memory_space<vmem>>, vector<16xf32>,
      %get3A_103 = arith.index_cast %scan3A_43 : i32 to index
      %get3A_104 = arith.constant 96 : index
      %get3A_105 = tpu.vector_load %arg12[%get3A_103, %get3A_104] {strides = array<i32>} : memref<64x128xf32, #tpu.memory_space<vmem>>, vector<16xf32>,
      %get3A_106 = arith.index_cast %scan3A_43 : i32 to index
      %get3A_107 = arith.constant 96 : index
      %get3A_108 = tpu.vector_load %arg13[%get3A_106, %get3A_107] {strides = array<i32>} : memref<64x128xf32, #tpu.memory_space<vmem>>, vector<16xf32>,
      %mul3A_109 = arith.mulf %get3A_105, %get3A_108 : vector<16xf32>
      %swap3A_110 = arith.index_cast %scan3A_43 : i32 to index
      %swap3A_111 = arith.constant 96 : index
      %swap3A_112 = tpu.vector_load %arg12[%swap3A_110, %swap3A_111] {strides = array<i32>} : memref<64x128xf32, #tpu.memory_space<vmem>>, vector<16xf32>,
      tpu.vector_store %arg12[%swap3A_110, %swap3A_111], %mul3A_109 {strides = array<i32>} : memref<64x128xf32, #tpu.memory_space<vmem>>, vector<16xf32>,
      %get3A_113 = arith.index_cast %scan3A_43 : i32 to index
      %get3A_114 = arith.constant 112 : index
      %get3A_115 = tpu.vector_load %arg12[%get3A_113, %get3A_114] {strides = array<i32>} : memref<64x128xf32, #tpu.memory_space<vmem>>, vector<16xf32>,
      %get3A_116 = arith.index_cast %scan3A_43 : i32 to index
      %get3A_117 = arith.constant 112 : index
      %get3A_118 = tpu.vector_load %arg13[%get3A_116, %get3A_117] {strides = array<i32>} : memref<64x128xf32, #tpu.memory_space<vmem>>, vector<16xf32>,
      %mul3A_119 = arith.mulf %get3A_115, %get3A_118 : vector<16xf32>
      %swap3A_120 = arith.index_cast %scan3A_43 : i32 to index
      %swap3A_121 = arith.constant 112 : index
      %swap3A_122 = tpu.vector_load %arg12[%swap3A_120, %swap3A_121] {strides = array<i32>} : memref<64x128xf32, #tpu.memory_space<vmem>>, vector<16xf32>,
      tpu.vector_store %arg12[%swap3A_120, %swap3A_121], %mul3A_119 {strides = array<i32>} : memref<64x128xf32, #tpu.memory_space<vmem>>, vector<16xf32>,
      %scan3A_123 = arith.constant 0 : i32
      scf.yield %scan3A_123 : i32
    }
    %scan3A_42 = arith.constant 64 : i32
    "tpu.region"() ({
      %run_scoped3A = tpu.sem_alloc : memref<!tpu.dma_semaphore, #tpu.memory_space<semaphore_mem>>
      %dma_start3A = arith.constant 0 : i32
      %dma_start3A_43 = arith.constant 0 : i32
      %dma_start3A_44 = tpu.memref_slice %arg7[%add3A, %dma_start3A, %dma_start3A_43] : memref<32x64x128xf32, #tpu.memory_space<hbm>> -> memref<1x64x128xf32, #tpu.memory_space<hbm>>
      %dma_start3A_45 = tpu.memref_squeeze %dma_start3A_44 : memref<1x64x128xf32, #tpu.memory_space<hbm>> -> memref<64x128xf32, #tpu.memory_space<hbm>>
      %dma_start3A_46 = arith.constant 0 : i32
      %dma_start3A_47 = arith.constant 0 : i32
      %dma_start3A_48 = tpu.memref_slice %arg7[%add3A, %dma_start3A_46, %dma_start3A_47] : memref<32x64x128xf32, #tpu.memory_space<hbm>> -> memref<1x64x128xf32, #tpu.memory_space<hbm>>
      %dma_start3A_49 = tpu.memref_squeeze %dma_start3A_48 : memref<1x64x128xf32, #tpu.memory_space<hbm>> -> memref<64x128xf32, #tpu.memory_space<hbm>>
      tpu.enqueue_dma source(%arg12 : memref<64x128xf32, #tpu.memory_space<vmem>>) target(%dma_start3A_49 : memref<64x128xf32, #tpu.memory_space<hbm>>) target_semaphore(%run_scoped3A : memref<!tpu.dma_semaphore, #tpu.memory_space<semaphore_mem>>)
      %dma_wait3A = arith.constant 0 : i32
      %dma_wait3A_50 = arith.constant 0 : i32
      %dma_wait3A_51 = tpu.memref_slice %arg7[%add3A, %dma_wait3A, %dma_wait3A_50] : memref<32x64x128xf32, #tpu.memory_space<hbm>> -> memref<1x64x128xf32, #tpu.memory_space<hbm>>
      %dma_wait3A_52 = tpu.memref_squeeze %dma_wait3A_51 : memref<1x64x128xf32, #tpu.memory_space<hbm>> -> memref<64x128xf32, #tpu.memory_space<hbm>>
      %dma_wait3A_53 = arith.constant 0 : i32
      %dma_wait3A_54 = arith.constant 0 : i32
      %dma_wait3A_55 = tpu.memref_slice %arg7[%add3A, %dma_wait3A_53, %dma_wait3A_54] : memref<32x64x128xf32, #tpu.memory_space<hbm>> -> memref<1x64x128xf32, #tpu.memory_space<hbm>>
      %dma_wait3A_56 = tpu.memref_squeeze %dma_wait3A_55 : memref<1x64x128xf32, #tpu.memory_space<hbm>> -> memref<64x128xf32, #tpu.memory_space<hbm>>
      tpu.wait_dma2 semaphore(%run_scoped3A : memref<!tpu.dma_semaphore, #tpu.memory_space<semaphore_mem>>) src(%arg12 : memref<64x128xf32, #tpu.memory_space<vmem>>) dst(%dma_wait3A_56 : memref<64x128xf32, #tpu.memory_space<hbm>>)
      tpu.yield
    }) : () -> ()
    return
  }
}

module attributes {stable_mosaic.version = 14 : i64} {
  func.func @_combine_body(%arg0: i32, %arg1: memref<64x512xf32, #tpu.memory_space<vmem>>, %arg2: memref<4x64x128xf32, #tpu.memory_space<vmem>>, %arg3: memref<4x64x128xf32, #tpu.memory_space<vmem>>, %arg4: memref<64x1xf32, #tpu.memory_space<vmem>>, %arg5: memref<64x1xf32, #tpu.memory_space<vmem>>, %arg6: memref<1x2xf32, #tpu.memory_space<vmem>>, %arg7: memref<1x1xf32, #tpu.memory_space<vmem>>, %arg8: memref<1x1xf32, #tpu.memory_space<vmem>>, %arg9: memref<4x1x128xf32, #tpu.memory_space<vmem>>) attributes {dimension_semantics = [#tpu.dimension_semantics<arbitrary>], iteration_bounds = array<i64: 8>, scalar_prefetch = 0 : i64, scratch_operands = 0 : i64, tpu.core_type = #tpu.core_type<tc>, window_params = [{transform_indices = @transform_0, window_bounds = array<i64: 64, 512>}, {transform_indices = @transform_1, window_bounds = array<i64: 4, 64, 128>}, {transform_indices = @transform_2, window_bounds = array<i64: 4, 64, 128>}, {pipeline_mode = #tpu.pipeline_mode<synchronous>, transform_indices = @transform_3, window_bounds = array<i64: 64, 1>}, {pipeline_mode = #tpu.pipeline_mode<synchronous>, transform_indices = @transform_4, window_bounds = array<i64: 64, 1>}, {pipeline_mode = #tpu.pipeline_mode<synchronous>, transform_indices = @transform_5, window_bounds = array<i64: 1, 2>}, {pipeline_mode = #tpu.pipeline_mode<synchronous>, transform_indices = @transform_6, window_bounds = array<i64: 1, 1>}, {pipeline_mode = #tpu.pipeline_mode<synchronous>, transform_indices = @transform_7, window_bounds = array<i64: 1, 1>}, {transform_indices = @transform_8, window_bounds = array<i64: 4, 1, 128>}]} {
    %get3A = arith.constant 0 : index
    %get3A_0 = arith.constant 0 : index
    %get3A_1 = vector.load %arg6[%get3A, %get3A_0] : memref<1x2xf32, #tpu.memory_space<vmem>>, vector<1x1xf32>
    %get3A_2 = vector.extract %get3A_1[0, 0] : f32 from vector<1x1xf32>
    %get3A_3 = arith.constant 0 : index
    %get3A_4 = arith.constant 1 : index
    %get3A_5 = vector.load %arg6[%get3A_3, %get3A_4] : memref<1x2xf32, #tpu.memory_space<vmem>>, vector<1x1xf32>
    %get3A_6 = vector.extract %get3A_5[0, 0] : f32 from vector<1x1xf32>
    %get3A_7 = arith.constant 0 : index
    %get3A_8 = arith.constant 0 : index
    %get3A_9 = vector.load %arg1[%get3A_7, %get3A_8] : memref<64x512xf32, #tpu.memory_space<vmem>>, vector<64x128xf32>
    %get3A_10 = arith.constant 0 : index
    %get3A_11 = arith.constant 0 : index
    %get3A_12 = arith.constant 0 : index
    %get3A_13 = vector.load %arg2[%get3A_10, %get3A_11, %get3A_12] : memref<4x64x128xf32, #tpu.memory_space<vmem>>, vector<1x64x128xf32>
    %get3A_14 = vector.shape_cast %get3A_13 : vector<1x64x128xf32> to vector<64x128xf32>
    %get3A_15 = arith.constant 0 : index
    %get3A_16 = arith.constant 0 : index
    %get3A_17 = vector.load %arg4[%get3A_15, %get3A_16] : memref<64x1xf32, #tpu.memory_space<vmem>>, vector<64x1xf32>
    %add3A = vector.broadcast %get3A_17 : vector<64x1xf32> to vector<64x128xf32>
    %add3A_18 = arith.addf %get3A_9, %add3A : vector<64x128xf32>
    %mul3A = arith.mulf %get3A_14, %add3A_18 : vector<64x128xf32>
    %reduce_sum3A = arith.constant dense<0.000000e+00> : vector<128xf32>
    %reduce_sum3A_19 = vector.multi_reduction <add>, %mul3A, %reduce_sum3A [0] : vector<64x128xf32> to vector<128xf32>
    %broadcast_in_dim3A = vector.shape_cast %reduce_sum3A_19 : vector<128xf32> to vector<1x128xf32>
    %get3A_20 = arith.constant 0 : index
    %get3A_21 = arith.constant 0 : index
    %get3A_22 = arith.constant 0 : index
    %get3A_23 = vector.load %arg3[%get3A_20, %get3A_21, %get3A_22] : memref<4x64x128xf32, #tpu.memory_space<vmem>>, vector<1x64x128xf32>
    %get3A_24 = vector.shape_cast %get3A_23 : vector<1x64x128xf32> to vector<64x128xf32>
    %get3A_25 = arith.constant 0 : index
    %get3A_26 = arith.constant 0 : index
    %get3A_27 = vector.load %arg5[%get3A_25, %get3A_26] : memref<64x1xf32, #tpu.memory_space<vmem>>, vector<64x1xf32>
    %mul3A_28 = vector.broadcast %get3A_27 : vector<64x1xf32> to vector<64x128xf32>
    %mul3A_29 = arith.mulf %get3A_24, %mul3A_28 : vector<64x128xf32>
    %reduce_sum3A_30 = arith.constant dense<0.000000e+00> : vector<128xf32>
    %reduce_sum3A_31 = vector.multi_reduction <add>, %mul3A_29, %reduce_sum3A_30 [0] : vector<64x128xf32> to vector<128xf32>
    %broadcast_in_dim3A_32 = vector.shape_cast %reduce_sum3A_31 : vector<128xf32> to vector<1x128xf32>
    %get3A_33 = arith.constant 0 : index
    %get3A_34 = arith.constant 0 : index
    %get3A_35 = vector.load %arg7[%get3A_33, %get3A_34] : memref<1x1xf32, #tpu.memory_space<vmem>>, vector<1x1xf32>
    %get3A_36 = vector.extract %get3A_35[0, 0] : f32 from vector<1x1xf32>
    %add3A_37 = vector.broadcast %get3A_36 : f32 to vector<1x128xf32>
    %add3A_38 = arith.addf %broadcast_in_dim3A_32, %add3A_37 : vector<1x128xf32>
    %mul3A_39 = vector.broadcast %get3A_2 : f32 to vector<1x128xf32>
    %mul3A_40 = arith.mulf %mul3A_39, %add3A_38 : vector<1x128xf32>
    %mul3A_41 = vector.broadcast %get3A_6 : f32 to vector<1x128xf32>
    %mul3A_42 = arith.mulf %mul3A_41, %broadcast_in_dim3A : vector<1x128xf32>
    %add3A_43 = arith.addf %mul3A_40, %mul3A_42 : vector<1x128xf32>
    %get3A_44 = arith.constant 0 : index
    %get3A_45 = arith.constant 0 : index
    %get3A_46 = vector.load %arg8[%get3A_44, %get3A_45] : memref<1x1xf32, #tpu.memory_space<vmem>>, vector<1x1xf32>
    %get3A_47 = vector.extract %get3A_46[0, 0] : f32 from vector<1x1xf32>
    %add3A_48 = vector.broadcast %get3A_47 : f32 to vector<1x128xf32>
    %add3A_49 = arith.addf %add3A_43, %add3A_48 : vector<1x128xf32>
    %swap3A = arith.constant 0 : index
    %swap3A_50 = arith.constant 0 : index
    %swap3A_51 = arith.constant 0 : index
    %swap3A_52 = vector.load %arg9[%swap3A, %swap3A_50, %swap3A_51] : memref<4x1x128xf32, #tpu.memory_space<vmem>>, vector<1x1x128xf32>
    %swap3A_53 = vector.shape_cast %swap3A_52 : vector<1x1x128xf32> to vector<1x128xf32>
    %swap3A_54 = vector.shape_cast %add3A_49 : vector<1x128xf32> to vector<1x1x128xf32>
    tpu.vector_store %arg9[%swap3A, %swap3A_50, %swap3A_51], %swap3A_54 {strides = array<i32>} : memref<4x1x128xf32, #tpu.memory_space<vmem>>, vector<1x1x128xf32>,
    %get3A_55 = arith.constant 0 : index
    %get3A_56 = arith.constant 128 : index
    %get3A_57 = vector.load %arg1[%get3A_55, %get3A_56] : memref<64x512xf32, #tpu.memory_space<vmem>>, vector<64x128xf32>
    %get3A_58 = arith.constant 1 : index
    %get3A_59 = arith.constant 0 : index
    %get3A_60 = arith.constant 0 : index
    %get3A_61 = vector.load %arg2[%get3A_58, %get3A_59, %get3A_60] : memref<4x64x128xf32, #tpu.memory_space<vmem>>, vector<1x64x128xf32>
    %get3A_62 = vector.shape_cast %get3A_61 : vector<1x64x128xf32> to vector<64x128xf32>
    %get3A_63 = arith.constant 0 : index
    %get3A_64 = arith.constant 0 : index
    %get3A_65 = vector.load %arg4[%get3A_63, %get3A_64] : memref<64x1xf32, #tpu.memory_space<vmem>>, vector<64x1xf32>
    %add3A_66 = vector.broadcast %get3A_65 : vector<64x1xf32> to vector<64x128xf32>
    %add3A_67 = arith.addf %get3A_57, %add3A_66 : vector<64x128xf32>
    %mul3A_68 = arith.mulf %get3A_62, %add3A_67 : vector<64x128xf32>
    %reduce_sum3A_69 = arith.constant dense<0.000000e+00> : vector<128xf32>
    %reduce_sum3A_70 = vector.multi_reduction <add>, %mul3A_68, %reduce_sum3A_69 [0] : vector<64x128xf32> to vector<128xf32>
    %broadcast_in_dim3A_71 = vector.shape_cast %reduce_sum3A_70 : vector<128xf32> to vector<1x128xf32>
    %get3A_72 = arith.constant 1 : index
    %get3A_73 = arith.constant 0 : index
    %get3A_74 = arith.constant 0 : index
    %get3A_75 = vector.load %arg3[%get3A_72, %get3A_73, %get3A_74] : memref<4x64x128xf32, #tpu.memory_space<vmem>>, vector<1x64x128xf32>
    %get3A_76 = vector.shape_cast %get3A_75 : vector<1x64x128xf32> to vector<64x128xf32>
    %get3A_77 = arith.constant 0 : index
    %get3A_78 = arith.constant 0 : index
    %get3A_79 = vector.load %arg5[%get3A_77, %get3A_78] : memref<64x1xf32, #tpu.memory_space<vmem>>, vector<64x1xf32>
    %mul3A_80 = vector.broadcast %get3A_79 : vector<64x1xf32> to vector<64x128xf32>
    %mul3A_81 = arith.mulf %get3A_76, %mul3A_80 : vector<64x128xf32>
    %reduce_sum3A_82 = arith.constant dense<0.000000e+00> : vector<128xf32>
    %reduce_sum3A_83 = vector.multi_reduction <add>, %mul3A_81, %reduce_sum3A_82 [0] : vector<64x128xf32> to vector<128xf32>
    %broadcast_in_dim3A_84 = vector.shape_cast %reduce_sum3A_83 : vector<128xf32> to vector<1x128xf32>
    %get3A_85 = arith.constant 0 : index
    %get3A_86 = arith.constant 0 : index
    %get3A_87 = vector.load %arg7[%get3A_85, %get3A_86] : memref<1x1xf32, #tpu.memory_space<vmem>>, vector<1x1xf32>
    %get3A_88 = vector.extract %get3A_87[0, 0] : f32 from vector<1x1xf32>
    %add3A_89 = vector.broadcast %get3A_88 : f32 to vector<1x128xf32>
    %add3A_90 = arith.addf %broadcast_in_dim3A_84, %add3A_89 : vector<1x128xf32>
    %mul3A_91 = vector.broadcast %get3A_2 : f32 to vector<1x128xf32>
    %mul3A_92 = arith.mulf %mul3A_91, %add3A_90 : vector<1x128xf32>
    %mul3A_93 = vector.broadcast %get3A_6 : f32 to vector<1x128xf32>
    %mul3A_94 = arith.mulf %mul3A_93, %broadcast_in_dim3A_71 : vector<1x128xf32>
    %add3A_95 = arith.addf %mul3A_92, %mul3A_94 : vector<1x128xf32>
    %get3A_96 = arith.constant 0 : index
    %get3A_97 = arith.constant 0 : index
    %get3A_98 = vector.load %arg8[%get3A_96, %get3A_97] : memref<1x1xf32, #tpu.memory_space<vmem>>, vector<1x1xf32>
    %get3A_99 = vector.extract %get3A_98[0, 0] : f32 from vector<1x1xf32>
    %add3A_100 = vector.broadcast %get3A_99 : f32 to vector<1x128xf32>
    %add3A_101 = arith.addf %add3A_95, %add3A_100 : vector<1x128xf32>
    %swap3A_102 = arith.constant 1 : index
    %swap3A_103 = arith.constant 0 : index
    %swap3A_104 = arith.constant 0 : index
    %swap3A_105 = vector.load %arg9[%swap3A_102, %swap3A_103, %swap3A_104] : memref<4x1x128xf32, #tpu.memory_space<vmem>>, vector<1x1x128xf32>
    %swap3A_106 = vector.shape_cast %swap3A_105 : vector<1x1x128xf32> to vector<1x128xf32>
    %swap3A_107 = vector.shape_cast %add3A_101 : vector<1x128xf32> to vector<1x1x128xf32>
    tpu.vector_store %arg9[%swap3A_102, %swap3A_103, %swap3A_104], %swap3A_107 {strides = array<i32>} : memref<4x1x128xf32, #tpu.memory_space<vmem>>, vector<1x1x128xf32>,
    %get3A_108 = arith.constant 0 : index
    %get3A_109 = arith.constant 256 : index
    %get3A_110 = vector.load %arg1[%get3A_108, %get3A_109] : memref<64x512xf32, #tpu.memory_space<vmem>>, vector<64x128xf32>
    %get3A_111 = arith.constant 2 : index
    %get3A_112 = arith.constant 0 : index
    %get3A_113 = arith.constant 0 : index
    %get3A_114 = vector.load %arg2[%get3A_111, %get3A_112, %get3A_113] : memref<4x64x128xf32, #tpu.memory_space<vmem>>, vector<1x64x128xf32>
    %get3A_115 = vector.shape_cast %get3A_114 : vector<1x64x128xf32> to vector<64x128xf32>
    %get3A_116 = arith.constant 0 : index
    %get3A_117 = arith.constant 0 : index
    %get3A_118 = vector.load %arg4[%get3A_116, %get3A_117] : memref<64x1xf32, #tpu.memory_space<vmem>>, vector<64x1xf32>
    %add3A_119 = vector.broadcast %get3A_118 : vector<64x1xf32> to vector<64x128xf32>
    %add3A_120 = arith.addf %get3A_110, %add3A_119 : vector<64x128xf32>
    %mul3A_121 = arith.mulf %get3A_115, %add3A_120 : vector<64x128xf32>
    %reduce_sum3A_122 = arith.constant dense<0.000000e+00> : vector<128xf32>
    %reduce_sum3A_123 = vector.multi_reduction <add>, %mul3A_121, %reduce_sum3A_122 [0] : vector<64x128xf32> to vector<128xf32>
    %broadcast_in_dim3A_124 = vector.shape_cast %reduce_sum3A_123 : vector<128xf32> to vector<1x128xf32>
    %get3A_125 = arith.constant 2 : index
    %get3A_126 = arith.constant 0 : index
    %get3A_127 = arith.constant 0 : index
    %get3A_128 = vector.load %arg3[%get3A_125, %get3A_126, %get3A_127] : memref<4x64x128xf32, #tpu.memory_space<vmem>>, vector<1x64x128xf32>
    %get3A_129 = vector.shape_cast %get3A_128 : vector<1x64x128xf32> to vector<64x128xf32>
    %get3A_130 = arith.constant 0 : index
    %get3A_131 = arith.constant 0 : index
    %get3A_132 = vector.load %arg5[%get3A_130, %get3A_131] : memref<64x1xf32, #tpu.memory_space<vmem>>, vector<64x1xf32>
    %mul3A_133 = vector.broadcast %get3A_132 : vector<64x1xf32> to vector<64x128xf32>
    %mul3A_134 = arith.mulf %get3A_129, %mul3A_133 : vector<64x128xf32>
    %reduce_sum3A_135 = arith.constant dense<0.000000e+00> : vector<128xf32>
    %reduce_sum3A_136 = vector.multi_reduction <add>, %mul3A_134, %reduce_sum3A_135 [0] : vector<64x128xf32> to vector<128xf32>
    %broadcast_in_dim3A_137 = vector.shape_cast %reduce_sum3A_136 : vector<128xf32> to vector<1x128xf32>
    %get3A_138 = arith.constant 0 : index
    %get3A_139 = arith.constant 0 : index
    %get3A_140 = vector.load %arg7[%get3A_138, %get3A_139] : memref<1x1xf32, #tpu.memory_space<vmem>>, vector<1x1xf32>
    %get3A_141 = vector.extract %get3A_140[0, 0] : f32 from vector<1x1xf32>
    %add3A_142 = vector.broadcast %get3A_141 : f32 to vector<1x128xf32>
    %add3A_143 = arith.addf %broadcast_in_dim3A_137, %add3A_142 : vector<1x128xf32>
    %mul3A_144 = vector.broadcast %get3A_2 : f32 to vector<1x128xf32>
    %mul3A_145 = arith.mulf %mul3A_144, %add3A_143 : vector<1x128xf32>
    %mul3A_146 = vector.broadcast %get3A_6 : f32 to vector<1x128xf32>
    %mul3A_147 = arith.mulf %mul3A_146, %broadcast_in_dim3A_124 : vector<1x128xf32>
    %add3A_148 = arith.addf %mul3A_145, %mul3A_147 : vector<1x128xf32>
    %get3A_149 = arith.constant 0 : index
    %get3A_150 = arith.constant 0 : index
    %get3A_151 = vector.load %arg8[%get3A_149, %get3A_150] : memref<1x1xf32, #tpu.memory_space<vmem>>, vector<1x1xf32>
    %get3A_152 = vector.extract %get3A_151[0, 0] : f32 from vector<1x1xf32>
    %add3A_153 = vector.broadcast %get3A_152 : f32 to vector<1x128xf32>
    %add3A_154 = arith.addf %add3A_148, %add3A_153 : vector<1x128xf32>
    %swap3A_155 = arith.constant 2 : index
    %swap3A_156 = arith.constant 0 : index
    %swap3A_157 = arith.constant 0 : index
    %swap3A_158 = vector.load %arg9[%swap3A_155, %swap3A_156, %swap3A_157] : memref<4x1x128xf32, #tpu.memory_space<vmem>>, vector<1x1x128xf32>
    %swap3A_159 = vector.shape_cast %swap3A_158 : vector<1x1x128xf32> to vector<1x128xf32>
    %swap3A_160 = vector.shape_cast %add3A_154 : vector<1x128xf32> to vector<1x1x128xf32>
    tpu.vector_store %arg9[%swap3A_155, %swap3A_156, %swap3A_157], %swap3A_160 {strides = array<i32>} : memref<4x1x128xf32, #tpu.memory_space<vmem>>, vector<1x1x128xf32>,
    %get3A_161 = arith.constant 0 : index
    %get3A_162 = arith.constant 384 : index
    %get3A_163 = vector.load %arg1[%get3A_161, %get3A_162] : memref<64x512xf32, #tpu.memory_space<vmem>>, vector<64x128xf32>
    %get3A_164 = arith.constant 3 : index
    %get3A_165 = arith.constant 0 : index
    %get3A_166 = arith.constant 0 : index
    %get3A_167 = vector.load %arg2[%get3A_164, %get3A_165, %get3A_166] : memref<4x64x128xf32, #tpu.memory_space<vmem>>, vector<1x64x128xf32>
    %get3A_168 = vector.shape_cast %get3A_167 : vector<1x64x128xf32> to vector<64x128xf32>
    %get3A_169 = arith.constant 0 : index
    %get3A_170 = arith.constant 0 : index
    %get3A_171 = vector.load %arg4[%get3A_169, %get3A_170] : memref<64x1xf32, #tpu.memory_space<vmem>>, vector<64x1xf32>
    %add3A_172 = vector.broadcast %get3A_171 : vector<64x1xf32> to vector<64x128xf32>
    %add3A_173 = arith.addf %get3A_163, %add3A_172 : vector<64x128xf32>
    %mul3A_174 = arith.mulf %get3A_168, %add3A_173 : vector<64x128xf32>
    %reduce_sum3A_175 = arith.constant dense<0.000000e+00> : vector<128xf32>
    %reduce_sum3A_176 = vector.multi_reduction <add>, %mul3A_174, %reduce_sum3A_175 [0] : vector<64x128xf32> to vector<128xf32>
    %broadcast_in_dim3A_177 = vector.shape_cast %reduce_sum3A_176 : vector<128xf32> to vector<1x128xf32>
    %get3A_178 = arith.constant 3 : index
    %get3A_179 = arith.constant 0 : index
    %get3A_180 = arith.constant 0 : index
    %get3A_181 = vector.load %arg3[%get3A_178, %get3A_179, %get3A_180] : memref<4x64x128xf32, #tpu.memory_space<vmem>>, vector<1x64x128xf32>
    %get3A_182 = vector.shape_cast %get3A_181 : vector<1x64x128xf32> to vector<64x128xf32>
    %get3A_183 = arith.constant 0 : index
    %get3A_184 = arith.constant 0 : index
    %get3A_185 = vector.load %arg5[%get3A_183, %get3A_184] : memref<64x1xf32, #tpu.memory_space<vmem>>, vector<64x1xf32>
    %mul3A_186 = vector.broadcast %get3A_185 : vector<64x1xf32> to vector<64x128xf32>
    %mul3A_187 = arith.mulf %get3A_182, %mul3A_186 : vector<64x128xf32>
    %reduce_sum3A_188 = arith.constant dense<0.000000e+00> : vector<128xf32>
    %reduce_sum3A_189 = vector.multi_reduction <add>, %mul3A_187, %reduce_sum3A_188 [0] : vector<64x128xf32> to vector<128xf32>
    %broadcast_in_dim3A_190 = vector.shape_cast %reduce_sum3A_189 : vector<128xf32> to vector<1x128xf32>
    %get3A_191 = arith.constant 0 : index
    %get3A_192 = arith.constant 0 : index
    %get3A_193 = vector.load %arg7[%get3A_191, %get3A_192] : memref<1x1xf32, #tpu.memory_space<vmem>>, vector<1x1xf32>
    %get3A_194 = vector.extract %get3A_193[0, 0] : f32 from vector<1x1xf32>
    %add3A_195 = vector.broadcast %get3A_194 : f32 to vector<1x128xf32>
    %add3A_196 = arith.addf %broadcast_in_dim3A_190, %add3A_195 : vector<1x128xf32>
    %mul3A_197 = vector.broadcast %get3A_2 : f32 to vector<1x128xf32>
    %mul3A_198 = arith.mulf %mul3A_197, %add3A_196 : vector<1x128xf32>
    %mul3A_199 = vector.broadcast %get3A_6 : f32 to vector<1x128xf32>
    %mul3A_200 = arith.mulf %mul3A_199, %broadcast_in_dim3A_177 : vector<1x128xf32>
    %add3A_201 = arith.addf %mul3A_198, %mul3A_200 : vector<1x128xf32>
    %get3A_202 = arith.constant 0 : index
    %get3A_203 = arith.constant 0 : index
    %get3A_204 = vector.load %arg8[%get3A_202, %get3A_203] : memref<1x1xf32, #tpu.memory_space<vmem>>, vector<1x1xf32>
    %get3A_205 = vector.extract %get3A_204[0, 0] : f32 from vector<1x1xf32>
    %add3A_206 = vector.broadcast %get3A_205 : f32 to vector<1x128xf32>
    %add3A_207 = arith.addf %add3A_201, %add3A_206 : vector<1x128xf32>
    %swap3A_208 = arith.constant 3 : index
    %swap3A_209 = arith.constant 0 : index
    %swap3A_210 = arith.constant 0 : index
    %swap3A_211 = vector.load %arg9[%swap3A_208, %swap3A_209, %swap3A_210] : memref<4x1x128xf32, #tpu.memory_space<vmem>>, vector<1x1x128xf32>
    %swap3A_212 = vector.shape_cast %swap3A_211 : vector<1x1x128xf32> to vector<1x128xf32>
    %swap3A_213 = vector.shape_cast %add3A_207 : vector<1x128xf32> to vector<1x1x128xf32>
    tpu.vector_store %arg9[%swap3A_208, %swap3A_209, %swap3A_210], %swap3A_213 {strides = array<i32>} : memref<4x1x128xf32, #tpu.memory_space<vmem>>, vector<1x1x128xf32>,
    return
  }
  func.func @transform_0(%arg0: i32) -> (i32, i32) {
    %c0_i32 = arith.constant 0 : i32
    %c0_i32_0 = arith.constant 0 : i32
    return %c0_i32, %arg0 : i32, i32
  }
  func.func @transform_1(%arg0: i32) -> (i32, i32, i32) {
    %c0_i32 = arith.constant 0 : i32
    %c0_i32_0 = arith.constant 0 : i32
    %c0_i32_1 = arith.constant 0 : i32
    return %arg0, %c0_i32, %c0_i32_0 : i32, i32, i32
  }
  func.func @transform_2(%arg0: i32) -> (i32, i32, i32) {
    %c0_i32 = arith.constant 0 : i32
    %c0_i32_0 = arith.constant 0 : i32
    %c0_i32_1 = arith.constant 0 : i32
    return %arg0, %c0_i32, %c0_i32_0 : i32, i32, i32
  }
  func.func @transform_3(%arg0: i32) -> (i32, i32) {
    %c0_i32 = arith.constant 0 : i32
    %c0_i32_0 = arith.constant 0 : i32
    %c0_i32_1 = arith.constant 0 : i32
    return %c0_i32, %c0_i32_0 : i32, i32
  }
  func.func @transform_4(%arg0: i32) -> (i32, i32) {
    %c0_i32 = arith.constant 0 : i32
    %c0_i32_0 = arith.constant 0 : i32
    %c0_i32_1 = arith.constant 0 : i32
    return %c0_i32, %c0_i32_0 : i32, i32
  }
  func.func @transform_5(%arg0: i32) -> (i32, i32) {
    %c0_i32 = arith.constant 0 : i32
    %c0_i32_0 = arith.constant 0 : i32
    %c0_i32_1 = arith.constant 0 : i32
    return %c0_i32, %c0_i32_0 : i32, i32
  }
  func.func @transform_6(%arg0: i32) -> (i32, i32) {
    %c0_i32 = arith.constant 0 : i32
    %c0_i32_0 = arith.constant 0 : i32
    %c0_i32_1 = arith.constant 0 : i32
    return %c0_i32, %c0_i32_0 : i32, i32
  }
  func.func @transform_7(%arg0: i32) -> (i32, i32) {
    %c0_i32 = arith.constant 0 : i32
    %c0_i32_0 = arith.constant 0 : i32
    %c0_i32_1 = arith.constant 0 : i32
    return %c0_i32, %c0_i32_0 : i32, i32
  }
  func.func @transform_8(%arg0: i32) -> (i32, i32, i32) {
    %c0_i32 = arith.constant 0 : i32
    %c0_i32_0 = arith.constant 0 : i32
    %c0_i32_1 = arith.constant 0 : i32
    return %arg0, %c0_i32, %c0_i32_0 : i32, i32, i32
  }
}

module attributes {stable_mosaic.version = 14 : i64} {
  func.func @_matmul_body(%arg0: i32, %arg1: memref<64x5024xf32, #tpu.memory_space<vmem>>, %arg2: memref<5024x512xf32, #tpu.memory_space<vmem>>, %arg3: memref<64x512xf32, #tpu.memory_space<vmem>>) attributes {dimension_semantics = [#tpu.dimension_semantics<arbitrary>], iteration_bounds = array<i64: 8>, scalar_prefetch = 0 : i64, scratch_operands = 0 : i64, tpu.core_type = #tpu.core_type<tc>, window_params = [{pipeline_mode = #tpu.pipeline_mode<synchronous>, transform_indices = @transform_0, window_bounds = array<i64: 64, 5024>}, {transform_indices = @transform_1, window_bounds = array<i64: 5024, 512>}, {transform_indices = @transform_2, window_bounds = array<i64: 64, 512>}]} {
    %get3A = arith.constant 0 : index
    %get3A_0 = arith.constant 0 : index
    %get3A_1 = vector.load %arg1[%get3A, %get3A_0] : memref<64x5024xf32, #tpu.memory_space<vmem>>, vector<64x5024xf32>
    %get3A_2 = arith.constant 0 : index
    %get3A_3 = arith.constant 0 : index
    %get3A_4 = vector.load %arg2[%get3A_2, %get3A_3] : memref<5024x512xf32, #tpu.memory_space<vmem>>, vector<5024x512xf32>
    %dot_general3A = arith.constant dense<0.000000e+00> : vector<64x512xf32>
    %dot_general3A_5 = tpu.matmul %get3A_1, %get3A_4, %dot_general3A {dimension_numbers = #tpu.dot_dimension_numbers<[1], [0], [0], [1], [0, 0, 1, 1], [], []>, transpose_lhs_hint = false} : vector<64x5024xf32>, vector<5024x512xf32>, vector<64x512xf32> -> vector<64x512xf32>
    %swap3A = arith.constant 0 : index
    %swap3A_6 = arith.constant 0 : index
    %swap3A_7 = vector.load %arg3[%swap3A, %swap3A_6] : memref<64x512xf32, #tpu.memory_space<vmem>>, vector<64x512xf32>
    tpu.vector_store %arg3[%swap3A, %swap3A_6], %dot_general3A_5 {strides = array<i32>} : memref<64x512xf32, #tpu.memory_space<vmem>>, vector<64x512xf32>,
    return
  }
  func.func @transform_0(%arg0: i32) -> (i32, i32) {
    %c0_i32 = arith.constant 0 : i32
    %c0_i32_0 = arith.constant 0 : i32
    %c0_i32_1 = arith.constant 0 : i32
    return %c0_i32, %c0_i32_0 : i32, i32
  }
  func.func @transform_1(%arg0: i32) -> (i32, i32) {
    %c0_i32 = arith.constant 0 : i32
    %c0_i32_0 = arith.constant 0 : i32
    return %c0_i32, %arg0 : i32, i32
  }
  func.func @transform_2(%arg0: i32) -> (i32, i32) {
    %c0_i32 = arith.constant 0 : i32
    %c0_i32_0 = arith.constant 0 : i32
    return %c0_i32, %arg0 : i32, i32
  }
}

</mosaic_0001>

<sc_bundles>
// kernel: kernel.5.cloned.1.call-start
scs
__scs_entry_jumppad:
0x0: {  	(pc) =	sbr.rel $0x88, $3  }
0x1: {  	(tag) =	ssettag $0x0;
	lr =	simm.s32 $0x1  }
0x2: {  	[smem:$0x3F95] =	sst lr;
	_ =	strace $0xD0000000  }
0x3: {  	_ = 	snop  }
0x4: {  	_ = 	snop  }
0x5: {  	_ = 	snop  }
0x6: {  	_ = 	snop  }
0x7: {  	_ = 	snop  }
__scs_overlays_trampoline_lowered:
0x8: {  	[smem:$0x3FA4] =	sst s0  }
0x9: {  	[smem:$0x3FA5] =	sst s1  }
0xa: {  	[smem:$0x3FA6] =	sst s2  }
0xb: {  	[smem:$0x3FA7] =	sst s3  }
0xc: {  	[smem:$0x3FA8] =	sst s4  }
0xd: {  	[smem:$0x3FA9] =	sst s5  }
0xe: {  	[smem:$0x3FAA] =	sst s6  }
0xf: {  	[smem:$0x3FAB] =	sst s7  }
0x10: {  	[smem:$0x3FAC] =	sst s8  }
0x11: {  	[smem:$0x3FAD] =	sst s9;
	s0 =	simm.s32 @!p0 $0x0  }
0x12: {  	s1 =	sld [smem:$0x3F93];
	s0 =	simm.s32 @p0 $0x1  }
0x13: {  	[smem:$0x3FAE] =	sst s0;
	s0 =	simm.s32 @!p1 $0x0  }
0x14: {  	s2 =	sld [smem:$0x3F92];
	s0 =	simm.s32 @p1 $0x1  }
0x15: {  	[smem:$0x3FAF] =	sst s0;
	s0 =	simm.s32 @!p2 $0x0  }
0x16: {  	s3 =	sld [smem:$0x3FDB];
	s0 =	simm.s32 @p2 $0x1  }
0x17: {  	s4 =	simm.s32 $0x1BF5;
	[smem:$0x3FB1] =	sst s0  }
0x18: {  	s0 =	sld [smem:$0x3F94];
	_ =	swait.ge [sflag:s4], $0x0  }
0x19: {  	s7 =	sld [smem:$0x3F95]  }
0x1a: {  	s8 =	sadd.s32 $0xFFFFE003, lr  }
0x1b: {  	s9 =	sadd.s32 $0xFFFFFEF7, lr;
	s5 =	simm.s32 $0xFFFFFFFF;
	p2 =	slt.u32 s8, $0xFFFFF086  }
0x1c: {  	p1 =	slt.u32 s9, $0xF7A;
	s5 =	simm.s32 @!p2 $0x0  }
0x1d: {  	s5 =	simm.s32 @p1 $0x1;
	p0 =	seq.s32 s7, s2  }
0x1e: {  	s7 =	smul.u32 @!p0 $0xF7A, s2;
	p2 =	seq.s32 @!p0 s5, $0x0  }
0x1f: {  	s9 =	smul.u32 $0xF7A, s1;
	s8 =	simm.s32 @!p0 $0x1BF5;
	p2 =	por !p2, p0  }
0x20: {  	[sflag:s8] =	ssyncset.s32 @!p0 $0xFFFFF086;
	s6 =	sadd.s32 @!p0 s3, s7;
	s7 =	simm.s32 @!p0 $0x108  }
0x21: {  	s3 =	sadd.s32 s3, s9;
	s6 =	sadd.s32 @!p0 $0x88, s6;
	s7 =	simm.s32 @p2 $0x1082  }
0x22: {  	[simem:s7], [sflag:s8] =	dma.local @!p0 [hbm:s6], $0xF7A  }
0x23: {  	s9 =	sor.u32 $0xD0000000, s2;
	s6 =	simm.s32 $0x108;
	_ =	swait.ge @!p0 [sflag:s8], $0x0  }
0x24: {  	s3 =	sadd.s32 $0x88, s3;
	s6 =	simm.s32 @!p1 $0x1082;
	[sflag:s4] =	ssyncset.s32 $0xFFFFF086  }
0x25: {  	[simem:s6], [sflag:s4] =	dma.local [hbm:s3], $0xF7A  }
0x26: {  	[smem:$0x3F95] =	sst s1;
	(tag) =	ssettag s2;
	_ =	strace s9  }
0x27: {  	s1 =	sld [smem:$0x3FA5]  }
0x28: {  	s2 =	sld [smem:$0x3FA6]  }
0x29: {  	s4 =	sld [smem:$0x3FA8]  }
0x2a: {  	p0 =	seq.s32 s5, $0x0;
	s5 =	sld [smem:$0x3FA9]  }
0x2b: {  	s6 =	sld [smem:$0x3FAA]  }
0x2c: {  	s7 =	sld [smem:$0x3FAB]  }
0x2d: {  	s3 =	simm.s32 $0x108;
	s8 =	sld [smem:$0x3FAC]  }
0x2e: {  	s3 =	simm.s32 @!p0 $0x1082;
	s9 =	sld [smem:$0x3FAD]  }
0x2f: {  	lr =	sadd.s32 s0, s3;
	s0 =	sld [smem:$0x3FA4]  }
0x30: {  	s3 =	sld [smem:$0x3FA7]  }
0x31: {  	[smem:$0x3FB0] =	sst s10  }
0x32: {  	s10 =	sld [smem:$0x3FAE];
	_ =	sdelay $0x3  }
0x33: {  	p0 =	seq.s32 s10, $0x1;
	s10 =	sld [smem:$0x3FB0];
	_ =	sdelay $0x3  }
0x34: {  	[smem:$0x3FB0] =	sst s10  }
0x35: {  	s10 =	sld [smem:$0x3FAF];
	_ =	sdelay $0x3  }
0x36: {  	p1 =	seq.s32 s10, $0x1;
	s10 =	sld [smem:$0x3FB0];
	_ =	sdelay $0x3  }
0x37: {  	[smem:$0x3FB0] =	sst s10  }
0x38: {  	s10 =	sld [smem:$0x3FB1]  }
0x39: {  	_ = 	snop;
	(pc) =	sbr.ind lr, $3  }
0x3a: {  	_ = 	snop  }
0x3b: {  	_ = 	snop  }
0x3c: {  	p2 =	seq.s32 s10, $0x1;
	s10 =	sld [smem:$0x3FB0]  }
0x3d: {  	_ =	shalt  }
0x3e: {  	_ =	shalt  }
0x3f: {  	_ =	shalt  }
0x40: {  	_ =	shalt  }
0x41: {  	_ =	shalt  }
0x42: {  	_ =	shalt  }
0x43: {  	_ =	shalt  }
0x44: {  	_ =	shalt  }
0x45: {  	_ =	shalt  }
0x46: {  	_ =	shalt  }
0x47: {  	_ =	shalt  }
0x48: {  	_ =	shalt  }
0x49: {  	_ =	shalt  }
0x4a: {  	_ =	shalt  }
0x4b: {  	_ =	shalt  }
0x4c: {  	_ =	shalt  }
0x4d: {  	_ =	shalt  }
0x4e: {  	_ =	shalt  }
0x4f: {  	_ =	shalt  }
0x50: {  	_ =	shalt  }
0x51: {  	_ =	shalt  }
0x52: {  	_ =	shalt  }
0x53: {  	_ =	shalt  }
0x54: {  	_ =	shalt  }
0x55: {  	_ =	shalt  }
0x56: {  	_ =	shalt  }
0x57: {  	_ =	shalt  }
0x58: {  	_ =	shalt  }
0x59: {  	_ =	shalt  }
0x5a: {  	_ =	shalt  }
0x5b: {  	_ =	shalt  }
0x5c: {  	_ =	shalt  }
0x5d: {  	_ =	shalt  }
0x5e: {  	_ =	shalt  }
0x5f: {  	_ =	shalt  }
0x60: {  	_ =	shalt  }
0x61: {  	_ =	shalt  }
0x62: {  	_ =	shalt  }
0x63: {  	_ =	shalt  }
0x64: {  	_ =	shalt  }
0x65: {  	_ =	shalt  }
0x66: {  	_ =	shalt  }
0x67: {  	_ =	shalt  }
0x68: {  	_ =	shalt  }
0x69: {  	_ =	shalt  }
0x6a: {  	_ =	shalt  }
0x6b: {  	_ =	shalt  }
0x6c: {  	_ =	shalt  }
0x6d: {  	_ =	shalt  }
0x6e: {  	_ =	shalt  }
0x6f: {  	_ =	shalt  }
0x70: {  	_ =	shalt  }
0x71: {  	_ =	shalt  }
0x72: {  	_ =	shalt  }
0x73: {  	_ =	shalt  }
0x74: {  	_ =	shalt  }
0x75: {  	_ =	shalt  }
0x76: {  	_ =	shalt  }
0x77: {  	_ =	shalt  }
0x78: {  	_ =	shalt  }
0x79: {  	_ =	shalt  }
0x7a: {  	_ =	shalt  }
0x7b: {  	_ =	shalt  }
0x7c: {  	_ =	shalt  }
0x7d: {  	_ =	shalt  }
0x7e: {  	_ =	shalt  }
0x7f: {  	_ =	shalt  }
0x80: {  	_ =	shalt  }
0x81: {  	_ =	shalt  }
0x82: {  	_ =	shalt  }
0x83: {  	_ =	shalt  }
0x84: {  	_ =	shalt  }
0x85: {  	_ =	shalt  }
0x86: {  	_ =	shalt  }
0x87: {  	_ =	shalt  }
.Lfunc_end0:
.L_simem_size_0:
called_computation_lowered:
.L_overlay_start_0:
0x88: {  	s2 =	sld [smem:$0x3FD9]  }
0x89: {  	s3 =	sld [smem:$0x3FFE];
	_ =	sdelay $0x1  }
0x8a: {  	s1 =	srdreg.scid  }
0x8b: {  	s0 =	sand.u32 $0x1, s1  }
0x8c: {  	s17 =	sshll.u32 s0, $0xA;
	s2 =	sadd.s32 s3, s2  }
0x8d: {  	s2 =	sadd.s32 s2, s17  }
0x8e: {  	[smem:$0x3FBC] =	sst s2  }
0x8f: {  	_ = 	snop  }
0x90: {  	s2 =	sld [smem:$0x3FC9]  }
0x91: {  	s18 =	sld [smem:$0x3FC8]  }
0x92: {  	s4 =	sld [smem:$0x3FC6]  }
0x93: {  	s5 =	sld [smem:$0x3FC5]  }
0x94: {  	s6 =	sld [smem:$0x3FC2];
	(tm) =	ssettm $0x1  }
0x95: {  	s7 =	sld [smem:$0x3FFB];
	_ =	sdelay $0x3  }
0x96: {  	_ =	strace s7  }
0x97: {  	s7 =	sld [smem:$0x3FFC];
	_ =	sdelay $0x3  }
0x98: {  	_ =	strace s7  }
0x99: {  	s7 =	sld [smem:$0x3FFD];
	_ =	sdelay $0x3  }
0x9a: {  	_ =	strace s7  }
0x9b: {  	_ =	strace $0x8FFFFFFF  }
0x9c: {  	s19 =	sld [smem:$0x3FDB];
	_ =	sdelay $0x1  }
0x9d: {  	s8 =	simm.s32 $_scs_section_size  }
0x9e: {  	s9 =	simm.s32 $_size__tile_overlayer_lowered;
	s10 =	simm.s32 $_tile_overlayer_lowered  }
0x9f: {  	s22 =	simm.s32 $0x1BFF;
	s21 =	sshll.u32 s10, $0x1;
	s7 =	sadd.s32 s8, s19  }
0xa0: {  	s11 =	simm.s32 $0x0;
	s20 =	sshll.u32 s9, $0x1;
	s9 =	sadd.s32 s21, s7  }
0xa1: {  	[timem:s11], [sflag:s22] =	dma.local [hbm:s9], s20  }
0xa2: {  	_ =	swait.ge [sflag:s22], s20  }
0xa3: {  	s8 =	ssub.s32 $0x0, s20;
	[sflag:s22] =	ssyncset.done $0x0  }
0xa4: {  	[sflag:s22] =	ssyncadd.s32 s8;
	_ =	sdelay $0x1  }
0xa5: {  	s23 =	simm.s32 $0x1B8B  }
0xa6: {  	_ =	swait.ge [sflag:s23], $0x1  }
0xa7: {  	[sflag:s23] =	ssyncset.done $0x0  }
0xa8: {  	s25 =	simm.s32 $0x1B8E;
	s24 =	sld [smem:$0x3FFE];
	[sflag:s23] =	ssyncadd.s32 $0xFFFFFFFF  }
0xa9: {  	s26 =	simm.s32 $execute0_lowered;
	[smem:$0x3FD2] =	sst s25  }
0xaa: {  	s9 =	sshll.u32 s26, $0x1;
	_ =	strace $0x80000046;
	[dreg:$0x1] =	wrdreg $0xFFFFFFFF  }
0xab: {  	s28 =	simm.s32 $_size_execute0_lowered;
	s7 =	sadd.s32 s7, s9;
	[dreg:$0x0] =	wrdreg $0x0  }
0xac: {  	s9 =	sshll.u32 s28, $0x1;
	[dreg:$0x2] =	wrdreg s7  }
0xad: {  	[dreg:$0x3] =	wrdreg s9  }
0xae: {  	[dreg:$0x4] =	wrdreg $0xC0  }
0xaf: {  	_ =	task [dreg:s11], $0x5FFFF  }
0xb0: {  	[dreg:$0x1] =	wrdreg $0xFFFFFFFF  }
0xb1: {  	[dreg:$0x0] =	wrdreg $0x60  }
0xb2: {  	[dreg:$0x2] =	wrdreg s2  }
0xb3: {  	[dreg:$0x3] =	wrdreg s18  }
0xb4: {  	[dreg:$0x4] =	wrdreg s4  }
0xb5: {  	[dreg:$0x5] =	wrdreg s5  }
0xb6: {  	[dreg:$0x6] =	wrdreg s6  }
0xb7: {  	[dreg:$0x7] =	wrdreg s24  }
0xb8: {  	[dreg:$0x8] =	wrdreg $0x9  }
0xb9: {  	_ =	task.clear_ibuf [dreg:s11], $0x9FFFF;
	_ =	strace $0x90000046  }
0xba: {  	s29 =	simm.s32 $0x9;
	_ =	strace $0x80000048  }
0xbb: {  	_ =	swait.ge [sflag:s29], $0x1  }
0xbc: {  	[sflag:s29] =	ssyncadd.s32 $0xFFFFFFFF  }
0xbd: {  	_ =	strace $0x90000048  }
0xbe: {  	_ =	sfence  }
0xbf: {  	s30 =	sld [smem:$0x0];
	_ =	sdelay $0x2  }
0xc0: {  	s31 =	sshll.u32 s1, $0xD;
	s1 =	sshrl.u32 s1, $0x2  }
0xc1: {  	s3 =	sand.u32 $0x4000, s31;
	s1 =	sadd.s32 s1, s30  }
0xc2: {  	s0 =	sor.u32 s3, s0;
	s1 =	sshll.u32 s1, $0x11  }
0xc3: {  	s0 =	sor.u32 s1, s0  }
0xc4: {  	s0 =	sadd.s32 $0x8F2B, s0  }
0xc5: {  	[sflag:s0] =	ssyncadd.remote.s32 $0x1  }
0xc6: {  	_ =	sfence.sel $0xFFFF  }
0xc7: {  	[dreg:$0x0] =	wrdreg $0xFFFFFFFF;
	(pc) =	sbr.abs _section_cstart, $3  }
0xc8: {  	[dreg:$0x1] =	wrdreg $0xFFFFFFFF  }
0xc9: {  	_ =	task.clear_ibuf [dreg:s11], $0x2FFFF;
	_ =	strace $0x9FFFFFFF  }
0xca: {  	(tm) =	ssettm $0x7FFFFFFF  }
0xcb: {  	_ =	shalt  }
tec
execute0_lowered:
.L_overlay_start_1:
0x0: {  	(tag) =	ssettag $0x1  }
0x1: {  	s0 =	rddreg [dreg:$0x0]  }
0x2: {  	s3 =	rddreg [dreg:$0x1]  }
0x3: {  	s1 =	rddreg [dreg:$0x2]  }
0x4: {  	s2 =	rddreg [dreg:$0x3]  }
0x5: {  	s4 =	rddreg [dreg:$0x4]  }
0x6: {  	s6 =	rddreg [dreg:$0x5];
	s7 =	srdreg.scid  }
0x7: {  	s5 =	stileid.u32;
	s29 =	simm.s32 $0x0;
	s11 =	simm.s32 $0x2  }
0x8: {  	s12 =	simm.s32 $0x400;
	s13 =	simm.s32 $0x7A1400;
	s14 =	simm.s32 $0x100  }
0x9: {  	s15 =	simm.s32 $0x2100;
	s16 =	simm.s32 $0x4100;
	s17 =	simm.s32 $0x6100  }
0xa: {  	s18 =	simm.s32 $0x8100;
	s19 =	simm.s32 $0xA100;
	s20 =	simm.s32 $0xC100  }
0xb: {  	s21 =	simm.s32 $0xE100;
	s7 =	sand.u32 $0x1, s7;
	s8 =	sshll.u32 s5, $0x1  }
0xc: {  	s22 =	simm.s32 $0x1;
	s23 =	simm.s32 $0x14100;
	s8 =	sor.u32 s7, s8  }
0xd: {  	[smem:$0x7FF] =	sst s29;
	s9 =	sshll.u32 s8, $0xA;
	s8 =	sshll.u32 s8, $0x4  }
0xe: {  	s7 =	ssub.s32 $0x2, s7;
	_ =	strace $0x80000047;
	s0 =	sadd.s32 s0, s8  }
0xf: {  	s6 =	sadd.s32 s9, s6;
	s26 =	sadd.s32 s3, s8;
	[dreg:$0x7] =	wrdreg s0  }
0x10: {  	v0 =	vlaneseq.u32;
	s10 =	sshrl.u32 s7, $0x1;
	[dreg:$0x8] =	wrdreg s26;
	s28 =	sadd.s32 $0x9400, s6  }
0x11: {  	v0 =	vmul.u32 $0x80, v0;
	s7 =	ssub.s32 s7, s10;
	s30 =	sadd.s32 $0x1400, s6;
	[dreg:$0x9] =	wrdreg s28  }
0x12: {  	s24 =	simm.s32 $0x10100;
	s31 =	smax.u32 s7, $0x1;
	[dreg:$0xa] =	wrdreg s30  }
0x13: {  	s25 =	simm.s32 $0x12100;
	v1 =	vor.u32 $0x800, v0;
	v2 =	vor.u32 $0x1000, v0;
	v3 =	vor.u32 $0x1800, v0;
	s26 =	simm.s32 $0x0;
	[dreg:$0xb] =	wrdreg s31  }
.LBB2_1:
0x14: {  	s0 =	rddreg [dreg:$0x7]  }
0x15: {  	[tilespmem:s29], [sflag:$0x2] =	stream.linear.gather [hbm4b:s0+s29], $0x80, $0x38;
	[tilespmem:$0x16100] =	vst v63  }
0x16: {  	_ =	swait.ge [sflag:s11], $0x80  }
0x17: {  	[sflag:s11] =	ssyncset.done $0x0  }
0x18: {  	s28 =	simm.s32 $0x80;
	s31 =	rddreg [dreg:$0x8];
	[sflag:s11] =	ssyncadd.s32 $0xFFFFFF80  }
0x19: {  	[tilespmem:s28], [sflag:$0x2] =	stream.linear.gather [hbm4b:s31+s29], $0x80, $0x38;
	[tilespmem:$0x16100] =	vst v63  }
0x1a: {  	_ =	swait.ge [sflag:s11], $0x80  }
0x1b: {  	[sflag:s11] =	ssyncset.done $0x0  }
0x1c: {  	s29 =	simm.s32 $0xF;
	[sflag:s11] =	ssyncadd.s32 $0xFFFFFF80  }
.LBB2_2:
0x1d: {  	v4 =	vld [tilespmem:s28+$0x0];
	_ =	sdelay $0x4  }
0x1e: {  	(v2sf) =	vpush v4, $0x0  }
0x1f: {  	(v2sf) =	vpush v4, $0x1;
	_ =	sdelay $0x4  }
0x20: {  	(v2sf) =	vpush v4, $0x2;
	_ =	sdelay $0x2  }
0x21: {  	(v2sf) =	vpush v4, $0x3;
	_ =	sdelay $0x5  }
0x22: {  	s9 =	spop (v2sf);
	(v2sf) =	vpush v4, $0x4  }
0x23: {  	s8 =	spop (v2sf);
	(v2sf) =	vpush v4, $0x5;
	_ =	sdelay $0x4  }
0x24: {  	s0 =	sand.u32 $0xFFFFF80, s9;
	s31 =	spop (v2sf);
	(v2sf) =	vpush v4, $0x6  }
0x25: {  	s0 =	sadd.s32 s4, s0;
	s3 =	sand.u32 $0xFFFFF80, s8  }
0x26: {  	[tilespmem:s14], [sflag:$0x1] =	stream.strided.gather [hbm4b:s0+s12], $0x2000, s13, s12, $0x38;
	[tilespmem:$0x16100] =	vst v63  }
0x27: {  	s0 =	sadd.s32 s4, s3;
	s5 =	sand.u32 $0xFFFFF80, s31;
	s7 =	spop (v2sf)  }
0x28: {  	(v2sf) =	vpush v4, $0x7;
	[tilespmem:s15], [sflag:$0x1] =	stream.strided.gather [hbm4b:s0+s12], $0x2000, s13, s12, $0x38;
	[tilespmem:$0x16100] =	vst v63  }
0x29: {  	s6 =	sand.u32 $0xFFFFF80, s7;
	s0 =	sadd.s32 s4, s5  }
0x2a: {  	[tilespmem:s16], [sflag:$0x1] =	stream.strided.gather [hbm4b:s0+s12], $0x2000, s13, s12, $0x38;
	[tilespmem:$0x16100] =	vst v63  }
0x2b: {  	s0 =	sadd.s32 s4, s6  }
0x2c: {  	[tilespmem:s17], [sflag:$0x1] =	stream.strided.gather [hbm4b:s0+s12], $0x2000, s13, s12, $0x38;
	[tilespmem:$0x16100] =	vst v63  }
0x2d: {  	s6 =	spop (v2sf)  }
0x2e: {  	s10 =	sand.u32 $0xFFFFF80, s6;
	s3 =	spop (v2sf)  }
0x2f: {  	s0 =	sadd.s32 s4, s10;
	s30 =	sand.u32 $0xFFFFF80, s3  }
0x30: {  	[tilespmem:s18], [sflag:$0x1] =	stream.strided.gather [hbm4b:s0+s12], $0x2000, s13, s12, $0x38;
	[tilespmem:$0x16100] =	vst v63  }
0x31: {  	s0 =	sadd.s32 s4, s30  }
0x32: {  	[tilespmem:s19], [sflag:$0x1] =	stream.strided.gather [hbm4b:s0+s12], $0x2000, s13, s12, $0x38;
	[tilespmem:$0x16100] =	vst v63  }
0x33: {  	s0 =	spop (v2sf)  }
0x34: {  	s30 =	sand.u32 $0xFFFFF80, s0  }
0x35: {  	s30 =	sadd.s32 s4, s30  }
0x36: {  	[tilespmem:s20], [sflag:$0x1] =	stream.strided.gather [hbm4b:s30+s12], $0x2000, s13, s12, $0x38;
	[tilespmem:$0x16100] =	vst v63  }
0x37: {  	s30 =	spop (v2sf)  }
0x38: {  	s10 =	sand.u32 $0xFFFFF80, s30  }
0x39: {  	s10 =	sadd.s32 s4, s10  }
0x3a: {  	[tilespmem:s21], [sflag:$0x1] =	stream.strided.gather [hbm4b:s10+s12], $0x2000, s13, s12, $0x38;
	[tilespmem:$0x16100] =	vst v63  }
0x3b: {  	_ =	swait.ge [sflag:s22], $0x2000  }
0x3c: {  	[sflag:s22] =	ssyncset.done $0x0  }
0x3d: {  	[sflag:s22] =	ssyncadd.s32 $0xFFFFE000  }
0x3e: {  	_ =	swait.ge [sflag:s22], $0x2000  }
0x3f: {  	[sflag:s22] =	ssyncset.done $0x0  }
0x40: {  	[sflag:s22] =	ssyncadd.s32 $0xFFFFE000  }
0x41: {  	_ =	swait.ge [sflag:s22], $0x2000  }
0x42: {  	[sflag:s22] =	ssyncset.done $0x0  }
0x43: {  	[sflag:s22] =	ssyncadd.s32 $0xFFFFE000  }
0x44: {  	_ =	swait.ge [sflag:s22], $0x2000  }
0x45: {  	[sflag:s22] =	ssyncset.done $0x0  }
0x46: {  	[sflag:s22] =	ssyncadd.s32 $0xFFFFE000  }
0x47: {  	_ =	swait.ge [sflag:s22], $0x2000  }
0x48: {  	[sflag:s22] =	ssyncset.done $0x0  }
0x49: {  	[sflag:s22] =	ssyncadd.s32 $0xFFFFE000  }
0x4a: {  	_ =	swait.ge [sflag:s22], $0x2000  }
0x4b: {  	[sflag:s22] =	ssyncset.done $0x0  }
0x4c: {  	[sflag:s22] =	ssyncadd.s32 $0xFFFFE000  }
0x4d: {  	s9 =	sand.u32 $0x7F, s9;
	_ =	swait.ge [sflag:s22], $0x2000  }
0x4e: {  	v5 =	vor.u32 s9, v0;
	s5 =	sadd.s32 $0xFFFFFFF1, s29;
	[sflag:s22] =	ssyncset.done $0x0  }
0x4f: {  	v6 =	vmov s5;
	[sflag:s22] =	ssyncadd.s32 $0xFFFFE000  }
0x50: {  	v6 =	vand.u32 $0x70, v6;
	_ =	swait.ge [sflag:s22], $0x2000  }
0x51: {  	v6 =	vbroadcast v6, $0x0;
	[sflag:s22] =	ssyncset.done $0x0  }
0x52: {  	[sflag:s22] =	ssyncadd.s32 $0xFFFFE000  }
0x53: {  	v7 =	vor.u32 v0, v6;
	v5 =	vld.idx.msk [tilespmem:v5+s14+$0x0], $0xffff  }
0x54: {  	v8 =	vor.u32 s9, v1;
	_ =	sdelay $0x3  }
0x55: {  	[tilespmem:v7+s23+$0x0] =	vst.idx.msk $0xffff, v5  }
0x56: {  	v63 =	vor.u32 v1, v6;
	v5 =	vld.idx.msk [tilespmem:v8+s14+$0x0], $0xffff  }
0x57: {  	v12 =	vor.u32 s9, v2;
	_ =	sdelay $0x3  }
0x58: {  	[tilespmem:v63+s23+$0x0] =	vst.idx.msk $0xffff, v5  }
0x59: {  	v13 =	vor.u32 v2, v6;
	v5 =	vld.idx.msk [tilespmem:v12+s14+$0x0], $0xffff  }
0x5a: {  	v14 =	vor.u32 s9, v3;
	_ =	sdelay $0x3  }
0x5b: {  	[tilespmem:v13+s23+$0x0] =	vst.idx.msk $0xffff, v5  }
0x5c: {  	s8 =	sand.u32 $0x7F, s8;
	v6 =	vor.u32 v3, v6;
	v5 =	vld.idx.msk [tilespmem:v14+s14+$0x0], $0xffff  }
0x5d: {  	v15 =	vor.u32 s8, v0;
	s5 =	sadd.s32 $0xFFFFFFF2, s29  }
0x5e: {  	v16 =	vmov s5  }
0x5f: {  	v8 =	vand.u32 $0x71, v16  }
0x60: {  	v8 =	vbroadcast v8, $0x0  }
0x61: {  	[tilespmem:v6+s23+$0x0] =	vst.idx.msk $0xffff, v5  }
0x62: {  	v17 =	vor.u32 v0, v8;
	v5 =	vld.idx.msk [tilespmem:v15+s15+$0x0], $0xffff  }
0x63: {  	v18 =	vor.u32 s8, v1;
	_ =	sdelay $0x3  }
0x64: {  	[tilespmem:v17+s23+$0x0] =	vst.idx.msk $0xffff, v5  }
0x65: {  	v19 =	vor.u32 v1, v8;
	v5 =	vld.idx.msk [tilespmem:v18+s15+$0x0], $0xffff  }
0x66: {  	v20 =	vor.u32 s8, v2;
	_ =	sdelay $0x3  }
0x67: {  	[tilespmem:v19+s23+$0x0] =	vst.idx.msk $0xffff, v5  }
0x68: {  	v21 =	vor.u32 v2, v8;
	v5 =	vld.idx.msk [tilespmem:v20+s15+$0x0], $0xffff  }
0x69: {  	v22 =	vor.u32 s8, v3;
	_ =	sdelay $0x3  }
0x6a: {  	[tilespmem:v21+s23+$0x0] =	vst.idx.msk $0xffff, v5  }
0x6b: {  	s10 =	sand.u32 $0x7F, s31;
	v23 =	vor.u32 v3, v8;
	v5 =	vld.idx.msk [tilespmem:v22+s15+$0x0], $0xffff  }
0x6c: {  	s31 =	sadd.s32 $0xFFFFFFF3, s29;
	v24 =	vor.u32 s10, v0  }
0x6d: {  	v25 =	vmov s31  }
0x6e: {  	v8 =	vand.u32 $0x72, v25  }
0x6f: {  	v8 =	vbroadcast v8, $0x0  }
0x70: {  	[tilespmem:v23+s23+$0x0] =	vst.idx.msk $0xffff, v5  }
0x71: {  	v26 =	vor.u32 v0, v8;
	v5 =	vld.idx.msk [tilespmem:v24+s16+$0x0], $0xffff  }
0x72: {  	v27 =	vor.u32 s10, v1;
	_ =	sdelay $0x3  }
0x73: {  	[tilespmem:v26+s23+$0x0] =	vst.idx.msk $0xffff, v5  }
0x74: {  	v28 =	vor.u32 v1, v8;
	v5 =	vld.idx.msk [tilespmem:v27+s16+$0x0], $0xffff  }
0x75: {  	v29 =	vor.u32 s10, v2;
	_ =	sdelay $0x3  }
0x76: {  	[tilespmem:v28+s23+$0x0] =	vst.idx.msk $0xffff, v5  }
0x77: {  	v30 =	vor.u32 v2, v8;
	v5 =	vld.idx.msk [tilespmem:v29+s16+$0x0], $0xffff  }
0x78: {  	v31 =	vor.u32 s10, v3;
	_ =	sdelay $0x3  }
0x79: {  	[tilespmem:v30+s23+$0x0] =	vst.idx.msk $0xffff, v5  }
0x7a: {  	s7 =	sand.u32 $0x7F, s7;
	v32 =	vor.u32 v3, v8;
	v5 =	vld.idx.msk [tilespmem:v31+s16+$0x0], $0xffff  }
0x7b: {  	v33 =	vor.u32 s7, v0;
	s5 =	sadd.s32 $0xFFFFFFF4, s29  }
0x7c: {  	v34 =	vmov s5  }
0x7d: {  	v8 =	vand.u32 $0x73, v34  }
0x7e: {  	v8 =	vbroadcast v8, $0x0  }
0x7f: {  	[tilespmem:v32+s23+$0x0] =	vst.idx.msk $0xffff, v5  }
0x80: {  	v35 =	vor.u32 v0, v8;
	v5 =	vld.idx.msk [tilespmem:v33+s17+$0x0], $0xffff  }
0x81: {  	v36 =	vor.u32 s7, v1;
	_ =	sdelay $0x3  }
0x82: {  	[tilespmem:v35+s23+$0x0] =	vst.idx.msk $0xffff, v5  }
0x83: {  	v37 =	vor.u32 v1, v8;
	v5 =	vld.idx.msk [tilespmem:v36+s17+$0x0], $0xffff  }
0x84: {  	v38 =	vor.u32 s7, v2;
	_ =	sdelay $0x3  }
0x85: {  	[tilespmem:v37+s23+$0x0] =	vst.idx.msk $0xffff, v5  }
0x86: {  	v39 =	vor.u32 v2, v8;
	v5 =	vld.idx.msk [tilespmem:v38+s17+$0x0], $0xffff  }
0x87: {  	v40 =	vor.u32 s7, v3;
	_ =	sdelay $0x3  }
0x88: {  	[tilespmem:v39+s23+$0x0] =	vst.idx.msk $0xffff, v5  }
0x89: {  	s6 =	sand.u32 $0x7F, s6;
	v41 =	vor.u32 v3, v8;
	v5 =	vld.idx.msk [tilespmem:v40+s17+$0x0], $0xffff  }
0x8a: {  	s8 =	sadd.s32 $0xFFFFFFF5, s29;
	v42 =	vor.u32 s6, v0  }
0x8b: {  	v43 =	vmov s8  }
0x8c: {  	v8 =	vand.u32 $0x74, v43  }
0x8d: {  	v8 =	vbroadcast v8, $0x0  }
0x8e: {  	[tilespmem:v41+s23+$0x0] =	vst.idx.msk $0xffff, v5  }
0x8f: {  	v44 =	vor.u32 v0, v8;
	v5 =	vld.idx.msk [tilespmem:v42+s18+$0x0], $0xffff  }
0x90: {  	v45 =	vor.u32 s6, v1;
	_ =	sdelay $0x3  }
0x91: {  	[tilespmem:v44+s23+$0x0] =	vst.idx.msk $0xffff, v5  }
0x92: {  	v46 =	vor.u32 v1, v8;
	v5 =	vld.idx.msk [tilespmem:v45+s18+$0x0], $0xffff  }
0x93: {  	v47 =	vor.u32 s6, v2;
	_ =	sdelay $0x3  }
0x94: {  	[tilespmem:v46+s23+$0x0] =	vst.idx.msk $0xffff, v5  }
0x95: {  	v48 =	vor.u32 v2, v8;
	v5 =	vld.idx.msk [tilespmem:v47+s18+$0x0], $0xffff  }
0x96: {  	v49 =	vor.u32 s6, v3;
	_ =	sdelay $0x3  }
0x97: {  	[tilespmem:v48+s23+$0x0] =	vst.idx.msk $0xffff, v5  }
0x98: {  	s3 =	sand.u32 $0x7F, s3;
	v50 =	vor.u32 v3, v8;
	v5 =	vld.idx.msk [tilespmem:v49+s18+$0x0], $0xffff  }
0x99: {  	s9 =	sadd.s32 $0xFFFFFFF6, s29;
	v51 =	vor.u32 s3, v0  }
0x9a: {  	v52 =	vmov s9  }
0x9b: {  	v8 =	vand.u32 $0x75, v52  }
0x9c: {  	v8 =	vbroadcast v8, $0x0  }
0x9d: {  	[tilespmem:v50+s23+$0x0] =	vst.idx.msk $0xffff, v5  }
0x9e: {  	v53 =	vor.u32 v0, v8;
	v5 =	vld.idx.msk [tilespmem:v51+s19+$0x0], $0xffff  }
0x9f: {  	v54 =	vor.u32 s3, v1;
	_ =	sdelay $0x3  }
0xa0: {  	[tilespmem:v53+s23+$0x0] =	vst.idx.msk $0xffff, v5  }
0xa1: {  	v55 =	vor.u32 v1, v8;
	v5 =	vld.idx.msk [tilespmem:v54+s19+$0x0], $0xffff  }
0xa2: {  	v56 =	vor.u32 s3, v2;
	_ =	sdelay $0x3  }
0xa3: {  	[tilespmem:v55+s23+$0x0] =	vst.idx.msk $0xffff, v5  }
0xa4: {  	v57 =	vor.u32 v2, v8;
	v5 =	vld.idx.msk [tilespmem:v56+s19+$0x0], $0xffff  }
0xa5: {  	v58 =	vor.u32 s3, v3;
	_ =	sdelay $0x3  }
0xa6: {  	[tilespmem:v57+s23+$0x0] =	vst.idx.msk $0xffff, v5  }
0xa7: {  	s0 =	sand.u32 $0x7F, s0;
	v59 =	vor.u32 v3, v8;
	v5 =	vld.idx.msk [tilespmem:v58+s19+$0x0], $0xffff  }
0xa8: {  	v60 =	vor.u32 s0, v0;
	s10 =	sadd.s32 $0xFFFFFFF7, s29  }
0xa9: {  	v61 =	vmov s10  }
0xaa: {  	v8 =	vand.u32 $0x76, v61  }
0xab: {  	v8 =	vbroadcast v8, $0x0  }
0xac: {  	[tilespmem:v59+s23+$0x0] =	vst.idx.msk $0xffff, v5  }
0xad: {  	v62 =	vor.u32 v0, v8;
	v5 =	vld.idx.msk [tilespmem:v60+s20+$0x0], $0xffff  }
0xae: {  	v63 =	vor.u32 s0, v1;
	_ =	sdelay $0x3  }
0xaf: {  	[tilespmem:v62+s23+$0x0] =	vst.idx.msk $0xffff, v5  }
0xb0: {  	v9 =	vor.u32 v1, v8;
	v5 =	vld.idx.msk [tilespmem:v63+s20+$0x0], $0xffff  }
0xb1: {  	v10 =	vor.u32 s0, v2;
	_ =	sdelay $0x3  }
0xb2: {  	[tilespmem:v9+s23+$0x0] =	vst.idx.msk $0xffff, v5  }
0xb3: {  	v11 =	vor.u32 v2, v8;
	v5 =	vld.idx.msk [tilespmem:v10+s20+$0x0], $0xffff  }
0xb4: {  	v12 =	vor.u32 s0, v3;
	_ =	sdelay $0x3  }
0xb5: {  	[tilespmem:v11+s23+$0x0] =	vst.idx.msk $0xffff, v5  }
0xb6: {  	s31 =	sand.u32 $0x7F, s30;
	v13 =	vor.u32 v3, v8;
	v5 =	vld.idx.msk [tilespmem:v12+s20+$0x0], $0xffff  }
0xb7: {  	s5 =	sadd.s32 $0xFFFFFFF8, s29;
	v14 =	vor.u32 s31, v0  }
0xb8: {  	v15 =	vmov s5  }
0xb9: {  	v8 =	vand.u32 $0x77, v15  }
0xba: {  	v8 =	vbroadcast v8, $0x0  }
0xbb: {  	[tilespmem:v13+s23+$0x0] =	vst.idx.msk $0xffff, v5  }
0xbc: {  	v16 =	vor.u32 v0, v8;
	v5 =	vld.idx.msk [tilespmem:v14+s21+$0x0], $0xffff  }
0xbd: {  	v17 =	vor.u32 s31, v1;
	_ =	sdelay $0x1  }
0xbe: {  	(v2sf) =	vpush v4, $0x8  }
0xbf: {  	(v2sf) =	vpush v4, $0x9  }
0xc0: {  	[tilespmem:v16+s23+$0x0] =	vst.idx.msk $0xffff, v5  }
0xc1: {  	v18 =	vor.u32 v1, v8;
	v5 =	vld.idx.msk [tilespmem:v17+s21+$0x0], $0xffff  }
0xc2: {  	v19 =	vor.u32 s31, v2;
	_ =	sdelay $0x2  }
0xc3: {  	(v2sf) =	vpush v4, $0xA  }
0xc4: {  	[tilespmem:v18+s23+$0x0] =	vst.idx.msk $0xffff, v5  }
0xc5: {  	(v2sf) =	vpush v4, $0xB;
	v20 =	vor.u32 v2, v8;
	v5 =	vld.idx.msk [tilespmem:v19+s21+$0x0], $0xffff  }
0xc6: {  	v21 =	vor.u32 s31, v3;
	_ =	sdelay $0x2  }
0xc7: {  	(v2sf) =	vpush v4, $0xC  }
0xc8: {  	[tilespmem:v20+s23+$0x0] =	vst.idx.msk $0xffff, v5  }
0xc9: {  	s9 =	spop (v2sf);
	(v2sf) =	vpush v4, $0xD;
	v22 =	vor.u32 v3, v8;
	v5 =	vld.idx.msk [tilespmem:v21+s21+$0x0], $0xffff  }
0xca: {  	s8 =	spop (v2sf);
	(v2sf) =	vpush v4, $0xE;
	_ =	sdelay $0x2  }
0xcb: {  	s6 =	sand.u32 $0xFFFFF80, s9  }
0xcc: {  	s0 =	sadd.s32 s4, s6;
	s7 =	sand.u32 $0xFFFFF80, s8;
	[tilespmem:v22+s23+$0x0] =	vst.idx.msk $0xffff, v5  }
0xcd: {  	[tilespmem:s14], [sflag:$0x1] =	stream.strided.gather [hbm4b:s0+s12], $0x2000, s13, s12, $0x38;
	[tilespmem:$0x16100] =	vst v63  }
0xce: {  	s0 =	sadd.s32 s4, s7;
	s7 =	spop (v2sf);
	(v2sf) =	vpush v4, $0xF;
	_ =	sdelay $0x1  }
0xcf: {  	s10 =	sand.u32 $0xFFFFF80, s7;
	s6 =	spop (v2sf)  }
0xd0: {  	[tilespmem:s15], [sflag:$0x1] =	stream.strided.gather [hbm4b:s0+s12], $0x2000, s13, s12, $0x38;
	[tilespmem:$0x16100] =	vst v63  }
0xd1: {  	s0 =	sadd.s32 s4, s10;
	s30 =	sand.u32 $0xFFFFF80, s6  }
0xd2: {  	[tilespmem:s16], [sflag:$0x1] =	stream.strided.gather [hbm4b:s0+s12], $0x2000, s13, s12, $0x38;
	[tilespmem:$0x16100] =	vst v63  }
0xd3: {  	s3 =	spop (v2sf);
	s0 =	sadd.s32 s4, s30  }
0xd4: {  	[tilespmem:s17], [sflag:$0x1] =	stream.strided.gather [hbm4b:s0+s12], $0x2000, s13, s12, $0x38;
	[tilespmem:$0x16100] =	vst v63  }
0xd5: {  	s31 =	sand.u32 $0xFFFFF80, s3;
	s0 =	spop (v2sf)  }
0xd6: {  	s10 =	sadd.s32 s4, s31;
	s5 =	sand.u32 $0xFFFFF80, s0;
	s31 =	spop (v2sf)  }
0xd7: {  	[tilespmem:s18], [sflag:$0x1] =	stream.strided.gather [hbm4b:s10+s12], $0x2000, s13, s12, $0x38;
	[tilespmem:$0x16100] =	vst v63  }
0xd8: {  	s10 =	sadd.s32 s4, s5;
	s30 =	sand.u32 $0xFFFFF80, s31  }
0xd9: {  	[tilespmem:s19], [sflag:$0x1] =	stream.strided.gather [hbm4b:s10+s12], $0x2000, s13, s12, $0x38;
	[tilespmem:$0x16100] =	vst v63  }
0xda: {  	s10 =	sadd.s32 s4, s30  }
0xdb: {  	[tilespmem:s20], [sflag:$0x1] =	stream.strided.gather [hbm4b:s10+s12], $0x2000, s13, s12, $0x38;
	[tilespmem:$0x16100] =	vst v63  }
0xdc: {  	s30 =	spop (v2sf)  }
0xdd: {  	s5 =	sand.u32 $0xFFFFF80, s30  }
0xde: {  	s10 =	sadd.s32 s4, s5  }
0xdf: {  	[tilespmem:s21], [sflag:$0x1] =	stream.strided.gather [hbm4b:s10+s12], $0x2000, s13, s12, $0x38;
	[tilespmem:$0x16100] =	vst v63  }
0xe0: {  	_ =	swait.ge [sflag:s22], $0x2000  }
0xe1: {  	[sflag:s22] =	ssyncset.done $0x0  }
0xe2: {  	[sflag:s22] =	ssyncadd.s32 $0xFFFFE000  }
0xe3: {  	_ =	swait.ge [sflag:s22], $0x2000  }
0xe4: {  	[sflag:s22] =	ssyncset.done $0x0  }
0xe5: {  	[sflag:s22] =	ssyncadd.s32 $0xFFFFE000  }
0xe6: {  	_ =	swait.ge [sflag:s22], $0x2000  }
0xe7: {  	[sflag:s22] =	ssyncset.done $0x0  }
0xe8: {  	[sflag:s22] =	ssyncadd.s32 $0xFFFFE000  }
0xe9: {  	_ =	swait.ge [sflag:s22], $0x2000  }
0xea: {  	[sflag:s22] =	ssyncset.done $0x0  }
0xeb: {  	[sflag:s22] =	ssyncadd.s32 $0xFFFFE000  }
0xec: {  	_ =	swait.ge [sflag:s22], $0x2000  }
0xed: {  	[sflag:s22] =	ssyncset.done $0x0  }
0xee: {  	[sflag:s22] =	ssyncadd.s32 $0xFFFFE000  }
0xef: {  	_ =	swait.ge [sflag:s22], $0x2000  }
0xf0: {  	[sflag:s22] =	ssyncset.done $0x0  }
0xf1: {  	[sflag:s22] =	ssyncadd.s32 $0xFFFFE000  }
0xf2: {  	s9 =	sand.u32 $0x7F, s9;
	_ =	swait.ge [sflag:s22], $0x2000  }
0xf3: {  	v4 =	vor.u32 s9, v0;
	s5 =	sadd.s32 $0xFFFFFFF9, s29;
	[sflag:s22] =	ssyncset.done $0x0  }
0xf4: {  	v5 =	vmov s5;
	[sflag:s22] =	ssyncadd.s32 $0xFFFFE000  }
0xf5: {  	v5 =	vand.u32 $0x78, v5;
	_ =	swait.ge [sflag:s22], $0x2000  }
0xf6: {  	v5 =	vbroadcast v5, $0x0;
	[sflag:s22] =	ssyncset.done $0x0  }
0xf7: {  	[sflag:s22] =	ssyncadd.s32 $0xFFFFE000  }
0xf8: {  	v23 =	vor.u32 v0, v5;
	v4 =	vld.idx.msk [tilespmem:v4+s14+$0x0], $0xffff  }
0xf9: {  	v24 =	vor.u32 s9, v1;
	_ =	sdelay $0x3  }
0xfa: {  	[tilespmem:v23+s23+$0x0] =	vst.idx.msk $0xffff, v4  }
0xfb: {  	v25 =	vor.u32 v1, v5;
	v4 =	vld.idx.msk [tilespmem:v24+s14+$0x0], $0xffff  }
0xfc: {  	v26 =	vor.u32 s9, v2;
	_ =	sdelay $0x3  }
0xfd: {  	[tilespmem:v25+s23+$0x0] =	vst.idx.msk $0xffff, v4  }
0xfe: {  	v27 =	vor.u32 v2, v5;
	v4 =	vld.idx.msk [tilespmem:v26+s14+$0x0], $0xffff  }
0xff: {  	v28 =	vor.u32 s9, v3;
	_ =	sdelay $0x3  }
0x100: {  	[tilespmem:v27+s23+$0x0] =	vst.idx.msk $0xffff, v4  }
0x101: {  	s8 =	sand.u32 $0x7F, s8;
	v5 =	vor.u32 v3, v5;
	v4 =	vld.idx.msk [tilespmem:v28+s14+$0x0], $0xffff  }
0x102: {  	v29 =	vor.u32 s8, v0;
	s5 =	sadd.s32 $0xFFFFFFFA, s29  }
0x103: {  	v30 =	vmov s5  }
0x104: {  	v7 =	vand.u32 $0x79, v30  }
0x105: {  	v7 =	vbroadcast v7, $0x0  }
0x106: {  	[tilespmem:v5+s23+$0x0] =	vst.idx.msk $0xffff, v4  }
0x107: {  	v5 =	vor.u32 v0, v7;
	v4 =	vld.idx.msk [tilespmem:v29+s15+$0x0], $0xffff  }
0x108: {  	v31 =	vor.u32 s8, v1;
	_ =	sdelay $0x3  }
0x109: {  	[tilespmem:v5+s23+$0x0] =	vst.idx.msk $0xffff, v4  }
0x10a: {  	v5 =	vor.u32 v1, v7;
	v4 =	vld.idx.msk [tilespmem:v31+s15+$0x0], $0xffff  }
0x10b: {  	v32 =	vor.u32 s8, v2;
	_ =	sdelay $0x3  }
0x10c: {  	[tilespmem:v5+s23+$0x0] =	vst.idx.msk $0xffff, v4  }
0x10d: {  	v5 =	vor.u32 v2, v7;
	v4 =	vld.idx.msk [tilespmem:v32+s15+$0x0], $0xffff  }
0x10e: {  	v33 =	vor.u32 s8, v3;
	_ =	sdelay $0x3  }
0x10f: {  	[tilespmem:v5+s23+$0x0] =	vst.idx.msk $0xffff, v4  }
0x110: {  	s7 =	sand.u32 $0x7F, s7;
	v5 =	vor.u32 v3, v7;
	v4 =	vld.idx.msk [tilespmem:v33+s15+$0x0], $0xffff  }
0x111: {  	v34 =	vor.u32 s7, v0;
	s10 =	sadd.s32 $0xFFFFFFFB, s29  }
0x112: {  	v35 =	vmov s10  }
0x113: {  	v7 =	vand.u32 $0x7A, v35  }
0x114: {  	v7 =	vbroadcast v7, $0x0  }
0x115: {  	[tilespmem:v5+s23+$0x0] =	vst.idx.msk $0xffff, v4  }
0x116: {  	v5 =	vor.u32 v0, v7;
	v4 =	vld.idx.msk [tilespmem:v34+s16+$0x0], $0xffff  }
0x117: {  	v36 =	vor.u32 s7, v1;
	_ =	sdelay $0x3  }
0x118: {  	[tilespmem:v5+s23+$0x0] =	vst.idx.msk $0xffff, v4  }
0x119: {  	v5 =	vor.u32 v1, v7;
	v4 =	vld.idx.msk [tilespmem:v36+s16+$0x0], $0xffff  }
0x11a: {  	v37 =	vor.u32 s7, v2;
	_ =	sdelay $0x3  }
0x11b: {  	[tilespmem:v5+s23+$0x0] =	vst.idx.msk $0xffff, v4  }
0x11c: {  	v5 =	vor.u32 v2, v7;
	v4 =	vld.idx.msk [tilespmem:v37+s16+$0x0], $0xffff  }
0x11d: {  	v38 =	vor.u32 s7, v3;
	_ =	sdelay $0x3  }
0x11e: {  	[tilespmem:v5+s23+$0x0] =	vst.idx.msk $0xffff, v4  }
0x11f: {  	s6 =	sand.u32 $0x7F, s6;
	v5 =	vor.u32 v3, v7;
	v4 =	vld.idx.msk [tilespmem:v38+s16+$0x0], $0xffff  }
0x120: {  	v39 =	vor.u32 s6, v0;
	s5 =	sadd.s32 $0xFFFFFFFC, s29  }
0x121: {  	v40 =	vmov s5  }
0x122: {  	v7 =	vand.u32 $0x7B, v40  }
0x123: {  	v7 =	vbroadcast v7, $0x0  }
0x124: {  	[tilespmem:v5+s23+$0x0] =	vst.idx.msk $0xffff, v4  }
0x125: {  	v5 =	vor.u32 v0, v7;
	v4 =	vld.idx.msk [tilespmem:v39+s17+$0x0], $0xffff  }
0x126: {  	v41 =	vor.u32 s6, v1;
	_ =	sdelay $0x3  }
0x127: {  	[tilespmem:v5+s23+$0x0] =	vst.idx.msk $0xffff, v4  }
0x128: {  	v5 =	vor.u32 v1, v7;
	v4 =	vld.idx.msk [tilespmem:v41+s17+$0x0], $0xffff  }
0x129: {  	v42 =	vor.u32 s6, v2;
	_ =	sdelay $0x3  }
0x12a: {  	[tilespmem:v5+s23+$0x0] =	vst.idx.msk $0xffff, v4  }
0x12b: {  	v5 =	vor.u32 v2, v7;
	v4 =	vld.idx.msk [tilespmem:v42+s17+$0x0], $0xffff  }
0x12c: {  	v43 =	vor.u32 s6, v3;
	_ =	sdelay $0x3  }
0x12d: {  	[tilespmem:v5+s23+$0x0] =	vst.idx.msk $0xffff, v4  }
0x12e: {  	s3 =	sand.u32 $0x7F, s3;
	v5 =	vor.u32 v3, v7;
	v4 =	vld.idx.msk [tilespmem:v43+s17+$0x0], $0xffff  }
0x12f: {  	s7 =	sadd.s32 $0xFFFFFFFD, s29;
	v44 =	vor.u32 s3, v0  }
0x130: {  	v45 =	vmov s7  }
0x131: {  	v7 =	vand.u32 $0x7C, v45  }
0x132: {  	v7 =	vbroadcast v7, $0x0  }
0x133: {  	[tilespmem:v5+s23+$0x0] =	vst.idx.msk $0xffff, v4  }
0x134: {  	v5 =	vor.u32 v0, v7;
	v4 =	vld.idx.msk [tilespmem:v44+s18+$0x0], $0xffff  }
0x135: {  	v46 =	vor.u32 s3, v1;
	_ =	sdelay $0x3  }
0x136: {  	[tilespmem:v5+s23+$0x0] =	vst.idx.msk $0xffff, v4  }
0x137: {  	v5 =	vor.u32 v1, v7;
	v4 =	vld.idx.msk [tilespmem:v46+s18+$0x0], $0xffff  }
0x138: {  	v47 =	vor.u32 s3, v2;
	_ =	sdelay $0x3  }
0x139: {  	[tilespmem:v5+s23+$0x0] =	vst.idx.msk $0xffff, v4  }
0x13a: {  	v5 =	vor.u32 v2, v7;
	v4 =	vld.idx.msk [tilespmem:v47+s18+$0x0], $0xffff  }
0x13b: {  	v48 =	vor.u32 s3, v3;
	_ =	sdelay $0x3  }
0x13c: {  	[tilespmem:v5+s23+$0x0] =	vst.idx.msk $0xffff, v4  }
0x13d: {  	s0 =	sand.u32 $0x7F, s0;
	v5 =	vor.u32 v3, v7;
	v4 =	vld.idx.msk [tilespmem:v48+s18+$0x0], $0xffff  }
0x13e: {  	s8 =	sadd.s32 $0xFFFFFFFE, s29;
	v49 =	vor.u32 s0, v0  }
0x13f: {  	v50 =	vmov s8  }
0x140: {  	v7 =	vand.u32 $0x7D, v50  }
0x141: {  	v7 =	vbroadcast v7, $0x0  }
0x142: {  	[tilespmem:v5+s23+$0x0] =	vst.idx.msk $0xffff, v4  }
0x143: {  	v5 =	vor.u32 v0, v7;
	v4 =	vld.idx.msk [tilespmem:v49+s19+$0x0], $0xffff  }
0x144: {  	v51 =	vor.u32 s0, v1;
	_ =	sdelay $0x3  }
0x145: {  	[tilespmem:v5+s23+$0x0] =	vst.idx.msk $0xffff, v4  }
0x146: {  	v5 =	vor.u32 v1, v7;
	v4 =	vld.idx.msk [tilespmem:v51+s19+$0x0], $0xffff  }
0x147: {  	v52 =	vor.u32 s0, v2;
	_ =	sdelay $0x3  }
0x148: {  	[tilespmem:v5+s23+$0x0] =	vst.idx.msk $0xffff, v4  }
0x149: {  	v5 =	vor.u32 v2, v7;
	v4 =	vld.idx.msk [tilespmem:v52+s19+$0x0], $0xffff  }
0x14a: {  	v53 =	vor.u32 s0, v3;
	_ =	sdelay $0x3  }
0x14b: {  	[tilespmem:v5+s23+$0x0] =	vst.idx.msk $0xffff, v4  }
0x14c: {  	s9 =	sand.u32 $0x7F, s31;
	v5 =	vor.u32 v3, v7;
	v4 =	vld.idx.msk [tilespmem:v53+s19+$0x0], $0xffff  }
0x14d: {  	v54 =	vor.u32 s9, v0;
	s10 =	sadd.s32 $0xFFFFFFFF, s29  }
0x14e: {  	v55 =	vmov s10  }
0x14f: {  	v7 =	vand.u32 $0x7E, v55  }
0x150: {  	v7 =	vbroadcast v7, $0x0  }
0x151: {  	[tilespmem:v5+s23+$0x0] =	vst.idx.msk $0xffff, v4  }
0x152: {  	v5 =	vor.u32 v0, v7;
	v4 =	vld.idx.msk [tilespmem:v54+s20+$0x0], $0xffff  }
0x153: {  	v56 =	vor.u32 s9, v1;
	_ =	sdelay $0x3  }
0x154: {  	[tilespmem:v5+s23+$0x0] =	vst.idx.msk $0xffff, v4  }
0x155: {  	v5 =	vor.u32 v1, v7;
	v4 =	vld.idx.msk [tilespmem:v56+s20+$0x0], $0xffff  }
0x156: {  	v57 =	vor.u32 s9, v2;
	_ =	sdelay $0x3  }
0x157: {  	[tilespmem:v5+s23+$0x0] =	vst.idx.msk $0xffff, v4  }
0x158: {  	v5 =	vor.u32 v2, v7;
	v4 =	vld.idx.msk [tilespmem:v57+s20+$0x0], $0xffff  }
0x159: {  	v58 =	vor.u32 s9, v3;
	_ =	sdelay $0x3  }
0x15a: {  	[tilespmem:v5+s23+$0x0] =	vst.idx.msk $0xffff, v4  }
0x15b: {  	s31 =	sand.u32 $0x7F, s30;
	v5 =	vor.u32 v3, v7;
	v4 =	vld.idx.msk [tilespmem:v58+s20+$0x0], $0xffff  }
0x15c: {  	v59 =	vor.u32 s31, v0  }
0x15d: {  	v60 =	vmov s29  }
0x15e: {  	v7 =	vand.u32 $0x7F, v60  }
0x15f: {  	v7 =	vbroadcast v7, $0x0  }
0x160: {  	[tilespmem:v5+s23+$0x0] =	vst.idx.msk $0xffff, v4  }
0x161: {  	v5 =	vor.u32 v0, v7;
	v4 =	vld.idx.msk [tilespmem:v59+s21+$0x0], $0xffff  }
0x162: {  	v61 =	vor.u32 s31, v1;
	_ =	sdelay $0x3  }
0x163: {  	[tilespmem:v5+s23+$0x0] =	vst.idx.msk $0xffff, v4  }
0x164: {  	v5 =	vor.u32 v1, v7;
	v4 =	vld.idx.msk [tilespmem:v61+s21+$0x0], $0xffff  }
0x165: {  	v62 =	vor.u32 s31, v2;
	_ =	sdelay $0x3  }
0x166: {  	[tilespmem:v5+s23+$0x0] =	vst.idx.msk $0xffff, v4  }
0x167: {  	v5 =	vor.u32 v2, v7;
	v4 =	vld.idx.msk [tilespmem:v62+s21+$0x0], $0xffff  }
0x168: {  	v63 =	vor.u32 s31, v3;
	_ =	sdelay $0x3  }
0x169: {  	[tilespmem:v5+s23+$0x0] =	vst.idx.msk $0xffff, v4  }
0x16a: {  	p0 =	sne.s32 s29, $0x7F;
	v5 =	vor.u32 v3, v7;
	v4 =	vld.idx.msk [tilespmem:v63+s21+$0x0], $0xffff  }
.Ltmp0:
0x16b: {  	_ = 	snop;
	(pc) =	sbr.rel @p0 .LBB2_2-.Ltmp0, $2  }
0x16c: {  	_ =	sdelay $0x2  }
0x16d: {  	s28 =	sadd.s32 $0x10, s28;
	s29 =	sadd.s32 $0x10, s29;
	[tilespmem:v5+s23+$0x0] =	vst.idx.msk $0xffff, v4  }
0x16e: {  	s29 =	simm.s32 $0x0;
	s0 =	rddreg [dreg:$0x9]  }
0x16f: {  	[hbm4b:s0+s29] =	stream.linear.scatter [tilespmem:s23], [sflag:$0x2], $0x2000, $0x38;
	[tilespmem:$0x16100] =	vst v63  }
0x170: {  	_ =	swait.ge [sflag:s11], $0x2000  }
0x171: {  	[sflag:s11] =	ssyncset.done $0x0  }
0x172: {  	s28 =	simm.s32 $0xF;
	s30 =	simm.s32 $0xF;
	[sflag:s11] =	ssyncadd.s32 $0xFFFFE000  }
.LBB2_4:
0x173: {  	v4 =	vld [tilespmem:s29+$0x0];
	_ =	sdelay $0x4  }
0x174: {  	(v2sf) =	vpush v4, $0x0;
	_ =	sdelay $0x1  }
0x175: {  	(v2sf) =	vpush v4, $0x1;
	_ =	sdelay $0x3  }
0x176: {  	(v2sf) =	vpush v4, $0x2;
	_ =	sdelay $0x3  }
0x177: {  	(v2sf) =	vpush v4, $0x3;
	_ =	sdelay $0x4  }
0x178: {  	s10 =	spop (v2sf);
	(v2sf) =	vpush v4, $0x4;
	_ =	sdelay $0x1  }
0x179: {  	s9 =	spop (v2sf);
	(v2sf) =	vpush v4, $0x5;
	_ =	sdelay $0x2  }
0x17a: {  	s0 =	sand.u32 $0xFFFFF80, s10  }
0x17b: {  	s0 =	sadd.s32 s1, s0;
	s6 =	sand.u32 $0xFFFFF80, s9;
	s8 =	spop (v2sf)  }
0x17c: {  	(v2sf) =	vpush v4, $0x6;
	[tilespmem:s14], [sflag:$0x1] =	stream.strided.gather [hbm4b:s0+s12], $0x2000, s13, s12, $0x38;
	[tilespmem:$0x16100] =	vst v63  }
0x17d: {  	s0 =	sadd.s32 s1, s6;
	s7 =	sand.u32 $0xFFFFF80, s8  }
0x17e: {  	[tilespmem:s15], [sflag:$0x1] =	stream.strided.gather [hbm4b:s0+s12], $0x2000, s13, s12, $0x38;
	[tilespmem:$0x16100] =	vst v63  }
0x17f: {  	s0 =	sadd.s32 s1, s7;
	s7 =	spop (v2sf)  }
0x180: {  	(v2sf) =	vpush v4, $0x7;
	s31 =	sand.u32 $0xFFFFF80, s7  }
0x181: {  	[tilespmem:s16], [sflag:$0x1] =	stream.strided.gather [hbm4b:s0+s12], $0x2000, s13, s12, $0x38;
	[tilespmem:$0x16100] =	vst v63  }
0x182: {  	s0 =	sadd.s32 s1, s31  }
0x183: {  	[tilespmem:s17], [sflag:$0x1] =	stream.strided.gather [hbm4b:s0+s12], $0x2000, s13, s12, $0x38;
	[tilespmem:$0x16100] =	vst v63  }
0x184: {  	s6 =	spop (v2sf)  }
0x185: {  	s3 =	sand.u32 $0xFFFFF80, s6  }
0x186: {  	s0 =	sadd.s32 s1, s3;
	s3 =	spop (v2sf)  }
0x187: {  	[tilespmem:s18], [sflag:$0x1] =	stream.strided.gather [hbm4b:s0+s12], $0x2000, s13, s12, $0x38;
	[tilespmem:$0x16100] =	vst v63  }
0x188: {  	s5 =	sand.u32 $0xFFFFF80, s3  }
0x189: {  	s0 =	sadd.s32 s1, s5  }
0x18a: {  	[tilespmem:s19], [sflag:$0x1] =	stream.strided.gather [hbm4b:s0+s12], $0x2000, s13, s12, $0x38;
	[tilespmem:$0x16100] =	vst v63  }
0x18b: {  	s0 =	spop (v2sf)  }
0x18c: {  	s31 =	sand.u32 $0xFFFFF80, s0  }
0x18d: {  	s31 =	sadd.s32 s1, s31  }
0x18e: {  	[tilespmem:s20], [sflag:$0x1] =	stream.strided.gather [hbm4b:s31+s12], $0x2000, s13, s12, $0x38;
	[tilespmem:$0x16100] =	vst v63  }
0x18f: {  	s31 =	spop (v2sf)  }
0x190: {  	s5 =	sand.u32 $0xFFFFF80, s31  }
0x191: {  	s5 =	sadd.s32 s1, s5  }
0x192: {  	[tilespmem:s21], [sflag:$0x1] =	stream.strided.gather [hbm4b:s5+s12], $0x2000, s13, s12, $0x38;
	[tilespmem:$0x16100] =	vst v63  }
0x193: {  	_ =	swait.ge [sflag:s22], $0x2000  }
0x194: {  	[sflag:s22] =	ssyncset.done $0x0  }
0x195: {  	[sflag:s22] =	ssyncadd.s32 $0xFFFFE000  }
0x196: {  	_ =	swait.ge [sflag:s22], $0x2000  }
0x197: {  	[sflag:s22] =	ssyncset.done $0x0  }
0x198: {  	[sflag:s22] =	ssyncadd.s32 $0xFFFFE000  }
0x199: {  	_ =	swait.ge [sflag:s22], $0x2000  }
0x19a: {  	[sflag:s22] =	ssyncset.done $0x0  }
0x19b: {  	[sflag:s22] =	ssyncadd.s32 $0xFFFFE000  }
0x19c: {  	_ =	swait.ge [sflag:s22], $0x2000  }
0x19d: {  	[sflag:s22] =	ssyncset.done $0x0  }
0x19e: {  	[sflag:s22] =	ssyncadd.s32 $0xFFFFE000  }
0x19f: {  	_ =	swait.ge [sflag:s22], $0x2000  }
0x1a0: {  	[sflag:s22] =	ssyncset.done $0x0  }
0x1a1: {  	[sflag:s22] =	ssyncadd.s32 $0xFFFFE000  }
0x1a2: {  	_ =	swait.ge [sflag:s22], $0x2000  }
0x1a3: {  	[sflag:s22] =	ssyncset.done $0x0  }
0x1a4: {  	[sflag:s22] =	ssyncadd.s32 $0xFFFFE000  }
0x1a5: {  	s5 =	sand.u32 $0x7F, s10;
	_ =	swait.ge [sflag:s22], $0x2000  }
0x1a6: {  	s10 =	sadd.s32 $0xFFFFFFF1, s30;
	v5 =	vor.u32 s5, v0;
	[sflag:s22] =	ssyncset.done $0x0  }
0x1a7: {  	v6 =	vmov s10;
	[sflag:s22] =	ssyncadd.s32 $0xFFFFE000  }
0x1a8: {  	v6 =	vand.u32 $0x70, v6;
	_ =	swait.ge [sflag:s22], $0x2000  }
0x1a9: {  	v6 =	vbroadcast v6, $0x0;
	[sflag:s22] =	ssyncset.done $0x0  }
0x1aa: {  	[sflag:s22] =	ssyncadd.s32 $0xFFFFE000  }
0x1ab: {  	v7 =	vor.u32 v0, v6;
	v5 =	vld.idx.msk [tilespmem:v5+s14+$0x0], $0xffff  }
0x1ac: {  	v8 =	vor.u32 s5, v1;
	_ =	sdelay $0x3  }
0x1ad: {  	[tilespmem:v7+s24+$0x0] =	vst.idx.msk $0xffff, v5  }
0x1ae: {  	v63 =	vor.u32 v1, v6;
	v5 =	vld.idx.msk [tilespmem:v8+s14+$0x0], $0xffff  }
0x1af: {  	v12 =	vor.u32 s5, v2;
	_ =	sdelay $0x3  }
0x1b0: {  	[tilespmem:v63+s24+$0x0] =	vst.idx.msk $0xffff, v5  }
0x1b1: {  	v13 =	vor.u32 v2, v6;
	v5 =	vld.idx.msk [tilespmem:v12+s14+$0x0], $0xffff  }
0x1b2: {  	v14 =	vor.u32 s5, v3;
	_ =	sdelay $0x3  }
0x1b3: {  	[tilespmem:v13+s24+$0x0] =	vst.idx.msk $0xffff, v5  }
0x1b4: {  	s5 =	sand.u32 $0x7F, s9;
	v6 =	vor.u32 v3, v6;
	v5 =	vld.idx.msk [tilespmem:v14+s14+$0x0], $0xffff  }
0x1b5: {  	s10 =	sadd.s32 $0xFFFFFFF2, s30;
	v15 =	vor.u32 s5, v0  }
0x1b6: {  	v16 =	vmov s10  }
0x1b7: {  	v8 =	vand.u32 $0x71, v16  }
0x1b8: {  	v8 =	vbroadcast v8, $0x0  }
0x1b9: {  	[tilespmem:v6+s24+$0x0] =	vst.idx.msk $0xffff, v5  }
0x1ba: {  	v17 =	vor.u32 v0, v8;
	v5 =	vld.idx.msk [tilespmem:v15+s15+$0x0], $0xffff  }
0x1bb: {  	v18 =	vor.u32 s5, v1;
	_ =	sdelay $0x3  }
0x1bc: {  	[tilespmem:v17+s24+$0x0] =	vst.idx.msk $0xffff, v5  }
0x1bd: {  	v19 =	vor.u32 v1, v8;
	v5 =	vld.idx.msk [tilespmem:v18+s15+$0x0], $0xffff  }
0x1be: {  	v20 =	vor.u32 s5, v2;
	_ =	sdelay $0x3  }
0x1bf: {  	[tilespmem:v19+s24+$0x0] =	vst.idx.msk $0xffff, v5  }
0x1c0: {  	v21 =	vor.u32 v2, v8;
	v5 =	vld.idx.msk [tilespmem:v20+s15+$0x0], $0xffff  }
0x1c1: {  	v22 =	vor.u32 s5, v3;
	_ =	sdelay $0x3  }
0x1c2: {  	[tilespmem:v21+s24+$0x0] =	vst.idx.msk $0xffff, v5  }
0x1c3: {  	s9 =	sand.u32 $0x7F, s8;
	v23 =	vor.u32 v3, v8;
	v5 =	vld.idx.msk [tilespmem:v22+s15+$0x0], $0xffff  }
0x1c4: {  	s10 =	sadd.s32 $0xFFFFFFF3, s30;
	v24 =	vor.u32 s9, v0  }
0x1c5: {  	v25 =	vmov s10  }
0x1c6: {  	v8 =	vand.u32 $0x72, v25  }
0x1c7: {  	v8 =	vbroadcast v8, $0x0  }
0x1c8: {  	[tilespmem:v23+s24+$0x0] =	vst.idx.msk $0xffff, v5  }
0x1c9: {  	v26 =	vor.u32 v0, v8;
	v5 =	vld.idx.msk [tilespmem:v24+s16+$0x0], $0xffff  }
0x1ca: {  	v27 =	vor.u32 s9, v1;
	_ =	sdelay $0x3  }
0x1cb: {  	[tilespmem:v26+s24+$0x0] =	vst.idx.msk $0xffff, v5  }
0x1cc: {  	v28 =	vor.u32 v1, v8;
	v5 =	vld.idx.msk [tilespmem:v27+s16+$0x0], $0xffff  }
0x1cd: {  	v29 =	vor.u32 s9, v2;
	_ =	sdelay $0x3  }
0x1ce: {  	[tilespmem:v28+s24+$0x0] =	vst.idx.msk $0xffff, v5  }
0x1cf: {  	v30 =	vor.u32 v2, v8;
	v5 =	vld.idx.msk [tilespmem:v29+s16+$0x0], $0xffff  }
0x1d0: {  	v31 =	vor.u32 s9, v3;
	_ =	sdelay $0x3  }
0x1d1: {  	[tilespmem:v30+s24+$0x0] =	vst.idx.msk $0xffff, v5  }
0x1d2: {  	s9 =	sand.u32 $0x7F, s7;
	v32 =	vor.u32 v3, v8;
	v5 =	vld.idx.msk [tilespmem:v31+s16+$0x0], $0xffff  }
0x1d3: {  	s10 =	sadd.s32 $0xFFFFFFF4, s30;
	v33 =	vor.u32 s9, v0  }
0x1d4: {  	v34 =	vmov s10  }
0x1d5: {  	v8 =	vand.u32 $0x73, v34  }
0x1d6: {  	v8 =	vbroadcast v8, $0x0  }
0x1d7: {  	[tilespmem:v32+s24+$0x0] =	vst.idx.msk $0xffff, v5  }
0x1d8: {  	v35 =	vor.u32 v0, v8;
	v5 =	vld.idx.msk [tilespmem:v33+s17+$0x0], $0xffff  }
0x1d9: {  	v36 =	vor.u32 s9, v1;
	_ =	sdelay $0x3  }
0x1da: {  	[tilespmem:v35+s24+$0x0] =	vst.idx.msk $0xffff, v5  }
0x1db: {  	v37 =	vor.u32 v1, v8;
	v5 =	vld.idx.msk [tilespmem:v36+s17+$0x0], $0xffff  }
0x1dc: {  	v38 =	vor.u32 s9, v2;
	_ =	sdelay $0x3  }
0x1dd: {  	[tilespmem:v37+s24+$0x0] =	vst.idx.msk $0xffff, v5  }
0x1de: {  	v39 =	vor.u32 v2, v8;
	v5 =	vld.idx.msk [tilespmem:v38+s17+$0x0], $0xffff  }
0x1df: {  	v40 =	vor.u32 s9, v3;
	_ =	sdelay $0x3  }
0x1e0: {  	[tilespmem:v39+s24+$0x0] =	vst.idx.msk $0xffff, v5  }
0x1e1: {  	s8 =	sand.u32 $0x7F, s6;
	v41 =	vor.u32 v3, v8;
	v5 =	vld.idx.msk [tilespmem:v40+s17+$0x0], $0xffff  }
0x1e2: {  	v42 =	vor.u32 s8, v0;
	s9 =	sadd.s32 $0xFFFFFFF5, s30  }
0x1e3: {  	v43 =	vmov s9  }
0x1e4: {  	v8 =	vand.u32 $0x74, v43  }
0x1e5: {  	v8 =	vbroadcast v8, $0x0  }
0x1e6: {  	[tilespmem:v41+s24+$0x0] =	vst.idx.msk $0xffff, v5  }
0x1e7: {  	v44 =	vor.u32 v0, v8;
	v5 =	vld.idx.msk [tilespmem:v42+s18+$0x0], $0xffff  }
0x1e8: {  	v45 =	vor.u32 s8, v1;
	_ =	sdelay $0x3  }
0x1e9: {  	[tilespmem:v44+s24+$0x0] =	vst.idx.msk $0xffff, v5  }
0x1ea: {  	v46 =	vor.u32 v1, v8;
	v5 =	vld.idx.msk [tilespmem:v45+s18+$0x0], $0xffff  }
0x1eb: {  	v47 =	vor.u32 s8, v2;
	_ =	sdelay $0x3  }
0x1ec: {  	[tilespmem:v46+s24+$0x0] =	vst.idx.msk $0xffff, v5  }
0x1ed: {  	v48 =	vor.u32 v2, v8;
	v5 =	vld.idx.msk [tilespmem:v47+s18+$0x0], $0xffff  }
0x1ee: {  	v49 =	vor.u32 s8, v3;
	_ =	sdelay $0x3  }
0x1ef: {  	[tilespmem:v48+s24+$0x0] =	vst.idx.msk $0xffff, v5  }
0x1f0: {  	s3 =	sand.u32 $0x7F, s3;
	v50 =	vor.u32 v3, v8;
	v5 =	vld.idx.msk [tilespmem:v49+s18+$0x0], $0xffff  }
0x1f1: {  	v51 =	vor.u32 s3, v0;
	s10 =	sadd.s32 $0xFFFFFFF6, s30  }
0x1f2: {  	v52 =	vmov s10  }
0x1f3: {  	v8 =	vand.u32 $0x75, v52  }
0x1f4: {  	v8 =	vbroadcast v8, $0x0  }
0x1f5: {  	[tilespmem:v50+s24+$0x0] =	vst.idx.msk $0xffff, v5  }
0x1f6: {  	v53 =	vor.u32 v0, v8;
	v5 =	vld.idx.msk [tilespmem:v51+s19+$0x0], $0xffff  }
0x1f7: {  	v54 =	vor.u32 s3, v1;
	_ =	sdelay $0x3  }
0x1f8: {  	[tilespmem:v53+s24+$0x0] =	vst.idx.msk $0xffff, v5  }
0x1f9: {  	v55 =	vor.u32 v1, v8;
	v5 =	vld.idx.msk [tilespmem:v54+s19+$0x0], $0xffff  }
0x1fa: {  	v56 =	vor.u32 s3, v2;
	_ =	sdelay $0x3  }
0x1fb: {  	[tilespmem:v55+s24+$0x0] =	vst.idx.msk $0xffff, v5  }
0x1fc: {  	v57 =	vor.u32 v2, v8;
	v5 =	vld.idx.msk [tilespmem:v56+s19+$0x0], $0xffff  }
0x1fd: {  	v58 =	vor.u32 s3, v3;
	_ =	sdelay $0x3  }
0x1fe: {  	[tilespmem:v57+s24+$0x0] =	vst.idx.msk $0xffff, v5  }
0x1ff: {  	s0 =	sand.u32 $0x7F, s0;
	v59 =	vor.u32 v3, v8;
	v5 =	vld.idx.msk [tilespmem:v58+s19+$0x0], $0xffff  }
0x200: {  	v60 =	vor.u32 s0, v0;
	s6 =	sadd.s32 $0xFFFFFFF7, s30  }
0x201: {  	v61 =	vmov s6  }
0x202: {  	v8 =	vand.u32 $0x76, v61  }
0x203: {  	v8 =	vbroadcast v8, $0x0  }
0x204: {  	[tilespmem:v59+s24+$0x0] =	vst.idx.msk $0xffff, v5  }
0x205: {  	v62 =	vor.u32 v0, v8;
	v5 =	vld.idx.msk [tilespmem:v60+s20+$0x0], $0xffff  }
0x206: {  	v63 =	vor.u32 s0, v1;
	_ =	sdelay $0x3  }
0x207: {  	[tilespmem:v62+s24+$0x0] =	vst.idx.msk $0xffff, v5  }
0x208: {  	v9 =	vor.u32 v1, v8;
	v5 =	vld.idx.msk [tilespmem:v63+s20+$0x0], $0xffff  }
0x209: {  	v10 =	vor.u32 s0, v2;
	_ =	sdelay $0x3  }
0x20a: {  	[tilespmem:v9+s24+$0x0] =	vst.idx.msk $0xffff, v5  }
0x20b: {  	v11 =	vor.u32 v2, v8;
	v5 =	vld.idx.msk [tilespmem:v10+s20+$0x0], $0xffff  }
0x20c: {  	v12 =	vor.u32 s0, v3;
	_ =	sdelay $0x3  }
0x20d: {  	[tilespmem:v11+s24+$0x0] =	vst.idx.msk $0xffff, v5  }
0x20e: {  	s7 =	sand.u32 $0x7F, s31;
	v13 =	vor.u32 v3, v8;
	v5 =	vld.idx.msk [tilespmem:v12+s20+$0x0], $0xffff  }
0x20f: {  	s8 =	sadd.s32 $0xFFFFFFF8, s30;
	v14 =	vor.u32 s7, v0  }
0x210: {  	v15 =	vmov s8  }
0x211: {  	v8 =	vand.u32 $0x77, v15  }
0x212: {  	v8 =	vbroadcast v8, $0x0  }
0x213: {  	[tilespmem:v13+s24+$0x0] =	vst.idx.msk $0xffff, v5  }
0x214: {  	v16 =	vor.u32 v0, v8;
	v5 =	vld.idx.msk [tilespmem:v14+s21+$0x0], $0xffff  }
0x215: {  	(v2sf) =	vpush v4, $0x8;
	v17 =	vor.u32 s7, v1;
	_ =	sdelay $0x1  }
0x216: {  	(v2sf) =	vpush v4, $0x9;
	_ =	sdelay $0x1  }
0x217: {  	[tilespmem:v16+s24+$0x0] =	vst.idx.msk $0xffff, v5  }
0x218: {  	(v2sf) =	vpush v4, $0xA;
	v18 =	vor.u32 v1, v8;
	v5 =	vld.idx.msk [tilespmem:v17+s21+$0x0], $0xffff  }
0x219: {  	v19 =	vor.u32 s7, v2;
	_ =	sdelay $0x2  }
0x21a: {  	(v2sf) =	vpush v4, $0xB  }
0x21b: {  	[tilespmem:v18+s24+$0x0] =	vst.idx.msk $0xffff, v5  }
0x21c: {  	(v2sf) =	vpush v4, $0xC;
	v20 =	vor.u32 v2, v8;
	v5 =	vld.idx.msk [tilespmem:v19+s21+$0x0], $0xffff  }
0x21d: {  	v21 =	vor.u32 s7, v3;
	_ =	sdelay $0x2  }
0x21e: {  	s5 =	spop (v2sf);
	(v2sf) =	vpush v4, $0xD  }
0x21f: {  	s9 =	sand.u32 $0xFFFFF80, s5;
	[tilespmem:v20+s24+$0x0] =	vst.idx.msk $0xffff, v5  }
0x220: {  	s0 =	sadd.s32 s1, s9;
	s9 =	spop (v2sf);
	(v2sf) =	vpush v4, $0xE;
	v22 =	vor.u32 v3, v8;
	v5 =	vld.idx.msk [tilespmem:v21+s21+$0x0], $0xffff;
	_ =	sdelay $0x2  }
0x221: {  	s8 =	spop (v2sf);
	(v2sf) =	vpush v4, $0xF;
	_ =	sdelay $0x1  }
0x222: {  	s10 =	sand.u32 $0xFFFFF80, s9;
	[tilespmem:v22+s24+$0x0] =	vst.idx.msk $0xffff, v5  }
0x223: {  	[tilespmem:s14], [sflag:$0x1] =	stream.strided.gather [hbm4b:s0+s12], $0x2000, s13, s12, $0x38;
	[tilespmem:$0x16100] =	vst v63  }
0x224: {  	s31 =	sand.u32 $0xFFFFF80, s8;
	s7 =	spop (v2sf);
	s0 =	sadd.s32 s1, s10  }
0x225: {  	[tilespmem:s15], [sflag:$0x1] =	stream.strided.gather [hbm4b:s0+s12], $0x2000, s13, s12, $0x38;
	[tilespmem:$0x16100] =	vst v63  }
0x226: {  	s3 =	sand.u32 $0xFFFFF80, s7;
	s6 =	spop (v2sf);
	s0 =	sadd.s32 s1, s31  }
0x227: {  	[tilespmem:s16], [sflag:$0x1] =	stream.strided.gather [hbm4b:s0+s12], $0x2000, s13, s12, $0x38;
	[tilespmem:$0x16100] =	vst v63  }
0x228: {  	s10 =	sand.u32 $0xFFFFF80, s6;
	s0 =	sadd.s32 s1, s3  }
0x229: {  	[tilespmem:s17], [sflag:$0x1] =	stream.strided.gather [hbm4b:s0+s12], $0x2000, s13, s12, $0x38;
	[tilespmem:$0x16100] =	vst v63  }
0x22a: {  	s3 =	spop (v2sf);
	s0 =	sadd.s32 s1, s10  }
0x22b: {  	[tilespmem:s18], [sflag:$0x1] =	stream.strided.gather [hbm4b:s0+s12], $0x2000, s13, s12, $0x38;
	[tilespmem:$0x16100] =	vst v63  }
0x22c: {  	s31 =	sand.u32 $0xFFFFF80, s3;
	s0 =	spop (v2sf)  }
0x22d: {  	s10 =	sadd.s32 s1, s31;
	s31 =	sand.u32 $0xFFFFF80, s0  }
0x22e: {  	[tilespmem:s19], [sflag:$0x1] =	stream.strided.gather [hbm4b:s10+s12], $0x2000, s13, s12, $0x38;
	[tilespmem:$0x16100] =	vst v63  }
0x22f: {  	s10 =	sadd.s32 s1, s31;
	s31 =	spop (v2sf)  }
0x230: {  	[tilespmem:s20], [sflag:$0x1] =	stream.strided.gather [hbm4b:s10+s12], $0x2000, s13, s12, $0x38;
	[tilespmem:$0x16100] =	vst v63  }
0x231: {  	s10 =	sand.u32 $0xFFFFF80, s31  }
0x232: {  	s10 =	sadd.s32 s1, s10  }
0x233: {  	[tilespmem:s21], [sflag:$0x1] =	stream.strided.gather [hbm4b:s10+s12], $0x2000, s13, s12, $0x38;
	[tilespmem:$0x16100] =	vst v63  }
0x234: {  	_ =	swait.ge [sflag:s22], $0x2000  }
0x235: {  	[sflag:s22] =	ssyncset.done $0x0  }
0x236: {  	[sflag:s22] =	ssyncadd.s32 $0xFFFFE000  }
0x237: {  	_ =	swait.ge [sflag:s22], $0x2000  }
0x238: {  	[sflag:s22] =	ssyncset.done $0x0  }
0x239: {  	[sflag:s22] =	ssyncadd.s32 $0xFFFFE000  }
0x23a: {  	_ =	swait.ge [sflag:s22], $0x2000  }
0x23b: {  	[sflag:s22] =	ssyncset.done $0x0  }
0x23c: {  	[sflag:s22] =	ssyncadd.s32 $0xFFFFE000  }
0x23d: {  	_ =	swait.ge [sflag:s22], $0x2000  }
0x23e: {  	[sflag:s22] =	ssyncset.done $0x0  }
0x23f: {  	[sflag:s22] =	ssyncadd.s32 $0xFFFFE000  }
0x240: {  	_ =	swait.ge [sflag:s22], $0x2000  }
0x241: {  	[sflag:s22] =	ssyncset.done $0x0  }
0x242: {  	[sflag:s22] =	ssyncadd.s32 $0xFFFFE000  }
0x243: {  	_ =	swait.ge [sflag:s22], $0x2000  }
0x244: {  	[sflag:s22] =	ssyncset.done $0x0  }
0x245: {  	[sflag:s22] =	ssyncadd.s32 $0xFFFFE000  }
0x246: {  	s5 =	sand.u32 $0x7F, s5;
	_ =	swait.ge [sflag:s22], $0x2000  }
0x247: {  	v4 =	vor.u32 s5, v0;
	s10 =	sadd.s32 $0xFFFFFFF9, s30;
	[sflag:s22] =	ssyncset.done $0x0  }
0x248: {  	v5 =	vmov s10;
	[sflag:s22] =	ssyncadd.s32 $0xFFFFE000  }
0x249: {  	v5 =	vand.u32 $0x78, v5;
	_ =	swait.ge [sflag:s22], $0x2000  }
0x24a: {  	v5 =	vbroadcast v5, $0x0;
	[sflag:s22] =	ssyncset.done $0x0  }
0x24b: {  	[sflag:s22] =	ssyncadd.s32 $0xFFFFE000  }
0x24c: {  	v23 =	vor.u32 v0, v5;
	v4 =	vld.idx.msk [tilespmem:v4+s14+$0x0], $0xffff  }
0x24d: {  	v24 =	vor.u32 s5, v1;
	_ =	sdelay $0x3  }
0x24e: {  	[tilespmem:v23+s24+$0x0] =	vst.idx.msk $0xffff, v4  }
0x24f: {  	v25 =	vor.u32 v1, v5;
	v4 =	vld.idx.msk [tilespmem:v24+s14+$0x0], $0xffff  }
0x250: {  	v26 =	vor.u32 s5, v2;
	_ =	sdelay $0x3  }
0x251: {  	[tilespmem:v25+s24+$0x0] =	vst.idx.msk $0xffff, v4  }
0x252: {  	v27 =	vor.u32 v2, v5;
	v4 =	vld.idx.msk [tilespmem:v26+s14+$0x0], $0xffff  }
0x253: {  	v28 =	vor.u32 s5, v3;
	_ =	sdelay $0x3  }
0x254: {  	[tilespmem:v27+s24+$0x0] =	vst.idx.msk $0xffff, v4  }
0x255: {  	s5 =	sand.u32 $0x7F, s9;
	v5 =	vor.u32 v3, v5;
	v4 =	vld.idx.msk [tilespmem:v28+s14+$0x0], $0xffff  }
0x256: {  	v29 =	vor.u32 s5, v0;
	s10 =	sadd.s32 $0xFFFFFFFA, s30  }
0x257: {  	v30 =	vmov s10  }
0x258: {  	v7 =	vand.u32 $0x79, v30  }
0x259: {  	v7 =	vbroadcast v7, $0x0  }
0x25a: {  	[tilespmem:v5+s24+$0x0] =	vst.idx.msk $0xffff, v4  }
0x25b: {  	v5 =	vor.u32 v0, v7;
	v4 =	vld.idx.msk [tilespmem:v29+s15+$0x0], $0xffff  }
0x25c: {  	v31 =	vor.u32 s5, v1;
	_ =	sdelay $0x3  }
0x25d: {  	[tilespmem:v5+s24+$0x0] =	vst.idx.msk $0xffff, v4  }
0x25e: {  	v5 =	vor.u32 v1, v7;
	v4 =	vld.idx.msk [tilespmem:v31+s15+$0x0], $0xffff  }
0x25f: {  	v32 =	vor.u32 s5, v2;
	_ =	sdelay $0x3  }
0x260: {  	[tilespmem:v5+s24+$0x0] =	vst.idx.msk $0xffff, v4  }
0x261: {  	v5 =	vor.u32 v2, v7;
	v4 =	vld.idx.msk [tilespmem:v32+s15+$0x0], $0xffff  }
0x262: {  	v33 =	vor.u32 s5, v3;
	_ =	sdelay $0x3  }
0x263: {  	[tilespmem:v5+s24+$0x0] =	vst.idx.msk $0xffff, v4  }
0x264: {  	s9 =	sand.u32 $0x7F, s8;
	v5 =	vor.u32 v3, v7;
	v4 =	vld.idx.msk [tilespmem:v33+s15+$0x0], $0xffff  }
0x265: {  	v34 =	vor.u32 s9, v0;
	s10 =	sadd.s32 $0xFFFFFFFB, s30  }
0x266: {  	v35 =	vmov s10  }
0x267: {  	v7 =	vand.u32 $0x7A, v35  }
0x268: {  	v7 =	vbroadcast v7, $0x0  }
0x269: {  	[tilespmem:v5+s24+$0x0] =	vst.idx.msk $0xffff, v4  }
0x26a: {  	v5 =	vor.u32 v0, v7;
	v4 =	vld.idx.msk [tilespmem:v34+s16+$0x0], $0xffff  }
0x26b: {  	v36 =	vor.u32 s9, v1;
	_ =	sdelay $0x3  }
0x26c: {  	[tilespmem:v5+s24+$0x0] =	vst.idx.msk $0xffff, v4  }
0x26d: {  	v5 =	vor.u32 v1, v7;
	v4 =	vld.idx.msk [tilespmem:v36+s16+$0x0], $0xffff  }
0x26e: {  	v37 =	vor.u32 s9, v2;
	_ =	sdelay $0x3  }
0x26f: {  	[tilespmem:v5+s24+$0x0] =	vst.idx.msk $0xffff, v4  }
0x270: {  	v5 =	vor.u32 v2, v7;
	v4 =	vld.idx.msk [tilespmem:v37+s16+$0x0], $0xffff  }
0x271: {  	v38 =	vor.u32 s9, v3;
	_ =	sdelay $0x3  }
0x272: {  	[tilespmem:v5+s24+$0x0] =	vst.idx.msk $0xffff, v4  }
0x273: {  	s9 =	sand.u32 $0x7F, s7;
	v5 =	vor.u32 v3, v7;
	v4 =	vld.idx.msk [tilespmem:v38+s16+$0x0], $0xffff  }
0x274: {  	v39 =	vor.u32 s9, v0;
	s10 =	sadd.s32 $0xFFFFFFFC, s30  }
0x275: {  	v40 =	vmov s10  }
0x276: {  	v7 =	vand.u32 $0x7B, v40  }
0x277: {  	v7 =	vbroadcast v7, $0x0  }
0x278: {  	[tilespmem:v5+s24+$0x0] =	vst.idx.msk $0xffff, v4  }
0x279: {  	v5 =	vor.u32 v0, v7;
	v4 =	vld.idx.msk [tilespmem:v39+s17+$0x0], $0xffff  }
0x27a: {  	v41 =	vor.u32 s9, v1;
	_ =	sdelay $0x3  }
0x27b: {  	[tilespmem:v5+s24+$0x0] =	vst.idx.msk $0xffff, v4  }
0x27c: {  	v5 =	vor.u32 v1, v7;
	v4 =	vld.idx.msk [tilespmem:v41+s17+$0x0], $0xffff  }
0x27d: {  	v42 =	vor.u32 s9, v2;
	_ =	sdelay $0x3  }
0x27e: {  	[tilespmem:v5+s24+$0x0] =	vst.idx.msk $0xffff, v4  }
0x27f: {  	v5 =	vor.u32 v2, v7;
	v4 =	vld.idx.msk [tilespmem:v42+s17+$0x0], $0xffff  }
0x280: {  	v43 =	vor.u32 s9, v3;
	_ =	sdelay $0x3  }
0x281: {  	[tilespmem:v5+s24+$0x0] =	vst.idx.msk $0xffff, v4  }
0x282: {  	s7 =	sand.u32 $0x7F, s6;
	v5 =	vor.u32 v3, v7;
	v4 =	vld.idx.msk [tilespmem:v43+s17+$0x0], $0xffff  }
0x283: {  	s8 =	sadd.s32 $0xFFFFFFFD, s30;
	v44 =	vor.u32 s7, v0  }
0x284: {  	v45 =	vmov s8  }
0x285: {  	v7 =	vand.u32 $0x7C, v45  }
0x286: {  	v7 =	vbroadcast v7, $0x0  }
0x287: {  	[tilespmem:v5+s24+$0x0] =	vst.idx.msk $0xffff, v4  }
0x288: {  	v5 =	vor.u32 v0, v7;
	v4 =	vld.idx.msk [tilespmem:v44+s18+$0x0], $0xffff  }
0x289: {  	v46 =	vor.u32 s7, v1;
	_ =	sdelay $0x3  }
0x28a: {  	[tilespmem:v5+s24+$0x0] =	vst.idx.msk $0xffff, v4  }
0x28b: {  	v5 =	vor.u32 v1, v7;
	v4 =	vld.idx.msk [tilespmem:v46+s18+$0x0], $0xffff  }
0x28c: {  	v47 =	vor.u32 s7, v2;
	_ =	sdelay $0x3  }
0x28d: {  	[tilespmem:v5+s24+$0x0] =	vst.idx.msk $0xffff, v4  }
0x28e: {  	v5 =	vor.u32 v2, v7;
	v4 =	vld.idx.msk [tilespmem:v47+s18+$0x0], $0xffff  }
0x28f: {  	v48 =	vor.u32 s7, v3;
	_ =	sdelay $0x3  }
0x290: {  	[tilespmem:v5+s24+$0x0] =	vst.idx.msk $0xffff, v4  }
0x291: {  	s3 =	sand.u32 $0x7F, s3;
	v5 =	vor.u32 v3, v7;
	v4 =	vld.idx.msk [tilespmem:v48+s18+$0x0], $0xffff  }
0x292: {  	s9 =	sadd.s32 $0xFFFFFFFE, s30;
	v49 =	vor.u32 s3, v0  }
0x293: {  	v50 =	vmov s9  }
0x294: {  	v7 =	vand.u32 $0x7D, v50  }
0x295: {  	v7 =	vbroadcast v7, $0x0  }
0x296: {  	[tilespmem:v5+s24+$0x0] =	vst.idx.msk $0xffff, v4  }
0x297: {  	v5 =	vor.u32 v0, v7;
	v4 =	vld.idx.msk [tilespmem:v49+s19+$0x0], $0xffff  }
0x298: {  	v51 =	vor.u32 s3, v1;
	_ =	sdelay $0x3  }
0x299: {  	[tilespmem:v5+s24+$0x0] =	vst.idx.msk $0xffff, v4  }
0x29a: {  	v5 =	vor.u32 v1, v7;
	v4 =	vld.idx.msk [tilespmem:v51+s19+$0x0], $0xffff  }
0x29b: {  	v52 =	vor.u32 s3, v2;
	_ =	sdelay $0x3  }
0x29c: {  	[tilespmem:v5+s24+$0x0] =	vst.idx.msk $0xffff, v4  }
0x29d: {  	v5 =	vor.u32 v2, v7;
	v4 =	vld.idx.msk [tilespmem:v52+s19+$0x0], $0xffff  }
0x29e: {  	v53 =	vor.u32 s3, v3;
	_ =	sdelay $0x3  }
0x29f: {  	[tilespmem:v5+s24+$0x0] =	vst.idx.msk $0xffff, v4  }
0x2a0: {  	s0 =	sand.u32 $0x7F, s0;
	v5 =	vor.u32 v3, v7;
	v4 =	vld.idx.msk [tilespmem:v53+s19+$0x0], $0xffff  }
0x2a1: {  	v54 =	vor.u32 s0, v0;
	s10 =	sadd.s32 $0xFFFFFFFF, s30  }
0x2a2: {  	v55 =	vmov s10  }
0x2a3: {  	v7 =	vand.u32 $0x7E, v55  }
0x2a4: {  	v7 =	vbroadcast v7, $0x0  }
0x2a5: {  	[tilespmem:v5+s24+$0x0] =	vst.idx.msk $0xffff, v4  }
0x2a6: {  	v5 =	vor.u32 v0, v7;
	v4 =	vld.idx.msk [tilespmem:v54+s20+$0x0], $0xffff  }
0x2a7: {  	v56 =	vor.u32 s0, v1;
	_ =	sdelay $0x3  }
0x2a8: {  	[tilespmem:v5+s24+$0x0] =	vst.idx.msk $0xffff, v4  }
0x2a9: {  	v5 =	vor.u32 v1, v7;
	v4 =	vld.idx.msk [tilespmem:v56+s20+$0x0], $0xffff  }
0x2aa: {  	v57 =	vor.u32 s0, v2;
	_ =	sdelay $0x3  }
0x2ab: {  	[tilespmem:v5+s24+$0x0] =	vst.idx.msk $0xffff, v4  }
0x2ac: {  	v5 =	vor.u32 v2, v7;
	v4 =	vld.idx.msk [tilespmem:v57+s20+$0x0], $0xffff  }
0x2ad: {  	v58 =	vor.u32 s0, v3;
	_ =	sdelay $0x3  }
0x2ae: {  	[tilespmem:v5+s24+$0x0] =	vst.idx.msk $0xffff, v4  }
0x2af: {  	s31 =	sand.u32 $0x7F, s31;
	v5 =	vor.u32 v3, v7;
	v4 =	vld.idx.msk [tilespmem:v58+s20+$0x0], $0xffff  }
0x2b0: {  	v59 =	vor.u32 s31, v0  }
0x2b1: {  	v60 =	vmov s30  }
0x2b2: {  	v7 =	vand.u32 $0x7F, v60  }
0x2b3: {  	v7 =	vbroadcast v7, $0x0  }
0x2b4: {  	[tilespmem:v5+s24+$0x0] =	vst.idx.msk $0xffff, v4  }
0x2b5: {  	v5 =	vor.u32 v0, v7;
	v4 =	vld.idx.msk [tilespmem:v59+s21+$0x0], $0xffff  }
0x2b6: {  	v61 =	vor.u32 s31, v1;
	_ =	sdelay $0x3  }
0x2b7: {  	[tilespmem:v5+s24+$0x0] =	vst.idx.msk $0xffff, v4  }
0x2b8: {  	v5 =	vor.u32 v1, v7;
	v4 =	vld.idx.msk [tilespmem:v61+s21+$0x0], $0xffff  }
0x2b9: {  	v62 =	vor.u32 s31, v2;
	_ =	sdelay $0x3  }
0x2ba: {  	[tilespmem:v5+s24+$0x0] =	vst.idx.msk $0xffff, v4  }
0x2bb: {  	v5 =	vor.u32 v2, v7;
	v4 =	vld.idx.msk [tilespmem:v62+s21+$0x0], $0xffff  }
0x2bc: {  	v63 =	vor.u32 s31, v3;
	_ =	sdelay $0x3  }
0x2bd: {  	[tilespmem:v5+s24+$0x0] =	vst.idx.msk $0xffff, v4  }
0x2be: {  	p0 =	sne.s32 s30, $0x7F;
	v5 =	vor.u32 v3, v7;
	v4 =	vld.idx.msk [tilespmem:v63+s21+$0x0], $0xffff  }
.Ltmp1:
0x2bf: {  	_ = 	snop;
	(pc) =	sbr.rel @p0 .LBB2_4-.Ltmp1, $2  }
0x2c0: {  	_ =	sdelay $0x2  }
0x2c1: {  	s29 =	sadd.s32 $0x10, s29;
	s30 =	sadd.s32 $0x10, s30;
	[tilespmem:v5+s24+$0x0] =	vst.idx.msk $0xffff, v4  }
0x2c2: {  	s29 =	simm.s32 $0x80  }
.LBB2_6:
0x2c3: {  	v4 =	vld [tilespmem:s29+$0x0];
	_ =	sdelay $0x4  }
0x2c4: {  	(v2sf) =	vpush v4, $0x0  }
0x2c5: {  	(v2sf) =	vpush v4, $0x1;
	_ =	sdelay $0x4  }
0x2c6: {  	(v2sf) =	vpush v4, $0x2;
	_ =	sdelay $0x2  }
0x2c7: {  	(v2sf) =	vpush v4, $0x3;
	_ =	sdelay $0x5  }
0x2c8: {  	s5 =	spop (v2sf);
	(v2sf) =	vpush v4, $0x4  }
0x2c9: {  	s9 =	spop (v2sf);
	(v2sf) =	vpush v4, $0x5;
	_ =	sdelay $0x4  }
0x2ca: {  	s0 =	sand.u32 $0xFFFFF80, s5;
	s8 =	spop (v2sf);
	(v2sf) =	vpush v4, $0x6  }
0x2cb: {  	s0 =	sadd.s32 s2, s0;
	s31 =	sand.u32 $0xFFFFF80, s9;
	(v2sf) =	vpush v4, $0x7  }
0x2cc: {  	[tilespmem:s14], [sflag:$0x1] =	stream.strided.gather [hbm4b:s0+s12], $0x2000, s13, s12, $0x38;
	[tilespmem:$0x16100] =	vst v63  }
0x2cd: {  	s0 =	sadd.s32 s2, s31;
	s3 =	sand.u32 $0xFFFFF80, s8;
	s7 =	spop (v2sf)  }
0x2ce: {  	[tilespmem:s15], [sflag:$0x1] =	stream.strided.gather [hbm4b:s0+s12], $0x2000, s13, s12, $0x38;
	[tilespmem:$0x16100] =	vst v63  }
0x2cf: {  	s6 =	sand.u32 $0xFFFFF80, s7;
	s0 =	sadd.s32 s2, s3  }
0x2d0: {  	[tilespmem:s16], [sflag:$0x1] =	stream.strided.gather [hbm4b:s0+s12], $0x2000, s13, s12, $0x38;
	[tilespmem:$0x16100] =	vst v63  }
0x2d1: {  	s0 =	sadd.s32 s2, s6  }
0x2d2: {  	[tilespmem:s17], [sflag:$0x1] =	stream.strided.gather [hbm4b:s0+s12], $0x2000, s13, s12, $0x38;
	[tilespmem:$0x16100] =	vst v63  }
0x2d3: {  	s6 =	spop (v2sf)  }
0x2d4: {  	s10 =	sand.u32 $0xFFFFF80, s6;
	s3 =	spop (v2sf)  }
0x2d5: {  	s0 =	sadd.s32 s2, s10;
	s30 =	sand.u32 $0xFFFFF80, s3  }
0x2d6: {  	[tilespmem:s18], [sflag:$0x1] =	stream.strided.gather [hbm4b:s0+s12], $0x2000, s13, s12, $0x38;
	[tilespmem:$0x16100] =	vst v63  }
0x2d7: {  	s0 =	sadd.s32 s2, s30  }
0x2d8: {  	[tilespmem:s19], [sflag:$0x1] =	stream.strided.gather [hbm4b:s0+s12], $0x2000, s13, s12, $0x38;
	[tilespmem:$0x16100] =	vst v63  }
0x2d9: {  	s0 =	spop (v2sf)  }
0x2da: {  	s10 =	sand.u32 $0xFFFFF80, s0;
	s30 =	spop (v2sf)  }
0x2db: {  	s10 =	sadd.s32 s2, s10;
	s31 =	sand.u32 $0xFFFFF80, s30  }
0x2dc: {  	[tilespmem:s20], [sflag:$0x1] =	stream.strided.gather [hbm4b:s10+s12], $0x2000, s13, s12, $0x38;
	[tilespmem:$0x16100] =	vst v63  }
0x2dd: {  	s10 =	sadd.s32 s2, s31  }
0x2de: {  	[tilespmem:s21], [sflag:$0x1] =	stream.strided.gather [hbm4b:s10+s12], $0x2000, s13, s12, $0x38;
	[tilespmem:$0x16100] =	vst v63  }
0x2df: {  	_ =	swait.ge [sflag:s22], $0x2000  }
0x2e0: {  	[sflag:s22] =	ssyncset.done $0x0  }
0x2e1: {  	[sflag:s22] =	ssyncadd.s32 $0xFFFFE000  }
0x2e2: {  	_ =	swait.ge [sflag:s22], $0x2000  }
0x2e3: {  	[sflag:s22] =	ssyncset.done $0x0  }
0x2e4: {  	[sflag:s22] =	ssyncadd.s32 $0xFFFFE000  }
0x2e5: {  	_ =	swait.ge [sflag:s22], $0x2000  }
0x2e6: {  	[sflag:s22] =	ssyncset.done $0x0  }
0x2e7: {  	[sflag:s22] =	ssyncadd.s32 $0xFFFFE000  }
0x2e8: {  	_ =	swait.ge [sflag:s22], $0x2000  }
0x2e9: {  	[sflag:s22] =	ssyncset.done $0x0  }
0x2ea: {  	[sflag:s22] =	ssyncadd.s32 $0xFFFFE000  }
0x2eb: {  	_ =	swait.ge [sflag:s22], $0x2000  }
0x2ec: {  	[sflag:s22] =	ssyncset.done $0x0  }
0x2ed: {  	[sflag:s22] =	ssyncadd.s32 $0xFFFFE000  }
0x2ee: {  	_ =	swait.ge [sflag:s22], $0x2000  }
0x2ef: {  	[sflag:s22] =	ssyncset.done $0x0  }
0x2f0: {  	[sflag:s22] =	ssyncadd.s32 $0xFFFFE000  }
0x2f1: {  	s5 =	sand.u32 $0x7F, s5;
	_ =	swait.ge [sflag:s22], $0x2000  }
0x2f2: {  	v5 =	vor.u32 s5, v0;
	s31 =	sadd.s32 $0xFFFFFFF1, s28;
	[sflag:s22] =	ssyncset.done $0x0  }
0x2f3: {  	v6 =	vmov s31;
	[sflag:s22] =	ssyncadd.s32 $0xFFFFE000  }
0x2f4: {  	v6 =	vand.u32 $0x70, v6;
	_ =	swait.ge [sflag:s22], $0x2000  }
0x2f5: {  	v6 =	vbroadcast v6, $0x0;
	[sflag:s22] =	ssyncset.done $0x0  }
0x2f6: {  	[sflag:s22] =	ssyncadd.s32 $0xFFFFE000  }
0x2f7: {  	v7 =	vor.u32 v0, v6;
	v5 =	vld.idx.msk [tilespmem:v5+s14+$0x0], $0xffff  }
0x2f8: {  	v8 =	vor.u32 s5, v1;
	_ =	sdelay $0x3  }
0x2f9: {  	[tilespmem:v7+s25+$0x0] =	vst.idx.msk $0xffff, v5  }
0x2fa: {  	v63 =	vor.u32 v1, v6;
	v5 =	vld.idx.msk [tilespmem:v8+s14+$0x0], $0xffff  }
0x2fb: {  	v12 =	vor.u32 s5, v2;
	_ =	sdelay $0x3  }
0x2fc: {  	[tilespmem:v63+s25+$0x0] =	vst.idx.msk $0xffff, v5  }
0x2fd: {  	v13 =	vor.u32 v2, v6;
	v5 =	vld.idx.msk [tilespmem:v12+s14+$0x0], $0xffff  }
0x2fe: {  	v14 =	vor.u32 s5, v3;
	_ =	sdelay $0x3  }
0x2ff: {  	[tilespmem:v13+s25+$0x0] =	vst.idx.msk $0xffff, v5  }
0x300: {  	s10 =	sand.u32 $0x7F, s9;
	v6 =	vor.u32 v3, v6;
	v5 =	vld.idx.msk [tilespmem:v14+s14+$0x0], $0xffff  }
0x301: {  	s31 =	sadd.s32 $0xFFFFFFF2, s28;
	v15 =	vor.u32 s10, v0  }
0x302: {  	v16 =	vmov s31  }
0x303: {  	v8 =	vand.u32 $0x71, v16  }
0x304: {  	v8 =	vbroadcast v8, $0x0  }
0x305: {  	[tilespmem:v6+s25+$0x0] =	vst.idx.msk $0xffff, v5  }
0x306: {  	v17 =	vor.u32 v0, v8;
	v5 =	vld.idx.msk [tilespmem:v15+s15+$0x0], $0xffff  }
0x307: {  	v18 =	vor.u32 s10, v1;
	_ =	sdelay $0x3  }
0x308: {  	[tilespmem:v17+s25+$0x0] =	vst.idx.msk $0xffff, v5  }
0x309: {  	v19 =	vor.u32 v1, v8;
	v5 =	vld.idx.msk [tilespmem:v18+s15+$0x0], $0xffff  }
0x30a: {  	v20 =	vor.u32 s10, v2;
	_ =	sdelay $0x3  }
0x30b: {  	[tilespmem:v19+s25+$0x0] =	vst.idx.msk $0xffff, v5  }
0x30c: {  	v21 =	vor.u32 v2, v8;
	v5 =	vld.idx.msk [tilespmem:v20+s15+$0x0], $0xffff  }
0x30d: {  	v22 =	vor.u32 s10, v3;
	_ =	sdelay $0x3  }
0x30e: {  	[tilespmem:v21+s25+$0x0] =	vst.idx.msk $0xffff, v5  }
0x30f: {  	s10 =	sand.u32 $0x7F, s8;
	v23 =	vor.u32 v3, v8;
	v5 =	vld.idx.msk [tilespmem:v22+s15+$0x0], $0xffff  }
0x310: {  	s31 =	sadd.s32 $0xFFFFFFF3, s28;
	v24 =	vor.u32 s10, v0  }
0x311: {  	v25 =	vmov s31  }
0x312: {  	v8 =	vand.u32 $0x72, v25  }
0x313: {  	v8 =	vbroadcast v8, $0x0  }
0x314: {  	[tilespmem:v23+s25+$0x0] =	vst.idx.msk $0xffff, v5  }
0x315: {  	v26 =	vor.u32 v0, v8;
	v5 =	vld.idx.msk [tilespmem:v24+s16+$0x0], $0xffff  }
0x316: {  	v27 =	vor.u32 s10, v1;
	_ =	sdelay $0x3  }
0x317: {  	[tilespmem:v26+s25+$0x0] =	vst.idx.msk $0xffff, v5  }
0x318: {  	v28 =	vor.u32 v1, v8;
	v5 =	vld.idx.msk [tilespmem:v27+s16+$0x0], $0xffff  }
0x319: {  	v29 =	vor.u32 s10, v2;
	_ =	sdelay $0x3  }
0x31a: {  	[tilespmem:v28+s25+$0x0] =	vst.idx.msk $0xffff, v5  }
0x31b: {  	v30 =	vor.u32 v2, v8;
	v5 =	vld.idx.msk [tilespmem:v29+s16+$0x0], $0xffff  }
0x31c: {  	v31 =	vor.u32 s10, v3;
	_ =	sdelay $0x3  }
0x31d: {  	[tilespmem:v30+s25+$0x0] =	vst.idx.msk $0xffff, v5  }
0x31e: {  	s9 =	sand.u32 $0x7F, s7;
	v32 =	vor.u32 v3, v8;
	v5 =	vld.idx.msk [tilespmem:v31+s16+$0x0], $0xffff  }
0x31f: {  	v33 =	vor.u32 s9, v0;
	s10 =	sadd.s32 $0xFFFFFFF4, s28  }
0x320: {  	v34 =	vmov s10  }
0x321: {  	v8 =	vand.u32 $0x73, v34  }
0x322: {  	v8 =	vbroadcast v8, $0x0  }
0x323: {  	[tilespmem:v32+s25+$0x0] =	vst.idx.msk $0xffff, v5  }
0x324: {  	v35 =	vor.u32 v0, v8;
	v5 =	vld.idx.msk [tilespmem:v33+s17+$0x0], $0xffff  }
0x325: {  	v36 =	vor.u32 s9, v1;
	_ =	sdelay $0x3  }
0x326: {  	[tilespmem:v35+s25+$0x0] =	vst.idx.msk $0xffff, v5  }
0x327: {  	v37 =	vor.u32 v1, v8;
	v5 =	vld.idx.msk [tilespmem:v36+s17+$0x0], $0xffff  }
0x328: {  	v38 =	vor.u32 s9, v2;
	_ =	sdelay $0x3  }
0x329: {  	[tilespmem:v37+s25+$0x0] =	vst.idx.msk $0xffff, v5  }
0x32a: {  	v39 =	vor.u32 v2, v8;
	v5 =	vld.idx.msk [tilespmem:v38+s17+$0x0], $0xffff  }
0x32b: {  	v40 =	vor.u32 s9, v3;
	_ =	sdelay $0x3  }
0x32c: {  	[tilespmem:v39+s25+$0x0] =	vst.idx.msk $0xffff, v5  }
0x32d: {  	s31 =	sand.u32 $0x7F, s6;
	v41 =	vor.u32 v3, v8;
	v5 =	vld.idx.msk [tilespmem:v40+s17+$0x0], $0xffff  }
0x32e: {  	s7 =	sadd.s32 $0xFFFFFFF5, s28;
	v42 =	vor.u32 s31, v0  }
0x32f: {  	v43 =	vmov s7  }
0x330: {  	v8 =	vand.u32 $0x74, v43  }
0x331: {  	v8 =	vbroadcast v8, $0x0  }
0x332: {  	[tilespmem:v41+s25+$0x0] =	vst.idx.msk $0xffff, v5  }
0x333: {  	v44 =	vor.u32 v0, v8;
	v5 =	vld.idx.msk [tilespmem:v42+s18+$0x0], $0xffff  }
0x334: {  	v45 =	vor.u32 s31, v1;
	_ =	sdelay $0x3  }
0x335: {  	[tilespmem:v44+s25+$0x0] =	vst.idx.msk $0xffff, v5  }
0x336: {  	v46 =	vor.u32 v1, v8;
	v5 =	vld.idx.msk [tilespmem:v45+s18+$0x0], $0xffff  }
0x337: {  	v47 =	vor.u32 s31, v2;
	_ =	sdelay $0x3  }
0x338: {  	[tilespmem:v46+s25+$0x0] =	vst.idx.msk $0xffff, v5  }
0x339: {  	v48 =	vor.u32 v2, v8;
	v5 =	vld.idx.msk [tilespmem:v47+s18+$0x0], $0xffff  }
0x33a: {  	v49 =	vor.u32 s31, v3;
	_ =	sdelay $0x3  }
0x33b: {  	[tilespmem:v48+s25+$0x0] =	vst.idx.msk $0xffff, v5  }
0x33c: {  	s3 =	sand.u32 $0x7F, s3;
	v50 =	vor.u32 v3, v8;
	v5 =	vld.idx.msk [tilespmem:v49+s18+$0x0], $0xffff  }
0x33d: {  	v51 =	vor.u32 s3, v0;
	s8 =	sadd.s32 $0xFFFFFFF6, s28  }
0x33e: {  	v52 =	vmov s8  }
0x33f: {  	v8 =	vand.u32 $0x75, v52  }
0x340: {  	v8 =	vbroadcast v8, $0x0  }
0x341: {  	[tilespmem:v50+s25+$0x0] =	vst.idx.msk $0xffff, v5  }
0x342: {  	v53 =	vor.u32 v0, v8;
	v5 =	vld.idx.msk [tilespmem:v51+s19+$0x0], $0xffff  }
0x343: {  	v54 =	vor.u32 s3, v1;
	_ =	sdelay $0x3  }
0x344: {  	[tilespmem:v53+s25+$0x0] =	vst.idx.msk $0xffff, v5  }
0x345: {  	v55 =	vor.u32 v1, v8;
	v5 =	vld.idx.msk [tilespmem:v54+s19+$0x0], $0xffff  }
0x346: {  	v56 =	vor.u32 s3, v2;
	_ =	sdelay $0x3  }
0x347: {  	[tilespmem:v55+s25+$0x0] =	vst.idx.msk $0xffff, v5  }
0x348: {  	v57 =	vor.u32 v2, v8;
	v5 =	vld.idx.msk [tilespmem:v56+s19+$0x0], $0xffff  }
0x349: {  	v58 =	vor.u32 s3, v3;
	_ =	sdelay $0x3  }
0x34a: {  	[tilespmem:v57+s25+$0x0] =	vst.idx.msk $0xffff, v5  }
0x34b: {  	s0 =	sand.u32 $0x7F, s0;
	v59 =	vor.u32 v3, v8;
	v5 =	vld.idx.msk [tilespmem:v58+s19+$0x0], $0xffff  }
0x34c: {  	v60 =	vor.u32 s0, v0;
	s9 =	sadd.s32 $0xFFFFFFF7, s28  }
0x34d: {  	v61 =	vmov s9  }
0x34e: {  	v8 =	vand.u32 $0x76, v61  }
0x34f: {  	v8 =	vbroadcast v8, $0x0  }
0x350: {  	[tilespmem:v59+s25+$0x0] =	vst.idx.msk $0xffff, v5  }
0x351: {  	v62 =	vor.u32 v0, v8;
	v5 =	vld.idx.msk [tilespmem:v60+s20+$0x0], $0xffff  }
0x352: {  	v63 =	vor.u32 s0, v1;
	_ =	sdelay $0x3  }
0x353: {  	[tilespmem:v62+s25+$0x0] =	vst.idx.msk $0xffff, v5  }
0x354: {  	v9 =	vor.u32 v1, v8;
	v5 =	vld.idx.msk [tilespmem:v63+s20+$0x0], $0xffff  }
0x355: {  	v10 =	vor.u32 s0, v2;
	_ =	sdelay $0x3  }
0x356: {  	[tilespmem:v9+s25+$0x0] =	vst.idx.msk $0xffff, v5  }
0x357: {  	v11 =	vor.u32 v2, v8;
	v5 =	vld.idx.msk [tilespmem:v10+s20+$0x0], $0xffff  }
0x358: {  	v12 =	vor.u32 s0, v3;
	_ =	sdelay $0x3  }
0x359: {  	[tilespmem:v11+s25+$0x0] =	vst.idx.msk $0xffff, v5  }
0x35a: {  	s10 =	sand.u32 $0x7F, s30;
	v13 =	vor.u32 v3, v8;
	v5 =	vld.idx.msk [tilespmem:v12+s20+$0x0], $0xffff  }
0x35b: {  	s30 =	sadd.s32 $0xFFFFFFF8, s28;
	v14 =	vor.u32 s10, v0  }
0x35c: {  	v15 =	vmov s30  }
0x35d: {  	v8 =	vand.u32 $0x77, v15  }
0x35e: {  	v8 =	vbroadcast v8, $0x0  }
0x35f: {  	[tilespmem:v13+s25+$0x0] =	vst.idx.msk $0xffff, v5  }
0x360: {  	v16 =	vor.u32 v0, v8;
	v5 =	vld.idx.msk [tilespmem:v14+s21+$0x0], $0xffff  }
0x361: {  	(v2sf) =	vpush v4, $0x8;
	v17 =	vor.u32 s10, v1;
	_ =	sdelay $0x1  }
0x362: {  	(v2sf) =	vpush v4, $0x9;
	_ =	sdelay $0x1  }
0x363: {  	[tilespmem:v16+s25+$0x0] =	vst.idx.msk $0xffff, v5  }
0x364: {  	(v2sf) =	vpush v4, $0xA;
	v18 =	vor.u32 v1, v8;
	v5 =	vld.idx.msk [tilespmem:v17+s21+$0x0], $0xffff  }
0x365: {  	v19 =	vor.u32 s10, v2;
	_ =	sdelay $0x2  }
0x366: {  	(v2sf) =	vpush v4, $0xB  }
0x367: {  	[tilespmem:v18+s25+$0x0] =	vst.idx.msk $0xffff, v5  }
0x368: {  	(v2sf) =	vpush v4, $0xC;
	v20 =	vor.u32 v2, v8;
	v5 =	vld.idx.msk [tilespmem:v19+s21+$0x0], $0xffff  }
0x369: {  	v21 =	vor.u32 s10, v3;
	_ =	sdelay $0x2  }
0x36a: {  	s5 =	spop (v2sf);
	(v2sf) =	vpush v4, $0xD  }
0x36b: {  	[tilespmem:v20+s25+$0x0] =	vst.idx.msk $0xffff, v5  }
0x36c: {  	s9 =	spop (v2sf);
	(v2sf) =	vpush v4, $0xE;
	v22 =	vor.u32 v3, v8;
	v5 =	vld.idx.msk [tilespmem:v21+s21+$0x0], $0xffff;
	_ =	sdelay $0x2  }
0x36d: {  	s8 =	spop (v2sf);
	(v2sf) =	vpush v4, $0xF  }
0x36e: {  	s31 =	sand.u32 $0xFFFFF80, s5  }
0x36f: {  	s0 =	sadd.s32 s2, s31;
	s3 =	sand.u32 $0xFFFFF80, s9;
	[tilespmem:v22+s25+$0x0] =	vst.idx.msk $0xffff, v5  }
0x370: {  	[tilespmem:s14], [sflag:$0x1] =	stream.strided.gather [hbm4b:s0+s12], $0x2000, s13, s12, $0x38;
	[tilespmem:$0x16100] =	vst v63  }
0x371: {  	s6 =	sand.u32 $0xFFFFF80, s8;
	s7 =	spop (v2sf);
	s0 =	sadd.s32 s2, s3  }
0x372: {  	[tilespmem:s15], [sflag:$0x1] =	stream.strided.gather [hbm4b:s0+s12], $0x2000, s13, s12, $0x38;
	[tilespmem:$0x16100] =	vst v63  }
0x373: {  	s10 =	sand.u32 $0xFFFFF80, s7;
	s0 =	sadd.s32 s2, s6;
	s6 =	spop (v2sf)  }
0x374: {  	[tilespmem:s16], [sflag:$0x1] =	stream.strided.gather [hbm4b:s0+s12], $0x2000, s13, s12, $0x38;
	[tilespmem:$0x16100] =	vst v63  }
0x375: {  	s30 =	sand.u32 $0xFFFFF80, s6;
	s0 =	sadd.s32 s2, s10  }
0x376: {  	[tilespmem:s17], [sflag:$0x1] =	stream.strided.gather [hbm4b:s0+s12], $0x2000, s13, s12, $0x38;
	[tilespmem:$0x16100] =	vst v63  }
0x377: {  	s3 =	spop (v2sf);
	s0 =	sadd.s32 s2, s30  }
0x378: {  	[tilespmem:s18], [sflag:$0x1] =	stream.strided.gather [hbm4b:s0+s12], $0x2000, s13, s12, $0x38;
	[tilespmem:$0x16100] =	vst v63  }
0x379: {  	s31 =	sand.u32 $0xFFFFF80, s3;
	s0 =	spop (v2sf)  }
0x37a: {  	s10 =	sadd.s32 s2, s31;
	s30 =	sand.u32 $0xFFFFF80, s0  }
0x37b: {  	[tilespmem:s19], [sflag:$0x1] =	stream.strided.gather [hbm4b:s10+s12], $0x2000, s13, s12, $0x38;
	[tilespmem:$0x16100] =	vst v63  }
0x37c: {  	s10 =	sadd.s32 s2, s30;
	s30 =	spop (v2sf)  }
0x37d: {  	s31 =	sand.u32 $0xFFFFF80, s30  }
0x37e: {  	[tilespmem:s20], [sflag:$0x1] =	stream.strided.gather [hbm4b:s10+s12], $0x2000, s13, s12, $0x38;
	[tilespmem:$0x16100] =	vst v63  }
0x37f: {  	s10 =	sadd.s32 s2, s31  }
0x380: {  	[tilespmem:s21], [sflag:$0x1] =	stream.strided.gather [hbm4b:s10+s12], $0x2000, s13, s12, $0x38;
	[tilespmem:$0x16100] =	vst v63  }
0x381: {  	_ =	swait.ge [sflag:s22], $0x2000  }
0x382: {  	[sflag:s22] =	ssyncset.done $0x0  }
0x383: {  	[sflag:s22] =	ssyncadd.s32 $0xFFFFE000  }
0x384: {  	_ =	swait.ge [sflag:s22], $0x2000  }
0x385: {  	[sflag:s22] =	ssyncset.done $0x0  }
0x386: {  	[sflag:s22] =	ssyncadd.s32 $0xFFFFE000  }
0x387: {  	_ =	swait.ge [sflag:s22], $0x2000  }
0x388: {  	[sflag:s22] =	ssyncset.done $0x0  }
0x389: {  	[sflag:s22] =	ssyncadd.s32 $0xFFFFE000  }
0x38a: {  	_ =	swait.ge [sflag:s22], $0x2000  }
0x38b: {  	[sflag:s22] =	ssyncset.done $0x0  }
0x38c: {  	[sflag:s22] =	ssyncadd.s32 $0xFFFFE000  }
0x38d: {  	_ =	swait.ge [sflag:s22], $0x2000  }
0x38e: {  	[sflag:s22] =	ssyncset.done $0x0  }
0x38f: {  	[sflag:s22] =	ssyncadd.s32 $0xFFFFE000  }
0x390: {  	_ =	swait.ge [sflag:s22], $0x2000  }
0x391: {  	[sflag:s22] =	ssyncset.done $0x0  }
0x392: {  	[sflag:s22] =	ssyncadd.s32 $0xFFFFE000  }
0x393: {  	s5 =	sand.u32 $0x7F, s5;
	_ =	swait.ge [sflag:s22], $0x2000  }
0x394: {  	v4 =	vor.u32 s5, v0;
	s31 =	sadd.s32 $0xFFFFFFF9, s28;
	[sflag:s22] =	ssyncset.done $0x0  }
0x395: {  	v5 =	vmov s31;
	[sflag:s22] =	ssyncadd.s32 $0xFFFFE000  }
0x396: {  	v5 =	vand.u32 $0x78, v5;
	_ =	swait.ge [sflag:s22], $0x2000  }
0x397: {  	v5 =	vbroadcast v5, $0x0;
	[sflag:s22] =	ssyncset.done $0x0  }
0x398: {  	[sflag:s22] =	ssyncadd.s32 $0xFFFFE000  }
0x399: {  	v23 =	vor.u32 v0, v5;
	v4 =	vld.idx.msk [tilespmem:v4+s14+$0x0], $0xffff  }
0x39a: {  	v24 =	vor.u32 s5, v1;
	_ =	sdelay $0x3  }
0x39b: {  	[tilespmem:v23+s25+$0x0] =	vst.idx.msk $0xffff, v4  }
0x39c: {  	v25 =	vor.u32 v1, v5;
	v4 =	vld.idx.msk [tilespmem:v24+s14+$0x0], $0xffff  }
0x39d: {  	v26 =	vor.u32 s5, v2;
	_ =	sdelay $0x3  }
0x39e: {  	[tilespmem:v25+s25+$0x0] =	vst.idx.msk $0xffff, v4  }
0x39f: {  	v27 =	vor.u32 v2, v5;
	v4 =	vld.idx.msk [tilespmem:v26+s14+$0x0], $0xffff  }
0x3a0: {  	v28 =	vor.u32 s5, v3;
	_ =	sdelay $0x3  }
0x3a1: {  	[tilespmem:v27+s25+$0x0] =	vst.idx.msk $0xffff, v4  }
0x3a2: {  	s31 =	sand.u32 $0x7F, s9;
	v5 =	vor.u32 v3, v5;
	v4 =	vld.idx.msk [tilespmem:v28+s14+$0x0], $0xffff  }
0x3a3: {  	s10 =	sadd.s32 $0xFFFFFFFA, s28;
	v29 =	vor.u32 s31, v0  }
0x3a4: {  	v30 =	vmov s10  }
0x3a5: {  	v7 =	vand.u32 $0x79, v30  }
0x3a6: {  	v7 =	vbroadcast v7, $0x0  }
0x3a7: {  	[tilespmem:v5+s25+$0x0] =	vst.idx.msk $0xffff, v4  }
0x3a8: {  	v5 =	vor.u32 v0, v7;
	v4 =	vld.idx.msk [tilespmem:v29+s15+$0x0], $0xffff  }
0x3a9: {  	v31 =	vor.u32 s31, v1;
	_ =	sdelay $0x3  }
0x3aa: {  	[tilespmem:v5+s25+$0x0] =	vst.idx.msk $0xffff, v4  }
0x3ab: {  	v5 =	vor.u32 v1, v7;
	v4 =	vld.idx.msk [tilespmem:v31+s15+$0x0], $0xffff  }
0x3ac: {  	v32 =	vor.u32 s31, v2;
	_ =	sdelay $0x3  }
0x3ad: {  	[tilespmem:v5+s25+$0x0] =	vst.idx.msk $0xffff, v4  }
0x3ae: {  	v5 =	vor.u32 v2, v7;
	v4 =	vld.idx.msk [tilespmem:v32+s15+$0x0], $0xffff  }
0x3af: {  	v33 =	vor.u32 s31, v3;
	_ =	sdelay $0x3  }
0x3b0: {  	[tilespmem:v5+s25+$0x0] =	vst.idx.msk $0xffff, v4  }
0x3b1: {  	s31 =	sand.u32 $0x7F, s8;
	v5 =	vor.u32 v3, v7;
	v4 =	vld.idx.msk [tilespmem:v33+s15+$0x0], $0xffff  }
0x3b2: {  	s9 =	sadd.s32 $0xFFFFFFFB, s28;
	v34 =	vor.u32 s31, v0  }
0x3b3: {  	v35 =	vmov s9  }
0x3b4: {  	v7 =	vand.u32 $0x7A, v35  }
0x3b5: {  	v7 =	vbroadcast v7, $0x0  }
0x3b6: {  	[tilespmem:v5+s25+$0x0] =	vst.idx.msk $0xffff, v4  }
0x3b7: {  	v5 =	vor.u32 v0, v7;
	v4 =	vld.idx.msk [tilespmem:v34+s16+$0x0], $0xffff  }
0x3b8: {  	v36 =	vor.u32 s31, v1;
	_ =	sdelay $0x3  }
0x3b9: {  	[tilespmem:v5+s25+$0x0] =	vst.idx.msk $0xffff, v4  }
0x3ba: {  	v5 =	vor.u32 v1, v7;
	v4 =	vld.idx.msk [tilespmem:v36+s16+$0x0], $0xffff  }
0x3bb: {  	v37 =	vor.u32 s31, v2;
	_ =	sdelay $0x3  }
0x3bc: {  	[tilespmem:v5+s25+$0x0] =	vst.idx.msk $0xffff, v4  }
0x3bd: {  	v5 =	vor.u32 v2, v7;
	v4 =	vld.idx.msk [tilespmem:v37+s16+$0x0], $0xffff  }
0x3be: {  	v38 =	vor.u32 s31, v3;
	_ =	sdelay $0x3  }
0x3bf: {  	[tilespmem:v5+s25+$0x0] =	vst.idx.msk $0xffff, v4  }
0x3c0: {  	s10 =	sand.u32 $0x7F, s7;
	v5 =	vor.u32 v3, v7;
	v4 =	vld.idx.msk [tilespmem:v38+s16+$0x0], $0xffff  }
0x3c1: {  	s31 =	sadd.s32 $0xFFFFFFFC, s28;
	v39 =	vor.u32 s10, v0  }
0x3c2: {  	v40 =	vmov s31  }
0x3c3: {  	v7 =	vand.u32 $0x7B, v40  }
0x3c4: {  	v7 =	vbroadcast v7, $0x0  }
0x3c5: {  	[tilespmem:v5+s25+$0x0] =	vst.idx.msk $0xffff, v4  }
0x3c6: {  	v5 =	vor.u32 v0, v7;
	v4 =	vld.idx.msk [tilespmem:v39+s17+$0x0], $0xffff  }
0x3c7: {  	v41 =	vor.u32 s10, v1;
	_ =	sdelay $0x3  }
0x3c8: {  	[tilespmem:v5+s25+$0x0] =	vst.idx.msk $0xffff, v4  }
0x3c9: {  	v5 =	vor.u32 v1, v7;
	v4 =	vld.idx.msk [tilespmem:v41+s17+$0x0], $0xffff  }
0x3ca: {  	v42 =	vor.u32 s10, v2;
	_ =	sdelay $0x3  }
0x3cb: {  	[tilespmem:v5+s25+$0x0] =	vst.idx.msk $0xffff, v4  }
0x3cc: {  	v5 =	vor.u32 v2, v7;
	v4 =	vld.idx.msk [tilespmem:v42+s17+$0x0], $0xffff  }
0x3cd: {  	v43 =	vor.u32 s10, v3;
	_ =	sdelay $0x3  }
0x3ce: {  	[tilespmem:v5+s25+$0x0] =	vst.idx.msk $0xffff, v4  }
0x3cf: {  	s7 =	sand.u32 $0x7F, s6;
	v5 =	vor.u32 v3, v7;
	v4 =	vld.idx.msk [tilespmem:v43+s17+$0x0], $0xffff  }
0x3d0: {  	s8 =	sadd.s32 $0xFFFFFFFD, s28;
	v44 =	vor.u32 s7, v0  }
0x3d1: {  	v45 =	vmov s8  }
0x3d2: {  	v7 =	vand.u32 $0x7C, v45  }
0x3d3: {  	v7 =	vbroadcast v7, $0x0  }
0x3d4: {  	[tilespmem:v5+s25+$0x0] =	vst.idx.msk $0xffff, v4  }
0x3d5: {  	v5 =	vor.u32 v0, v7;
	v4 =	vld.idx.msk [tilespmem:v44+s18+$0x0], $0xffff  }
0x3d6: {  	v46 =	vor.u32 s7, v1;
	_ =	sdelay $0x3  }
0x3d7: {  	[tilespmem:v5+s25+$0x0] =	vst.idx.msk $0xffff, v4  }
0x3d8: {  	v5 =	vor.u32 v1, v7;
	v4 =	vld.idx.msk [tilespmem:v46+s18+$0x0], $0xffff  }
0x3d9: {  	v47 =	vor.u32 s7, v2;
	_ =	sdelay $0x3  }
0x3da: {  	[tilespmem:v5+s25+$0x0] =	vst.idx.msk $0xffff, v4  }
0x3db: {  	v5 =	vor.u32 v2, v7;
	v4 =	vld.idx.msk [tilespmem:v47+s18+$0x0], $0xffff  }
0x3dc: {  	v48 =	vor.u32 s7, v3;
	_ =	sdelay $0x3  }
0x3dd: {  	[tilespmem:v5+s25+$0x0] =	vst.idx.msk $0xffff, v4  }
0x3de: {  	s3 =	sand.u32 $0x7F, s3;
	v5 =	vor.u32 v3, v7;
	v4 =	vld.idx.msk [tilespmem:v48+s18+$0x0], $0xffff  }
0x3df: {  	v49 =	vor.u32 s3, v0;
	s9 =	sadd.s32 $0xFFFFFFFE, s28  }
0x3e0: {  	v50 =	vmov s9  }
0x3e1: {  	v7 =	vand.u32 $0x7D, v50  }
0x3e2: {  	v7 =	vbroadcast v7, $0x0  }
0x3e3: {  	[tilespmem:v5+s25+$0x0] =	vst.idx.msk $0xffff, v4  }
0x3e4: {  	v5 =	vor.u32 v0, v7;
	v4 =	vld.idx.msk [tilespmem:v49+s19+$0x0], $0xffff  }
0x3e5: {  	v51 =	vor.u32 s3, v1;
	_ =	sdelay $0x3  }
0x3e6: {  	[tilespmem:v5+s25+$0x0] =	vst.idx.msk $0xffff, v4  }
0x3e7: {  	v5 =	vor.u32 v1, v7;
	v4 =	vld.idx.msk [tilespmem:v51+s19+$0x0], $0xffff  }
0x3e8: {  	v52 =	vor.u32 s3, v2;
	_ =	sdelay $0x3  }
0x3e9: {  	[tilespmem:v5+s25+$0x0] =	vst.idx.msk $0xffff, v4  }
0x3ea: {  	v5 =	vor.u32 v2, v7;
	v4 =	vld.idx.msk [tilespmem:v52+s19+$0x0], $0xffff  }
0x3eb: {  	v53 =	vor.u32 s3, v3;
	_ =	sdelay $0x3  }
0x3ec: {  	[tilespmem:v5+s25+$0x0] =	vst.idx.msk $0xffff, v4  }
0x3ed: {  	s0 =	sand.u32 $0x7F, s0;
	v5 =	vor.u32 v3, v7;
	v4 =	vld.idx.msk [tilespmem:v53+s19+$0x0], $0xffff  }
0x3ee: {  	v54 =	vor.u32 s0, v0;
	s10 =	sadd.s32 $0xFFFFFFFF, s28  }
0x3ef: {  	v55 =	vmov s10  }
0x3f0: {  	v7 =	vand.u32 $0x7E, v55  }
0x3f1: {  	v7 =	vbroadcast v7, $0x0  }
0x3f2: {  	[tilespmem:v5+s25+$0x0] =	vst.idx.msk $0xffff, v4  }
0x3f3: {  	v5 =	vor.u32 v0, v7;
	v4 =	vld.idx.msk [tilespmem:v54+s20+$0x0], $0xffff  }
0x3f4: {  	v56 =	vor.u32 s0, v1;
	_ =	sdelay $0x3  }
0x3f5: {  	[tilespmem:v5+s25+$0x0] =	vst.idx.msk $0xffff, v4  }
0x3f6: {  	v5 =	vor.u32 v1, v7;
	v4 =	vld.idx.msk [tilespmem:v56+s20+$0x0], $0xffff  }
0x3f7: {  	v57 =	vor.u32 s0, v2;
	_ =	sdelay $0x3  }
0x3f8: {  	[tilespmem:v5+s25+$0x0] =	vst.idx.msk $0xffff, v4  }
0x3f9: {  	v5 =	vor.u32 v2, v7;
	v4 =	vld.idx.msk [tilespmem:v57+s20+$0x0], $0xffff  }
0x3fa: {  	v58 =	vor.u32 s0, v3;
	_ =	sdelay $0x3  }
0x3fb: {  	[tilespmem:v5+s25+$0x0] =	vst.idx.msk $0xffff, v4  }
0x3fc: {  	s31 =	sand.u32 $0x7F, s30;
	v5 =	vor.u32 v3, v7;
	v4 =	vld.idx.msk [tilespmem:v58+s20+$0x0], $0xffff  }
0x3fd: {  	v59 =	vor.u32 s31, v0  }
0x3fe: {  	v60 =	vmov s28  }
0x3ff: {  	v7 =	vand.u32 $0x7F, v60  }
0x400: {  	v7 =	vbroadcast v7, $0x0  }
0x401: {  	[tilespmem:v5+s25+$0x0] =	vst.idx.msk $0xffff, v4  }
0x402: {  	v5 =	vor.u32 v0, v7;
	v4 =	vld.idx.msk [tilespmem:v59+s21+$0x0], $0xffff  }
0x403: {  	v61 =	vor.u32 s31, v1;
	_ =	sdelay $0x3  }
0x404: {  	[tilespmem:v5+s25+$0x0] =	vst.idx.msk $0xffff, v4  }
0x405: {  	v5 =	vor.u32 v1, v7;
	v4 =	vld.idx.msk [tilespmem:v61+s21+$0x0], $0xffff  }
0x406: {  	v62 =	vor.u32 s31, v2;
	_ =	sdelay $0x3  }
0x407: {  	[tilespmem:v5+s25+$0x0] =	vst.idx.msk $0xffff, v4  }
0x408: {  	v5 =	vor.u32 v2, v7;
	v4 =	vld.idx.msk [tilespmem:v62+s21+$0x0], $0xffff  }
0x409: {  	v63 =	vor.u32 s31, v3;
	_ =	sdelay $0x3  }
0x40a: {  	[tilespmem:v5+s25+$0x0] =	vst.idx.msk $0xffff, v4  }
0x40b: {  	p0 =	sne.s32 s28, $0x7F;
	v5 =	vor.u32 v3, v7;
	v4 =	vld.idx.msk [tilespmem:v63+s21+$0x0], $0xffff  }
.Ltmp2:
0x40c: {  	_ = 	snop;
	(pc) =	sbr.rel @p0 .LBB2_6-.Ltmp2, $2  }
0x40d: {  	_ =	sdelay $0x2  }
0x40e: {  	s29 =	sadd.s32 $0x10, s29;
	s28 =	sadd.s32 $0x10, s28;
	[tilespmem:v5+s25+$0x0] =	vst.idx.msk $0xffff, v4  }
0x40f: {  	s0 =	simm.s32 $0x0  }
0x410: {  	v11 =	vld [tilespmem:s0+$0x12100]  }
0x411: {  	v15 =	vld [tilespmem:s0+$0x12110]  }
0x412: {  	v9 =	vld [tilespmem:s0+$0x12120]  }
0x413: {  	v8 =	vld [tilespmem:s0+$0x12130]  }
0x414: {  	v7 =	vld [tilespmem:s0+$0x12140]  }
0x415: {  	v6 =	vld [tilespmem:s0+$0x12150]  }
0x416: {  	v5 =	vld [tilespmem:s0+$0x12160]  }
0x417: {  	v4 =	vld [tilespmem:s0+$0x12170]  }
0x418: {  	v16 =	vld [tilespmem:s0+$0x10100]  }
0x419: {  	v17 =	vld [tilespmem:s0+$0x10110]  }
0x41a: {  	v14 =	vld [tilespmem:s0+$0x10120]  }
0x41b: {  	v13 =	vld [tilespmem:s0+$0x10130]  }
0x41c: {  	v12 =	vld [tilespmem:s0+$0x10140]  }
0x41d: {  	v10 =	vld [tilespmem:s0+$0x10150];
	v16 =	vmul.f32 v11, v16  }
0x41e: {  	s3 =	simm.s32 $0x200;
	v15 =	vmul.f32 v15, v17;
	v11 =	vld [tilespmem:s0+$0x10160]  }
.LBB2_8:
0x41f: {  	s5 =	sshra.s32 s3, $0x2;
	p0 =	sne.s32 s3, $0x7E00;
	[tilespmem:s0+$0x10100] =	vst v16;
	v9 =	vmul.f32 v9, v14;
	v14 =	vld [tilespmem:s0+$0x10170]  }
0x420: {  	v16 =	vld [tilespmem:s5+$0x12100];
	[tilespmem:s0+$0x10110] =	vst v15;
	v8 =	vmul.f32 v8, v13  }
0x421: {  	v15 =	vld [tilespmem:s5+$0x12110];
	[tilespmem:s0+$0x10120] =	vst v9;
	v7 =	vmul.f32 v7, v12  }
0x422: {  	v9 =	vld [tilespmem:s5+$0x12120];
	[tilespmem:s0+$0x10130] =	vst v8;
	v6 =	vmul.f32 v6, v10  }
0x423: {  	v8 =	vld [tilespmem:s5+$0x12130];
	[tilespmem:s0+$0x10140] =	vst v7;
	v5 =	vmul.f32 v5, v11  }
0x424: {  	v7 =	vld [tilespmem:s5+$0x12140];
	[tilespmem:s0+$0x10150] =	vst v6;
	v4 =	vmul.f32 v4, v14  }
0x425: {  	v6 =	vld [tilespmem:s5+$0x12150];
	[tilespmem:s0+$0x10160] =	vst v5  }
0x426: {  	v5 =	vld [tilespmem:s5+$0x12160];
	[tilespmem:s0+$0x10170] =	vst v4;
	s0 =	smov.u32 s5  }
0x427: {  	v4 =	vld [tilespmem:s0+$0x12170]  }
0x428: {  	v10 =	vld [tilespmem:s0+$0x10100]  }
0x429: {  	v11 =	vld [tilespmem:s0+$0x10110]  }
.Ltmp3:
0x42a: {  	v14 =	vld [tilespmem:s0+$0x10120];
	(pc) =	sbr.rel @p0 .LBB2_8-.Ltmp3, $4  }
0x42b: {  	v13 =	vld [tilespmem:s0+$0x10130]  }
0x42c: {  	v12 =	vld [tilespmem:s0+$0x10140]  }
0x42d: {  	v16 =	vmul.f32 v16, v10;
	v10 =	vld [tilespmem:s0+$0x10150]  }
0x42e: {  	s3 =	sadd.s32 $0x200, s3;
	v15 =	vmul.f32 v15, v11;
	v11 =	vld [tilespmem:s0+$0x10160]  }
0x42f: {  	[tilespmem:s0+$0x10100] =	vst v16;
	v9 =	vmul.f32 v9, v14;
	v63 =	vld [tilespmem:s0+$0x10170]  }
0x430: {  	[tilespmem:s0+$0x10110] =	vst v15;
	v8 =	vmul.f32 v8, v13  }
0x431: {  	[tilespmem:s0+$0x10120] =	vst v9;
	v7 =	vmul.f32 v7, v12  }
0x432: {  	[tilespmem:s0+$0x10130] =	vst v8;
	v6 =	vmul.f32 v6, v10  }
0x433: {  	[tilespmem:s0+$0x10140] =	vst v7;
	v5 =	vmul.f32 v5, v11  }
0x434: {  	[tilespmem:s0+$0x10150] =	vst v6;
	v4 =	vmul.f32 v4, v63  }
0x435: {  	[tilespmem:s0+$0x10160] =	vst v5  }
0x436: {  	s29 =	simm.s32 $0x0;
	s30 =	rddreg [dreg:$0xa];
	[tilespmem:s0+$0x10170] =	vst v4  }
0x437: {  	[hbm4b:s30+s29] =	stream.linear.scatter [tilespmem:s24], [sflag:$0x2], $0x2000, $0x38;
	[tilespmem:$0x16100] =	vst v63  }
0x438: {  	_ =	swait.ge [sflag:s11], $0x2000  }
0x439: {  	s26 =	sadd.s32 $0x1, s26;
	s31 =	rddreg [dreg:$0xb]  }
0x43a: {  	p0 =	sne.s32 s26, s31  }
.Ltmp4:
0x43b: {  	_ = 	snop;
	(pc) =	sbr.rel @p0 .LBB2_1-.Ltmp4, $3  }
0x43c: {  	_ =	sdelay $0x1  }
0x43d: {  	[sflag:s11] =	ssyncset.done $0x0  }
0x43e: {  	[sflag:s11] =	ssyncadd.s32 $0xFFFFE000  }
0x43f: {  	_ =	sfence.sel $0x180000  }
0x440: {  	[bflag:$0x0] =	sbarrier.arrive $0xFFFF  }
0x441: {  	_ =	strace $0x90000047  }
0x442: {  	s0 =	stileid.u32;
	[bflag:$0x2] =	sbarrier.arrive $0xFFFF  }
0x443: {  	p0 =	sne.s32 s0, $0x0;
	s0 =	rddreg [dreg:$0x6]  }
0x444: {  	s0 =	sadd.s32 @!p0 $0x100000, s0  }
0x445: {  	[sflag:s0] =	ssyncadd.tile.s32 @!p0 $0x1;
	_ =	shalt  }
.Lfunc_end2:
_tile_overlayer_lowered:
.L_overlay_start_2:
0x446: {  	(tag) =	ssettag $0x2  }
0x447: {  	s0 =	rddreg [dreg:$0x0];
	s2 =	stileid.u32  }
0x448: {  	s1 =	rddreg [dreg:$0x1];
	p0 =	sne.s32 s2, $0x0  }
0x449: {  	s3 =	rddreg [dreg:$0x2];
	[bflag:$0x3] =	sbarrier.arrive $0xFFFF;
	s2 =	simm.s32 @!p0 $0x1C02  }
0x44a: {  	[timem:s3], [sflag:s2] =	dma.local @!p0 [hbm:s0], s1  }
0x44b: {  	s0 =	simm.s32 @!p0 $0x2  }
0x44c: {  	_ =	swait.ge @!p0 [sflag:s0], s1  }
0x44d: {  	s1 =	ssub.s32 @!p0 $0x0, s1;
	[sflag:s0] =	ssyncset.done @!p0 $0x0  }
0x44e: {  	[sflag:s0] =	ssyncadd.s32 @!p0 s1  }
0x44f: {  	[bflag:$0x3] =	sbarrier.arrive $0xFFFF  }
0x450: {  	_ =	shalt  }

</sc_bundles>
